<compile_context>
chip_gen: v7x
topology: tpu7x:2x2x1
jax: 0.10.2.dev20260603
libtpu: 0.0.44.dev20260713+nightly
codegen_flags: <defaults>
</compile_context>

<pallas_src>
import functools

import jax
import jax.numpy as jnp
from jax import lax
from jax.experimental import pallas as pl
from jax.experimental.pallas import tpu as pltpu
from jax.experimental.pallas import tpu_sc as plsc

N = 50000
D = 32
E = 800000

NTILE = 16
CHUNK = 128
TILE_CH = 392
EP = NTILE * TILE_CH * CHUNK
CH_TOT = EP // CHUNK
SEG = 14
NSEG = TILE_CH // SEG
NB = 4
NPAD = 50048
ZROW = 96


def _spmm_body(tab, meta, out, acc, mbuf, rbuf, zbuf, sem_g, sem_s, sem_m):
    cid = lax.axis_index("c")
    sid = lax.axis_index("s")
    zv = jnp.zeros((16,), jnp.float32)

    @pl.loop(0, ZROW)
    def _zinit(i):
        zbuf[i, pl.ds(0, 16)] = zv
        zbuf[i, pl.ds(16, 16)] = zv

    def drain(sem, n):
        for _ in range(n):
            pltpu.make_async_copy(tab.at[pl.ds(0, CHUNK)],
                                  rbuf.at[0], sem).wait()

    for b in range(2):
        zb = sid * 3128
        dz = [pltpu.async_copy(zbuf, acc.at[pl.ds(zb + z * ZROW, ZROW)],
                               sem_g) for z in range(32)]
        dz.append(pltpu.async_copy(zbuf.at[pl.ds(0, 56)],
                                   acc.at[pl.ds(zb + 3072, 56)], sem_g))
        for d in dz:
            d.wait()
        plsc.subcore_barrier()

        base_ch = sid * TILE_CH
        pltpu.sync_copy(meta.at[b, cid, pl.ds(base_ch, SEG)], mbuf.at[0])

        @pl.loop(0, NSEG)
        def _seg(h):
            slot = h & 1
            seg0 = base_ch + h * SEG
            nseg0 = base_ch + jnp.minimum(h + 1, NSEG - 1) * SEG
            dm = pltpu.async_copy(meta.at[b, cid, pl.ds(nseg0, SEG)],
                                  mbuf.at[1 - slot], sem_m)
            pltpu.async_copy(tab.at[mbuf.at[slot, 0, 0]],
                             rbuf.at[(h * SEG) & 3], sem_g)
            pltpu.async_copy(tab.at[mbuf.at[slot, 1, 0]],
                             rbuf.at[(h * SEG + 1) & 3], sem_g)

            @pl.loop(0, SEG)
            def _chunk(j, slot=slot, seg0=seg0):
                jg = h * SEG + j
                s = jg & 3

                @pl.when(jg >= 2)
                def _():
                    drain(sem_s, 1)

                @pl.when(j + 2 < SEG)
                def _():
                    pltpu.async_copy(tab.at[mbuf.at[slot, j + 2, 0]],
                                     rbuf.at[(jg + 2) & 3], sem_g)

                drain(sem_g, 1)

                @pl.loop(0, 8)
                def _scale(gg):
                    vi = mbuf[slot, j, 2, pl.ds(gg * 16, 16)]
                    vv = lax.bitcast_convert_type(vi, jnp.float32)
                    for e in range(16):
                        ei = gg * 16 + e
                        bv = lax.broadcast_in_dim(vv[e], (16,), ())
                        rbuf[s, ei, pl.ds(0, 16)] = (
                            rbuf[s, ei, pl.ds(0, 16)] * bv)
                        rbuf[s, ei, pl.ds(16, 16)] = (
                            rbuf[s, ei, pl.ds(16, 16)] * bv)

                pltpu.async_copy(rbuf.at[s], acc.at[mbuf.at[slot, j, 1]],
                                 sem_s, add=True)

            dm.wait()

        drain(sem_s, 2)
        plsc.subcore_barrier()
        fb = sid * 3128

        @pl.when(sid < 15)
        def _flush_a(b=b):
            pltpu.sync_copy(acc.at[pl.ds(fb, 3128)],
                            out.at[cid, b, pl.ds(fb, 3128)])

        @pl.when(sid == 15)
        def _flush_b(b=b):
            pltpu.sync_copy(acc.at[pl.ds(fb, 3080)],
                            out.at[cid, b, pl.ds(fb, 3080)])

        plsc.subcore_barrier()


@jax.jit
def _spmm(tab, meta):
    mesh = plsc.VectorSubcoreMesh(core_axis_name="c", subcore_axis_name="s")
    return pl.kernel(
        _spmm_body,
        out_type=jax.ShapeDtypeStruct((2, 2, N, D), jnp.float32),
        mesh=mesh,
        scratch_types=[
            pltpu.VMEM_SHARED((NPAD, D), jnp.float32),
            pltpu.VMEM((2, SEG, 3, CHUNK), jnp.int32),
            pltpu.VMEM((NB, CHUNK, D), jnp.float32),
            pltpu.VMEM((ZROW, D), jnp.float32),
            pltpu.SemaphoreType.DMA,
            pltpu.SemaphoreType.DMA,
            pltpu.SemaphoreType.DMA,
        ],
        compiler_params=pltpu.CompilerParams(use_tc_tiling_on_sc=False),
    )(tab, meta)


BLK = 2000


def _mid_body(side, agg_ref, w_ref, mo_ref, po_ref):
    wv = w_ref[...]
    a0 = agg_ref[0, 0]
    a1 = agg_ref[0, 1]
    m0 = jnp.dot(a0, wv, preferred_element_type=jnp.float32)
    m1 = jnp.dot(a1, wv, preferred_element_type=jnp.float32)
    po_ref[0] = jax.nn.sigmoid(m0)
    po_ref[1] = jax.nn.sigmoid(m1)
    mo_ref[...] = jax.nn.sigmoid((m0 + m1) * 0.5)


def _dense_mid(outcat, w, side):
    return pl.pallas_call(
        functools.partial(_mid_body, side),
        grid=(N // BLK,),
        in_specs=[
            pl.BlockSpec((1, 2, BLK, D), lambda i: (side, 0, i, 0)),
            pl.BlockSpec((D, D), lambda i: (0, 0)),
        ],
        out_specs=[
            pl.BlockSpec((BLK, D), lambda i: (i, 0)),
            pl.BlockSpec((2, BLK, D), lambda i: (0, i, 0)),
        ],
        out_shape=(
            jax.ShapeDtypeStruct((N, D), jnp.float32),
            jax.ShapeDtypeStruct((2, N, D), jnp.float32),
        ),
    )(outcat, w)


def _fin_body(side, agg_ref, w_ref, e1_ref, p1_ref, wc_ref, emb_ref, embs_ref):
    wv = w_ref[...]
    wc0 = wc_ref[pl.ds(0, D), :]
    wc1 = wc_ref[pl.ds(D, D), :]
    a0 = agg_ref[0, 0]
    a1 = agg_ref[0, 1]
    m0 = jnp.dot(a0, wv, preferred_element_type=jnp.float32)
    m1 = jnp.dot(a1, wv, preferred_element_type=jnp.float32)
    e2 = jax.nn.sigmoid((m0 + m1) * 0.5)
    p20 = jax.nn.sigmoid(m0)
    p21 = jax.nn.sigmoid(m1)
    dot = lambda x, y: jnp.dot(x, y, preferred_element_type=jnp.float32)
    emb_ref[...] = dot(e1_ref[...], wc0) + dot(e2, wc1)
    embs_ref[0] = dot(p1_ref[0], wc0) + dot(p20, wc1)
    embs_ref[1] = dot(p1_ref[1], wc0) + dot(p21, wc1)


def _dense_fin(outcat, w, e1, p1, wc, side):
    return pl.pallas_call(
        functools.partial(_fin_body, side),
        grid=(N // BLK,),
        in_specs=[
            pl.BlockSpec((1, 2, BLK, D), lambda i: (side, 0, i, 0)),
            pl.BlockSpec((D, D), lambda i: (0, 0)),
            pl.BlockSpec((BLK, D), lambda i: (i, 0)),
            pl.BlockSpec((2, BLK, D), lambda i: (0, i, 0)),
            pl.BlockSpec((2 * D, D), lambda i: (0, 0)),
        ],
        out_specs=[
            pl.BlockSpec((BLK, D), lambda i: (i, 0)),
            pl.BlockSpec((2, BLK, D), lambda i: (0, i, 0)),
        ],
        out_shape=(
            jax.ShapeDtypeStruct((N, D), jnp.float32),
            jax.ShapeDtypeStruct((2, N, D), jnp.float32),
        ),
    )(outcat, w, e1, p1, wc)


def _pad_i(x):
    return jnp.concatenate([x, jnp.zeros((EP - E,), x.dtype)])


def kernel(user_table, item_table, u_w0, i_w0, u_w1, i_w1, u_cat_w, i_cat_w,
           vals0, vals1, rows0, cols0, rows1, cols1):
    r0, c0 = _pad_i(rows0), _pad_i(cols0)
    r1, c1 = _pad_i(rows1), _pad_i(cols1)
    v0 = lax.bitcast_convert_type(_pad_i(vals0), jnp.int32)
    v1 = lax.bitcast_convert_type(_pad_i(vals1), jnp.int32)
    meta = jnp.stack([
        jnp.stack([jnp.stack([c0, r0, v0]), jnp.stack([r0 + N, c0, v0])]),
        jnp.stack([jnp.stack([c1, r1, v1]), jnp.stack([r1 + N, c1, v1])]),
    ]).reshape(2, 2, 3, CH_TOT, CHUNK).transpose(0, 1, 3, 2, 4)

    tab1 = jnp.concatenate([item_table, user_table], axis=0)
    out1 = _spmm(tab1, meta)
    ue1, ues1s = _dense_mid(out1, u_w0, side=0)
    ie1, ies1s = _dense_mid(out1, i_w0, side=1)

    tab2 = jnp.concatenate([ie1, ue1], axis=0)
    out2 = _spmm(tab2, meta)
    uemb, uembs = _dense_fin(out2, u_w1, ue1, ues1s, u_cat_w, side=0)
    iemb, iembs = _dense_fin(out2, i_w1, ie1, ies1s, i_cat_w, side=1)
    return (uemb, iemb, uembs, iembs)

# --- scband reference (transcript-rebuilt; emitter-appended) ---
"""Pipeline reference for scband-gcn-4827543240962 (READ-ONLY COPY).

The authoritative reference and input builder live on the scoring server;
editing this copy changes nothing except your own understanding.
"""

import jax, jax.numpy as jnp
import numpy as np

U = 50000
I = 50000
D = 32
E = 800000

def setup_inputs(seed: int = 0) -> dict:
    key = jax.random.key(seed)
    ks = jax.random.split(key, 16)
    s = 0.06
    inp = {}
    inp["user_table"] = jax.random.normal(ks[0], (U, D), dtype=jnp.float32) * 0.1
    inp["item_table"] = jax.random.normal(ks[1], (I, D), dtype=jnp.float32) * 0.1
    inp["u_w0"] = jax.random.normal(ks[2], (D, D), dtype=jnp.float32) * s
    inp["i_w0"] = jax.random.normal(ks[3], (D, D), dtype=jnp.float32) * s
    inp["u_w1"] = jax.random.normal(ks[4], (D, D), dtype=jnp.float32) * s
    inp["i_w1"] = jax.random.normal(ks[5], (D, D), dtype=jnp.float32) * s
    inp["u_cat_w"] = jax.random.normal(ks[6], (2 * D, D), dtype=jnp.float32) * s
    inp["i_cat_w"] = jax.random.normal(ks[7], (2 * D, D), dtype=jnp.float32) * s
    inp["vals0"] = jax.random.uniform(ks[8], (E,), dtype=jnp.float32) * 0.01
    inp["vals1"] = jax.random.uniform(ks[9], (E,), dtype=jnp.float32) * 0.01
    inp["rows0"] = jax.random.randint(ks[10], (E,), 0, U, dtype=jnp.int32)
    inp["cols0"] = jax.random.randint(ks[11], (E,), 0, I, dtype=jnp.int32)
    inp["rows1"] = jax.random.randint(ks[12], (E,), 0, U, dtype=jnp.int32)
    inp["cols1"] = jax.random.randint(ks[13], (E,), 0, I, dtype=jnp.int32)
    return inp

def reference(user_table, item_table, u_w0, i_w0, u_w1, i_w1, u_cat_w, i_cat_w,
              vals0, vals1, rows0, cols0, rows1, cols1):
    sig = jax.nn.sigmoid
    behaviors = ((vals0, rows0, cols0), (vals1, rows1, cols1))

    def layer(ue, ie, u_w, i_w):
        ue_list = []
        ie_list = []
        for vals, rows, cols in behaviors:
            # user_emb_b = A @ item_embedding (sparse COO spmm via gather + segment_sum)
            ue_list.append(jax.ops.segment_sum(vals[:, None] * ie[cols], rows, num_segments=U))
            # item_emb_b = A^T @ user_embedding
            ie_list.append(jax.ops.segment_sum(vals[:, None] * ue[rows], cols, num_segments=I))
        ues = jnp.stack(ue_list, axis=0)
        ies = jnp.stack(ie_list, axis=0)
        ue_out = sig(jnp.mean(ues, axis=0) @ u_w)
        ie_out = sig(jnp.mean(ies, axis=0) @ i_w)
        ues_out = sig(ues @ u_w)
        ies_out = sig(ies @ i_w)
        return ue_out, ie_out, ues_out, ies_out

    all_u, all_i, all_us, all_is = [], [], [], []
    ue, ie = user_table, item_table
    for (u_w, i_w) in ((u_w0, i_w0), (u_w1, i_w1)):
        ue, ie, ues, ies = layer(ue, ie, u_w, i_w)
        all_u.append(ue)
        all_i.append(ie)
        all_us.append(ues)
        all_is.append(ies)
    user_embedding = jnp.concatenate(all_u, axis=1) @ u_cat_w
    item_embedding = jnp.concatenate(all_i, axis=1) @ i_cat_w
    user_embeddings = jnp.concatenate(all_us, axis=2) @ u_cat_w
    item_embeddings = jnp.concatenate(all_is, axis=2) @ i_cat_w
    return (user_embedding, item_embedding, user_embeddings, item_embeddings)

if __name__ == "__main__":
    import jax
    _d = setup_inputs()
    print(jax.jit(kernel)(*tuple(_d.values())))

</pallas_src>

<mosaic_0001>
#map = affine_map<(d0, d1) -> (0, 0)>
#map1 = affine_map<(d0, d1) -> (0, 0, 0, 0, 0)>
#map2 = affine_map<(d0, d1) -> (0, 0, 0, 0)>
module attributes {stable_mosaic.version = 14 : i64} {
  func.func @_spmm_body(%arg0: i32, %arg1: i32, %arg2: memref<100000x32xf32, #tpu.memory_space<hbm>>, %arg3: memref<2x2x6272x3x128xi32, #tpu.memory_space<hbm>>, %arg4: memref<2x2x50000x32xf32, #tpu.memory_space<hbm>>, %arg5: memref<50048x32xf32, #tpu.memory_space<vmem_shared>>, %arg6: memref<2x14x3x128xi32, #tpu.memory_space<vmem>>, %arg7: memref<4x128x32xf32, #tpu.memory_space<vmem>>, %arg8: memref<96x32xf32, #tpu.memory_space<vmem>>, %arg9: memref<!tpu.dma_semaphore, #tpu.memory_space<semaphore_mem>>, %arg10: memref<!tpu.dma_semaphore, #tpu.memory_space<semaphore_mem>>, %arg11: memref<!tpu.dma_semaphore, #tpu.memory_space<semaphore_mem>>) attributes {dimension_semantics = [#tpu.dimension_semantics<core_parallel>, #tpu.dimension_semantics<subcore_parallel>], iteration_bounds = array<i64: 2, 16>, scalar_prefetch = 0 : i64, scratch_operands = 7 : i64, tpu.core_type = #tpu.core_type<sc_vector_subcore>, window_params = [{transform_indices = #map}, {transform_indices = #map1}, {transform_indices = #map2}]} {
    %broadcast_in_dim3A = arith.constant 0.000000e+00 : f32
    %broadcast_in_dim3A_0 = vector.broadcast %broadcast_in_dim3A : f32 to vector<16xf32>
    %scan3A = arith.constant 0 : i32
    %scan3A_1 = arith.constant 96 : i32
    %scan3A_2 = arith.addi %scan3A, %scan3A_1 : i32
    %scan3A_3 = arith.constant 1 : i32
    scf.for %scan3A_791 = %scan3A to %scan3A_2 step %scan3A_3  : i32 {
      %mul3A_792 = arith.constant 1 : i32
      %mul3A_793 = arith.muli %scan3A_791, %mul3A_792 : i32
      %add3A_794 = arith.constant 0 : i32
      %add3A_795 = arith.addi %add3A_794, %mul3A_793 : i32
      %swap3A = arith.index_cast %add3A_795 : i32 to index
      %swap3A_796 = arith.constant 0 : index
      %swap3A_797 = tpu.vector_load %arg8[%swap3A, %swap3A_796] {strides = array<i32>} : memref<96x32xf32, #tpu.memory_space<vmem>>, vector<1x16xf32>,
      %swap3A_798 = vector.shape_cast %swap3A_797 : vector<1x16xf32> to vector<16xf32>
      %swap3A_799 = vector.shape_cast %broadcast_in_dim3A_0 : vector<16xf32> to vector<1x16xf32>
      tpu.vector_store %arg8[%swap3A, %swap3A_796], %swap3A_799 {strides = array<i32>} : memref<96x32xf32, #tpu.memory_space<vmem>>, vector<1x16xf32>,
      %swap3A_800 = arith.index_cast %add3A_795 : i32 to index
      %swap3A_801 = arith.constant 16 : index
      %swap3A_802 = tpu.vector_load %arg8[%swap3A_800, %swap3A_801] {strides = array<i32>} : memref<96x32xf32, #tpu.memory_space<vmem>>, vector<1x16xf32>,
      %swap3A_803 = vector.shape_cast %swap3A_802 : vector<1x16xf32> to vector<16xf32>
      %swap3A_804 = vector.shape_cast %broadcast_in_dim3A_0 : vector<16xf32> to vector<1x16xf32>
      tpu.vector_store %arg8[%swap3A_800, %swap3A_801], %swap3A_804 {strides = array<i32>} : memref<96x32xf32, #tpu.memory_space<vmem>>, vector<1x16xf32>,
    }
    %scan3A_4 = arith.constant 96 : i32
    %mul3A = arith.constant 3128 : i32
    %mul3A_5 = arith.muli %arg1, %mul3A : i32
    %add3A = arith.constant 0 : i32
    %add3A_6 = arith.addi %mul3A_5, %add3A : i32
    %dma_start3A = arith.constant 0 : i32
    %dma_start3A_7 = tpu.memref_slice %arg5[%add3A_6, %dma_start3A] : memref<50048x32xf32, #tpu.memory_space<vmem_shared>> -> memref<96x32xf32, #tpu.memory_space<vmem_shared>>
    %dma_start3A_8 = arith.constant 0 : i32
    %dma_start3A_9 = tpu.memref_slice %arg5[%add3A_6, %dma_start3A_8] : memref<50048x32xf32, #tpu.memory_space<vmem_shared>> -> memref<96x32xf32, #tpu.memory_space<vmem_shared>>
    tpu.enqueue_dma source(%arg8 : memref<96x32xf32, #tpu.memory_space<vmem>>) target(%dma_start3A_9 : memref<96x32xf32, #tpu.memory_space<vmem_shared>>) target_semaphore(%arg9 : memref<!tpu.dma_semaphore, #tpu.memory_space<semaphore_mem>>)
    %add3A_10 = arith.constant 96 : i32
    %add3A_11 = arith.addi %mul3A_5, %add3A_10 : i32
    %dma_start3A_12 = arith.constant 0 : i32
    %dma_start3A_13 = tpu.memref_slice %arg5[%add3A_11, %dma_start3A_12] : memref<50048x32xf32, #tpu.memory_space<vmem_shared>> -> memref<96x32xf32, #tpu.memory_space<vmem_shared>>
    %dma_start3A_14 = arith.constant 0 : i32
    %dma_start3A_15 = tpu.memref_slice %arg5[%add3A_11, %dma_start3A_14] : memref<50048x32xf32, #tpu.memory_space<vmem_shared>> -> memref<96x32xf32, #tpu.memory_space<vmem_shared>>
    tpu.enqueue_dma source(%arg8 : memref<96x32xf32, #tpu.memory_space<vmem>>) target(%dma_start3A_15 : memref<96x32xf32, #tpu.memory_space<vmem_shared>>) target_semaphore(%arg9 : memref<!tpu.dma_semaphore, #tpu.memory_space<semaphore_mem>>)
    %add3A_16 = arith.constant 192 : i32
    %add3A_17 = arith.addi %mul3A_5, %add3A_16 : i32
    %dma_start3A_18 = arith.constant 0 : i32
    %dma_start3A_19 = tpu.memref_slice %arg5[%add3A_17, %dma_start3A_18] : memref<50048x32xf32, #tpu.memory_space<vmem_shared>> -> memref<96x32xf32, #tpu.memory_space<vmem_shared>>
    %dma_start3A_20 = arith.constant 0 : i32
    %dma_start3A_21 = tpu.memref_slice %arg5[%add3A_17, %dma_start3A_20] : memref<50048x32xf32, #tpu.memory_space<vmem_shared>> -> memref<96x32xf32, #tpu.memory_space<vmem_shared>>
    tpu.enqueue_dma source(%arg8 : memref<96x32xf32, #tpu.memory_space<vmem>>) target(%dma_start3A_21 : memref<96x32xf32, #tpu.memory_space<vmem_shared>>) target_semaphore(%arg9 : memref<!tpu.dma_semaphore, #tpu.memory_space<semaphore_mem>>)
    %add3A_22 = arith.constant 288 : i32
    %add3A_23 = arith.addi %mul3A_5, %add3A_22 : i32
    %dma_start3A_24 = arith.constant 0 : i32
    %dma_start3A_25 = tpu.memref_slice %arg5[%add3A_23, %dma_start3A_24] : memref<50048x32xf32, #tpu.memory_space<vmem_shared>> -> memref<96x32xf32, #tpu.memory_space<vmem_shared>>
    %dma_start3A_26 = arith.constant 0 : i32
    %dma_start3A_27 = tpu.memref_slice %arg5[%add3A_23, %dma_start3A_26] : memref<50048x32xf32, #tpu.memory_space<vmem_shared>> -> memref<96x32xf32, #tpu.memory_space<vmem_shared>>
    tpu.enqueue_dma source(%arg8 : memref<96x32xf32, #tpu.memory_space<vmem>>) target(%dma_start3A_27 : memref<96x32xf32, #tpu.memory_space<vmem_shared>>) target_semaphore(%arg9 : memref<!tpu.dma_semaphore, #tpu.memory_space<semaphore_mem>>)
    %add3A_28 = arith.constant 384 : i32
    %add3A_29 = arith.addi %mul3A_5, %add3A_28 : i32
    %dma_start3A_30 = arith.constant 0 : i32
    %dma_start3A_31 = tpu.memref_slice %arg5[%add3A_29, %dma_start3A_30] : memref<50048x32xf32, #tpu.memory_space<vmem_shared>> -> memref<96x32xf32, #tpu.memory_space<vmem_shared>>
    %dma_start3A_32 = arith.constant 0 : i32
    %dma_start3A_33 = tpu.memref_slice %arg5[%add3A_29, %dma_start3A_32] : memref<50048x32xf32, #tpu.memory_space<vmem_shared>> -> memref<96x32xf32, #tpu.memory_space<vmem_shared>>
    tpu.enqueue_dma source(%arg8 : memref<96x32xf32, #tpu.memory_space<vmem>>) target(%dma_start3A_33 : memref<96x32xf32, #tpu.memory_space<vmem_shared>>) target_semaphore(%arg9 : memref<!tpu.dma_semaphore, #tpu.memory_space<semaphore_mem>>)
    %add3A_34 = arith.constant 480 : i32
    %add3A_35 = arith.addi %mul3A_5, %add3A_34 : i32
    %dma_start3A_36 = arith.constant 0 : i32
    %dma_start3A_37 = tpu.memref_slice %arg5[%add3A_35, %dma_start3A_36] : memref<50048x32xf32, #tpu.memory_space<vmem_shared>> -> memref<96x32xf32, #tpu.memory_space<vmem_shared>>
    %dma_start3A_38 = arith.constant 0 : i32
    %dma_start3A_39 = tpu.memref_slice %arg5[%add3A_35, %dma_start3A_38] : memref<50048x32xf32, #tpu.memory_space<vmem_shared>> -> memref<96x32xf32, #tpu.memory_space<vmem_shared>>
    tpu.enqueue_dma source(%arg8 : memref<96x32xf32, #tpu.memory_space<vmem>>) target(%dma_start3A_39 : memref<96x32xf32, #tpu.memory_space<vmem_shared>>) target_semaphore(%arg9 : memref<!tpu.dma_semaphore, #tpu.memory_space<semaphore_mem>>)
    %add3A_40 = arith.constant 576 : i32
    %add3A_41 = arith.addi %mul3A_5, %add3A_40 : i32
    %dma_start3A_42 = arith.constant 0 : i32
    %dma_start3A_43 = tpu.memref_slice %arg5[%add3A_41, %dma_start3A_42] : memref<50048x32xf32, #tpu.memory_space<vmem_shared>> -> memref<96x32xf32, #tpu.memory_space<vmem_shared>>
    %dma_start3A_44 = arith.constant 0 : i32
    %dma_start3A_45 = tpu.memref_slice %arg5[%add3A_41, %dma_start3A_44] : memref<50048x32xf32, #tpu.memory_space<vmem_shared>> -> memref<96x32xf32, #tpu.memory_space<vmem_shared>>
    tpu.enqueue_dma source(%arg8 : memref<96x32xf32, #tpu.memory_space<vmem>>) target(%dma_start3A_45 : memref<96x32xf32, #tpu.memory_space<vmem_shared>>) target_semaphore(%arg9 : memref<!tpu.dma_semaphore, #tpu.memory_space<semaphore_mem>>)
    %add3A_46 = arith.constant 672 : i32
    %add3A_47 = arith.addi %mul3A_5, %add3A_46 : i32
    %dma_start3A_48 = arith.constant 0 : i32
    %dma_start3A_49 = tpu.memref_slice %arg5[%add3A_47, %dma_start3A_48] : memref<50048x32xf32, #tpu.memory_space<vmem_shared>> -> memref<96x32xf32, #tpu.memory_space<vmem_shared>>
    %dma_start3A_50 = arith.constant 0 : i32
    %dma_start3A_51 = tpu.memref_slice %arg5[%add3A_47, %dma_start3A_50] : memref<50048x32xf32, #tpu.memory_space<vmem_shared>> -> memref<96x32xf32, #tpu.memory_space<vmem_shared>>
    tpu.enqueue_dma source(%arg8 : memref<96x32xf32, #tpu.memory_space<vmem>>) target(%dma_start3A_51 : memref<96x32xf32, #tpu.memory_space<vmem_shared>>) target_semaphore(%arg9 : memref<!tpu.dma_semaphore, #tpu.memory_space<semaphore_mem>>)
    %add3A_52 = arith.constant 768 : i32
    %add3A_53 = arith.addi %mul3A_5, %add3A_52 : i32
    %dma_start3A_54 = arith.constant 0 : i32
    %dma_start3A_55 = tpu.memref_slice %arg5[%add3A_53, %dma_start3A_54] : memref<50048x32xf32, #tpu.memory_space<vmem_shared>> -> memref<96x32xf32, #tpu.memory_space<vmem_shared>>
    %dma_start3A_56 = arith.constant 0 : i32
    %dma_start3A_57 = tpu.memref_slice %arg5[%add3A_53, %dma_start3A_56] : memref<50048x32xf32, #tpu.memory_space<vmem_shared>> -> memref<96x32xf32, #tpu.memory_space<vmem_shared>>
    tpu.enqueue_dma source(%arg8 : memref<96x32xf32, #tpu.memory_space<vmem>>) target(%dma_start3A_57 : memref<96x32xf32, #tpu.memory_space<vmem_shared>>) target_semaphore(%arg9 : memref<!tpu.dma_semaphore, #tpu.memory_space<semaphore_mem>>)
    %add3A_58 = arith.constant 864 : i32
    %add3A_59 = arith.addi %mul3A_5, %add3A_58 : i32
    %dma_start3A_60 = arith.constant 0 : i32
    %dma_start3A_61 = tpu.memref_slice %arg5[%add3A_59, %dma_start3A_60] : memref<50048x32xf32, #tpu.memory_space<vmem_shared>> -> memref<96x32xf32, #tpu.memory_space<vmem_shared>>
    %dma_start3A_62 = arith.constant 0 : i32
    %dma_start3A_63 = tpu.memref_slice %arg5[%add3A_59, %dma_start3A_62] : memref<50048x32xf32, #tpu.memory_space<vmem_shared>> -> memref<96x32xf32, #tpu.memory_space<vmem_shared>>
    tpu.enqueue_dma source(%arg8 : memref<96x32xf32, #tpu.memory_space<vmem>>) target(%dma_start3A_63 : memref<96x32xf32, #tpu.memory_space<vmem_shared>>) target_semaphore(%arg9 : memref<!tpu.dma_semaphore, #tpu.memory_space<semaphore_mem>>)
    %add3A_64 = arith.constant 960 : i32
    %add3A_65 = arith.addi %mul3A_5, %add3A_64 : i32
    %dma_start3A_66 = arith.constant 0 : i32
    %dma_start3A_67 = tpu.memref_slice %arg5[%add3A_65, %dma_start3A_66] : memref<50048x32xf32, #tpu.memory_space<vmem_shared>> -> memref<96x32xf32, #tpu.memory_space<vmem_shared>>
    %dma_start3A_68 = arith.constant 0 : i32
    %dma_start3A_69 = tpu.memref_slice %arg5[%add3A_65, %dma_start3A_68] : memref<50048x32xf32, #tpu.memory_space<vmem_shared>> -> memref<96x32xf32, #tpu.memory_space<vmem_shared>>
    tpu.enqueue_dma source(%arg8 : memref<96x32xf32, #tpu.memory_space<vmem>>) target(%dma_start3A_69 : memref<96x32xf32, #tpu.memory_space<vmem_shared>>) target_semaphore(%arg9 : memref<!tpu.dma_semaphore, #tpu.memory_space<semaphore_mem>>)
    %add3A_70 = arith.constant 1056 : i32
    %add3A_71 = arith.addi %mul3A_5, %add3A_70 : i32
    %dma_start3A_72 = arith.constant 0 : i32
    %dma_start3A_73 = tpu.memref_slice %arg5[%add3A_71, %dma_start3A_72] : memref<50048x32xf32, #tpu.memory_space<vmem_shared>> -> memref<96x32xf32, #tpu.memory_space<vmem_shared>>
    %dma_start3A_74 = arith.constant 0 : i32
    %dma_start3A_75 = tpu.memref_slice %arg5[%add3A_71, %dma_start3A_74] : memref<50048x32xf32, #tpu.memory_space<vmem_shared>> -> memref<96x32xf32, #tpu.memory_space<vmem_shared>>
    tpu.enqueue_dma source(%arg8 : memref<96x32xf32, #tpu.memory_space<vmem>>) target(%dma_start3A_75 : memref<96x32xf32, #tpu.memory_space<vmem_shared>>) target_semaphore(%arg9 : memref<!tpu.dma_semaphore, #tpu.memory_space<semaphore_mem>>)
    %add3A_76 = arith.constant 1152 : i32
    %add3A_77 = arith.addi %mul3A_5, %add3A_76 : i32
    %dma_start3A_78 = arith.constant 0 : i32
    %dma_start3A_79 = tpu.memref_slice %arg5[%add3A_77, %dma_start3A_78] : memref<50048x32xf32, #tpu.memory_space<vmem_shared>> -> memref<96x32xf32, #tpu.memory_space<vmem_shared>>
    %dma_start3A_80 = arith.constant 0 : i32
    %dma_start3A_81 = tpu.memref_slice %arg5[%add3A_77, %dma_start3A_80] : memref<50048x32xf32, #tpu.memory_space<vmem_shared>> -> memref<96x32xf32, #tpu.memory_space<vmem_shared>>
    tpu.enqueue_dma source(%arg8 : memref<96x32xf32, #tpu.memory_space<vmem>>) target(%dma_start3A_81 : memref<96x32xf32, #tpu.memory_space<vmem_shared>>) target_semaphore(%arg9 : memref<!tpu.dma_semaphore, #tpu.memory_space<semaphore_mem>>)
    %add3A_82 = arith.constant 1248 : i32
    %add3A_83 = arith.addi %mul3A_5, %add3A_82 : i32
    %dma_start3A_84 = arith.constant 0 : i32
    %dma_start3A_85 = tpu.memref_slice %arg5[%add3A_83, %dma_start3A_84] : memref<50048x32xf32, #tpu.memory_space<vmem_shared>> -> memref<96x32xf32, #tpu.memory_space<vmem_shared>>
    %dma_start3A_86 = arith.constant 0 : i32
    %dma_start3A_87 = tpu.memref_slice %arg5[%add3A_83, %dma_start3A_86] : memref<50048x32xf32, #tpu.memory_space<vmem_shared>> -> memref<96x32xf32, #tpu.memory_space<vmem_shared>>
    tpu.enqueue_dma source(%arg8 : memref<96x32xf32, #tpu.memory_space<vmem>>) target(%dma_start3A_87 : memref<96x32xf32, #tpu.memory_space<vmem_shared>>) target_semaphore(%arg9 : memref<!tpu.dma_semaphore, #tpu.memory_space<semaphore_mem>>)
    %add3A_88 = arith.constant 1344 : i32
    %add3A_89 = arith.addi %mul3A_5, %add3A_88 : i32
    %dma_start3A_90 = arith.constant 0 : i32
    %dma_start3A_91 = tpu.memref_slice %arg5[%add3A_89, %dma_start3A_90] : memref<50048x32xf32, #tpu.memory_space<vmem_shared>> -> memref<96x32xf32, #tpu.memory_space<vmem_shared>>
    %dma_start3A_92 = arith.constant 0 : i32
    %dma_start3A_93 = tpu.memref_slice %arg5[%add3A_89, %dma_start3A_92] : memref<50048x32xf32, #tpu.memory_space<vmem_shared>> -> memref<96x32xf32, #tpu.memory_space<vmem_shared>>
    tpu.enqueue_dma source(%arg8 : memref<96x32xf32, #tpu.memory_space<vmem>>) target(%dma_start3A_93 : memref<96x32xf32, #tpu.memory_space<vmem_shared>>) target_semaphore(%arg9 : memref<!tpu.dma_semaphore, #tpu.memory_space<semaphore_mem>>)
    %add3A_94 = arith.constant 1440 : i32
    %add3A_95 = arith.addi %mul3A_5, %add3A_94 : i32
    %dma_start3A_96 = arith.constant 0 : i32
    %dma_start3A_97 = tpu.memref_slice %arg5[%add3A_95, %dma_start3A_96] : memref<50048x32xf32, #tpu.memory_space<vmem_shared>> -> memref<96x32xf32, #tpu.memory_space<vmem_shared>>
    %dma_start3A_98 = arith.constant 0 : i32
    %dma_start3A_99 = tpu.memref_slice %arg5[%add3A_95, %dma_start3A_98] : memref<50048x32xf32, #tpu.memory_space<vmem_shared>> -> memref<96x32xf32, #tpu.memory_space<vmem_shared>>
    tpu.enqueue_dma source(%arg8 : memref<96x32xf32, #tpu.memory_space<vmem>>) target(%dma_start3A_99 : memref<96x32xf32, #tpu.memory_space<vmem_shared>>) target_semaphore(%arg9 : memref<!tpu.dma_semaphore, #tpu.memory_space<semaphore_mem>>)
    %add3A_100 = arith.constant 1536 : i32
    %add3A_101 = arith.addi %mul3A_5, %add3A_100 : i32
    %dma_start3A_102 = arith.constant 0 : i32
    %dma_start3A_103 = tpu.memref_slice %arg5[%add3A_101, %dma_start3A_102] : memref<50048x32xf32, #tpu.memory_space<vmem_shared>> -> memref<96x32xf32, #tpu.memory_space<vmem_shared>>
    %dma_start3A_104 = arith.constant 0 : i32
    %dma_start3A_105 = tpu.memref_slice %arg5[%add3A_101, %dma_start3A_104] : memref<50048x32xf32, #tpu.memory_space<vmem_shared>> -> memref<96x32xf32, #tpu.memory_space<vmem_shared>>
    tpu.enqueue_dma source(%arg8 : memref<96x32xf32, #tpu.memory_space<vmem>>) target(%dma_start3A_105 : memref<96x32xf32, #tpu.memory_space<vmem_shared>>) target_semaphore(%arg9 : memref<!tpu.dma_semaphore, #tpu.memory_space<semaphore_mem>>)
    %add3A_106 = arith.constant 1632 : i32
    %add3A_107 = arith.addi %mul3A_5, %add3A_106 : i32
    %dma_start3A_108 = arith.constant 0 : i32
    %dma_start3A_109 = tpu.memref_slice %arg5[%add3A_107, %dma_start3A_108] : memref<50048x32xf32, #tpu.memory_space<vmem_shared>> -> memref<96x32xf32, #tpu.memory_space<vmem_shared>>
    %dma_start3A_110 = arith.constant 0 : i32
    %dma_start3A_111 = tpu.memref_slice %arg5[%add3A_107, %dma_start3A_110] : memref<50048x32xf32, #tpu.memory_space<vmem_shared>> -> memref<96x32xf32, #tpu.memory_space<vmem_shared>>
    tpu.enqueue_dma source(%arg8 : memref<96x32xf32, #tpu.memory_space<vmem>>) target(%dma_start3A_111 : memref<96x32xf32, #tpu.memory_space<vmem_shared>>) target_semaphore(%arg9 : memref<!tpu.dma_semaphore, #tpu.memory_space<semaphore_mem>>)
    %add3A_112 = arith.constant 1728 : i32
    %add3A_113 = arith.addi %mul3A_5, %add3A_112 : i32
    %dma_start3A_114 = arith.constant 0 : i32
    %dma_start3A_115 = tpu.memref_slice %arg5[%add3A_113, %dma_start3A_114] : memref<50048x32xf32, #tpu.memory_space<vmem_shared>> -> memref<96x32xf32, #tpu.memory_space<vmem_shared>>
    %dma_start3A_116 = arith.constant 0 : i32
    %dma_start3A_117 = tpu.memref_slice %arg5[%add3A_113, %dma_start3A_116] : memref<50048x32xf32, #tpu.memory_space<vmem_shared>> -> memref<96x32xf32, #tpu.memory_space<vmem_shared>>
    tpu.enqueue_dma source(%arg8 : memref<96x32xf32, #tpu.memory_space<vmem>>) target(%dma_start3A_117 : memref<96x32xf32, #tpu.memory_space<vmem_shared>>) target_semaphore(%arg9 : memref<!tpu.dma_semaphore, #tpu.memory_space<semaphore_mem>>)
    %add3A_118 = arith.constant 1824 : i32
    %add3A_119 = arith.addi %mul3A_5, %add3A_118 : i32
    %dma_start3A_120 = arith.constant 0 : i32
    %dma_start3A_121 = tpu.memref_slice %arg5[%add3A_119, %dma_start3A_120] : memref<50048x32xf32, #tpu.memory_space<vmem_shared>> -> memref<96x32xf32, #tpu.memory_space<vmem_shared>>
    %dma_start3A_122 = arith.constant 0 : i32
    %dma_start3A_123 = tpu.memref_slice %arg5[%add3A_119, %dma_start3A_122] : memref<50048x32xf32, #tpu.memory_space<vmem_shared>> -> memref<96x32xf32, #tpu.memory_space<vmem_shared>>
    tpu.enqueue_dma source(%arg8 : memref<96x32xf32, #tpu.memory_space<vmem>>) target(%dma_start3A_123 : memref<96x32xf32, #tpu.memory_space<vmem_shared>>) target_semaphore(%arg9 : memref<!tpu.dma_semaphore, #tpu.memory_space<semaphore_mem>>)
    %add3A_124 = arith.constant 1920 : i32
    %add3A_125 = arith.addi %mul3A_5, %add3A_124 : i32
    %dma_start3A_126 = arith.constant 0 : i32
    %dma_start3A_127 = tpu.memref_slice %arg5[%add3A_125, %dma_start3A_126] : memref<50048x32xf32, #tpu.memory_space<vmem_shared>> -> memref<96x32xf32, #tpu.memory_space<vmem_shared>>
    %dma_start3A_128 = arith.constant 0 : i32
    %dma_start3A_129 = tpu.memref_slice %arg5[%add3A_125, %dma_start3A_128] : memref<50048x32xf32, #tpu.memory_space<vmem_shared>> -> memref<96x32xf32, #tpu.memory_space<vmem_shared>>
    tpu.enqueue_dma source(%arg8 : memref<96x32xf32, #tpu.memory_space<vmem>>) target(%dma_start3A_129 : memref<96x32xf32, #tpu.memory_space<vmem_shared>>) target_semaphore(%arg9 : memref<!tpu.dma_semaphore, #tpu.memory_space<semaphore_mem>>)
    %add3A_130 = arith.constant 2016 : i32
    %add3A_131 = arith.addi %mul3A_5, %add3A_130 : i32
    %dma_start3A_132 = arith.constant 0 : i32
    %dma_start3A_133 = tpu.memref_slice %arg5[%add3A_131, %dma_start3A_132] : memref<50048x32xf32, #tpu.memory_space<vmem_shared>> -> memref<96x32xf32, #tpu.memory_space<vmem_shared>>
    %dma_start3A_134 = arith.constant 0 : i32
    %dma_start3A_135 = tpu.memref_slice %arg5[%add3A_131, %dma_start3A_134] : memref<50048x32xf32, #tpu.memory_space<vmem_shared>> -> memref<96x32xf32, #tpu.memory_space<vmem_shared>>
    tpu.enqueue_dma source(%arg8 : memref<96x32xf32, #tpu.memory_space<vmem>>) target(%dma_start3A_135 : memref<96x32xf32, #tpu.memory_space<vmem_shared>>) target_semaphore(%arg9 : memref<!tpu.dma_semaphore, #tpu.memory_space<semaphore_mem>>)
    %add3A_136 = arith.constant 2112 : i32
    %add3A_137 = arith.addi %mul3A_5, %add3A_136 : i32
    %dma_start3A_138 = arith.constant 0 : i32
    %dma_start3A_139 = tpu.memref_slice %arg5[%add3A_137, %dma_start3A_138] : memref<50048x32xf32, #tpu.memory_space<vmem_shared>> -> memref<96x32xf32, #tpu.memory_space<vmem_shared>>
    %dma_start3A_140 = arith.constant 0 : i32
    %dma_start3A_141 = tpu.memref_slice %arg5[%add3A_137, %dma_start3A_140] : memref<50048x32xf32, #tpu.memory_space<vmem_shared>> -> memref<96x32xf32, #tpu.memory_space<vmem_shared>>
    tpu.enqueue_dma source(%arg8 : memref<96x32xf32, #tpu.memory_space<vmem>>) target(%dma_start3A_141 : memref<96x32xf32, #tpu.memory_space<vmem_shared>>) target_semaphore(%arg9 : memref<!tpu.dma_semaphore, #tpu.memory_space<semaphore_mem>>)
    %add3A_142 = arith.constant 2208 : i32
    %add3A_143 = arith.addi %mul3A_5, %add3A_142 : i32
    %dma_start3A_144 = arith.constant 0 : i32
    %dma_start3A_145 = tpu.memref_slice %arg5[%add3A_143, %dma_start3A_144] : memref<50048x32xf32, #tpu.memory_space<vmem_shared>> -> memref<96x32xf32, #tpu.memory_space<vmem_shared>>
    %dma_start3A_146 = arith.constant 0 : i32
    %dma_start3A_147 = tpu.memref_slice %arg5[%add3A_143, %dma_start3A_146] : memref<50048x32xf32, #tpu.memory_space<vmem_shared>> -> memref<96x32xf32, #tpu.memory_space<vmem_shared>>
    tpu.enqueue_dma source(%arg8 : memref<96x32xf32, #tpu.memory_space<vmem>>) target(%dma_start3A_147 : memref<96x32xf32, #tpu.memory_space<vmem_shared>>) target_semaphore(%arg9 : memref<!tpu.dma_semaphore, #tpu.memory_space<semaphore_mem>>)
    %add3A_148 = arith.constant 2304 : i32
    %add3A_149 = arith.addi %mul3A_5, %add3A_148 : i32
    %dma_start3A_150 = arith.constant 0 : i32
    %dma_start3A_151 = tpu.memref_slice %arg5[%add3A_149, %dma_start3A_150] : memref<50048x32xf32, #tpu.memory_space<vmem_shared>> -> memref<96x32xf32, #tpu.memory_space<vmem_shared>>
    %dma_start3A_152 = arith.constant 0 : i32
    %dma_start3A_153 = tpu.memref_slice %arg5[%add3A_149, %dma_start3A_152] : memref<50048x32xf32, #tpu.memory_space<vmem_shared>> -> memref<96x32xf32, #tpu.memory_space<vmem_shared>>
    tpu.enqueue_dma source(%arg8 : memref<96x32xf32, #tpu.memory_space<vmem>>) target(%dma_start3A_153 : memref<96x32xf32, #tpu.memory_space<vmem_shared>>) target_semaphore(%arg9 : memref<!tpu.dma_semaphore, #tpu.memory_space<semaphore_mem>>)
    %add3A_154 = arith.constant 2400 : i32
    %add3A_155 = arith.addi %mul3A_5, %add3A_154 : i32
    %dma_start3A_156 = arith.constant 0 : i32
    %dma_start3A_157 = tpu.memref_slice %arg5[%add3A_155, %dma_start3A_156] : memref<50048x32xf32, #tpu.memory_space<vmem_shared>> -> memref<96x32xf32, #tpu.memory_space<vmem_shared>>
    %dma_start3A_158 = arith.constant 0 : i32
    %dma_start3A_159 = tpu.memref_slice %arg5[%add3A_155, %dma_start3A_158] : memref<50048x32xf32, #tpu.memory_space<vmem_shared>> -> memref<96x32xf32, #tpu.memory_space<vmem_shared>>
    tpu.enqueue_dma source(%arg8 : memref<96x32xf32, #tpu.memory_space<vmem>>) target(%dma_start3A_159 : memref<96x32xf32, #tpu.memory_space<vmem_shared>>) target_semaphore(%arg9 : memref<!tpu.dma_semaphore, #tpu.memory_space<semaphore_mem>>)
    %add3A_160 = arith.constant 2496 : i32
    %add3A_161 = arith.addi %mul3A_5, %add3A_160 : i32
    %dma_start3A_162 = arith.constant 0 : i32
    %dma_start3A_163 = tpu.memref_slice %arg5[%add3A_161, %dma_start3A_162] : memref<50048x32xf32, #tpu.memory_space<vmem_shared>> -> memref<96x32xf32, #tpu.memory_space<vmem_shared>>
    %dma_start3A_164 = arith.constant 0 : i32
    %dma_start3A_165 = tpu.memref_slice %arg5[%add3A_161, %dma_start3A_164] : memref<50048x32xf32, #tpu.memory_space<vmem_shared>> -> memref<96x32xf32, #tpu.memory_space<vmem_shared>>
    tpu.enqueue_dma source(%arg8 : memref<96x32xf32, #tpu.memory_space<vmem>>) target(%dma_start3A_165 : memref<96x32xf32, #tpu.memory_space<vmem_shared>>) target_semaphore(%arg9 : memref<!tpu.dma_semaphore, #tpu.memory_space<semaphore_mem>>)
    %add3A_166 = arith.constant 2592 : i32
    %add3A_167 = arith.addi %mul3A_5, %add3A_166 : i32
    %dma_start3A_168 = arith.constant 0 : i32
    %dma_start3A_169 = tpu.memref_slice %arg5[%add3A_167, %dma_start3A_168] : memref<50048x32xf32, #tpu.memory_space<vmem_shared>> -> memref<96x32xf32, #tpu.memory_space<vmem_shared>>
    %dma_start3A_170 = arith.constant 0 : i32
    %dma_start3A_171 = tpu.memref_slice %arg5[%add3A_167, %dma_start3A_170] : memref<50048x32xf32, #tpu.memory_space<vmem_shared>> -> memref<96x32xf32, #tpu.memory_space<vmem_shared>>
    tpu.enqueue_dma source(%arg8 : memref<96x32xf32, #tpu.memory_space<vmem>>) target(%dma_start3A_171 : memref<96x32xf32, #tpu.memory_space<vmem_shared>>) target_semaphore(%arg9 : memref<!tpu.dma_semaphore, #tpu.memory_space<semaphore_mem>>)
    %add3A_172 = arith.constant 2688 : i32
    %add3A_173 = arith.addi %mul3A_5, %add3A_172 : i32
    %dma_start3A_174 = arith.constant 0 : i32
    %dma_start3A_175 = tpu.memref_slice %arg5[%add3A_173, %dma_start3A_174] : memref<50048x32xf32, #tpu.memory_space<vmem_shared>> -> memref<96x32xf32, #tpu.memory_space<vmem_shared>>
    %dma_start3A_176 = arith.constant 0 : i32
    %dma_start3A_177 = tpu.memref_slice %arg5[%add3A_173, %dma_start3A_176] : memref<50048x32xf32, #tpu.memory_space<vmem_shared>> -> memref<96x32xf32, #tpu.memory_space<vmem_shared>>
    tpu.enqueue_dma source(%arg8 : memref<96x32xf32, #tpu.memory_space<vmem>>) target(%dma_start3A_177 : memref<96x32xf32, #tpu.memory_space<vmem_shared>>) target_semaphore(%arg9 : memref<!tpu.dma_semaphore, #tpu.memory_space<semaphore_mem>>)
    %add3A_178 = arith.constant 2784 : i32
    %add3A_179 = arith.addi %mul3A_5, %add3A_178 : i32
    %dma_start3A_180 = arith.constant 0 : i32
    %dma_start3A_181 = tpu.memref_slice %arg5[%add3A_179, %dma_start3A_180] : memref<50048x32xf32, #tpu.memory_space<vmem_shared>> -> memref<96x32xf32, #tpu.memory_space<vmem_shared>>
    %dma_start3A_182 = arith.constant 0 : i32
    %dma_start3A_183 = tpu.memref_slice %arg5[%add3A_179, %dma_start3A_182] : memref<50048x32xf32, #tpu.memory_space<vmem_shared>> -> memref<96x32xf32, #tpu.memory_space<vmem_shared>>
    tpu.enqueue_dma source(%arg8 : memref<96x32xf32, #tpu.memory_space<vmem>>) target(%dma_start3A_183 : memref<96x32xf32, #tpu.memory_space<vmem_shared>>) target_semaphore(%arg9 : memref<!tpu.dma_semaphore, #tpu.memory_space<semaphore_mem>>)
    %add3A_184 = arith.constant 2880 : i32
    %add3A_185 = arith.addi %mul3A_5, %add3A_184 : i32
    %dma_start3A_186 = arith.constant 0 : i32
    %dma_start3A_187 = tpu.memref_slice %arg5[%add3A_185, %dma_start3A_186] : memref<50048x32xf32, #tpu.memory_space<vmem_shared>> -> memref<96x32xf32, #tpu.memory_space<vmem_shared>>
    %dma_start3A_188 = arith.constant 0 : i32
    %dma_start3A_189 = tpu.memref_slice %arg5[%add3A_185, %dma_start3A_188] : memref<50048x32xf32, #tpu.memory_space<vmem_shared>> -> memref<96x32xf32, #tpu.memory_space<vmem_shared>>
    tpu.enqueue_dma source(%arg8 : memref<96x32xf32, #tpu.memory_space<vmem>>) target(%dma_start3A_189 : memref<96x32xf32, #tpu.memory_space<vmem_shared>>) target_semaphore(%arg9 : memref<!tpu.dma_semaphore, #tpu.memory_space<semaphore_mem>>)
    %add3A_190 = arith.constant 2976 : i32
    %add3A_191 = arith.addi %mul3A_5, %add3A_190 : i32
    %dma_start3A_192 = arith.constant 0 : i32
    %dma_start3A_193 = tpu.memref_slice %arg5[%add3A_191, %dma_start3A_192] : memref<50048x32xf32, #tpu.memory_space<vmem_shared>> -> memref<96x32xf32, #tpu.memory_space<vmem_shared>>
    %dma_start3A_194 = arith.constant 0 : i32
    %dma_start3A_195 = tpu.memref_slice %arg5[%add3A_191, %dma_start3A_194] : memref<50048x32xf32, #tpu.memory_space<vmem_shared>> -> memref<96x32xf32, #tpu.memory_space<vmem_shared>>
    tpu.enqueue_dma source(%arg8 : memref<96x32xf32, #tpu.memory_space<vmem>>) target(%dma_start3A_195 : memref<96x32xf32, #tpu.memory_space<vmem_shared>>) target_semaphore(%arg9 : memref<!tpu.dma_semaphore, #tpu.memory_space<semaphore_mem>>)
    %add3A_196 = arith.constant 3072 : i32
    %add3A_197 = arith.addi %mul3A_5, %add3A_196 : i32
    %dma_start3A_198 = arith.constant 0 : i32
    %dma_start3A_199 = arith.constant 0 : i32
    %dma_start3A_200 = tpu.memref_slice %arg8[%dma_start3A_198, %dma_start3A_199] : memref<96x32xf32, #tpu.memory_space<vmem>> -> memref<56x32xf32, #tpu.memory_space<vmem>>
    %dma_start3A_201 = arith.constant 0 : i32
    %dma_start3A_202 = tpu.memref_slice %arg5[%add3A_197, %dma_start3A_201] : memref<50048x32xf32, #tpu.memory_space<vmem_shared>> -> memref<56x32xf32, #tpu.memory_space<vmem_shared>>
    %dma_start3A_203 = arith.constant 0 : i32
    %dma_start3A_204 = tpu.memref_slice %arg5[%add3A_197, %dma_start3A_203] : memref<50048x32xf32, #tpu.memory_space<vmem_shared>> -> memref<56x32xf32, #tpu.memory_space<vmem_shared>>
    %dma_start3A_205 = arith.constant 0 : i32
    %dma_start3A_206 = arith.constant 0 : i32
    %dma_start3A_207 = tpu.memref_slice %arg8[%dma_start3A_205, %dma_start3A_206] : memref<96x32xf32, #tpu.memory_space<vmem>> -> memref<56x32xf32, #tpu.memory_space<vmem>>
    tpu.enqueue_dma source(%dma_start3A_207 : memref<56x32xf32, #tpu.memory_space<vmem>>) target(%dma_start3A_204 : memref<56x32xf32, #tpu.memory_space<vmem_shared>>) target_semaphore(%arg9 : memref<!tpu.dma_semaphore, #tpu.memory_space<semaphore_mem>>)
    %dma_wait3A = arith.constant 0 : i32
    %dma_wait3A_208 = tpu.memref_slice %arg5[%add3A_6, %dma_wait3A] : memref<50048x32xf32, #tpu.memory_space<vmem_shared>> -> memref<96x32xf32, #tpu.memory_space<vmem_shared>>
    %dma_wait3A_209 = arith.constant 0 : i32
    %dma_wait3A_210 = tpu.memref_slice %arg5[%add3A_6, %dma_wait3A_209] : memref<50048x32xf32, #tpu.memory_space<vmem_shared>> -> memref<96x32xf32, #tpu.memory_space<vmem_shared>>
    tpu.wait_dma2 semaphore(%arg9 : memref<!tpu.dma_semaphore, #tpu.memory_space<semaphore_mem>>) src(%arg8 : memref<96x32xf32, #tpu.memory_space<vmem>>) dst(%dma_wait3A_210 : memref<96x32xf32, #tpu.memory_space<vmem_shared>>)
    %dma_wait3A_211 = arith.constant 0 : i32
    %dma_wait3A_212 = tpu.memref_slice %arg5[%add3A_11, %dma_wait3A_211] : memref<50048x32xf32, #tpu.memory_space<vmem_shared>> -> memref<96x32xf32, #tpu.memory_space<vmem_shared>>
    %dma_wait3A_213 = arith.constant 0 : i32
    %dma_wait3A_214 = tpu.memref_slice %arg5[%add3A_11, %dma_wait3A_213] : memref<50048x32xf32, #tpu.memory_space<vmem_shared>> -> memref<96x32xf32, #tpu.memory_space<vmem_shared>>
    tpu.wait_dma2 semaphore(%arg9 : memref<!tpu.dma_semaphore, #tpu.memory_space<semaphore_mem>>) src(%arg8 : memref<96x32xf32, #tpu.memory_space<vmem>>) dst(%dma_wait3A_214 : memref<96x32xf32, #tpu.memory_space<vmem_shared>>)
    %dma_wait3A_215 = arith.constant 0 : i32
    %dma_wait3A_216 = tpu.memref_slice %arg5[%add3A_17, %dma_wait3A_215] : memref<50048x32xf32, #tpu.memory_space<vmem_shared>> -> memref<96x32xf32, #tpu.memory_space<vmem_shared>>
    %dma_wait3A_217 = arith.constant 0 : i32
    %dma_wait3A_218 = tpu.memref_slice %arg5[%add3A_17, %dma_wait3A_217] : memref<50048x32xf32, #tpu.memory_space<vmem_shared>> -> memref<96x32xf32, #tpu.memory_space<vmem_shared>>
    tpu.wait_dma2 semaphore(%arg9 : memref<!tpu.dma_semaphore, #tpu.memory_space<semaphore_mem>>) src(%arg8 : memref<96x32xf32, #tpu.memory_space<vmem>>) dst(%dma_wait3A_218 : memref<96x32xf32, #tpu.memory_space<vmem_shared>>)
    %dma_wait3A_219 = arith.constant 0 : i32
    %dma_wait3A_220 = tpu.memref_slice %arg5[%add3A_23, %dma_wait3A_219] : memref<50048x32xf32, #tpu.memory_space<vmem_shared>> -> memref<96x32xf32, #tpu.memory_space<vmem_shared>>
    %dma_wait3A_221 = arith.constant 0 : i32
    %dma_wait3A_222 = tpu.memref_slice %arg5[%add3A_23, %dma_wait3A_221] : memref<50048x32xf32, #tpu.memory_space<vmem_shared>> -> memref<96x32xf32, #tpu.memory_space<vmem_shared>>
    tpu.wait_dma2 semaphore(%arg9 : memref<!tpu.dma_semaphore, #tpu.memory_space<semaphore_mem>>) src(%arg8 : memref<96x32xf32, #tpu.memory_space<vmem>>) dst(%dma_wait3A_222 : memref<96x32xf32, #tpu.memory_space<vmem_shared>>)
    %dma_wait3A_223 = arith.constant 0 : i32
    %dma_wait3A_224 = tpu.memref_slice %arg5[%add3A_29, %dma_wait3A_223] : memref<50048x32xf32, #tpu.memory_space<vmem_shared>> -> memref<96x32xf32, #tpu.memory_space<vmem_shared>>
    %dma_wait3A_225 = arith.constant 0 : i32
    %dma_wait3A_226 = tpu.memref_slice %arg5[%add3A_29, %dma_wait3A_225] : memref<50048x32xf32, #tpu.memory_space<vmem_shared>> -> memref<96x32xf32, #tpu.memory_space<vmem_shared>>
    tpu.wait_dma2 semaphore(%arg9 : memref<!tpu.dma_semaphore, #tpu.memory_space<semaphore_mem>>) src(%arg8 : memref<96x32xf32, #tpu.memory_space<vmem>>) dst(%dma_wait3A_226 : memref<96x32xf32, #tpu.memory_space<vmem_shared>>)
    %dma_wait3A_227 = arith.constant 0 : i32
    %dma_wait3A_228 = tpu.memref_slice %arg5[%add3A_35, %dma_wait3A_227] : memref<50048x32xf32, #tpu.memory_space<vmem_shared>> -> memref<96x32xf32, #tpu.memory_space<vmem_shared>>
    %dma_wait3A_229 = arith.constant 0 : i32
    %dma_wait3A_230 = tpu.memref_slice %arg5[%add3A_35, %dma_wait3A_229] : memref<50048x32xf32, #tpu.memory_space<vmem_shared>> -> memref<96x32xf32, #tpu.memory_space<vmem_shared>>
    tpu.wait_dma2 semaphore(%arg9 : memref<!tpu.dma_semaphore, #tpu.memory_space<semaphore_mem>>) src(%arg8 : memref<96x32xf32, #tpu.memory_space<vmem>>) dst(%dma_wait3A_230 : memref<96x32xf32, #tpu.memory_space<vmem_shared>>)
    %dma_wait3A_231 = arith.constant 0 : i32
    %dma_wait3A_232 = tpu.memref_slice %arg5[%add3A_41, %dma_wait3A_231] : memref<50048x32xf32, #tpu.memory_space<vmem_shared>> -> memref<96x32xf32, #tpu.memory_space<vmem_shared>>
    %dma_wait3A_233 = arith.constant 0 : i32
    %dma_wait3A_234 = tpu.memref_slice %arg5[%add3A_41, %dma_wait3A_233] : memref<50048x32xf32, #tpu.memory_space<vmem_shared>> -> memref<96x32xf32, #tpu.memory_space<vmem_shared>>
    tpu.wait_dma2 semaphore(%arg9 : memref<!tpu.dma_semaphore, #tpu.memory_space<semaphore_mem>>) src(%arg8 : memref<96x32xf32, #tpu.memory_space<vmem>>) dst(%dma_wait3A_234 : memref<96x32xf32, #tpu.memory_space<vmem_shared>>)
    %dma_wait3A_235 = arith.constant 0 : i32
    %dma_wait3A_236 = tpu.memref_slice %arg5[%add3A_47, %dma_wait3A_235] : memref<50048x32xf32, #tpu.memory_space<vmem_shared>> -> memref<96x32xf32, #tpu.memory_space<vmem_shared>>
    %dma_wait3A_237 = arith.constant 0 : i32
    %dma_wait3A_238 = tpu.memref_slice %arg5[%add3A_47, %dma_wait3A_237] : memref<50048x32xf32, #tpu.memory_space<vmem_shared>> -> memref<96x32xf32, #tpu.memory_space<vmem_shared>>
    tpu.wait_dma2 semaphore(%arg9 : memref<!tpu.dma_semaphore, #tpu.memory_space<semaphore_mem>>) src(%arg8 : memref<96x32xf32, #tpu.memory_space<vmem>>) dst(%dma_wait3A_238 : memref<96x32xf32, #tpu.memory_space<vmem_shared>>)
    %dma_wait3A_239 = arith.constant 0 : i32
    %dma_wait3A_240 = tpu.memref_slice %arg5[%add3A_53, %dma_wait3A_239] : memref<50048x32xf32, #tpu.memory_space<vmem_shared>> -> memref<96x32xf32, #tpu.memory_space<vmem_shared>>
    %dma_wait3A_241 = arith.constant 0 : i32
    %dma_wait3A_242 = tpu.memref_slice %arg5[%add3A_53, %dma_wait3A_241] : memref<50048x32xf32, #tpu.memory_space<vmem_shared>> -> memref<96x32xf32, #tpu.memory_space<vmem_shared>>
    tpu.wait_dma2 semaphore(%arg9 : memref<!tpu.dma_semaphore, #tpu.memory_space<semaphore_mem>>) src(%arg8 : memref<96x32xf32, #tpu.memory_space<vmem>>) dst(%dma_wait3A_242 : memref<96x32xf32, #tpu.memory_space<vmem_shared>>)
    %dma_wait3A_243 = arith.constant 0 : i32
    %dma_wait3A_244 = tpu.memref_slice %arg5[%add3A_59, %dma_wait3A_243] : memref<50048x32xf32, #tpu.memory_space<vmem_shared>> -> memref<96x32xf32, #tpu.memory_space<vmem_shared>>
    %dma_wait3A_245 = arith.constant 0 : i32
    %dma_wait3A_246 = tpu.memref_slice %arg5[%add3A_59, %dma_wait3A_245] : memref<50048x32xf32, #tpu.memory_space<vmem_shared>> -> memref<96x32xf32, #tpu.memory_space<vmem_shared>>
    tpu.wait_dma2 semaphore(%arg9 : memref<!tpu.dma_semaphore, #tpu.memory_space<semaphore_mem>>) src(%arg8 : memref<96x32xf32, #tpu.memory_space<vmem>>) dst(%dma_wait3A_246 : memref<96x32xf32, #tpu.memory_space<vmem_shared>>)
    %dma_wait3A_247 = arith.constant 0 : i32
    %dma_wait3A_248 = tpu.memref_slice %arg5[%add3A_65, %dma_wait3A_247] : memref<50048x32xf32, #tpu.memory_space<vmem_shared>> -> memref<96x32xf32, #tpu.memory_space<vmem_shared>>
    %dma_wait3A_249 = arith.constant 0 : i32
    %dma_wait3A_250 = tpu.memref_slice %arg5[%add3A_65, %dma_wait3A_249] : memref<50048x32xf32, #tpu.memory_space<vmem_shared>> -> memref<96x32xf32, #tpu.memory_space<vmem_shared>>
    tpu.wait_dma2 semaphore(%arg9 : memref<!tpu.dma_semaphore, #tpu.memory_space<semaphore_mem>>) src(%arg8 : memref<96x32xf32, #tpu.memory_space<vmem>>) dst(%dma_wait3A_250 : memref<96x32xf32, #tpu.memory_space<vmem_shared>>)
    %dma_wait3A_251 = arith.constant 0 : i32
    %dma_wait3A_252 = tpu.memref_slice %arg5[%add3A_71, %dma_wait3A_251] : memref<50048x32xf32, #tpu.memory_space<vmem_shared>> -> memref<96x32xf32, #tpu.memory_space<vmem_shared>>
    %dma_wait3A_253 = arith.constant 0 : i32
    %dma_wait3A_254 = tpu.memref_slice %arg5[%add3A_71, %dma_wait3A_253] : memref<50048x32xf32, #tpu.memory_space<vmem_shared>> -> memref<96x32xf32, #tpu.memory_space<vmem_shared>>
    tpu.wait_dma2 semaphore(%arg9 : memref<!tpu.dma_semaphore, #tpu.memory_space<semaphore_mem>>) src(%arg8 : memref<96x32xf32, #tpu.memory_space<vmem>>) dst(%dma_wait3A_254 : memref<96x32xf32, #tpu.memory_space<vmem_shared>>)
    %dma_wait3A_255 = arith.constant 0 : i32
    %dma_wait3A_256 = tpu.memref_slice %arg5[%add3A_77, %dma_wait3A_255] : memref<50048x32xf32, #tpu.memory_space<vmem_shared>> -> memref<96x32xf32, #tpu.memory_space<vmem_shared>>
    %dma_wait3A_257 = arith.constant 0 : i32
    %dma_wait3A_258 = tpu.memref_slice %arg5[%add3A_77, %dma_wait3A_257] : memref<50048x32xf32, #tpu.memory_space<vmem_shared>> -> memref<96x32xf32, #tpu.memory_space<vmem_shared>>
    tpu.wait_dma2 semaphore(%arg9 : memref<!tpu.dma_semaphore, #tpu.memory_space<semaphore_mem>>) src(%arg8 : memref<96x32xf32, #tpu.memory_space<vmem>>) dst(%dma_wait3A_258 : memref<96x32xf32, #tpu.memory_space<vmem_shared>>)
    %dma_wait3A_259 = arith.constant 0 : i32
    %dma_wait3A_260 = tpu.memref_slice %arg5[%add3A_83, %dma_wait3A_259] : memref<50048x32xf32, #tpu.memory_space<vmem_shared>> -> memref<96x32xf32, #tpu.memory_space<vmem_shared>>
    %dma_wait3A_261 = arith.constant 0 : i32
    %dma_wait3A_262 = tpu.memref_slice %arg5[%add3A_83, %dma_wait3A_261] : memref<50048x32xf32, #tpu.memory_space<vmem_shared>> -> memref<96x32xf32, #tpu.memory_space<vmem_shared>>
    tpu.wait_dma2 semaphore(%arg9 : memref<!tpu.dma_semaphore, #tpu.memory_space<semaphore_mem>>) src(%arg8 : memref<96x32xf32, #tpu.memory_space<vmem>>) dst(%dma_wait3A_262 : memref<96x32xf32, #tpu.memory_space<vmem_shared>>)
    %dma_wait3A_263 = arith.constant 0 : i32
    %dma_wait3A_264 = tpu.memref_slice %arg5[%add3A_89, %dma_wait3A_263] : memref<50048x32xf32, #tpu.memory_space<vmem_shared>> -> memref<96x32xf32, #tpu.memory_space<vmem_shared>>
    %dma_wait3A_265 = arith.constant 0 : i32
    %dma_wait3A_266 = tpu.memref_slice %arg5[%add3A_89, %dma_wait3A_265] : memref<50048x32xf32, #tpu.memory_space<vmem_shared>> -> memref<96x32xf32, #tpu.memory_space<vmem_shared>>
    tpu.wait_dma2 semaphore(%arg9 : memref<!tpu.dma_semaphore, #tpu.memory_space<semaphore_mem>>) src(%arg8 : memref<96x32xf32, #tpu.memory_space<vmem>>) dst(%dma_wait3A_266 : memref<96x32xf32, #tpu.memory_space<vmem_shared>>)
    %dma_wait3A_267 = arith.constant 0 : i32
    %dma_wait3A_268 = tpu.memref_slice %arg5[%add3A_95, %dma_wait3A_267] : memref<50048x32xf32, #tpu.memory_space<vmem_shared>> -> memref<96x32xf32, #tpu.memory_space<vmem_shared>>
    %dma_wait3A_269 = arith.constant 0 : i32
    %dma_wait3A_270 = tpu.memref_slice %arg5[%add3A_95, %dma_wait3A_269] : memref<50048x32xf32, #tpu.memory_space<vmem_shared>> -> memref<96x32xf32, #tpu.memory_space<vmem_shared>>
    tpu.wait_dma2 semaphore(%arg9 : memref<!tpu.dma_semaphore, #tpu.memory_space<semaphore_mem>>) src(%arg8 : memref<96x32xf32, #tpu.memory_space<vmem>>) dst(%dma_wait3A_270 : memref<96x32xf32, #tpu.memory_space<vmem_shared>>)
    %dma_wait3A_271 = arith.constant 0 : i32
    %dma_wait3A_272 = tpu.memref_slice %arg5[%add3A_101, %dma_wait3A_271] : memref<50048x32xf32, #tpu.memory_space<vmem_shared>> -> memref<96x32xf32, #tpu.memory_space<vmem_shared>>
    %dma_wait3A_273 = arith.constant 0 : i32
    %dma_wait3A_274 = tpu.memref_slice %arg5[%add3A_101, %dma_wait3A_273] : memref<50048x32xf32, #tpu.memory_space<vmem_shared>> -> memref<96x32xf32, #tpu.memory_space<vmem_shared>>
    tpu.wait_dma2 semaphore(%arg9 : memref<!tpu.dma_semaphore, #tpu.memory_space<semaphore_mem>>) src(%arg8 : memref<96x32xf32, #tpu.memory_space<vmem>>) dst(%dma_wait3A_274 : memref<96x32xf32, #tpu.memory_space<vmem_shared>>)
    %dma_wait3A_275 = arith.constant 0 : i32
    %dma_wait3A_276 = tpu.memref_slice %arg5[%add3A_107, %dma_wait3A_275] : memref<50048x32xf32, #tpu.memory_space<vmem_shared>> -> memref<96x32xf32, #tpu.memory_space<vmem_shared>>
    %dma_wait3A_277 = arith.constant 0 : i32
    %dma_wait3A_278 = tpu.memref_slice %arg5[%add3A_107, %dma_wait3A_277] : memref<50048x32xf32, #tpu.memory_space<vmem_shared>> -> memref<96x32xf32, #tpu.memory_space<vmem_shared>>
    tpu.wait_dma2 semaphore(%arg9 : memref<!tpu.dma_semaphore, #tpu.memory_space<semaphore_mem>>) src(%arg8 : memref<96x32xf32, #tpu.memory_space<vmem>>) dst(%dma_wait3A_278 : memref<96x32xf32, #tpu.memory_space<vmem_shared>>)
    %dma_wait3A_279 = arith.constant 0 : i32
    %dma_wait3A_280 = tpu.memref_slice %arg5[%add3A_113, %dma_wait3A_279] : memref<50048x32xf32, #tpu.memory_space<vmem_shared>> -> memref<96x32xf32, #tpu.memory_space<vmem_shared>>
    %dma_wait3A_281 = arith.constant 0 : i32
    %dma_wait3A_282 = tpu.memref_slice %arg5[%add3A_113, %dma_wait3A_281] : memref<50048x32xf32, #tpu.memory_space<vmem_shared>> -> memref<96x32xf32, #tpu.memory_space<vmem_shared>>
    tpu.wait_dma2 semaphore(%arg9 : memref<!tpu.dma_semaphore, #tpu.memory_space<semaphore_mem>>) src(%arg8 : memref<96x32xf32, #tpu.memory_space<vmem>>) dst(%dma_wait3A_282 : memref<96x32xf32, #tpu.memory_space<vmem_shared>>)
    %dma_wait3A_283 = arith.constant 0 : i32
    %dma_wait3A_284 = tpu.memref_slice %arg5[%add3A_119, %dma_wait3A_283] : memref<50048x32xf32, #tpu.memory_space<vmem_shared>> -> memref<96x32xf32, #tpu.memory_space<vmem_shared>>
    %dma_wait3A_285 = arith.constant 0 : i32
    %dma_wait3A_286 = tpu.memref_slice %arg5[%add3A_119, %dma_wait3A_285] : memref<50048x32xf32, #tpu.memory_space<vmem_shared>> -> memref<96x32xf32, #tpu.memory_space<vmem_shared>>
    tpu.wait_dma2 semaphore(%arg9 : memref<!tpu.dma_semaphore, #tpu.memory_space<semaphore_mem>>) src(%arg8 : memref<96x32xf32, #tpu.memory_space<vmem>>) dst(%dma_wait3A_286 : memref<96x32xf32, #tpu.memory_space<vmem_shared>>)
    %dma_wait3A_287 = arith.constant 0 : i32
    %dma_wait3A_288 = tpu.memref_slice %arg5[%add3A_125, %dma_wait3A_287] : memref<50048x32xf32, #tpu.memory_space<vmem_shared>> -> memref<96x32xf32, #tpu.memory_space<vmem_shared>>
    %dma_wait3A_289 = arith.constant 0 : i32
    %dma_wait3A_290 = tpu.memref_slice %arg5[%add3A_125, %dma_wait3A_289] : memref<50048x32xf32, #tpu.memory_space<vmem_shared>> -> memref<96x32xf32, #tpu.memory_space<vmem_shared>>
    tpu.wait_dma2 semaphore(%arg9 : memref<!tpu.dma_semaphore, #tpu.memory_space<semaphore_mem>>) src(%arg8 : memref<96x32xf32, #tpu.memory_space<vmem>>) dst(%dma_wait3A_290 : memref<96x32xf32, #tpu.memory_space<vmem_shared>>)
    %dma_wait3A_291 = arith.constant 0 : i32
    %dma_wait3A_292 = tpu.memref_slice %arg5[%add3A_131, %dma_wait3A_291] : memref<50048x32xf32, #tpu.memory_space<vmem_shared>> -> memref<96x32xf32, #tpu.memory_space<vmem_shared>>
    %dma_wait3A_293 = arith.constant 0 : i32
    %dma_wait3A_294 = tpu.memref_slice %arg5[%add3A_131, %dma_wait3A_293] : memref<50048x32xf32, #tpu.memory_space<vmem_shared>> -> memref<96x32xf32, #tpu.memory_space<vmem_shared>>
    tpu.wait_dma2 semaphore(%arg9 : memref<!tpu.dma_semaphore, #tpu.memory_space<semaphore_mem>>) src(%arg8 : memref<96x32xf32, #tpu.memory_space<vmem>>) dst(%dma_wait3A_294 : memref<96x32xf32, #tpu.memory_space<vmem_shared>>)
    %dma_wait3A_295 = arith.constant 0 : i32
    %dma_wait3A_296 = tpu.memref_slice %arg5[%add3A_137, %dma_wait3A_295] : memref<50048x32xf32, #tpu.memory_space<vmem_shared>> -> memref<96x32xf32, #tpu.memory_space<vmem_shared>>
    %dma_wait3A_297 = arith.constant 0 : i32
    %dma_wait3A_298 = tpu.memref_slice %arg5[%add3A_137, %dma_wait3A_297] : memref<50048x32xf32, #tpu.memory_space<vmem_shared>> -> memref<96x32xf32, #tpu.memory_space<vmem_shared>>
    tpu.wait_dma2 semaphore(%arg9 : memref<!tpu.dma_semaphore, #tpu.memory_space<semaphore_mem>>) src(%arg8 : memref<96x32xf32, #tpu.memory_space<vmem>>) dst(%dma_wait3A_298 : memref<96x32xf32, #tpu.memory_space<vmem_shared>>)
    %dma_wait3A_299 = arith.constant 0 : i32
    %dma_wait3A_300 = tpu.memref_slice %arg5[%add3A_143, %dma_wait3A_299] : memref<50048x32xf32, #tpu.memory_space<vmem_shared>> -> memref<96x32xf32, #tpu.memory_space<vmem_shared>>
    %dma_wait3A_301 = arith.constant 0 : i32
    %dma_wait3A_302 = tpu.memref_slice %arg5[%add3A_143, %dma_wait3A_301] : memref<50048x32xf32, #tpu.memory_space<vmem_shared>> -> memref<96x32xf32, #tpu.memory_space<vmem_shared>>
    tpu.wait_dma2 semaphore(%arg9 : memref<!tpu.dma_semaphore, #tpu.memory_space<semaphore_mem>>) src(%arg8 : memref<96x32xf32, #tpu.memory_space<vmem>>) dst(%dma_wait3A_302 : memref<96x32xf32, #tpu.memory_space<vmem_shared>>)
    %dma_wait3A_303 = arith.constant 0 : i32
    %dma_wait3A_304 = tpu.memref_slice %arg5[%add3A_149, %dma_wait3A_303] : memref<50048x32xf32, #tpu.memory_space<vmem_shared>> -> memref<96x32xf32, #tpu.memory_space<vmem_shared>>
    %dma_wait3A_305 = arith.constant 0 : i32
    %dma_wait3A_306 = tpu.memref_slice %arg5[%add3A_149, %dma_wait3A_305] : memref<50048x32xf32, #tpu.memory_space<vmem_shared>> -> memref<96x32xf32, #tpu.memory_space<vmem_shared>>
    tpu.wait_dma2 semaphore(%arg9 : memref<!tpu.dma_semaphore, #tpu.memory_space<semaphore_mem>>) src(%arg8 : memref<96x32xf32, #tpu.memory_space<vmem>>) dst(%dma_wait3A_306 : memref<96x32xf32, #tpu.memory_space<vmem_shared>>)
    %dma_wait3A_307 = arith.constant 0 : i32
    %dma_wait3A_308 = tpu.memref_slice %arg5[%add3A_155, %dma_wait3A_307] : memref<50048x32xf32, #tpu.memory_space<vmem_shared>> -> memref<96x32xf32, #tpu.memory_space<vmem_shared>>
    %dma_wait3A_309 = arith.constant 0 : i32
    %dma_wait3A_310 = tpu.memref_slice %arg5[%add3A_155, %dma_wait3A_309] : memref<50048x32xf32, #tpu.memory_space<vmem_shared>> -> memref<96x32xf32, #tpu.memory_space<vmem_shared>>
    tpu.wait_dma2 semaphore(%arg9 : memref<!tpu.dma_semaphore, #tpu.memory_space<semaphore_mem>>) src(%arg8 : memref<96x32xf32, #tpu.memory_space<vmem>>) dst(%dma_wait3A_310 : memref<96x32xf32, #tpu.memory_space<vmem_shared>>)
    %dma_wait3A_311 = arith.constant 0 : i32
    %dma_wait3A_312 = tpu.memref_slice %arg5[%add3A_161, %dma_wait3A_311] : memref<50048x32xf32, #tpu.memory_space<vmem_shared>> -> memref<96x32xf32, #tpu.memory_space<vmem_shared>>
    %dma_wait3A_313 = arith.constant 0 : i32
    %dma_wait3A_314 = tpu.memref_slice %arg5[%add3A_161, %dma_wait3A_313] : memref<50048x32xf32, #tpu.memory_space<vmem_shared>> -> memref<96x32xf32, #tpu.memory_space<vmem_shared>>
    tpu.wait_dma2 semaphore(%arg9 : memref<!tpu.dma_semaphore, #tpu.memory_space<semaphore_mem>>) src(%arg8 : memref<96x32xf32, #tpu.memory_space<vmem>>) dst(%dma_wait3A_314 : memref<96x32xf32, #tpu.memory_space<vmem_shared>>)
    %dma_wait3A_315 = arith.constant 0 : i32
    %dma_wait3A_316 = tpu.memref_slice %arg5[%add3A_167, %dma_wait3A_315] : memref<50048x32xf32, #tpu.memory_space<vmem_shared>> -> memref<96x32xf32, #tpu.memory_space<vmem_shared>>
    %dma_wait3A_317 = arith.constant 0 : i32
    %dma_wait3A_318 = tpu.memref_slice %arg5[%add3A_167, %dma_wait3A_317] : memref<50048x32xf32, #tpu.memory_space<vmem_shared>> -> memref<96x32xf32, #tpu.memory_space<vmem_shared>>
    tpu.wait_dma2 semaphore(%arg9 : memref<!tpu.dma_semaphore, #tpu.memory_space<semaphore_mem>>) src(%arg8 : memref<96x32xf32, #tpu.memory_space<vmem>>) dst(%dma_wait3A_318 : memref<96x32xf32, #tpu.memory_space<vmem_shared>>)
    %dma_wait3A_319 = arith.constant 0 : i32
    %dma_wait3A_320 = tpu.memref_slice %arg5[%add3A_173, %dma_wait3A_319] : memref<50048x32xf32, #tpu.memory_space<vmem_shared>> -> memref<96x32xf32, #tpu.memory_space<vmem_shared>>
    %dma_wait3A_321 = arith.constant 0 : i32
    %dma_wait3A_322 = tpu.memref_slice %arg5[%add3A_173, %dma_wait3A_321] : memref<50048x32xf32, #tpu.memory_space<vmem_shared>> -> memref<96x32xf32, #tpu.memory_space<vmem_shared>>
    tpu.wait_dma2 semaphore(%arg9 : memref<!tpu.dma_semaphore, #tpu.memory_space<semaphore_mem>>) src(%arg8 : memref<96x32xf32, #tpu.memory_space<vmem>>) dst(%dma_wait3A_322 : memref<96x32xf32, #tpu.memory_space<vmem_shared>>)
    %dma_wait3A_323 = arith.constant 0 : i32
    %dma_wait3A_324 = tpu.memref_slice %arg5[%add3A_179, %dma_wait3A_323] : memref<50048x32xf32, #tpu.memory_space<vmem_shared>> -> memref<96x32xf32, #tpu.memory_space<vmem_shared>>
    %dma_wait3A_325 = arith.constant 0 : i32
    %dma_wait3A_326 = tpu.memref_slice %arg5[%add3A_179, %dma_wait3A_325] : memref<50048x32xf32, #tpu.memory_space<vmem_shared>> -> memref<96x32xf32, #tpu.memory_space<vmem_shared>>
    tpu.wait_dma2 semaphore(%arg9 : memref<!tpu.dma_semaphore, #tpu.memory_space<semaphore_mem>>) src(%arg8 : memref<96x32xf32, #tpu.memory_space<vmem>>) dst(%dma_wait3A_326 : memref<96x32xf32, #tpu.memory_space<vmem_shared>>)
    %dma_wait3A_327 = arith.constant 0 : i32
    %dma_wait3A_328 = tpu.memref_slice %arg5[%add3A_185, %dma_wait3A_327] : memref<50048x32xf32, #tpu.memory_space<vmem_shared>> -> memref<96x32xf32, #tpu.memory_space<vmem_shared>>
    %dma_wait3A_329 = arith.constant 0 : i32
    %dma_wait3A_330 = tpu.memref_slice %arg5[%add3A_185, %dma_wait3A_329] : memref<50048x32xf32, #tpu.memory_space<vmem_shared>> -> memref<96x32xf32, #tpu.memory_space<vmem_shared>>
    tpu.wait_dma2 semaphore(%arg9 : memref<!tpu.dma_semaphore, #tpu.memory_space<semaphore_mem>>) src(%arg8 : memref<96x32xf32, #tpu.memory_space<vmem>>) dst(%dma_wait3A_330 : memref<96x32xf32, #tpu.memory_space<vmem_shared>>)
    %dma_wait3A_331 = arith.constant 0 : i32
    %dma_wait3A_332 = tpu.memref_slice %arg5[%add3A_191, %dma_wait3A_331] : memref<50048x32xf32, #tpu.memory_space<vmem_shared>> -> memref<96x32xf32, #tpu.memory_space<vmem_shared>>
    %dma_wait3A_333 = arith.constant 0 : i32
    %dma_wait3A_334 = tpu.memref_slice %arg5[%add3A_191, %dma_wait3A_333] : memref<50048x32xf32, #tpu.memory_space<vmem_shared>> -> memref<96x32xf32, #tpu.memory_space<vmem_shared>>
    tpu.wait_dma2 semaphore(%arg9 : memref<!tpu.dma_semaphore, #tpu.memory_space<semaphore_mem>>) src(%arg8 : memref<96x32xf32, #tpu.memory_space<vmem>>) dst(%dma_wait3A_334 : memref<96x32xf32, #tpu.memory_space<vmem_shared>>)
    %dma_wait3A_335 = arith.constant 0 : i32
    %dma_wait3A_336 = arith.constant 0 : i32
    %dma_wait3A_337 = tpu.memref_slice %arg8[%dma_wait3A_335, %dma_wait3A_336] : memref<96x32xf32, #tpu.memory_space<vmem>> -> memref<56x32xf32, #tpu.memory_space<vmem>>
    %dma_wait3A_338 = arith.constant 0 : i32
    %dma_wait3A_339 = tpu.memref_slice %arg5[%add3A_197, %dma_wait3A_338] : memref<50048x32xf32, #tpu.memory_space<vmem_shared>> -> memref<56x32xf32, #tpu.memory_space<vmem_shared>>
    %dma_wait3A_340 = arith.constant 0 : i32
    %dma_wait3A_341 = tpu.memref_slice %arg5[%add3A_197, %dma_wait3A_340] : memref<50048x32xf32, #tpu.memory_space<vmem_shared>> -> memref<56x32xf32, #tpu.memory_space<vmem_shared>>
    %dma_wait3A_342 = arith.constant 0 : i32
    %dma_wait3A_343 = arith.constant 0 : i32
    %dma_wait3A_344 = tpu.memref_slice %arg8[%dma_wait3A_342, %dma_wait3A_343] : memref<96x32xf32, #tpu.memory_space<vmem>> -> memref<56x32xf32, #tpu.memory_space<vmem>>
    tpu.wait_dma2 semaphore(%arg9 : memref<!tpu.dma_semaphore, #tpu.memory_space<semaphore_mem>>) src(%dma_wait3A_344 : memref<56x32xf32, #tpu.memory_space<vmem>>) dst(%dma_wait3A_341 : memref<56x32xf32, #tpu.memory_space<vmem_shared>>)
    %barrier3A = arith.constant 0 : index
    tpu.barrier barrier_id(%barrier3A)
    %mul3A_345 = arith.constant 392 : i32
    %mul3A_346 = arith.muli %arg1, %mul3A_345 : i32
    %run_scoped3A = arith.constant 0 : i32
    %run_scoped3A_347 = arith.constant 0 : i32
    "tpu.region"() ({
      %run_scoped3A_791 = tpu.sem_alloc : memref<!tpu.dma_semaphore, #tpu.memory_space<semaphore_mem>>
      %dma_start3A_792 = arith.constant 0 : i32
      %dma_start3A_793 = arith.constant 0 : i32
      %dma_start3A_794 = arith.constant 0 : i32
      %dma_start3A_795 = tpu.memref_slice %arg6[%run_scoped3A_347, %dma_start3A_792, %dma_start3A_793, %dma_start3A_794] : memref<2x14x3x128xi32, #tpu.memory_space<vmem>> -> memref<1x14x3x128xi32, #tpu.memory_space<vmem>>
      %dma_start3A_796 = tpu.memref_squeeze %dma_start3A_795 : memref<1x14x3x128xi32, #tpu.memory_space<vmem>> -> memref<14x3x128xi32, #tpu.memory_space<vmem>>
      %dma_start3A_797 = arith.constant 0 : i32
      %dma_start3A_798 = arith.constant 0 : i32
      %dma_start3A_799 = tpu.memref_slice %arg3[%run_scoped3A, %arg0, %mul3A_346, %dma_start3A_797, %dma_start3A_798] : memref<2x2x6272x3x128xi32, #tpu.memory_space<hbm>> -> memref<1x1x14x3x128xi32, #tpu.memory_space<hbm>>
      %dma_start3A_800 = tpu.memref_squeeze %dma_start3A_799 : memref<1x1x14x3x128xi32, #tpu.memory_space<hbm>> -> memref<14x3x128xi32, #tpu.memory_space<hbm>>
      %dma_start3A_801 = arith.constant 0 : i32
      %dma_start3A_802 = arith.constant 0 : i32
      %dma_start3A_803 = arith.constant 0 : i32
      %dma_start3A_804 = tpu.memref_slice %arg6[%run_scoped3A_347, %dma_start3A_801, %dma_start3A_802, %dma_start3A_803] : memref<2x14x3x128xi32, #tpu.memory_space<vmem>> -> memref<1x14x3x128xi32, #tpu.memory_space<vmem>>
      %dma_start3A_805 = tpu.memref_squeeze %dma_start3A_804 : memref<1x14x3x128xi32, #tpu.memory_space<vmem>> -> memref<14x3x128xi32, #tpu.memory_space<vmem>>
      %dma_start3A_806 = arith.constant 0 : i32
      %dma_start3A_807 = arith.constant 0 : i32
      %dma_start3A_808 = tpu.memref_slice %arg3[%run_scoped3A, %arg0, %mul3A_346, %dma_start3A_806, %dma_start3A_807] : memref<2x2x6272x3x128xi32, #tpu.memory_space<hbm>> -> memref<1x1x14x3x128xi32, #tpu.memory_space<hbm>>
      %dma_start3A_809 = tpu.memref_squeeze %dma_start3A_808 : memref<1x1x14x3x128xi32, #tpu.memory_space<hbm>> -> memref<14x3x128xi32, #tpu.memory_space<hbm>>
      tpu.enqueue_dma source(%dma_start3A_809 : memref<14x3x128xi32, #tpu.memory_space<hbm>>) target(%dma_start3A_805 : memref<14x3x128xi32, #tpu.memory_space<vmem>>) target_semaphore(%run_scoped3A_791 : memref<!tpu.dma_semaphore, #tpu.memory_space<semaphore_mem>>)
      %dma_wait3A_810 = arith.constant 0 : i32
      %dma_wait3A_811 = arith.constant 0 : i32
      %dma_wait3A_812 = arith.constant 0 : i32
      %dma_wait3A_813 = tpu.memref_slice %arg6[%run_scoped3A_347, %dma_wait3A_810, %dma_wait3A_811, %dma_wait3A_812] : memref<2x14x3x128xi32, #tpu.memory_space<vmem>> -> memref<1x14x3x128xi32, #tpu.memory_space<vmem>>
      %dma_wait3A_814 = tpu.memref_squeeze %dma_wait3A_813 : memref<1x14x3x128xi32, #tpu.memory_space<vmem>> -> memref<14x3x128xi32, #tpu.memory_space<vmem>>
      %dma_wait3A_815 = arith.constant 0 : i32
      %dma_wait3A_816 = arith.constant 0 : i32
      %dma_wait3A_817 = tpu.memref_slice %arg3[%run_scoped3A, %arg0, %mul3A_346, %dma_wait3A_815, %dma_wait3A_816] : memref<2x2x6272x3x128xi32, #tpu.memory_space<hbm>> -> memref<1x1x14x3x128xi32, #tpu.memory_space<hbm>>
      %dma_wait3A_818 = tpu.memref_squeeze %dma_wait3A_817 : memref<1x1x14x3x128xi32, #tpu.memory_space<hbm>> -> memref<14x3x128xi32, #tpu.memory_space<hbm>>
      %dma_wait3A_819 = arith.constant 0 : i32
      %dma_wait3A_820 = arith.constant 0 : i32
      %dma_wait3A_821 = arith.constant 0 : i32
      %dma_wait3A_822 = tpu.memref_slice %arg6[%run_scoped3A_347, %dma_wait3A_819, %dma_wait3A_820, %dma_wait3A_821] : memref<2x14x3x128xi32, #tpu.memory_space<vmem>> -> memref<1x14x3x128xi32, #tpu.memory_space<vmem>>
      %dma_wait3A_823 = tpu.memref_squeeze %dma_wait3A_822 : memref<1x14x3x128xi32, #tpu.memory_space<vmem>> -> memref<14x3x128xi32, #tpu.memory_space<vmem>>
      %dma_wait3A_824 = arith.constant 0 : i32
      %dma_wait3A_825 = arith.constant 0 : i32
      %dma_wait3A_826 = tpu.memref_slice %arg3[%run_scoped3A, %arg0, %mul3A_346, %dma_wait3A_824, %dma_wait3A_825] : memref<2x2x6272x3x128xi32, #tpu.memory_space<hbm>> -> memref<1x1x14x3x128xi32, #tpu.memory_space<hbm>>
      %dma_wait3A_827 = tpu.memref_squeeze %dma_wait3A_826 : memref<1x1x14x3x128xi32, #tpu.memory_space<hbm>> -> memref<14x3x128xi32, #tpu.memory_space<hbm>>
      tpu.wait_dma2 semaphore(%run_scoped3A_791 : memref<!tpu.dma_semaphore, #tpu.memory_space<semaphore_mem>>) src(%dma_wait3A_827 : memref<14x3x128xi32, #tpu.memory_space<hbm>>) dst(%dma_wait3A_823 : memref<14x3x128xi32, #tpu.memory_space<vmem>>)
      tpu.yield
    }) : () -> ()
    %scan3A_348 = arith.constant 0 : i32
    %scan3A_349 = arith.constant 28 : i32
    %scan3A_350 = arith.addi %scan3A_348, %scan3A_349 : i32
    %scan3A_351 = arith.constant 1 : i32
    scf.for %scan3A_791 = %scan3A_348 to %scan3A_350 step %scan3A_351  : i32 {
      %mul3A_792 = arith.constant 1 : i32
      %mul3A_793 = arith.muli %scan3A_791, %mul3A_792 : i32
      %add3A_794 = arith.constant 0 : i32
      %add3A_795 = arith.addi %add3A_794, %mul3A_793 : i32
      %and3A = arith.constant 1 : i32
      %and3A_796 = arith.andi %add3A_795, %and3A : i32
      %mul3A_797 = arith.constant 14 : i32
      %mul3A_798 = arith.muli %add3A_795, %mul3A_797 : i32
      %add3A_799 = arith.addi %mul3A_346, %mul3A_798 : i32
      %add3A_800 = arith.constant 1 : i32
      %add3A_801 = arith.addi %add3A_795, %add3A_800 : i32
      %min3A = arith.constant 27 : i32
      %min3A_802 = arith.minsi %add3A_801, %min3A : i32
      %mul3A_803 = arith.constant 14 : i32
      %mul3A_804 = arith.muli %min3A_802, %mul3A_803 : i32
      %add3A_805 = arith.addi %mul3A_346, %mul3A_804 : i32
      %sub3A = arith.constant 1 : i32
      %sub3A_806 = arith.subi %sub3A, %and3A_796 : i32
      %dma_start3A_807 = arith.constant 0 : i32
      %dma_start3A_808 = arith.constant 0 : i32
      %dma_start3A_809 = arith.constant 0 : i32
      %dma_start3A_810 = arith.constant 0 : i32
      %dma_start3A_811 = tpu.memref_slice %arg6[%sub3A_806, %dma_start3A_808, %dma_start3A_809, %dma_start3A_810] : memref<2x14x3x128xi32, #tpu.memory_space<vmem>> -> memref<1x14x3x128xi32, #tpu.memory_space<vmem>>
      %dma_start3A_812 = tpu.memref_squeeze %dma_start3A_811 : memref<1x14x3x128xi32, #tpu.memory_space<vmem>> -> memref<14x3x128xi32, #tpu.memory_space<vmem>>
      %dma_start3A_813 = arith.constant 0 : i32
      %dma_start3A_814 = arith.constant 0 : i32
      %dma_start3A_815 = tpu.memref_slice %arg3[%dma_start3A_807, %arg0, %add3A_805, %dma_start3A_813, %dma_start3A_814] : memref<2x2x6272x3x128xi32, #tpu.memory_space<hbm>> -> memref<1x1x14x3x128xi32, #tpu.memory_space<hbm>>
      %dma_start3A_816 = tpu.memref_squeeze %dma_start3A_815 : memref<1x1x14x3x128xi32, #tpu.memory_space<hbm>> -> memref<14x3x128xi32, #tpu.memory_space<hbm>>
      %dma_start3A_817 = arith.constant 0 : i32
      %dma_start3A_818 = arith.constant 0 : i32
      %dma_start3A_819 = arith.constant 0 : i32
      %dma_start3A_820 = tpu.memref_slice %arg6[%sub3A_806, %dma_start3A_817, %dma_start3A_818, %dma_start3A_819] : memref<2x14x3x128xi32, #tpu.memory_space<vmem>> -> memref<1x14x3x128xi32, #tpu.memory_space<vmem>>
      %dma_start3A_821 = tpu.memref_squeeze %dma_start3A_820 : memref<1x14x3x128xi32, #tpu.memory_space<vmem>> -> memref<14x3x128xi32, #tpu.memory_space<vmem>>
      %dma_start3A_822 = arith.constant 0 : i32
      %dma_start3A_823 = arith.constant 0 : i32
      %dma_start3A_824 = tpu.memref_slice %arg3[%dma_start3A_807, %arg0, %add3A_805, %dma_start3A_822, %dma_start3A_823] : memref<2x2x6272x3x128xi32, #tpu.memory_space<hbm>> -> memref<1x1x14x3x128xi32, #tpu.memory_space<hbm>>
      %dma_start3A_825 = tpu.memref_squeeze %dma_start3A_824 : memref<1x1x14x3x128xi32, #tpu.memory_space<hbm>> -> memref<14x3x128xi32, #tpu.memory_space<hbm>>
      tpu.enqueue_dma source(%dma_start3A_825 : memref<14x3x128xi32, #tpu.memory_space<hbm>>) target(%dma_start3A_821 : memref<14x3x128xi32, #tpu.memory_space<vmem>>) target_semaphore(%arg11 : memref<!tpu.dma_semaphore, #tpu.memory_space<semaphore_mem>>)
      %mul3A_826 = arith.constant 14 : i32
      %mul3A_827 = arith.muli %add3A_795, %mul3A_826 : i32
      %and3A_828 = arith.constant 3 : i32
      %and3A_829 = arith.andi %mul3A_827, %and3A_828 : i32
      %dma_start3A_830 = arith.constant 0 : i32
      %dma_start3A_831 = arith.constant 0 : i32
      %dma_start3A_832 = arith.constant 0 : i32
      %dma_start3A_833 = arith.constant 0 : i32
      %dma_start3A_834 = tpu.memref_slice %arg7[%and3A_829, %dma_start3A_832, %dma_start3A_833] : memref<4x128x32xf32, #tpu.memory_space<vmem>> -> memref<1x128x32xf32, #tpu.memory_space<vmem>>
      %dma_start3A_835 = tpu.memref_squeeze %dma_start3A_834 : memref<1x128x32xf32, #tpu.memory_space<vmem>> -> memref<128x32xf32, #tpu.memory_space<vmem>>
      %dma_start3A_836 = arith.constant 0 : i32
      %dma_start3A_837 = tpu.memref_slice %arg6[%and3A_796, %dma_start3A_830, %dma_start3A_831, %dma_start3A_836] : memref<2x14x3x128xi32, #tpu.memory_space<vmem>> -> memref<1x1x1x128xi32, #tpu.memory_space<vmem>>
      %dma_start3A_838 = tpu.memref_squeeze %dma_start3A_837 : memref<1x1x1x128xi32, #tpu.memory_space<vmem>> -> memref<128xi32, #tpu.memory_space<vmem>>
      %dma_start3A_839 = arith.constant 0 : i32
      %dma_start3A_840 = arith.constant 0 : i32
      %dma_start3A_841 = tpu.memref_slice %arg2[%dma_start3A_839, %dma_start3A_840] : memref<100000x32xf32, #tpu.memory_space<hbm>> -> memref<100000x32xf32, #tpu.memory_space<hbm>>
      tpu.enqueue_indirect_dma source(%dma_start3A_841 : memref<100000x32xf32, #tpu.memory_space<hbm>>) target(%dma_start3A_835 : memref<128x32xf32, #tpu.memory_space<vmem>>) offsets(%dma_start3A_838 : memref<128xi32, #tpu.memory_space<vmem>>) semaphore(%arg9 : memref<!tpu.dma_semaphore, #tpu.memory_space<semaphore_mem>>)
      %mul3A_842 = arith.constant 14 : i32
      %mul3A_843 = arith.muli %add3A_795, %mul3A_842 : i32
      %add3A_844 = arith.constant 1 : i32
      %add3A_845 = arith.addi %mul3A_843, %add3A_844 : i32
      %and3A_846 = arith.constant 3 : i32
      %and3A_847 = arith.andi %add3A_845, %and3A_846 : i32
      %dma_start3A_848 = arith.constant 1 : i32
      %dma_start3A_849 = arith.constant 0 : i32
      %dma_start3A_850 = arith.constant 0 : i32
      %dma_start3A_851 = arith.constant 0 : i32
      %dma_start3A_852 = tpu.memref_slice %arg7[%and3A_847, %dma_start3A_850, %dma_start3A_851] : memref<4x128x32xf32, #tpu.memory_space<vmem>> -> memref<1x128x32xf32, #tpu.memory_space<vmem>>
      %dma_start3A_853 = tpu.memref_squeeze %dma_start3A_852 : memref<1x128x32xf32, #tpu.memory_space<vmem>> -> memref<128x32xf32, #tpu.memory_space<vmem>>
      %dma_start3A_854 = arith.constant 0 : i32
      %dma_start3A_855 = tpu.memref_slice %arg6[%and3A_796, %dma_start3A_848, %dma_start3A_849, %dma_start3A_854] : memref<2x14x3x128xi32, #tpu.memory_space<vmem>> -> memref<1x1x1x128xi32, #tpu.memory_space<vmem>>
      %dma_start3A_856 = tpu.memref_squeeze %dma_start3A_855 : memref<1x1x1x128xi32, #tpu.memory_space<vmem>> -> memref<128xi32, #tpu.memory_space<vmem>>
      %dma_start3A_857 = arith.constant 0 : i32
      %dma_start3A_858 = arith.constant 0 : i32
      %dma_start3A_859 = tpu.memref_slice %arg2[%dma_start3A_857, %dma_start3A_858] : memref<100000x32xf32, #tpu.memory_space<hbm>> -> memref<100000x32xf32, #tpu.memory_space<hbm>>
      tpu.enqueue_indirect_dma source(%dma_start3A_859 : memref<100000x32xf32, #tpu.memory_space<hbm>>) target(%dma_start3A_853 : memref<128x32xf32, #tpu.memory_space<vmem>>) offsets(%dma_start3A_856 : memref<128xi32, #tpu.memory_space<vmem>>) semaphore(%arg9 : memref<!tpu.dma_semaphore, #tpu.memory_space<semaphore_mem>>)
      %scan3A_860 = arith.constant 0 : i32
      %scan3A_861 = arith.constant 14 : i32
      %scan3A_862 = arith.addi %scan3A_860, %scan3A_861 : i32
      %scan3A_863 = arith.constant 1 : i32
      scf.for %scan3A_884 = %scan3A_860 to %scan3A_862 step %scan3A_863  : i32 {
        %mul3A_885 = arith.constant 1 : i32
        %mul3A_886 = arith.muli %scan3A_884, %mul3A_885 : i32
        %add3A_887 = arith.constant 0 : i32
        %add3A_888 = arith.addi %add3A_887, %mul3A_886 : i32
        %mul3A_889 = arith.constant 14 : i32
        %mul3A_890 = arith.muli %add3A_795, %mul3A_889 : i32
        %add3A_891 = arith.addi %mul3A_890, %add3A_888 : i32
        %and3A_892 = arith.constant 3 : i32
        %and3A_893 = arith.andi %add3A_891, %and3A_892 : i32
        %ge3A = arith.constant 2 : i32
        %ge3A_894 = arith.cmpi sge, %add3A_891, %ge3A : i32
        %convert_element_type3A_895 = arith.extui %ge3A_894 : i1 to i32
        %cond3A_896 = arith.constant 0 : i32
        %cond3A_897 = arith.cmpi ne, %convert_element_type3A_895, %cond3A_896 : i32
        scf.if %cond3A_897 {
          %dma_wait3A_936 = arith.constant 0 : i32
          %dma_wait3A_937 = arith.constant 0 : i32
          %dma_wait3A_938 = arith.constant 0 : i32
          %dma_wait3A_939 = tpu.memref_slice %arg7[%dma_wait3A_936, %dma_wait3A_937, %dma_wait3A_938] : memref<4x128x32xf32, #tpu.memory_space<vmem>> -> memref<1x128x32xf32, #tpu.memory_space<vmem>>
          %dma_wait3A_940 = tpu.memref_squeeze %dma_wait3A_939 : memref<1x128x32xf32, #tpu.memory_space<vmem>> -> memref<128x32xf32, #tpu.memory_space<vmem>>
          %dma_wait3A_941 = arith.constant 0 : i32
          %dma_wait3A_942 = arith.constant 0 : i32
          %dma_wait3A_943 = tpu.memref_slice %arg2[%dma_wait3A_941, %dma_wait3A_942] : memref<100000x32xf32, #tpu.memory_space<hbm>> -> memref<128x32xf32, #tpu.memory_space<hbm>>
          %dma_wait3A_944 = arith.constant 0 : i32
          %dma_wait3A_945 = arith.constant 0 : i32
          %dma_wait3A_946 = tpu.memref_slice %arg7[%dma_wait3A_936, %dma_wait3A_944, %dma_wait3A_945] : memref<4x128x32xf32, #tpu.memory_space<vmem>> -> memref<1x128x32xf32, #tpu.memory_space<vmem>>
          %dma_wait3A_947 = tpu.memref_squeeze %dma_wait3A_946 : memref<1x128x32xf32, #tpu.memory_space<vmem>> -> memref<128x32xf32, #tpu.memory_space<vmem>>
          %dma_wait3A_948 = arith.constant 0 : i32
          %dma_wait3A_949 = arith.constant 0 : i32
          %dma_wait3A_950 = tpu.memref_slice %arg2[%dma_wait3A_948, %dma_wait3A_949] : memref<100000x32xf32, #tpu.memory_space<hbm>> -> memref<128x32xf32, #tpu.memory_space<hbm>>
          tpu.wait_dma2 semaphore(%arg10 : memref<!tpu.dma_semaphore, #tpu.memory_space<semaphore_mem>>) src(%dma_wait3A_950 : memref<128x32xf32, #tpu.memory_space<hbm>>) dst(%dma_wait3A_947 : memref<128x32xf32, #tpu.memory_space<vmem>>)
        } else {
        }
        %add3A_898 = arith.constant 2 : i32
        %add3A_899 = arith.addi %add3A_888, %add3A_898 : i32
        %lt3A_900 = arith.constant 14 : i32
        %lt3A_901 = arith.cmpi slt, %add3A_899, %lt3A_900 : i32
        %convert_element_type3A_902 = arith.extui %lt3A_901 : i1 to i32
        %cond3A_903 = arith.constant 0 : i32
        %cond3A_904 = arith.cmpi ne, %convert_element_type3A_902, %cond3A_903 : i32
        scf.if %cond3A_904 {
          %add3A_936 = arith.constant 2 : i32
          %add3A_937 = arith.addi %add3A_888, %add3A_936 : i32
          %add3A_938 = arith.constant 2 : i32
          %add3A_939 = arith.addi %add3A_891, %add3A_938 : i32
          %and3A_940 = arith.constant 3 : i32
          %and3A_941 = arith.andi %add3A_939, %and3A_940 : i32
          %dma_start3A_942 = arith.constant 0 : i32
          %dma_start3A_943 = arith.constant 0 : i32
          %dma_start3A_944 = arith.constant 0 : i32
          %dma_start3A_945 = tpu.memref_slice %arg7[%and3A_941, %dma_start3A_943, %dma_start3A_944] : memref<4x128x32xf32, #tpu.memory_space<vmem>> -> memref<1x128x32xf32, #tpu.memory_space<vmem>>
          %dma_start3A_946 = tpu.memref_squeeze %dma_start3A_945 : memref<1x128x32xf32, #tpu.memory_space<vmem>> -> memref<128x32xf32, #tpu.memory_space<vmem>>
          %dma_start3A_947 = arith.constant 0 : i32
          %dma_start3A_948 = tpu.memref_slice %arg6[%and3A_796, %add3A_937, %dma_start3A_942, %dma_start3A_947] : memref<2x14x3x128xi32, #tpu.memory_space<vmem>> -> memref<1x1x1x128xi32, #tpu.memory_space<vmem>>
          %dma_start3A_949 = tpu.memref_squeeze %dma_start3A_948 : memref<1x1x1x128xi32, #tpu.memory_space<vmem>> -> memref<128xi32, #tpu.memory_space<vmem>>
          %dma_start3A_950 = arith.constant 0 : i32
          %dma_start3A_951 = arith.constant 0 : i32
          %dma_start3A_952 = tpu.memref_slice %arg2[%dma_start3A_950, %dma_start3A_951] : memref<100000x32xf32, #tpu.memory_space<hbm>> -> memref<100000x32xf32, #tpu.memory_space<hbm>>
          tpu.enqueue_indirect_dma source(%dma_start3A_952 : memref<100000x32xf32, #tpu.memory_space<hbm>>) target(%dma_start3A_946 : memref<128x32xf32, #tpu.memory_space<vmem>>) offsets(%dma_start3A_949 : memref<128xi32, #tpu.memory_space<vmem>>) semaphore(%arg9 : memref<!tpu.dma_semaphore, #tpu.memory_space<semaphore_mem>>)
        } else {
        }
        %dma_wait3A_905 = arith.constant 0 : i32
        %dma_wait3A_906 = arith.constant 0 : i32
        %dma_wait3A_907 = arith.constant 0 : i32
        %dma_wait3A_908 = tpu.memref_slice %arg7[%dma_wait3A_905, %dma_wait3A_906, %dma_wait3A_907] : memref<4x128x32xf32, #tpu.memory_space<vmem>> -> memref<1x128x32xf32, #tpu.memory_space<vmem>>
        %dma_wait3A_909 = tpu.memref_squeeze %dma_wait3A_908 : memref<1x128x32xf32, #tpu.memory_space<vmem>> -> memref<128x32xf32, #tpu.memory_space<vmem>>
        %dma_wait3A_910 = arith.constant 0 : i32
        %dma_wait3A_911 = arith.constant 0 : i32
        %dma_wait3A_912 = tpu.memref_slice %arg2[%dma_wait3A_910, %dma_wait3A_911] : memref<100000x32xf32, #tpu.memory_space<hbm>> -> memref<128x32xf32, #tpu.memory_space<hbm>>
        %dma_wait3A_913 = arith.constant 0 : i32
        %dma_wait3A_914 = arith.constant 0 : i32
        %dma_wait3A_915 = tpu.memref_slice %arg7[%dma_wait3A_905, %dma_wait3A_913, %dma_wait3A_914] : memref<4x128x32xf32, #tpu.memory_space<vmem>> -> memref<1x128x32xf32, #tpu.memory_space<vmem>>
        %dma_wait3A_916 = tpu.memref_squeeze %dma_wait3A_915 : memref<1x128x32xf32, #tpu.memory_space<vmem>> -> memref<128x32xf32, #tpu.memory_space<vmem>>
        %dma_wait3A_917 = arith.constant 0 : i32
        %dma_wait3A_918 = arith.constant 0 : i32
        %dma_wait3A_919 = tpu.memref_slice %arg2[%dma_wait3A_917, %dma_wait3A_918] : memref<100000x32xf32, #tpu.memory_space<hbm>> -> memref<128x32xf32, #tpu.memory_space<hbm>>
        tpu.wait_dma2 semaphore(%arg9 : memref<!tpu.dma_semaphore, #tpu.memory_space<semaphore_mem>>) src(%dma_wait3A_919 : memref<128x32xf32, #tpu.memory_space<hbm>>) dst(%dma_wait3A_916 : memref<128x32xf32, #tpu.memory_space<vmem>>)
        %scan3A_920 = arith.constant 0 : i32
        %scan3A_921 = arith.constant 8 : i32
        %scan3A_922 = arith.addi %scan3A_920, %scan3A_921 : i32
        %scan3A_923 = arith.constant 1 : i32
        scf.for %scan3A_936 = %scan3A_920 to %scan3A_922 step %scan3A_923  : i32 {
          %mul3A_937 = arith.constant 1 : i32
          %mul3A_938 = arith.muli %scan3A_936, %mul3A_937 : i32
          %add3A_939 = arith.constant 0 : i32
          %add3A_940 = arith.addi %add3A_939, %mul3A_938 : i32
          %mul3A_941 = arith.constant 16 : i32
          %mul3A_942 = arith.muli %add3A_940, %mul3A_941 : i32
          %get3A = arith.constant 2 : i32
          %get3A_943 = arith.index_cast %and3A_796 : i32 to index
          %get3A_944 = arith.index_cast %add3A_888 : i32 to index
          %get3A_945 = arith.index_cast %get3A : i32 to index
          %get3A_946 = arith.index_cast %mul3A_942 : i32 to index
          %get3A_947 = tpu.vector_load %arg6[%get3A_943, %get3A_944, %get3A_945, %get3A_946] {strides = array<i32>} : memref<2x14x3x128xi32, #tpu.memory_space<vmem>>, vector<1x1x1x16xi32>,
          %get3A_948 = vector.shape_cast %get3A_947 : vector<1x1x1x16xi32> to vector<16xi32>
          %bitcast_convert_type3A = tpu.bitcast %get3A_948 : vector<16xi32> -> vector<16xf32>
          %mul3A_949 = arith.constant 16 : i32
          %mul3A_950 = arith.muli %add3A_940, %mul3A_949 : i32
          %add3A_951 = arith.constant 0 : i32
          %add3A_952 = arith.addi %mul3A_950, %add3A_951 : i32
          %slice3A = vector.extract_strided_slice %bitcast_convert_type3A {offsets = [0], sizes = [1], strides = [1]} : vector<16xf32> to vector<1xf32>
          %squeeze3A = vector.extract %slice3A[0] : f32 from vector<1xf32>
          %broadcast_in_dim3A_953 = vector.broadcast %squeeze3A : f32 to vector<16xf32>
          %get3A_954 = arith.index_cast %and3A_893 : i32 to index
          %get3A_955 = arith.index_cast %add3A_952 : i32 to index
          %get3A_956 = arith.constant 0 : index
          %get3A_957 = tpu.vector_load %arg7[%get3A_954, %get3A_955, %get3A_956] {strides = array<i32>} : memref<4x128x32xf32, #tpu.memory_space<vmem>>, vector<1x1x16xf32>,
          %get3A_958 = vector.shape_cast %get3A_957 : vector<1x1x16xf32> to vector<16xf32>
          %mul3A_959 = arith.mulf %get3A_958, %broadcast_in_dim3A_953 : vector<16xf32>
          %swap3A = arith.index_cast %and3A_893 : i32 to index
          %swap3A_960 = arith.index_cast %add3A_952 : i32 to index
          %swap3A_961 = arith.constant 0 : index
          %swap3A_962 = tpu.vector_load %arg7[%swap3A, %swap3A_960, %swap3A_961] {strides = array<i32>} : memref<4x128x32xf32, #tpu.memory_space<vmem>>, vector<1x1x16xf32>,
          %swap3A_963 = vector.shape_cast %swap3A_962 : vector<1x1x16xf32> to vector<16xf32>
          %swap3A_964 = vector.shape_cast %mul3A_959 : vector<16xf32> to vector<1x1x16xf32>
          tpu.vector_store %arg7[%swap3A, %swap3A_960, %swap3A_961], %swap3A_964 {strides = array<i32>} : memref<4x128x32xf32, #tpu.memory_space<vmem>>, vector<1x1x16xf32>,
          %get3A_965 = arith.index_cast %and3A_893 : i32 to index
          %get3A_966 = arith.index_cast %add3A_952 : i32 to index
          %get3A_967 = arith.constant 16 : index
          %get3A_968 = tpu.vector_load %arg7[%get3A_965, %get3A_966, %get3A_967] {strides = array<i32>} : memref<4x128x32xf32, #tpu.memory_space<vmem>>, vector<1x1x16xf32>,
          %get3A_969 = vector.shape_cast %get3A_968 : vector<1x1x16xf32> to vector<16xf32>
          %mul3A_970 = arith.mulf %get3A_969, %broadcast_in_dim3A_953 : vector<16xf32>
          %swap3A_971 = arith.index_cast %and3A_893 : i32 to index
          %swap3A_972 = arith.index_cast %add3A_952 : i32 to index
          %swap3A_973 = arith.constant 16 : index
          %swap3A_974 = tpu.vector_load %arg7[%swap3A_971, %swap3A_972, %swap3A_973] {strides = array<i32>} : memref<4x128x32xf32, #tpu.memory_space<vmem>>, vector<1x1x16xf32>,
          %swap3A_975 = vector.shape_cast %swap3A_974 : vector<1x1x16xf32> to vector<16xf32>
          %swap3A_976 = vector.shape_cast %mul3A_970 : vector<16xf32> to vector<1x1x16xf32>
          tpu.vector_store %arg7[%swap3A_971, %swap3A_972, %swap3A_973], %swap3A_976 {strides = array<i32>} : memref<4x128x32xf32, #tpu.memory_space<vmem>>, vector<1x1x16xf32>,
          %mul3A_977 = arith.constant 16 : i32
          %mul3A_978 = arith.muli %add3A_940, %mul3A_977 : i32
          %add3A_979 = arith.constant 1 : i32
          %add3A_980 = arith.addi %mul3A_978, %add3A_979 : i32
          %slice3A_981 = vector.extract_strided_slice %bitcast_convert_type3A {offsets = [1], sizes = [1], strides = [1]} : vector<16xf32> to vector<1xf32>
          %squeeze3A_982 = vector.extract %slice3A_981[0] : f32 from vector<1xf32>
          %broadcast_in_dim3A_983 = vector.broadcast %squeeze3A_982 : f32 to vector<16xf32>
          %get3A_984 = arith.index_cast %and3A_893 : i32 to index
          %get3A_985 = arith.index_cast %add3A_980 : i32 to index
          %get3A_986 = arith.constant 0 : index
          %get3A_987 = tpu.vector_load %arg7[%get3A_984, %get3A_985, %get3A_986] {strides = array<i32>} : memref<4x128x32xf32, #tpu.memory_space<vmem>>, vector<1x1x16xf32>,
          %get3A_988 = vector.shape_cast %get3A_987 : vector<1x1x16xf32> to vector<16xf32>
          %mul3A_989 = arith.mulf %get3A_988, %broadcast_in_dim3A_983 : vector<16xf32>
          %swap3A_990 = arith.index_cast %and3A_893 : i32 to index
          %swap3A_991 = arith.index_cast %add3A_980 : i32 to index
          %swap3A_992 = arith.constant 0 : index
          %swap3A_993 = tpu.vector_load %arg7[%swap3A_990, %swap3A_991, %swap3A_992] {strides = array<i32>} : memref<4x128x32xf32, #tpu.memory_space<vmem>>, vector<1x1x16xf32>,
          %swap3A_994 = vector.shape_cast %swap3A_993 : vector<1x1x16xf32> to vector<16xf32>
          %swap3A_995 = vector.shape_cast %mul3A_989 : vector<16xf32> to vector<1x1x16xf32>
          tpu.vector_store %arg7[%swap3A_990, %swap3A_991, %swap3A_992], %swap3A_995 {strides = array<i32>} : memref<4x128x32xf32, #tpu.memory_space<vmem>>, vector<1x1x16xf32>,
          %get3A_996 = arith.index_cast %and3A_893 : i32 to index
          %get3A_997 = arith.index_cast %add3A_980 : i32 to index
          %get3A_998 = arith.constant 16 : index
          %get3A_999 = tpu.vector_load %arg7[%get3A_996, %get3A_997, %get3A_998] {strides = array<i32>} : memref<4x128x32xf32, #tpu.memory_space<vmem>>, vector<1x1x16xf32>,
          %get3A_1000 = vector.shape_cast %get3A_999 : vector<1x1x16xf32> to vector<16xf32>
          %mul3A_1001 = arith.mulf %get3A_1000, %broadcast_in_dim3A_983 : vector<16xf32>
          %swap3A_1002 = arith.index_cast %and3A_893 : i32 to index
          %swap3A_1003 = arith.index_cast %add3A_980 : i32 to index
          %swap3A_1004 = arith.constant 16 : index
          %swap3A_1005 = tpu.vector_load %arg7[%swap3A_1002, %swap3A_1003, %swap3A_1004] {strides = array<i32>} : memref<4x128x32xf32, #tpu.memory_space<vmem>>, vector<1x1x16xf32>,
          %swap3A_1006 = vector.shape_cast %swap3A_1005 : vector<1x1x16xf32> to vector<16xf32>
          %swap3A_1007 = vector.shape_cast %mul3A_1001 : vector<16xf32> to vector<1x1x16xf32>
          tpu.vector_store %arg7[%swap3A_1002, %swap3A_1003, %swap3A_1004], %swap3A_1007 {strides = array<i32>} : memref<4x128x32xf32, #tpu.memory_space<vmem>>, vector<1x1x16xf32>,
          %mul3A_1008 = arith.constant 16 : i32
          %mul3A_1009 = arith.muli %add3A_940, %mul3A_1008 : i32
          %add3A_1010 = arith.constant 2 : i32
          %add3A_1011 = arith.addi %mul3A_1009, %add3A_1010 : i32
          %slice3A_1012 = vector.extract_strided_slice %bitcast_convert_type3A {offsets = [2], sizes = [1], strides = [1]} : vector<16xf32> to vector<1xf32>
          %squeeze3A_1013 = vector.extract %slice3A_1012[0] : f32 from vector<1xf32>
          %broadcast_in_dim3A_1014 = vector.broadcast %squeeze3A_1013 : f32 to vector<16xf32>
          %get3A_1015 = arith.index_cast %and3A_893 : i32 to index
          %get3A_1016 = arith.index_cast %add3A_1011 : i32 to index
          %get3A_1017 = arith.constant 0 : index
          %get3A_1018 = tpu.vector_load %arg7[%get3A_1015, %get3A_1016, %get3A_1017] {strides = array<i32>} : memref<4x128x32xf32, #tpu.memory_space<vmem>>, vector<1x1x16xf32>,
          %get3A_1019 = vector.shape_cast %get3A_1018 : vector<1x1x16xf32> to vector<16xf32>
          %mul3A_1020 = arith.mulf %get3A_1019, %broadcast_in_dim3A_1014 : vector<16xf32>
          %swap3A_1021 = arith.index_cast %and3A_893 : i32 to index
          %swap3A_1022 = arith.index_cast %add3A_1011 : i32 to index
          %swap3A_1023 = arith.constant 0 : index
          %swap3A_1024 = tpu.vector_load %arg7[%swap3A_1021, %swap3A_1022, %swap3A_1023] {strides = array<i32>} : memref<4x128x32xf32, #tpu.memory_space<vmem>>, vector<1x1x16xf32>,
          %swap3A_1025 = vector.shape_cast %swap3A_1024 : vector<1x1x16xf32> to vector<16xf32>
          %swap3A_1026 = vector.shape_cast %mul3A_1020 : vector<16xf32> to vector<1x1x16xf32>
          tpu.vector_store %arg7[%swap3A_1021, %swap3A_1022, %swap3A_1023], %swap3A_1026 {strides = array<i32>} : memref<4x128x32xf32, #tpu.memory_space<vmem>>, vector<1x1x16xf32>,
          %get3A_1027 = arith.index_cast %and3A_893 : i32 to index
          %get3A_1028 = arith.index_cast %add3A_1011 : i32 to index
          %get3A_1029 = arith.constant 16 : index
          %get3A_1030 = tpu.vector_load %arg7[%get3A_1027, %get3A_1028, %get3A_1029] {strides = array<i32>} : memref<4x128x32xf32, #tpu.memory_space<vmem>>, vector<1x1x16xf32>,
          %get3A_1031 = vector.shape_cast %get3A_1030 : vector<1x1x16xf32> to vector<16xf32>
          %mul3A_1032 = arith.mulf %get3A_1031, %broadcast_in_dim3A_1014 : vector<16xf32>
          %swap3A_1033 = arith.index_cast %and3A_893 : i32 to index
          %swap3A_1034 = arith.index_cast %add3A_1011 : i32 to index
          %swap3A_1035 = arith.constant 16 : index
          %swap3A_1036 = tpu.vector_load %arg7[%swap3A_1033, %swap3A_1034, %swap3A_1035] {strides = array<i32>} : memref<4x128x32xf32, #tpu.memory_space<vmem>>, vector<1x1x16xf32>,
          %swap3A_1037 = vector.shape_cast %swap3A_1036 : vector<1x1x16xf32> to vector<16xf32>
          %swap3A_1038 = vector.shape_cast %mul3A_1032 : vector<16xf32> to vector<1x1x16xf32>
          tpu.vector_store %arg7[%swap3A_1033, %swap3A_1034, %swap3A_1035], %swap3A_1038 {strides = array<i32>} : memref<4x128x32xf32, #tpu.memory_space<vmem>>, vector<1x1x16xf32>,
          %mul3A_1039 = arith.constant 16 : i32
          %mul3A_1040 = arith.muli %add3A_940, %mul3A_1039 : i32
          %add3A_1041 = arith.constant 3 : i32
          %add3A_1042 = arith.addi %mul3A_1040, %add3A_1041 : i32
          %slice3A_1043 = vector.extract_strided_slice %bitcast_convert_type3A {offsets = [3], sizes = [1], strides = [1]} : vector<16xf32> to vector<1xf32>
          %squeeze3A_1044 = vector.extract %slice3A_1043[0] : f32 from vector<1xf32>
          %broadcast_in_dim3A_1045 = vector.broadcast %squeeze3A_1044 : f32 to vector<16xf32>
          %get3A_1046 = arith.index_cast %and3A_893 : i32 to index
          %get3A_1047 = arith.index_cast %add3A_1042 : i32 to index
          %get3A_1048 = arith.constant 0 : index
          %get3A_1049 = tpu.vector_load %arg7[%get3A_1046, %get3A_1047, %get3A_1048] {strides = array<i32>} : memref<4x128x32xf32, #tpu.memory_space<vmem>>, vector<1x1x16xf32>,
          %get3A_1050 = vector.shape_cast %get3A_1049 : vector<1x1x16xf32> to vector<16xf32>
          %mul3A_1051 = arith.mulf %get3A_1050, %broadcast_in_dim3A_1045 : vector<16xf32>
          %swap3A_1052 = arith.index_cast %and3A_893 : i32 to index
          %swap3A_1053 = arith.index_cast %add3A_1042 : i32 to index
          %swap3A_1054 = arith.constant 0 : index
          %swap3A_1055 = tpu.vector_load %arg7[%swap3A_1052, %swap3A_1053, %swap3A_1054] {strides = array<i32>} : memref<4x128x32xf32, #tpu.memory_space<vmem>>, vector<1x1x16xf32>,
          %swap3A_1056 = vector.shape_cast %swap3A_1055 : vector<1x1x16xf32> to vector<16xf32>
          %swap3A_1057 = vector.shape_cast %mul3A_1051 : vector<16xf32> to vector<1x1x16xf32>
          tpu.vector_store %arg7[%swap3A_1052, %swap3A_1053, %swap3A_1054], %swap3A_1057 {strides = array<i32>} : memref<4x128x32xf32, #tpu.memory_space<vmem>>, vector<1x1x16xf32>,
          %get3A_1058 = arith.index_cast %and3A_893 : i32 to index
          %get3A_1059 = arith.index_cast %add3A_1042 : i32 to index
          %get3A_1060 = arith.constant 16 : index
          %get3A_1061 = tpu.vector_load %arg7[%get3A_1058, %get3A_1059, %get3A_1060] {strides = array<i32>} : memref<4x128x32xf32, #tpu.memory_space<vmem>>, vector<1x1x16xf32>,
          %get3A_1062 = vector.shape_cast %get3A_1061 : vector<1x1x16xf32> to vector<16xf32>
          %mul3A_1063 = arith.mulf %get3A_1062, %broadcast_in_dim3A_1045 : vector<16xf32>
          %swap3A_1064 = arith.index_cast %and3A_893 : i32 to index
          %swap3A_1065 = arith.index_cast %add3A_1042 : i32 to index
          %swap3A_1066 = arith.constant 16 : index
          %swap3A_1067 = tpu.vector_load %arg7[%swap3A_1064, %swap3A_1065, %swap3A_1066] {strides = array<i32>} : memref<4x128x32xf32, #tpu.memory_space<vmem>>, vector<1x1x16xf32>,
          %swap3A_1068 = vector.shape_cast %swap3A_1067 : vector<1x1x16xf32> to vector<16xf32>
          %swap3A_1069 = vector.shape_cast %mul3A_1063 : vector<16xf32> to vector<1x1x16xf32>
          tpu.vector_store %arg7[%swap3A_1064, %swap3A_1065, %swap3A_1066], %swap3A_1069 {strides = array<i32>} : memref<4x128x32xf32, #tpu.memory_space<vmem>>, vector<1x1x16xf32>,
          %mul3A_1070 = arith.constant 16 : i32
          %mul3A_1071 = arith.muli %add3A_940, %mul3A_1070 : i32
          %add3A_1072 = arith.constant 4 : i32
          %add3A_1073 = arith.addi %mul3A_1071, %add3A_1072 : i32
          %slice3A_1074 = vector.extract_strided_slice %bitcast_convert_type3A {offsets = [4], sizes = [1], strides = [1]} : vector<16xf32> to vector<1xf32>
          %squeeze3A_1075 = vector.extract %slice3A_1074[0] : f32 from vector<1xf32>
          %broadcast_in_dim3A_1076 = vector.broadcast %squeeze3A_1075 : f32 to vector<16xf32>
          %get3A_1077 = arith.index_cast %and3A_893 : i32 to index
          %get3A_1078 = arith.index_cast %add3A_1073 : i32 to index
          %get3A_1079 = arith.constant 0 : index
          %get3A_1080 = tpu.vector_load %arg7[%get3A_1077, %get3A_1078, %get3A_1079] {strides = array<i32>} : memref<4x128x32xf32, #tpu.memory_space<vmem>>, vector<1x1x16xf32>,
          %get3A_1081 = vector.shape_cast %get3A_1080 : vector<1x1x16xf32> to vector<16xf32>
          %mul3A_1082 = arith.mulf %get3A_1081, %broadcast_in_dim3A_1076 : vector<16xf32>
          %swap3A_1083 = arith.index_cast %and3A_893 : i32 to index
          %swap3A_1084 = arith.index_cast %add3A_1073 : i32 to index
          %swap3A_1085 = arith.constant 0 : index
          %swap3A_1086 = tpu.vector_load %arg7[%swap3A_1083, %swap3A_1084, %swap3A_1085] {strides = array<i32>} : memref<4x128x32xf32, #tpu.memory_space<vmem>>, vector<1x1x16xf32>,
          %swap3A_1087 = vector.shape_cast %swap3A_1086 : vector<1x1x16xf32> to vector<16xf32>
          %swap3A_1088 = vector.shape_cast %mul3A_1082 : vector<16xf32> to vector<1x1x16xf32>
          tpu.vector_store %arg7[%swap3A_1083, %swap3A_1084, %swap3A_1085], %swap3A_1088 {strides = array<i32>} : memref<4x128x32xf32, #tpu.memory_space<vmem>>, vector<1x1x16xf32>,
          %get3A_1089 = arith.index_cast %and3A_893 : i32 to index
          %get3A_1090 = arith.index_cast %add3A_1073 : i32 to index
          %get3A_1091 = arith.constant 16 : index
          %get3A_1092 = tpu.vector_load %arg7[%get3A_1089, %get3A_1090, %get3A_1091] {strides = array<i32>} : memref<4x128x32xf32, #tpu.memory_space<vmem>>, vector<1x1x16xf32>,
          %get3A_1093 = vector.shape_cast %get3A_1092 : vector<1x1x16xf32> to vector<16xf32>
          %mul3A_1094 = arith.mulf %get3A_1093, %broadcast_in_dim3A_1076 : vector<16xf32>
          %swap3A_1095 = arith.index_cast %and3A_893 : i32 to index
          %swap3A_1096 = arith.index_cast %add3A_1073 : i32 to index
          %swap3A_1097 = arith.constant 16 : index
          %swap3A_1098 = tpu.vector_load %arg7[%swap3A_1095, %swap3A_1096, %swap3A_1097] {strides = array<i32>} : memref<4x128x32xf32, #tpu.memory_space<vmem>>, vector<1x1x16xf32>,
          %swap3A_1099 = vector.shape_cast %swap3A_1098 : vector<1x1x16xf32> to vector<16xf32>
          %swap3A_1100 = vector.shape_cast %mul3A_1094 : vector<16xf32> to vector<1x1x16xf32>
          tpu.vector_store %arg7[%swap3A_1095, %swap3A_1096, %swap3A_1097], %swap3A_1100 {strides = array<i32>} : memref<4x128x32xf32, #tpu.memory_space<vmem>>, vector<1x1x16xf32>,
          %mul3A_1101 = arith.constant 16 : i32
          %mul3A_1102 = arith.muli %add3A_940, %mul3A_1101 : i32
          %add3A_1103 = arith.constant 5 : i32
          %add3A_1104 = arith.addi %mul3A_1102, %add3A_1103 : i32
          %slice3A_1105 = vector.extract_strided_slice %bitcast_convert_type3A {offsets = [5], sizes = [1], strides = [1]} : vector<16xf32> to vector<1xf32>
          %squeeze3A_1106 = vector.extract %slice3A_1105[0] : f32 from vector<1xf32>
          %broadcast_in_dim3A_1107 = vector.broadcast %squeeze3A_1106 : f32 to vector<16xf32>
          %get3A_1108 = arith.index_cast %and3A_893 : i32 to index
          %get3A_1109 = arith.index_cast %add3A_1104 : i32 to index
          %get3A_1110 = arith.constant 0 : index
          %get3A_1111 = tpu.vector_load %arg7[%get3A_1108, %get3A_1109, %get3A_1110] {strides = array<i32>} : memref<4x128x32xf32, #tpu.memory_space<vmem>>, vector<1x1x16xf32>,
          %get3A_1112 = vector.shape_cast %get3A_1111 : vector<1x1x16xf32> to vector<16xf32>
          %mul3A_1113 = arith.mulf %get3A_1112, %broadcast_in_dim3A_1107 : vector<16xf32>
          %swap3A_1114 = arith.index_cast %and3A_893 : i32 to index
          %swap3A_1115 = arith.index_cast %add3A_1104 : i32 to index
          %swap3A_1116 = arith.constant 0 : index
          %swap3A_1117 = tpu.vector_load %arg7[%swap3A_1114, %swap3A_1115, %swap3A_1116] {strides = array<i32>} : memref<4x128x32xf32, #tpu.memory_space<vmem>>, vector<1x1x16xf32>,
          %swap3A_1118 = vector.shape_cast %swap3A_1117 : vector<1x1x16xf32> to vector<16xf32>
          %swap3A_1119 = vector.shape_cast %mul3A_1113 : vector<16xf32> to vector<1x1x16xf32>
          tpu.vector_store %arg7[%swap3A_1114, %swap3A_1115, %swap3A_1116], %swap3A_1119 {strides = array<i32>} : memref<4x128x32xf32, #tpu.memory_space<vmem>>, vector<1x1x16xf32>,
          %get3A_1120 = arith.index_cast %and3A_893 : i32 to index
          %get3A_1121 = arith.index_cast %add3A_1104 : i32 to index
          %get3A_1122 = arith.constant 16 : index
          %get3A_1123 = tpu.vector_load %arg7[%get3A_1120, %get3A_1121, %get3A_1122] {strides = array<i32>} : memref<4x128x32xf32, #tpu.memory_space<vmem>>, vector<1x1x16xf32>,
          %get3A_1124 = vector.shape_cast %get3A_1123 : vector<1x1x16xf32> to vector<16xf32>
          %mul3A_1125 = arith.mulf %get3A_1124, %broadcast_in_dim3A_1107 : vector<16xf32>
          %swap3A_1126 = arith.index_cast %and3A_893 : i32 to index
          %swap3A_1127 = arith.index_cast %add3A_1104 : i32 to index
          %swap3A_1128 = arith.constant 16 : index
          %swap3A_1129 = tpu.vector_load %arg7[%swap3A_1126, %swap3A_1127, %swap3A_1128] {strides = array<i32>} : memref<4x128x32xf32, #tpu.memory_space<vmem>>, vector<1x1x16xf32>,
          %swap3A_1130 = vector.shape_cast %swap3A_1129 : vector<1x1x16xf32> to vector<16xf32>
          %swap3A_1131 = vector.shape_cast %mul3A_1125 : vector<16xf32> to vector<1x1x16xf32>
          tpu.vector_store %arg7[%swap3A_1126, %swap3A_1127, %swap3A_1128], %swap3A_1131 {strides = array<i32>} : memref<4x128x32xf32, #tpu.memory_space<vmem>>, vector<1x1x16xf32>,
          %mul3A_1132 = arith.constant 16 : i32
          %mul3A_1133 = arith.muli %add3A_940, %mul3A_1132 : i32
          %add3A_1134 = arith.constant 6 : i32
          %add3A_1135 = arith.addi %mul3A_1133, %add3A_1134 : i32
          %slice3A_1136 = vector.extract_strided_slice %bitcast_convert_type3A {offsets = [6], sizes = [1], strides = [1]} : vector<16xf32> to vector<1xf32>
          %squeeze3A_1137 = vector.extract %slice3A_1136[0] : f32 from vector<1xf32>
          %broadcast_in_dim3A_1138 = vector.broadcast %squeeze3A_1137 : f32 to vector<16xf32>
          %get3A_1139 = arith.index_cast %and3A_893 : i32 to index
          %get3A_1140 = arith.index_cast %add3A_1135 : i32 to index
          %get3A_1141 = arith.constant 0 : index
          %get3A_1142 = tpu.vector_load %arg7[%get3A_1139, %get3A_1140, %get3A_1141] {strides = array<i32>} : memref<4x128x32xf32, #tpu.memory_space<vmem>>, vector<1x1x16xf32>,
          %get3A_1143 = vector.shape_cast %get3A_1142 : vector<1x1x16xf32> to vector<16xf32>
          %mul3A_1144 = arith.mulf %get3A_1143, %broadcast_in_dim3A_1138 : vector<16xf32>
          %swap3A_1145 = arith.index_cast %and3A_893 : i32 to index
          %swap3A_1146 = arith.index_cast %add3A_1135 : i32 to index
          %swap3A_1147 = arith.constant 0 : index
          %swap3A_1148 = tpu.vector_load %arg7[%swap3A_1145, %swap3A_1146, %swap3A_1147] {strides = array<i32>} : memref<4x128x32xf32, #tpu.memory_space<vmem>>, vector<1x1x16xf32>,
          %swap3A_1149 = vector.shape_cast %swap3A_1148 : vector<1x1x16xf32> to vector<16xf32>
          %swap3A_1150 = vector.shape_cast %mul3A_1144 : vector<16xf32> to vector<1x1x16xf32>
          tpu.vector_store %arg7[%swap3A_1145, %swap3A_1146, %swap3A_1147], %swap3A_1150 {strides = array<i32>} : memref<4x128x32xf32, #tpu.memory_space<vmem>>, vector<1x1x16xf32>,
          %get3A_1151 = arith.index_cast %and3A_893 : i32 to index
          %get3A_1152 = arith.index_cast %add3A_1135 : i32 to index
          %get3A_1153 = arith.constant 16 : index
          %get3A_1154 = tpu.vector_load %arg7[%get3A_1151, %get3A_1152, %get3A_1153] {strides = array<i32>} : memref<4x128x32xf32, #tpu.memory_space<vmem>>, vector<1x1x16xf32>,
          %get3A_1155 = vector.shape_cast %get3A_1154 : vector<1x1x16xf32> to vector<16xf32>
          %mul3A_1156 = arith.mulf %get3A_1155, %broadcast_in_dim3A_1138 : vector<16xf32>
          %swap3A_1157 = arith.index_cast %and3A_893 : i32 to index
          %swap3A_1158 = arith.index_cast %add3A_1135 : i32 to index
          %swap3A_1159 = arith.constant 16 : index
          %swap3A_1160 = tpu.vector_load %arg7[%swap3A_1157, %swap3A_1158, %swap3A_1159] {strides = array<i32>} : memref<4x128x32xf32, #tpu.memory_space<vmem>>, vector<1x1x16xf32>,
          %swap3A_1161 = vector.shape_cast %swap3A_1160 : vector<1x1x16xf32> to vector<16xf32>
          %swap3A_1162 = vector.shape_cast %mul3A_1156 : vector<16xf32> to vector<1x1x16xf32>
          tpu.vector_store %arg7[%swap3A_1157, %swap3A_1158, %swap3A_1159], %swap3A_1162 {strides = array<i32>} : memref<4x128x32xf32, #tpu.memory_space<vmem>>, vector<1x1x16xf32>,
          %mul3A_1163 = arith.constant 16 : i32
          %mul3A_1164 = arith.muli %add3A_940, %mul3A_1163 : i32
          %add3A_1165 = arith.constant 7 : i32
          %add3A_1166 = arith.addi %mul3A_1164, %add3A_1165 : i32
          %slice3A_1167 = vector.extract_strided_slice %bitcast_convert_type3A {offsets = [7], sizes = [1], strides = [1]} : vector<16xf32> to vector<1xf32>
          %squeeze3A_1168 = vector.extract %slice3A_1167[0] : f32 from vector<1xf32>
          %broadcast_in_dim3A_1169 = vector.broadcast %squeeze3A_1168 : f32 to vector<16xf32>
          %get3A_1170 = arith.index_cast %and3A_893 : i32 to index
          %get3A_1171 = arith.index_cast %add3A_1166 : i32 to index
          %get3A_1172 = arith.constant 0 : index
          %get3A_1173 = tpu.vector_load %arg7[%get3A_1170, %get3A_1171, %get3A_1172] {strides = array<i32>} : memref<4x128x32xf32, #tpu.memory_space<vmem>>, vector<1x1x16xf32>,
          %get3A_1174 = vector.shape_cast %get3A_1173 : vector<1x1x16xf32> to vector<16xf32>
          %mul3A_1175 = arith.mulf %get3A_1174, %broadcast_in_dim3A_1169 : vector<16xf32>
          %swap3A_1176 = arith.index_cast %and3A_893 : i32 to index
          %swap3A_1177 = arith.index_cast %add3A_1166 : i32 to index
          %swap3A_1178 = arith.constant 0 : index
          %swap3A_1179 = tpu.vector_load %arg7[%swap3A_1176, %swap3A_1177, %swap3A_1178] {strides = array<i32>} : memref<4x128x32xf32, #tpu.memory_space<vmem>>, vector<1x1x16xf32>,
          %swap3A_1180 = vector.shape_cast %swap3A_1179 : vector<1x1x16xf32> to vector<16xf32>
          %swap3A_1181 = vector.shape_cast %mul3A_1175 : vector<16xf32> to vector<1x1x16xf32>
          tpu.vector_store %arg7[%swap3A_1176, %swap3A_1177, %swap3A_1178], %swap3A_1181 {strides = array<i32>} : memref<4x128x32xf32, #tpu.memory_space<vmem>>, vector<1x1x16xf32>,
          %get3A_1182 = arith.index_cast %and3A_893 : i32 to index
          %get3A_1183 = arith.index_cast %add3A_1166 : i32 to index
          %get3A_1184 = arith.constant 16 : index
          %get3A_1185 = tpu.vector_load %arg7[%get3A_1182, %get3A_1183, %get3A_1184] {strides = array<i32>} : memref<4x128x32xf32, #tpu.memory_space<vmem>>, vector<1x1x16xf32>,
          %get3A_1186 = vector.shape_cast %get3A_1185 : vector<1x1x16xf32> to vector<16xf32>
          %mul3A_1187 = arith.mulf %get3A_1186, %broadcast_in_dim3A_1169 : vector<16xf32>
          %swap3A_1188 = arith.index_cast %and3A_893 : i32 to index
          %swap3A_1189 = arith.index_cast %add3A_1166 : i32 to index
          %swap3A_1190 = arith.constant 16 : index
          %swap3A_1191 = tpu.vector_load %arg7[%swap3A_1188, %swap3A_1189, %swap3A_1190] {strides = array<i32>} : memref<4x128x32xf32, #tpu.memory_space<vmem>>, vector<1x1x16xf32>,
          %swap3A_1192 = vector.shape_cast %swap3A_1191 : vector<1x1x16xf32> to vector<16xf32>
          %swap3A_1193 = vector.shape_cast %mul3A_1187 : vector<16xf32> to vector<1x1x16xf32>
          tpu.vector_store %arg7[%swap3A_1188, %swap3A_1189, %swap3A_1190], %swap3A_1193 {strides = array<i32>} : memref<4x128x32xf32, #tpu.memory_space<vmem>>, vector<1x1x16xf32>,
          %mul3A_1194 = arith.constant 16 : i32
          %mul3A_1195 = arith.muli %add3A_940, %mul3A_1194 : i32
          %add3A_1196 = arith.constant 8 : i32
          %add3A_1197 = arith.addi %mul3A_1195, %add3A_1196 : i32
          %slice3A_1198 = vector.extract_strided_slice %bitcast_convert_type3A {offsets = [8], sizes = [1], strides = [1]} : vector<16xf32> to vector<1xf32>
          %squeeze3A_1199 = vector.extract %slice3A_1198[0] : f32 from vector<1xf32>
          %broadcast_in_dim3A_1200 = vector.broadcast %squeeze3A_1199 : f32 to vector<16xf32>
          %get3A_1201 = arith.index_cast %and3A_893 : i32 to index
          %get3A_1202 = arith.index_cast %add3A_1197 : i32 to index
          %get3A_1203 = arith.constant 0 : index
          %get3A_1204 = tpu.vector_load %arg7[%get3A_1201, %get3A_1202, %get3A_1203] {strides = array<i32>} : memref<4x128x32xf32, #tpu.memory_space<vmem>>, vector<1x1x16xf32>,
          %get3A_1205 = vector.shape_cast %get3A_1204 : vector<1x1x16xf32> to vector<16xf32>
          %mul3A_1206 = arith.mulf %get3A_1205, %broadcast_in_dim3A_1200 : vector<16xf32>
          %swap3A_1207 = arith.index_cast %and3A_893 : i32 to index
          %swap3A_1208 = arith.index_cast %add3A_1197 : i32 to index
          %swap3A_1209 = arith.constant 0 : index
          %swap3A_1210 = tpu.vector_load %arg7[%swap3A_1207, %swap3A_1208, %swap3A_1209] {strides = array<i32>} : memref<4x128x32xf32, #tpu.memory_space<vmem>>, vector<1x1x16xf32>,
          %swap3A_1211 = vector.shape_cast %swap3A_1210 : vector<1x1x16xf32> to vector<16xf32>
          %swap3A_1212 = vector.shape_cast %mul3A_1206 : vector<16xf32> to vector<1x1x16xf32>
          tpu.vector_store %arg7[%swap3A_1207, %swap3A_1208, %swap3A_1209], %swap3A_1212 {strides = array<i32>} : memref<4x128x32xf32, #tpu.memory_space<vmem>>, vector<1x1x16xf32>,
          %get3A_1213 = arith.index_cast %and3A_893 : i32 to index
          %get3A_1214 = arith.index_cast %add3A_1197 : i32 to index
          %get3A_1215 = arith.constant 16 : index
          %get3A_1216 = tpu.vector_load %arg7[%get3A_1213, %get3A_1214, %get3A_1215] {strides = array<i32>} : memref<4x128x32xf32, #tpu.memory_space<vmem>>, vector<1x1x16xf32>,
          %get3A_1217 = vector.shape_cast %get3A_1216 : vector<1x1x16xf32> to vector<16xf32>
          %mul3A_1218 = arith.mulf %get3A_1217, %broadcast_in_dim3A_1200 : vector<16xf32>
          %swap3A_1219 = arith.index_cast %and3A_893 : i32 to index
          %swap3A_1220 = arith.index_cast %add3A_1197 : i32 to index
          %swap3A_1221 = arith.constant 16 : index
          %swap3A_1222 = tpu.vector_load %arg7[%swap3A_1219, %swap3A_1220, %swap3A_1221] {strides = array<i32>} : memref<4x128x32xf32, #tpu.memory_space<vmem>>, vector<1x1x16xf32>,
          %swap3A_1223 = vector.shape_cast %swap3A_1222 : vector<1x1x16xf32> to vector<16xf32>
          %swap3A_1224 = vector.shape_cast %mul3A_1218 : vector<16xf32> to vector<1x1x16xf32>
          tpu.vector_store %arg7[%swap3A_1219, %swap3A_1220, %swap3A_1221], %swap3A_1224 {strides = array<i32>} : memref<4x128x32xf32, #tpu.memory_space<vmem>>, vector<1x1x16xf32>,
          %mul3A_1225 = arith.constant 16 : i32
          %mul3A_1226 = arith.muli %add3A_940, %mul3A_1225 : i32
          %add3A_1227 = arith.constant 9 : i32
          %add3A_1228 = arith.addi %mul3A_1226, %add3A_1227 : i32
          %slice3A_1229 = vector.extract_strided_slice %bitcast_convert_type3A {offsets = [9], sizes = [1], strides = [1]} : vector<16xf32> to vector<1xf32>
          %squeeze3A_1230 = vector.extract %slice3A_1229[0] : f32 from vector<1xf32>
          %broadcast_in_dim3A_1231 = vector.broadcast %squeeze3A_1230 : f32 to vector<16xf32>
          %get3A_1232 = arith.index_cast %and3A_893 : i32 to index
          %get3A_1233 = arith.index_cast %add3A_1228 : i32 to index
          %get3A_1234 = arith.constant 0 : index
          %get3A_1235 = tpu.vector_load %arg7[%get3A_1232, %get3A_1233, %get3A_1234] {strides = array<i32>} : memref<4x128x32xf32, #tpu.memory_space<vmem>>, vector<1x1x16xf32>,
          %get3A_1236 = vector.shape_cast %get3A_1235 : vector<1x1x16xf32> to vector<16xf32>
          %mul3A_1237 = arith.mulf %get3A_1236, %broadcast_in_dim3A_1231 : vector<16xf32>
          %swap3A_1238 = arith.index_cast %and3A_893 : i32 to index
          %swap3A_1239 = arith.index_cast %add3A_1228 : i32 to index
          %swap3A_1240 = arith.constant 0 : index
          %swap3A_1241 = tpu.vector_load %arg7[%swap3A_1238, %swap3A_1239, %swap3A_1240] {strides = array<i32>} : memref<4x128x32xf32, #tpu.memory_space<vmem>>, vector<1x1x16xf32>,
          %swap3A_1242 = vector.shape_cast %swap3A_1241 : vector<1x1x16xf32> to vector<16xf32>
          %swap3A_1243 = vector.shape_cast %mul3A_1237 : vector<16xf32> to vector<1x1x16xf32>
          tpu.vector_store %arg7[%swap3A_1238, %swap3A_1239, %swap3A_1240], %swap3A_1243 {strides = array<i32>} : memref<4x128x32xf32, #tpu.memory_space<vmem>>, vector<1x1x16xf32>,
          %get3A_1244 = arith.index_cast %and3A_893 : i32 to index
          %get3A_1245 = arith.index_cast %add3A_1228 : i32 to index
          %get3A_1246 = arith.constant 16 : index
          %get3A_1247 = tpu.vector_load %arg7[%get3A_1244, %get3A_1245, %get3A_1246] {strides = array<i32>} : memref<4x128x32xf32, #tpu.memory_space<vmem>>, vector<1x1x16xf32>,
          %get3A_1248 = vector.shape_cast %get3A_1247 : vector<1x1x16xf32> to vector<16xf32>
          %mul3A_1249 = arith.mulf %get3A_1248, %broadcast_in_dim3A_1231 : vector<16xf32>
          %swap3A_1250 = arith.index_cast %and3A_893 : i32 to index
          %swap3A_1251 = arith.index_cast %add3A_1228 : i32 to index
          %swap3A_1252 = arith.constant 16 : index
          %swap3A_1253 = tpu.vector_load %arg7[%swap3A_1250, %swap3A_1251, %swap3A_1252] {strides = array<i32>} : memref<4x128x32xf32, #tpu.memory_space<vmem>>, vector<1x1x16xf32>,
          %swap3A_1254 = vector.shape_cast %swap3A_1253 : vector<1x1x16xf32> to vector<16xf32>
          %swap3A_1255 = vector.shape_cast %mul3A_1249 : vector<16xf32> to vector<1x1x16xf32>
          tpu.vector_store %arg7[%swap3A_1250, %swap3A_1251, %swap3A_1252], %swap3A_1255 {strides = array<i32>} : memref<4x128x32xf32, #tpu.memory_space<vmem>>, vector<1x1x16xf32>,
          %mul3A_1256 = arith.constant 16 : i32
          %mul3A_1257 = arith.muli %add3A_940, %mul3A_1256 : i32
          %add3A_1258 = arith.constant 10 : i32
          %add3A_1259 = arith.addi %mul3A_1257, %add3A_1258 : i32
          %slice3A_1260 = vector.extract_strided_slice %bitcast_convert_type3A {offsets = [10], sizes = [1], strides = [1]} : vector<16xf32> to vector<1xf32>
          %squeeze3A_1261 = vector.extract %slice3A_1260[0] : f32 from vector<1xf32>
          %broadcast_in_dim3A_1262 = vector.broadcast %squeeze3A_1261 : f32 to vector<16xf32>
          %get3A_1263 = arith.index_cast %and3A_893 : i32 to index
          %get3A_1264 = arith.index_cast %add3A_1259 : i32 to index
          %get3A_1265 = arith.constant 0 : index
          %get3A_1266 = tpu.vector_load %arg7[%get3A_1263, %get3A_1264, %get3A_1265] {strides = array<i32>} : memref<4x128x32xf32, #tpu.memory_space<vmem>>, vector<1x1x16xf32>,
          %get3A_1267 = vector.shape_cast %get3A_1266 : vector<1x1x16xf32> to vector<16xf32>
          %mul3A_1268 = arith.mulf %get3A_1267, %broadcast_in_dim3A_1262 : vector<16xf32>
          %swap3A_1269 = arith.index_cast %and3A_893 : i32 to index
          %swap3A_1270 = arith.index_cast %add3A_1259 : i32 to index
          %swap3A_1271 = arith.constant 0 : index
          %swap3A_1272 = tpu.vector_load %arg7[%swap3A_1269, %swap3A_1270, %swap3A_1271] {strides = array<i32>} : memref<4x128x32xf32, #tpu.memory_space<vmem>>, vector<1x1x16xf32>,
          %swap3A_1273 = vector.shape_cast %swap3A_1272 : vector<1x1x16xf32> to vector<16xf32>
          %swap3A_1274 = vector.shape_cast %mul3A_1268 : vector<16xf32> to vector<1x1x16xf32>
          tpu.vector_store %arg7[%swap3A_1269, %swap3A_1270, %swap3A_1271], %swap3A_1274 {strides = array<i32>} : memref<4x128x32xf32, #tpu.memory_space<vmem>>, vector<1x1x16xf32>,
          %get3A_1275 = arith.index_cast %and3A_893 : i32 to index
          %get3A_1276 = arith.index_cast %add3A_1259 : i32 to index
          %get3A_1277 = arith.constant 16 : index
          %get3A_1278 = tpu.vector_load %arg7[%get3A_1275, %get3A_1276, %get3A_1277] {strides = array<i32>} : memref<4x128x32xf32, #tpu.memory_space<vmem>>, vector<1x1x16xf32>,
          %get3A_1279 = vector.shape_cast %get3A_1278 : vector<1x1x16xf32> to vector<16xf32>
          %mul3A_1280 = arith.mulf %get3A_1279, %broadcast_in_dim3A_1262 : vector<16xf32>
          %swap3A_1281 = arith.index_cast %and3A_893 : i32 to index
          %swap3A_1282 = arith.index_cast %add3A_1259 : i32 to index
          %swap3A_1283 = arith.constant 16 : index
          %swap3A_1284 = tpu.vector_load %arg7[%swap3A_1281, %swap3A_1282, %swap3A_1283] {strides = array<i32>} : memref<4x128x32xf32, #tpu.memory_space<vmem>>, vector<1x1x16xf32>,
          %swap3A_1285 = vector.shape_cast %swap3A_1284 : vector<1x1x16xf32> to vector<16xf32>
          %swap3A_1286 = vector.shape_cast %mul3A_1280 : vector<16xf32> to vector<1x1x16xf32>
          tpu.vector_store %arg7[%swap3A_1281, %swap3A_1282, %swap3A_1283], %swap3A_1286 {strides = array<i32>} : memref<4x128x32xf32, #tpu.memory_space<vmem>>, vector<1x1x16xf32>,
          %mul3A_1287 = arith.constant 16 : i32
          %mul3A_1288 = arith.muli %add3A_940, %mul3A_1287 : i32
          %add3A_1289 = arith.constant 11 : i32
          %add3A_1290 = arith.addi %mul3A_1288, %add3A_1289 : i32
          %slice3A_1291 = vector.extract_strided_slice %bitcast_convert_type3A {offsets = [11], sizes = [1], strides = [1]} : vector<16xf32> to vector<1xf32>
          %squeeze3A_1292 = vector.extract %slice3A_1291[0] : f32 from vector<1xf32>
          %broadcast_in_dim3A_1293 = vector.broadcast %squeeze3A_1292 : f32 to vector<16xf32>
          %get3A_1294 = arith.index_cast %and3A_893 : i32 to index
          %get3A_1295 = arith.index_cast %add3A_1290 : i32 to index
          %get3A_1296 = arith.constant 0 : index
          %get3A_1297 = tpu.vector_load %arg7[%get3A_1294, %get3A_1295, %get3A_1296] {strides = array<i32>} : memref<4x128x32xf32, #tpu.memory_space<vmem>>, vector<1x1x16xf32>,
          %get3A_1298 = vector.shape_cast %get3A_1297 : vector<1x1x16xf32> to vector<16xf32>
          %mul3A_1299 = arith.mulf %get3A_1298, %broadcast_in_dim3A_1293 : vector<16xf32>
          %swap3A_1300 = arith.index_cast %and3A_893 : i32 to index
          %swap3A_1301 = arith.index_cast %add3A_1290 : i32 to index
          %swap3A_1302 = arith.constant 0 : index
          %swap3A_1303 = tpu.vector_load %arg7[%swap3A_1300, %swap3A_1301, %swap3A_1302] {strides = array<i32>} : memref<4x128x32xf32, #tpu.memory_space<vmem>>, vector<1x1x16xf32>,
          %swap3A_1304 = vector.shape_cast %swap3A_1303 : vector<1x1x16xf32> to vector<16xf32>
          %swap3A_1305 = vector.shape_cast %mul3A_1299 : vector<16xf32> to vector<1x1x16xf32>
          tpu.vector_store %arg7[%swap3A_1300, %swap3A_1301, %swap3A_1302], %swap3A_1305 {strides = array<i32>} : memref<4x128x32xf32, #tpu.memory_space<vmem>>, vector<1x1x16xf32>,
          %get3A_1306 = arith.index_cast %and3A_893 : i32 to index
          %get3A_1307 = arith.index_cast %add3A_1290 : i32 to index
          %get3A_1308 = arith.constant 16 : index
          %get3A_1309 = tpu.vector_load %arg7[%get3A_1306, %get3A_1307, %get3A_1308] {strides = array<i32>} : memref<4x128x32xf32, #tpu.memory_space<vmem>>, vector<1x1x16xf32>,
          %get3A_1310 = vector.shape_cast %get3A_1309 : vector<1x1x16xf32> to vector<16xf32>
          %mul3A_1311 = arith.mulf %get3A_1310, %broadcast_in_dim3A_1293 : vector<16xf32>
          %swap3A_1312 = arith.index_cast %and3A_893 : i32 to index
          %swap3A_1313 = arith.index_cast %add3A_1290 : i32 to index
          %swap3A_1314 = arith.constant 16 : index
          %swap3A_1315 = tpu.vector_load %arg7[%swap3A_1312, %swap3A_1313, %swap3A_1314] {strides = array<i32>} : memref<4x128x32xf32, #tpu.memory_space<vmem>>, vector<1x1x16xf32>,
          %swap3A_1316 = vector.shape_cast %swap3A_1315 : vector<1x1x16xf32> to vector<16xf32>
          %swap3A_1317 = vector.shape_cast %mul3A_1311 : vector<16xf32> to vector<1x1x16xf32>
          tpu.vector_store %arg7[%swap3A_1312, %swap3A_1313, %swap3A_1314], %swap3A_1317 {strides = array<i32>} : memref<4x128x32xf32, #tpu.memory_space<vmem>>, vector<1x1x16xf32>,
          %mul3A_1318 = arith.constant 16 : i32
          %mul3A_1319 = arith.muli %add3A_940, %mul3A_1318 : i32
          %add3A_1320 = arith.constant 12 : i32
          %add3A_1321 = arith.addi %mul3A_1319, %add3A_1320 : i32
          %slice3A_1322 = vector.extract_strided_slice %bitcast_convert_type3A {offsets = [12], sizes = [1], strides = [1]} : vector<16xf32> to vector<1xf32>
          %squeeze3A_1323 = vector.extract %slice3A_1322[0] : f32 from vector<1xf32>
          %broadcast_in_dim3A_1324 = vector.broadcast %squeeze3A_1323 : f32 to vector<16xf32>
          %get3A_1325 = arith.index_cast %and3A_893 : i32 to index
          %get3A_1326 = arith.index_cast %add3A_1321 : i32 to index
          %get3A_1327 = arith.constant 0 : index
          %get3A_1328 = tpu.vector_load %arg7[%get3A_1325, %get3A_1326, %get3A_1327] {strides = array<i32>} : memref<4x128x32xf32, #tpu.memory_space<vmem>>, vector<1x1x16xf32>,
          %get3A_1329 = vector.shape_cast %get3A_1328 : vector<1x1x16xf32> to vector<16xf32>
          %mul3A_1330 = arith.mulf %get3A_1329, %broadcast_in_dim3A_1324 : vector<16xf32>
          %swap3A_1331 = arith.index_cast %and3A_893 : i32 to index
          %swap3A_1332 = arith.index_cast %add3A_1321 : i32 to index
          %swap3A_1333 = arith.constant 0 : index
          %swap3A_1334 = tpu.vector_load %arg7[%swap3A_1331, %swap3A_1332, %swap3A_1333] {strides = array<i32>} : memref<4x128x32xf32, #tpu.memory_space<vmem>>, vector<1x1x16xf32>,
          %swap3A_1335 = vector.shape_cast %swap3A_1334 : vector<1x1x16xf32> to vector<16xf32>
          %swap3A_1336 = vector.shape_cast %mul3A_1330 : vector<16xf32> to vector<1x1x16xf32>
          tpu.vector_store %arg7[%swap3A_1331, %swap3A_1332, %swap3A_1333], %swap3A_1336 {strides = array<i32>} : memref<4x128x32xf32, #tpu.memory_space<vmem>>, vector<1x1x16xf32>,
          %get3A_1337 = arith.index_cast %and3A_893 : i32 to index
          %get3A_1338 = arith.index_cast %add3A_1321 : i32 to index
          %get3A_1339 = arith.constant 16 : index
          %get3A_1340 = tpu.vector_load %arg7[%get3A_1337, %get3A_1338, %get3A_1339] {strides = array<i32>} : memref<4x128x32xf32, #tpu.memory_space<vmem>>, vector<1x1x16xf32>,
          %get3A_1341 = vector.shape_cast %get3A_1340 : vector<1x1x16xf32> to vector<16xf32>
          %mul3A_1342 = arith.mulf %get3A_1341, %broadcast_in_dim3A_1324 : vector<16xf32>
          %swap3A_1343 = arith.index_cast %and3A_893 : i32 to index
          %swap3A_1344 = arith.index_cast %add3A_1321 : i32 to index
          %swap3A_1345 = arith.constant 16 : index
          %swap3A_1346 = tpu.vector_load %arg7[%swap3A_1343, %swap3A_1344, %swap3A_1345] {strides = array<i32>} : memref<4x128x32xf32, #tpu.memory_space<vmem>>, vector<1x1x16xf32>,
          %swap3A_1347 = vector.shape_cast %swap3A_1346 : vector<1x1x16xf32> to vector<16xf32>
          %swap3A_1348 = vector.shape_cast %mul3A_1342 : vector<16xf32> to vector<1x1x16xf32>
          tpu.vector_store %arg7[%swap3A_1343, %swap3A_1344, %swap3A_1345], %swap3A_1348 {strides = array<i32>} : memref<4x128x32xf32, #tpu.memory_space<vmem>>, vector<1x1x16xf32>,
          %mul3A_1349 = arith.constant 16 : i32
          %mul3A_1350 = arith.muli %add3A_940, %mul3A_1349 : i32
          %add3A_1351 = arith.constant 13 : i32
          %add3A_1352 = arith.addi %mul3A_1350, %add3A_1351 : i32
          %slice3A_1353 = vector.extract_strided_slice %bitcast_convert_type3A {offsets = [13], sizes = [1], strides = [1]} : vector<16xf32> to vector<1xf32>
          %squeeze3A_1354 = vector.extract %slice3A_1353[0] : f32 from vector<1xf32>
          %broadcast_in_dim3A_1355 = vector.broadcast %squeeze3A_1354 : f32 to vector<16xf32>
          %get3A_1356 = arith.index_cast %and3A_893 : i32 to index
          %get3A_1357 = arith.index_cast %add3A_1352 : i32 to index
          %get3A_1358 = arith.constant 0 : index
          %get3A_1359 = tpu.vector_load %arg7[%get3A_1356, %get3A_1357, %get3A_1358] {strides = array<i32>} : memref<4x128x32xf32, #tpu.memory_space<vmem>>, vector<1x1x16xf32>,
          %get3A_1360 = vector.shape_cast %get3A_1359 : vector<1x1x16xf32> to vector<16xf32>
          %mul3A_1361 = arith.mulf %get3A_1360, %broadcast_in_dim3A_1355 : vector<16xf32>
          %swap3A_1362 = arith.index_cast %and3A_893 : i32 to index
          %swap3A_1363 = arith.index_cast %add3A_1352 : i32 to index
          %swap3A_1364 = arith.constant 0 : index
          %swap3A_1365 = tpu.vector_load %arg7[%swap3A_1362, %swap3A_1363, %swap3A_1364] {strides = array<i32>} : memref<4x128x32xf32, #tpu.memory_space<vmem>>, vector<1x1x16xf32>,
          %swap3A_1366 = vector.shape_cast %swap3A_1365 : vector<1x1x16xf32> to vector<16xf32>
          %swap3A_1367 = vector.shape_cast %mul3A_1361 : vector<16xf32> to vector<1x1x16xf32>
          tpu.vector_store %arg7[%swap3A_1362, %swap3A_1363, %swap3A_1364], %swap3A_1367 {strides = array<i32>} : memref<4x128x32xf32, #tpu.memory_space<vmem>>, vector<1x1x16xf32>,
          %get3A_1368 = arith.index_cast %and3A_893 : i32 to index
          %get3A_1369 = arith.index_cast %add3A_1352 : i32 to index
          %get3A_1370 = arith.constant 16 : index
          %get3A_1371 = tpu.vector_load %arg7[%get3A_1368, %get3A_1369, %get3A_1370] {strides = array<i32>} : memref<4x128x32xf32, #tpu.memory_space<vmem>>, vector<1x1x16xf32>,
          %get3A_1372 = vector.shape_cast %get3A_1371 : vector<1x1x16xf32> to vector<16xf32>
          %mul3A_1373 = arith.mulf %get3A_1372, %broadcast_in_dim3A_1355 : vector<16xf32>
          %swap3A_1374 = arith.index_cast %and3A_893 : i32 to index
          %swap3A_1375 = arith.index_cast %add3A_1352 : i32 to index
          %swap3A_1376 = arith.constant 16 : index
          %swap3A_1377 = tpu.vector_load %arg7[%swap3A_1374, %swap3A_1375, %swap3A_1376] {strides = array<i32>} : memref<4x128x32xf32, #tpu.memory_space<vmem>>, vector<1x1x16xf32>,
          %swap3A_1378 = vector.shape_cast %swap3A_1377 : vector<1x1x16xf32> to vector<16xf32>
          %swap3A_1379 = vector.shape_cast %mul3A_1373 : vector<16xf32> to vector<1x1x16xf32>
          tpu.vector_store %arg7[%swap3A_1374, %swap3A_1375, %swap3A_1376], %swap3A_1379 {strides = array<i32>} : memref<4x128x32xf32, #tpu.memory_space<vmem>>, vector<1x1x16xf32>,
          %mul3A_1380 = arith.constant 16 : i32
          %mul3A_1381 = arith.muli %add3A_940, %mul3A_1380 : i32
          %add3A_1382 = arith.constant 14 : i32
          %add3A_1383 = arith.addi %mul3A_1381, %add3A_1382 : i32
          %slice3A_1384 = vector.extract_strided_slice %bitcast_convert_type3A {offsets = [14], sizes = [1], strides = [1]} : vector<16xf32> to vector<1xf32>
          %squeeze3A_1385 = vector.extract %slice3A_1384[0] : f32 from vector<1xf32>
          %broadcast_in_dim3A_1386 = vector.broadcast %squeeze3A_1385 : f32 to vector<16xf32>
          %get3A_1387 = arith.index_cast %and3A_893 : i32 to index
          %get3A_1388 = arith.index_cast %add3A_1383 : i32 to index
          %get3A_1389 = arith.constant 0 : index
          %get3A_1390 = tpu.vector_load %arg7[%get3A_1387, %get3A_1388, %get3A_1389] {strides = array<i32>} : memref<4x128x32xf32, #tpu.memory_space<vmem>>, vector<1x1x16xf32>,
          %get3A_1391 = vector.shape_cast %get3A_1390 : vector<1x1x16xf32> to vector<16xf32>
          %mul3A_1392 = arith.mulf %get3A_1391, %broadcast_in_dim3A_1386 : vector<16xf32>
          %swap3A_1393 = arith.index_cast %and3A_893 : i32 to index
          %swap3A_1394 = arith.index_cast %add3A_1383 : i32 to index
          %swap3A_1395 = arith.constant 0 : index
          %swap3A_1396 = tpu.vector_load %arg7[%swap3A_1393, %swap3A_1394, %swap3A_1395] {strides = array<i32>} : memref<4x128x32xf32, #tpu.memory_space<vmem>>, vector<1x1x16xf32>,
          %swap3A_1397 = vector.shape_cast %swap3A_1396 : vector<1x1x16xf32> to vector<16xf32>
          %swap3A_1398 = vector.shape_cast %mul3A_1392 : vector<16xf32> to vector<1x1x16xf32>
          tpu.vector_store %arg7[%swap3A_1393, %swap3A_1394, %swap3A_1395], %swap3A_1398 {strides = array<i32>} : memref<4x128x32xf32, #tpu.memory_space<vmem>>, vector<1x1x16xf32>,
          %get3A_1399 = arith.index_cast %and3A_893 : i32 to index
          %get3A_1400 = arith.index_cast %add3A_1383 : i32 to index
          %get3A_1401 = arith.constant 16 : index
          %get3A_1402 = tpu.vector_load %arg7[%get3A_1399, %get3A_1400, %get3A_1401] {strides = array<i32>} : memref<4x128x32xf32, #tpu.memory_space<vmem>>, vector<1x1x16xf32>,
          %get3A_1403 = vector.shape_cast %get3A_1402 : vector<1x1x16xf32> to vector<16xf32>
          %mul3A_1404 = arith.mulf %get3A_1403, %broadcast_in_dim3A_1386 : vector<16xf32>
          %swap3A_1405 = arith.index_cast %and3A_893 : i32 to index
          %swap3A_1406 = arith.index_cast %add3A_1383 : i32 to index
          %swap3A_1407 = arith.constant 16 : index
          %swap3A_1408 = tpu.vector_load %arg7[%swap3A_1405, %swap3A_1406, %swap3A_1407] {strides = array<i32>} : memref<4x128x32xf32, #tpu.memory_space<vmem>>, vector<1x1x16xf32>,
          %swap3A_1409 = vector.shape_cast %swap3A_1408 : vector<1x1x16xf32> to vector<16xf32>
          %swap3A_1410 = vector.shape_cast %mul3A_1404 : vector<16xf32> to vector<1x1x16xf32>
          tpu.vector_store %arg7[%swap3A_1405, %swap3A_1406, %swap3A_1407], %swap3A_1410 {strides = array<i32>} : memref<4x128x32xf32, #tpu.memory_space<vmem>>, vector<1x1x16xf32>,
          %mul3A_1411 = arith.constant 16 : i32
          %mul3A_1412 = arith.muli %add3A_940, %mul3A_1411 : i32
          %add3A_1413 = arith.constant 15 : i32
          %add3A_1414 = arith.addi %mul3A_1412, %add3A_1413 : i32
          %slice3A_1415 = vector.extract_strided_slice %bitcast_convert_type3A {offsets = [15], sizes = [1], strides = [1]} : vector<16xf32> to vector<1xf32>
          %squeeze3A_1416 = vector.extract %slice3A_1415[0] : f32 from vector<1xf32>
          %broadcast_in_dim3A_1417 = vector.broadcast %squeeze3A_1416 : f32 to vector<16xf32>
          %get3A_1418 = arith.index_cast %and3A_893 : i32 to index
          %get3A_1419 = arith.index_cast %add3A_1414 : i32 to index
          %get3A_1420 = arith.constant 0 : index
          %get3A_1421 = tpu.vector_load %arg7[%get3A_1418, %get3A_1419, %get3A_1420] {strides = array<i32>} : memref<4x128x32xf32, #tpu.memory_space<vmem>>, vector<1x1x16xf32>,
          %get3A_1422 = vector.shape_cast %get3A_1421 : vector<1x1x16xf32> to vector<16xf32>
          %mul3A_1423 = arith.mulf %get3A_1422, %broadcast_in_dim3A_1417 : vector<16xf32>
          %swap3A_1424 = arith.index_cast %and3A_893 : i32 to index
          %swap3A_1425 = arith.index_cast %add3A_1414 : i32 to index
          %swap3A_1426 = arith.constant 0 : index
          %swap3A_1427 = tpu.vector_load %arg7[%swap3A_1424, %swap3A_1425, %swap3A_1426] {strides = array<i32>} : memref<4x128x32xf32, #tpu.memory_space<vmem>>, vector<1x1x16xf32>,
          %swap3A_1428 = vector.shape_cast %swap3A_1427 : vector<1x1x16xf32> to vector<16xf32>
          %swap3A_1429 = vector.shape_cast %mul3A_1423 : vector<16xf32> to vector<1x1x16xf32>
          tpu.vector_store %arg7[%swap3A_1424, %swap3A_1425, %swap3A_1426], %swap3A_1429 {strides = array<i32>} : memref<4x128x32xf32, #tpu.memory_space<vmem>>, vector<1x1x16xf32>,
          %get3A_1430 = arith.index_cast %and3A_893 : i32 to index
          %get3A_1431 = arith.index_cast %add3A_1414 : i32 to index
          %get3A_1432 = arith.constant 16 : index
          %get3A_1433 = tpu.vector_load %arg7[%get3A_1430, %get3A_1431, %get3A_1432] {strides = array<i32>} : memref<4x128x32xf32, #tpu.memory_space<vmem>>, vector<1x1x16xf32>,
          %get3A_1434 = vector.shape_cast %get3A_1433 : vector<1x1x16xf32> to vector<16xf32>
          %mul3A_1435 = arith.mulf %get3A_1434, %broadcast_in_dim3A_1417 : vector<16xf32>
          %swap3A_1436 = arith.index_cast %and3A_893 : i32 to index
          %swap3A_1437 = arith.index_cast %add3A_1414 : i32 to index
          %swap3A_1438 = arith.constant 16 : index
          %swap3A_1439 = tpu.vector_load %arg7[%swap3A_1436, %swap3A_1437, %swap3A_1438] {strides = array<i32>} : memref<4x128x32xf32, #tpu.memory_space<vmem>>, vector<1x1x16xf32>,
          %swap3A_1440 = vector.shape_cast %swap3A_1439 : vector<1x1x16xf32> to vector<16xf32>
          %swap3A_1441 = vector.shape_cast %mul3A_1435 : vector<16xf32> to vector<1x1x16xf32>
          tpu.vector_store %arg7[%swap3A_1436, %swap3A_1437, %swap3A_1438], %swap3A_1441 {strides = array<i32>} : memref<4x128x32xf32, #tpu.memory_space<vmem>>, vector<1x1x16xf32>,
        }
        %scan3A_924 = arith.constant 8 : i32
        %dma_start3A_925 = arith.constant 1 : i32
        %dma_start3A_926 = arith.constant 0 : i32
        %dma_start3A_927 = arith.constant 0 : i32
        %dma_start3A_928 = tpu.memref_slice %arg7[%and3A_893, %dma_start3A_926, %dma_start3A_927] : memref<4x128x32xf32, #tpu.memory_space<vmem>> -> memref<1x128x32xf32, #tpu.memory_space<vmem>>
        %dma_start3A_929 = tpu.memref_squeeze %dma_start3A_928 : memref<1x128x32xf32, #tpu.memory_space<vmem>> -> memref<128x32xf32, #tpu.memory_space<vmem>>
        %dma_start3A_930 = arith.constant 0 : i32
        %dma_start3A_931 = tpu.memref_slice %arg6[%and3A_796, %add3A_888, %dma_start3A_925, %dma_start3A_930] : memref<2x14x3x128xi32, #tpu.memory_space<vmem>> -> memref<1x1x1x128xi32, #tpu.memory_space<vmem>>
        %dma_start3A_932 = tpu.memref_squeeze %dma_start3A_931 : memref<1x1x1x128xi32, #tpu.memory_space<vmem>> -> memref<128xi32, #tpu.memory_space<vmem>>
        %dma_start3A_933 = arith.constant 0 : i32
        %dma_start3A_934 = arith.constant 0 : i32
        %dma_start3A_935 = tpu.memref_slice %arg5[%dma_start3A_933, %dma_start3A_934] : memref<50048x32xf32, #tpu.memory_space<vmem_shared>> -> memref<50048x32xf32, #tpu.memory_space<vmem_shared>>
        tpu.enqueue_indirect_dma source(%dma_start3A_929 : memref<128x32xf32, #tpu.memory_space<vmem>>) target(%dma_start3A_935 : memref<50048x32xf32, #tpu.memory_space<vmem_shared>>) offsets(%dma_start3A_932 : memref<128xi32, #tpu.memory_space<vmem>>) semaphore(%arg10 : memref<!tpu.dma_semaphore, #tpu.memory_space<semaphore_mem>>) {add = true}
      }
      %scan3A_864 = arith.constant 14 : i32
      %dma_wait3A_865 = arith.constant 0 : i32
      %dma_wait3A_866 = arith.constant 0 : i32
      %dma_wait3A_867 = arith.constant 0 : i32
      %dma_wait3A_868 = arith.constant 0 : i32
      %dma_wait3A_869 = tpu.memref_slice %arg6[%sub3A_806, %dma_wait3A_866, %dma_wait3A_867, %dma_wait3A_868] : memref<2x14x3x128xi32, #tpu.memory_space<vmem>> -> memref<1x14x3x128xi32, #tpu.memory_space<vmem>>
      %dma_wait3A_870 = tpu.memref_squeeze %dma_wait3A_869 : memref<1x14x3x128xi32, #tpu.memory_space<vmem>> -> memref<14x3x128xi32, #tpu.memory_space<vmem>>
      %dma_wait3A_871 = arith.constant 0 : i32
      %dma_wait3A_872 = arith.constant 0 : i32
      %dma_wait3A_873 = tpu.memref_slice %arg3[%dma_wait3A_865, %arg0, %add3A_805, %dma_wait3A_871, %dma_wait3A_872] : memref<2x2x6272x3x128xi32, #tpu.memory_space<hbm>> -> memref<1x1x14x3x128xi32, #tpu.memory_space<hbm>>
      %dma_wait3A_874 = tpu.memref_squeeze %dma_wait3A_873 : memref<1x1x14x3x128xi32, #tpu.memory_space<hbm>> -> memref<14x3x128xi32, #tpu.memory_space<hbm>>
      %dma_wait3A_875 = arith.constant 0 : i32
      %dma_wait3A_876 = arith.constant 0 : i32
      %dma_wait3A_877 = arith.constant 0 : i32
      %dma_wait3A_878 = tpu.memref_slice %arg6[%sub3A_806, %dma_wait3A_875, %dma_wait3A_876, %dma_wait3A_877] : memref<2x14x3x128xi32, #tpu.memory_space<vmem>> -> memref<1x14x3x128xi32, #tpu.memory_space<vmem>>
      %dma_wait3A_879 = tpu.memref_squeeze %dma_wait3A_878 : memref<1x14x3x128xi32, #tpu.memory_space<vmem>> -> memref<14x3x128xi32, #tpu.memory_space<vmem>>
      %dma_wait3A_880 = arith.constant 0 : i32
      %dma_wait3A_881 = arith.constant 0 : i32
      %dma_wait3A_882 = tpu.memref_slice %arg3[%dma_wait3A_865, %arg0, %add3A_805, %dma_wait3A_880, %dma_wait3A_881] : memref<2x2x6272x3x128xi32, #tpu.memory_space<hbm>> -> memref<1x1x14x3x128xi32, #tpu.memory_space<hbm>>
      %dma_wait3A_883 = tpu.memref_squeeze %dma_wait3A_882 : memref<1x1x14x3x128xi32, #tpu.memory_space<hbm>> -> memref<14x3x128xi32, #tpu.memory_space<hbm>>
      tpu.wait_dma2 semaphore(%arg11 : memref<!tpu.dma_semaphore, #tpu.memory_space<semaphore_mem>>) src(%dma_wait3A_883 : memref<14x3x128xi32, #tpu.memory_space<hbm>>) dst(%dma_wait3A_879 : memref<14x3x128xi32, #tpu.memory_space<vmem>>)
    }
    %scan3A_352 = arith.constant 28 : i32
    %dma_wait3A_353 = arith.constant 0 : i32
    %dma_wait3A_354 = arith.constant 0 : i32
    %dma_wait3A_355 = arith.constant 0 : i32
    %dma_wait3A_356 = tpu.memref_slice %arg7[%dma_wait3A_353, %dma_wait3A_354, %dma_wait3A_355] : memref<4x128x32xf32, #tpu.memory_space<vmem>> -> memref<1x128x32xf32, #tpu.memory_space<vmem>>
    %dma_wait3A_357 = tpu.memref_squeeze %dma_wait3A_356 : memref<1x128x32xf32, #tpu.memory_space<vmem>> -> memref<128x32xf32, #tpu.memory_space<vmem>>
    %dma_wait3A_358 = arith.constant 0 : i32
    %dma_wait3A_359 = arith.constant 0 : i32
    %dma_wait3A_360 = tpu.memref_slice %arg2[%dma_wait3A_358, %dma_wait3A_359] : memref<100000x32xf32, #tpu.memory_space<hbm>> -> memref<128x32xf32, #tpu.memory_space<hbm>>
    %dma_wait3A_361 = arith.constant 0 : i32
    %dma_wait3A_362 = arith.constant 0 : i32
    %dma_wait3A_363 = tpu.memref_slice %arg7[%dma_wait3A_353, %dma_wait3A_361, %dma_wait3A_362] : memref<4x128x32xf32, #tpu.memory_space<vmem>> -> memref<1x128x32xf32, #tpu.memory_space<vmem>>
    %dma_wait3A_364 = tpu.memref_squeeze %dma_wait3A_363 : memref<1x128x32xf32, #tpu.memory_space<vmem>> -> memref<128x32xf32, #tpu.memory_space<vmem>>
    %dma_wait3A_365 = arith.constant 0 : i32
    %dma_wait3A_366 = arith.constant 0 : i32
    %dma_wait3A_367 = tpu.memref_slice %arg2[%dma_wait3A_365, %dma_wait3A_366] : memref<100000x32xf32, #tpu.memory_space<hbm>> -> memref<128x32xf32, #tpu.memory_space<hbm>>
    tpu.wait_dma2 semaphore(%arg10 : memref<!tpu.dma_semaphore, #tpu.memory_space<semaphore_mem>>) src(%dma_wait3A_367 : memref<128x32xf32, #tpu.memory_space<hbm>>) dst(%dma_wait3A_364 : memref<128x32xf32, #tpu.memory_space<vmem>>)
    %dma_wait3A_368 = arith.constant 0 : i32
    %dma_wait3A_369 = arith.constant 0 : i32
    %dma_wait3A_370 = arith.constant 0 : i32
    %dma_wait3A_371 = tpu.memref_slice %arg7[%dma_wait3A_368, %dma_wait3A_369, %dma_wait3A_370] : memref<4x128x32xf32, #tpu.memory_space<vmem>> -> memref<1x128x32xf32, #tpu.memory_space<vmem>>
    %dma_wait3A_372 = tpu.memref_squeeze %dma_wait3A_371 : memref<1x128x32xf32, #tpu.memory_space<vmem>> -> memref<128x32xf32, #tpu.memory_space<vmem>>
    %dma_wait3A_373 = arith.constant 0 : i32
    %dma_wait3A_374 = arith.constant 0 : i32
    %dma_wait3A_375 = tpu.memref_slice %arg2[%dma_wait3A_373, %dma_wait3A_374] : memref<100000x32xf32, #tpu.memory_space<hbm>> -> memref<128x32xf32, #tpu.memory_space<hbm>>
    %dma_wait3A_376 = arith.constant 0 : i32
    %dma_wait3A_377 = arith.constant 0 : i32
    %dma_wait3A_378 = tpu.memref_slice %arg7[%dma_wait3A_368, %dma_wait3A_376, %dma_wait3A_377] : memref<4x128x32xf32, #tpu.memory_space<vmem>> -> memref<1x128x32xf32, #tpu.memory_space<vmem>>
    %dma_wait3A_379 = tpu.memref_squeeze %dma_wait3A_378 : memref<1x128x32xf32, #tpu.memory_space<vmem>> -> memref<128x32xf32, #tpu.memory_space<vmem>>
    %dma_wait3A_380 = arith.constant 0 : i32
    %dma_wait3A_381 = arith.constant 0 : i32
    %dma_wait3A_382 = tpu.memref_slice %arg2[%dma_wait3A_380, %dma_wait3A_381] : memref<100000x32xf32, #tpu.memory_space<hbm>> -> memref<128x32xf32, #tpu.memory_space<hbm>>
    tpu.wait_dma2 semaphore(%arg10 : memref<!tpu.dma_semaphore, #tpu.memory_space<semaphore_mem>>) src(%dma_wait3A_382 : memref<128x32xf32, #tpu.memory_space<hbm>>) dst(%dma_wait3A_379 : memref<128x32xf32, #tpu.memory_space<vmem>>)
    %barrier3A_383 = arith.constant 0 : index
    tpu.barrier barrier_id(%barrier3A_383)
    %mul3A_384 = arith.constant 3128 : i32
    %mul3A_385 = arith.muli %arg1, %mul3A_384 : i32
    %lt3A = arith.constant 15 : i32
    %lt3A_386 = arith.cmpi slt, %arg1, %lt3A : i32
    %convert_element_type3A = arith.extui %lt3A_386 : i1 to i32
    %cond3A = arith.constant 0 : i32
    %cond3A_387 = arith.cmpi ne, %convert_element_type3A, %cond3A : i32
    scf.if %cond3A_387 {
      %run_scoped3A_791 = arith.constant 0 : i32
      "tpu.region"() ({
        %run_scoped3A_792 = tpu.sem_alloc : memref<!tpu.dma_semaphore, #tpu.memory_space<semaphore_mem>>
        %dma_start3A_793 = arith.constant 0 : i32
        %dma_start3A_794 = tpu.memref_slice %arg4[%arg0, %run_scoped3A_791, %mul3A_385, %dma_start3A_793] : memref<2x2x50000x32xf32, #tpu.memory_space<hbm>> -> memref<1x1x3128x32xf32, #tpu.memory_space<hbm>>
        %dma_start3A_795 = tpu.memref_squeeze %dma_start3A_794 : memref<1x1x3128x32xf32, #tpu.memory_space<hbm>> -> memref<3128x32xf32, #tpu.memory_space<hbm>>
        %dma_start3A_796 = arith.constant 0 : i32
        %dma_start3A_797 = tpu.memref_slice %arg5[%mul3A_385, %dma_start3A_796] : memref<50048x32xf32, #tpu.memory_space<vmem_shared>> -> memref<3128x32xf32, #tpu.memory_space<vmem_shared>>
        tpu.enqueue_dma source(%dma_start3A_797 : memref<3128x32xf32, #tpu.memory_space<vmem_shared>>) target(%dma_start3A_795 : memref<3128x32xf32, #tpu.memory_space<hbm>>) target_semaphore(%run_scoped3A_792 : memref<!tpu.dma_semaphore, #tpu.memory_space<semaphore_mem>>)
        %dma_wait3A_798 = arith.constant 0 : i32
        %dma_wait3A_799 = tpu.memref_slice %arg4[%arg0, %run_scoped3A_791, %mul3A_385, %dma_wait3A_798] : memref<2x2x50000x32xf32, #tpu.memory_space<hbm>> -> memref<1x1x3128x32xf32, #tpu.memory_space<hbm>>
        %dma_wait3A_800 = tpu.memref_squeeze %dma_wait3A_799 : memref<1x1x3128x32xf32, #tpu.memory_space<hbm>> -> memref<3128x32xf32, #tpu.memory_space<hbm>>
        %dma_wait3A_801 = arith.constant 0 : i32
        %dma_wait3A_802 = tpu.memref_slice %arg5[%mul3A_385, %dma_wait3A_801] : memref<50048x32xf32, #tpu.memory_space<vmem_shared>> -> memref<3128x32xf32, #tpu.memory_space<vmem_shared>>
        tpu.wait_dma2 semaphore(%run_scoped3A_792 : memref<!tpu.dma_semaphore, #tpu.memory_space<semaphore_mem>>) src(%dma_wait3A_802 : memref<3128x32xf32, #tpu.memory_space<vmem_shared>>) dst(%dma_wait3A_800 : memref<3128x32xf32, #tpu.memory_space<hbm>>)
        tpu.yield
      }) : () -> ()
    } else {
    }
    %eq3A = arith.constant 15 : i32
    %eq3A_388 = arith.cmpi eq, %arg1, %eq3A : i32
    %convert_element_type3A_389 = arith.extui %eq3A_388 : i1 to i32
    %cond3A_390 = arith.constant 0 : i32
    %cond3A_391 = arith.cmpi ne, %convert_element_type3A_389, %cond3A_390 : i32
    scf.if %cond3A_391 {
      %run_scoped3A_791 = arith.constant 0 : i32
      "tpu.region"() ({
        %run_scoped3A_792 = tpu.sem_alloc : memref<!tpu.dma_semaphore, #tpu.memory_space<semaphore_mem>>
        %dma_start3A_793 = arith.constant 0 : i32
        %dma_start3A_794 = tpu.memref_slice %arg4[%arg0, %run_scoped3A_791, %mul3A_385, %dma_start3A_793] : memref<2x2x50000x32xf32, #tpu.memory_space<hbm>> -> memref<1x1x3080x32xf32, #tpu.memory_space<hbm>>
        %dma_start3A_795 = tpu.memref_squeeze %dma_start3A_794 : memref<1x1x3080x32xf32, #tpu.memory_space<hbm>> -> memref<3080x32xf32, #tpu.memory_space<hbm>>
        %dma_start3A_796 = arith.constant 0 : i32
        %dma_start3A_797 = tpu.memref_slice %arg5[%mul3A_385, %dma_start3A_796] : memref<50048x32xf32, #tpu.memory_space<vmem_shared>> -> memref<3080x32xf32, #tpu.memory_space<vmem_shared>>
        tpu.enqueue_dma source(%dma_start3A_797 : memref<3080x32xf32, #tpu.memory_space<vmem_shared>>) target(%dma_start3A_795 : memref<3080x32xf32, #tpu.memory_space<hbm>>) target_semaphore(%run_scoped3A_792 : memref<!tpu.dma_semaphore, #tpu.memory_space<semaphore_mem>>)
        %dma_wait3A_798 = arith.constant 0 : i32
        %dma_wait3A_799 = tpu.memref_slice %arg4[%arg0, %run_scoped3A_791, %mul3A_385, %dma_wait3A_798] : memref<2x2x50000x32xf32, #tpu.memory_space<hbm>> -> memref<1x1x3080x32xf32, #tpu.memory_space<hbm>>
        %dma_wait3A_800 = tpu.memref_squeeze %dma_wait3A_799 : memref<1x1x3080x32xf32, #tpu.memory_space<hbm>> -> memref<3080x32xf32, #tpu.memory_space<hbm>>
        %dma_wait3A_801 = arith.constant 0 : i32
        %dma_wait3A_802 = tpu.memref_slice %arg5[%mul3A_385, %dma_wait3A_801] : memref<50048x32xf32, #tpu.memory_space<vmem_shared>> -> memref<3080x32xf32, #tpu.memory_space<vmem_shared>>
        tpu.wait_dma2 semaphore(%run_scoped3A_792 : memref<!tpu.dma_semaphore, #tpu.memory_space<semaphore_mem>>) src(%dma_wait3A_802 : memref<3080x32xf32, #tpu.memory_space<vmem_shared>>) dst(%dma_wait3A_800 : memref<3080x32xf32, #tpu.memory_space<hbm>>)
        tpu.yield
      }) : () -> ()
    } else {
    }
    %barrier3A_392 = arith.constant 0 : index
    tpu.barrier barrier_id(%barrier3A_392)
    %mul3A_393 = arith.constant 3128 : i32
    %mul3A_394 = arith.muli %arg1, %mul3A_393 : i32
    %add3A_395 = arith.constant 0 : i32
    %add3A_396 = arith.addi %mul3A_394, %add3A_395 : i32
    %dma_start3A_397 = arith.constant 0 : i32
    %dma_start3A_398 = tpu.memref_slice %arg5[%add3A_396, %dma_start3A_397] : memref<50048x32xf32, #tpu.memory_space<vmem_shared>> -> memref<96x32xf32, #tpu.memory_space<vmem_shared>>
    %dma_start3A_399 = arith.constant 0 : i32
    %dma_start3A_400 = tpu.memref_slice %arg5[%add3A_396, %dma_start3A_399] : memref<50048x32xf32, #tpu.memory_space<vmem_shared>> -> memref<96x32xf32, #tpu.memory_space<vmem_shared>>
    tpu.enqueue_dma source(%arg8 : memref<96x32xf32, #tpu.memory_space<vmem>>) target(%dma_start3A_400 : memref<96x32xf32, #tpu.memory_space<vmem_shared>>) target_semaphore(%arg9 : memref<!tpu.dma_semaphore, #tpu.memory_space<semaphore_mem>>)
    %add3A_401 = arith.constant 96 : i32
    %add3A_402 = arith.addi %mul3A_394, %add3A_401 : i32
    %dma_start3A_403 = arith.constant 0 : i32
    %dma_start3A_404 = tpu.memref_slice %arg5[%add3A_402, %dma_start3A_403] : memref<50048x32xf32, #tpu.memory_space<vmem_shared>> -> memref<96x32xf32, #tpu.memory_space<vmem_shared>>
    %dma_start3A_405 = arith.constant 0 : i32
    %dma_start3A_406 = tpu.memref_slice %arg5[%add3A_402, %dma_start3A_405] : memref<50048x32xf32, #tpu.memory_space<vmem_shared>> -> memref<96x32xf32, #tpu.memory_space<vmem_shared>>
    tpu.enqueue_dma source(%arg8 : memref<96x32xf32, #tpu.memory_space<vmem>>) target(%dma_start3A_406 : memref<96x32xf32, #tpu.memory_space<vmem_shared>>) target_semaphore(%arg9 : memref<!tpu.dma_semaphore, #tpu.memory_space<semaphore_mem>>)
    %add3A_407 = arith.constant 192 : i32
    %add3A_408 = arith.addi %mul3A_394, %add3A_407 : i32
    %dma_start3A_409 = arith.constant 0 : i32
    %dma_start3A_410 = tpu.memref_slice %arg5[%add3A_408, %dma_start3A_409] : memref<50048x32xf32, #tpu.memory_space<vmem_shared>> -> memref<96x32xf32, #tpu.memory_space<vmem_shared>>
    %dma_start3A_411 = arith.constant 0 : i32
    %dma_start3A_412 = tpu.memref_slice %arg5[%add3A_408, %dma_start3A_411] : memref<50048x32xf32, #tpu.memory_space<vmem_shared>> -> memref<96x32xf32, #tpu.memory_space<vmem_shared>>
    tpu.enqueue_dma source(%arg8 : memref<96x32xf32, #tpu.memory_space<vmem>>) target(%dma_start3A_412 : memref<96x32xf32, #tpu.memory_space<vmem_shared>>) target_semaphore(%arg9 : memref<!tpu.dma_semaphore, #tpu.memory_space<semaphore_mem>>)
    %add3A_413 = arith.constant 288 : i32
    %add3A_414 = arith.addi %mul3A_394, %add3A_413 : i32
    %dma_start3A_415 = arith.constant 0 : i32
    %dma_start3A_416 = tpu.memref_slice %arg5[%add3A_414, %dma_start3A_415] : memref<50048x32xf32, #tpu.memory_space<vmem_shared>> -> memref<96x32xf32, #tpu.memory_space<vmem_shared>>
    %dma_start3A_417 = arith.constant 0 : i32
    %dma_start3A_418 = tpu.memref_slice %arg5[%add3A_414, %dma_start3A_417] : memref<50048x32xf32, #tpu.memory_space<vmem_shared>> -> memref<96x32xf32, #tpu.memory_space<vmem_shared>>
    tpu.enqueue_dma source(%arg8 : memref<96x32xf32, #tpu.memory_space<vmem>>) target(%dma_start3A_418 : memref<96x32xf32, #tpu.memory_space<vmem_shared>>) target_semaphore(%arg9 : memref<!tpu.dma_semaphore, #tpu.memory_space<semaphore_mem>>)
    %add3A_419 = arith.constant 384 : i32
    %add3A_420 = arith.addi %mul3A_394, %add3A_419 : i32
    %dma_start3A_421 = arith.constant 0 : i32
    %dma_start3A_422 = tpu.memref_slice %arg5[%add3A_420, %dma_start3A_421] : memref<50048x32xf32, #tpu.memory_space<vmem_shared>> -> memref<96x32xf32, #tpu.memory_space<vmem_shared>>
    %dma_start3A_423 = arith.constant 0 : i32
    %dma_start3A_424 = tpu.memref_slice %arg5[%add3A_420, %dma_start3A_423] : memref<50048x32xf32, #tpu.memory_space<vmem_shared>> -> memref<96x32xf32, #tpu.memory_space<vmem_shared>>
    tpu.enqueue_dma source(%arg8 : memref<96x32xf32, #tpu.memory_space<vmem>>) target(%dma_start3A_424 : memref<96x32xf32, #tpu.memory_space<vmem_shared>>) target_semaphore(%arg9 : memref<!tpu.dma_semaphore, #tpu.memory_space<semaphore_mem>>)
    %add3A_425 = arith.constant 480 : i32
    %add3A_426 = arith.addi %mul3A_394, %add3A_425 : i32
    %dma_start3A_427 = arith.constant 0 : i32
    %dma_start3A_428 = tpu.memref_slice %arg5[%add3A_426, %dma_start3A_427] : memref<50048x32xf32, #tpu.memory_space<vmem_shared>> -> memref<96x32xf32, #tpu.memory_space<vmem_shared>>
    %dma_start3A_429 = arith.constant 0 : i32
    %dma_start3A_430 = tpu.memref_slice %arg5[%add3A_426, %dma_start3A_429] : memref<50048x32xf32, #tpu.memory_space<vmem_shared>> -> memref<96x32xf32, #tpu.memory_space<vmem_shared>>
    tpu.enqueue_dma source(%arg8 : memref<96x32xf32, #tpu.memory_space<vmem>>) target(%dma_start3A_430 : memref<96x32xf32, #tpu.memory_space<vmem_shared>>) target_semaphore(%arg9 : memref<!tpu.dma_semaphore, #tpu.memory_space<semaphore_mem>>)
    %add3A_431 = arith.constant 576 : i32
    %add3A_432 = arith.addi %mul3A_394, %add3A_431 : i32
    %dma_start3A_433 = arith.constant 0 : i32
    %dma_start3A_434 = tpu.memref_slice %arg5[%add3A_432, %dma_start3A_433] : memref<50048x32xf32, #tpu.memory_space<vmem_shared>> -> memref<96x32xf32, #tpu.memory_space<vmem_shared>>
    %dma_start3A_435 = arith.constant 0 : i32
    %dma_start3A_436 = tpu.memref_slice %arg5[%add3A_432, %dma_start3A_435] : memref<50048x32xf32, #tpu.memory_space<vmem_shared>> -> memref<96x32xf32, #tpu.memory_space<vmem_shared>>
    tpu.enqueue_dma source(%arg8 : memref<96x32xf32, #tpu.memory_space<vmem>>) target(%dma_start3A_436 : memref<96x32xf32, #tpu.memory_space<vmem_shared>>) target_semaphore(%arg9 : memref<!tpu.dma_semaphore, #tpu.memory_space<semaphore_mem>>)
    %add3A_437 = arith.constant 672 : i32
    %add3A_438 = arith.addi %mul3A_394, %add3A_437 : i32
    %dma_start3A_439 = arith.constant 0 : i32
    %dma_start3A_440 = tpu.memref_slice %arg5[%add3A_438, %dma_start3A_439] : memref<50048x32xf32, #tpu.memory_space<vmem_shared>> -> memref<96x32xf32, #tpu.memory_space<vmem_shared>>
    %dma_start3A_441 = arith.constant 0 : i32
    %dma_start3A_442 = tpu.memref_slice %arg5[%add3A_438, %dma_start3A_441] : memref<50048x32xf32, #tpu.memory_space<vmem_shared>> -> memref<96x32xf32, #tpu.memory_space<vmem_shared>>
    tpu.enqueue_dma source(%arg8 : memref<96x32xf32, #tpu.memory_space<vmem>>) target(%dma_start3A_442 : memref<96x32xf32, #tpu.memory_space<vmem_shared>>) target_semaphore(%arg9 : memref<!tpu.dma_semaphore, #tpu.memory_space<semaphore_mem>>)
    %add3A_443 = arith.constant 768 : i32
    %add3A_444 = arith.addi %mul3A_394, %add3A_443 : i32
    %dma_start3A_445 = arith.constant 0 : i32
    %dma_start3A_446 = tpu.memref_slice %arg5[%add3A_444, %dma_start3A_445] : memref<50048x32xf32, #tpu.memory_space<vmem_shared>> -> memref<96x32xf32, #tpu.memory_space<vmem_shared>>
    %dma_start3A_447 = arith.constant 0 : i32
    %dma_start3A_448 = tpu.memref_slice %arg5[%add3A_444, %dma_start3A_447] : memref<50048x32xf32, #tpu.memory_space<vmem_shared>> -> memref<96x32xf32, #tpu.memory_space<vmem_shared>>
    tpu.enqueue_dma source(%arg8 : memref<96x32xf32, #tpu.memory_space<vmem>>) target(%dma_start3A_448 : memref<96x32xf32, #tpu.memory_space<vmem_shared>>) target_semaphore(%arg9 : memref<!tpu.dma_semaphore, #tpu.memory_space<semaphore_mem>>)
    %add3A_449 = arith.constant 864 : i32
    %add3A_450 = arith.addi %mul3A_394, %add3A_449 : i32
    %dma_start3A_451 = arith.constant 0 : i32
    %dma_start3A_452 = tpu.memref_slice %arg5[%add3A_450, %dma_start3A_451] : memref<50048x32xf32, #tpu.memory_space<vmem_shared>> -> memref<96x32xf32, #tpu.memory_space<vmem_shared>>
    %dma_start3A_453 = arith.constant 0 : i32
    %dma_start3A_454 = tpu.memref_slice %arg5[%add3A_450, %dma_start3A_453] : memref<50048x32xf32, #tpu.memory_space<vmem_shared>> -> memref<96x32xf32, #tpu.memory_space<vmem_shared>>
    tpu.enqueue_dma source(%arg8 : memref<96x32xf32, #tpu.memory_space<vmem>>) target(%dma_start3A_454 : memref<96x32xf32, #tpu.memory_space<vmem_shared>>) target_semaphore(%arg9 : memref<!tpu.dma_semaphore, #tpu.memory_space<semaphore_mem>>)
    %add3A_455 = arith.constant 960 : i32
    %add3A_456 = arith.addi %mul3A_394, %add3A_455 : i32
    %dma_start3A_457 = arith.constant 0 : i32
    %dma_start3A_458 = tpu.memref_slice %arg5[%add3A_456, %dma_start3A_457] : memref<50048x32xf32, #tpu.memory_space<vmem_shared>> -> memref<96x32xf32, #tpu.memory_space<vmem_shared>>
    %dma_start3A_459 = arith.constant 0 : i32
    %dma_start3A_460 = tpu.memref_slice %arg5[%add3A_456, %dma_start3A_459] : memref<50048x32xf32, #tpu.memory_space<vmem_shared>> -> memref<96x32xf32, #tpu.memory_space<vmem_shared>>
    tpu.enqueue_dma source(%arg8 : memref<96x32xf32, #tpu.memory_space<vmem>>) target(%dma_start3A_460 : memref<96x32xf32, #tpu.memory_space<vmem_shared>>) target_semaphore(%arg9 : memref<!tpu.dma_semaphore, #tpu.memory_space<semaphore_mem>>)
    %add3A_461 = arith.constant 1056 : i32
    %add3A_462 = arith.addi %mul3A_394, %add3A_461 : i32
    %dma_start3A_463 = arith.constant 0 : i32
    %dma_start3A_464 = tpu.memref_slice %arg5[%add3A_462, %dma_start3A_463] : memref<50048x32xf32, #tpu.memory_space<vmem_shared>> -> memref<96x32xf32, #tpu.memory_space<vmem_shared>>
    %dma_start3A_465 = arith.constant 0 : i32
    %dma_start3A_466 = tpu.memref_slice %arg5[%add3A_462, %dma_start3A_465] : memref<50048x32xf32, #tpu.memory_space<vmem_shared>> -> memref<96x32xf32, #tpu.memory_space<vmem_shared>>
    tpu.enqueue_dma source(%arg8 : memref<96x32xf32, #tpu.memory_space<vmem>>) target(%dma_start3A_466 : memref<96x32xf32, #tpu.memory_space<vmem_shared>>) target_semaphore(%arg9 : memref<!tpu.dma_semaphore, #tpu.memory_space<semaphore_mem>>)
    %add3A_467 = arith.constant 1152 : i32
    %add3A_468 = arith.addi %mul3A_394, %add3A_467 : i32
    %dma_start3A_469 = arith.constant 0 : i32
    %dma_start3A_470 = tpu.memref_slice %arg5[%add3A_468, %dma_start3A_469] : memref<50048x32xf32, #tpu.memory_space<vmem_shared>> -> memref<96x32xf32, #tpu.memory_space<vmem_shared>>
    %dma_start3A_471 = arith.constant 0 : i32
    %dma_start3A_472 = tpu.memref_slice %arg5[%add3A_468, %dma_start3A_471] : memref<50048x32xf32, #tpu.memory_space<vmem_shared>> -> memref<96x32xf32, #tpu.memory_space<vmem_shared>>
    tpu.enqueue_dma source(%arg8 : memref<96x32xf32, #tpu.memory_space<vmem>>) target(%dma_start3A_472 : memref<96x32xf32, #tpu.memory_space<vmem_shared>>) target_semaphore(%arg9 : memref<!tpu.dma_semaphore, #tpu.memory_space<semaphore_mem>>)
    %add3A_473 = arith.constant 1248 : i32
    %add3A_474 = arith.addi %mul3A_394, %add3A_473 : i32
    %dma_start3A_475 = arith.constant 0 : i32
    %dma_start3A_476 = tpu.memref_slice %arg5[%add3A_474, %dma_start3A_475] : memref<50048x32xf32, #tpu.memory_space<vmem_shared>> -> memref<96x32xf32, #tpu.memory_space<vmem_shared>>
    %dma_start3A_477 = arith.constant 0 : i32
    %dma_start3A_478 = tpu.memref_slice %arg5[%add3A_474, %dma_start3A_477] : memref<50048x32xf32, #tpu.memory_space<vmem_shared>> -> memref<96x32xf32, #tpu.memory_space<vmem_shared>>
    tpu.enqueue_dma source(%arg8 : memref<96x32xf32, #tpu.memory_space<vmem>>) target(%dma_start3A_478 : memref<96x32xf32, #tpu.memory_space<vmem_shared>>) target_semaphore(%arg9 : memref<!tpu.dma_semaphore, #tpu.memory_space<semaphore_mem>>)
    %add3A_479 = arith.constant 1344 : i32
    %add3A_480 = arith.addi %mul3A_394, %add3A_479 : i32
    %dma_start3A_481 = arith.constant 0 : i32
    %dma_start3A_482 = tpu.memref_slice %arg5[%add3A_480, %dma_start3A_481] : memref<50048x32xf32, #tpu.memory_space<vmem_shared>> -> memref<96x32xf32, #tpu.memory_space<vmem_shared>>
    %dma_start3A_483 = arith.constant 0 : i32
    %dma_start3A_484 = tpu.memref_slice %arg5[%add3A_480, %dma_start3A_483] : memref<50048x32xf32, #tpu.memory_space<vmem_shared>> -> memref<96x32xf32, #tpu.memory_space<vmem_shared>>
    tpu.enqueue_dma source(%arg8 : memref<96x32xf32, #tpu.memory_space<vmem>>) target(%dma_start3A_484 : memref<96x32xf32, #tpu.memory_space<vmem_shared>>) target_semaphore(%arg9 : memref<!tpu.dma_semaphore, #tpu.memory_space<semaphore_mem>>)
    %add3A_485 = arith.constant 1440 : i32
    %add3A_486 = arith.addi %mul3A_394, %add3A_485 : i32
    %dma_start3A_487 = arith.constant 0 : i32
    %dma_start3A_488 = tpu.memref_slice %arg5[%add3A_486, %dma_start3A_487] : memref<50048x32xf32, #tpu.memory_space<vmem_shared>> -> memref<96x32xf32, #tpu.memory_space<vmem_shared>>
    %dma_start3A_489 = arith.constant 0 : i32
    %dma_start3A_490 = tpu.memref_slice %arg5[%add3A_486, %dma_start3A_489] : memref<50048x32xf32, #tpu.memory_space<vmem_shared>> -> memref<96x32xf32, #tpu.memory_space<vmem_shared>>
    tpu.enqueue_dma source(%arg8 : memref<96x32xf32, #tpu.memory_space<vmem>>) target(%dma_start3A_490 : memref<96x32xf32, #tpu.memory_space<vmem_shared>>) target_semaphore(%arg9 : memref<!tpu.dma_semaphore, #tpu.memory_space<semaphore_mem>>)
    %add3A_491 = arith.constant 1536 : i32
    %add3A_492 = arith.addi %mul3A_394, %add3A_491 : i32
    %dma_start3A_493 = arith.constant 0 : i32
    %dma_start3A_494 = tpu.memref_slice %arg5[%add3A_492, %dma_start3A_493] : memref<50048x32xf32, #tpu.memory_space<vmem_shared>> -> memref<96x32xf32, #tpu.memory_space<vmem_shared>>
    %dma_start3A_495 = arith.constant 0 : i32
    %dma_start3A_496 = tpu.memref_slice %arg5[%add3A_492, %dma_start3A_495] : memref<50048x32xf32, #tpu.memory_space<vmem_shared>> -> memref<96x32xf32, #tpu.memory_space<vmem_shared>>
    tpu.enqueue_dma source(%arg8 : memref<96x32xf32, #tpu.memory_space<vmem>>) target(%dma_start3A_496 : memref<96x32xf32, #tpu.memory_space<vmem_shared>>) target_semaphore(%arg9 : memref<!tpu.dma_semaphore, #tpu.memory_space<semaphore_mem>>)
    %add3A_497 = arith.constant 1632 : i32
    %add3A_498 = arith.addi %mul3A_394, %add3A_497 : i32
    %dma_start3A_499 = arith.constant 0 : i32
    %dma_start3A_500 = tpu.memref_slice %arg5[%add3A_498, %dma_start3A_499] : memref<50048x32xf32, #tpu.memory_space<vmem_shared>> -> memref<96x32xf32, #tpu.memory_space<vmem_shared>>
    %dma_start3A_501 = arith.constant 0 : i32
    %dma_start3A_502 = tpu.memref_slice %arg5[%add3A_498, %dma_start3A_501] : memref<50048x32xf32, #tpu.memory_space<vmem_shared>> -> memref<96x32xf32, #tpu.memory_space<vmem_shared>>
    tpu.enqueue_dma source(%arg8 : memref<96x32xf32, #tpu.memory_space<vmem>>) target(%dma_start3A_502 : memref<96x32xf32, #tpu.memory_space<vmem_shared>>) target_semaphore(%arg9 : memref<!tpu.dma_semaphore, #tpu.memory_space<semaphore_mem>>)
    %add3A_503 = arith.constant 1728 : i32
    %add3A_504 = arith.addi %mul3A_394, %add3A_503 : i32
    %dma_start3A_505 = arith.constant 0 : i32
    %dma_start3A_506 = tpu.memref_slice %arg5[%add3A_504, %dma_start3A_505] : memref<50048x32xf32, #tpu.memory_space<vmem_shared>> -> memref<96x32xf32, #tpu.memory_space<vmem_shared>>
    %dma_start3A_507 = arith.constant 0 : i32
    %dma_start3A_508 = tpu.memref_slice %arg5[%add3A_504, %dma_start3A_507] : memref<50048x32xf32, #tpu.memory_space<vmem_shared>> -> memref<96x32xf32, #tpu.memory_space<vmem_shared>>
    tpu.enqueue_dma source(%arg8 : memref<96x32xf32, #tpu.memory_space<vmem>>) target(%dma_start3A_508 : memref<96x32xf32, #tpu.memory_space<vmem_shared>>) target_semaphore(%arg9 : memref<!tpu.dma_semaphore, #tpu.memory_space<semaphore_mem>>)
    %add3A_509 = arith.constant 1824 : i32
    %add3A_510 = arith.addi %mul3A_394, %add3A_509 : i32
    %dma_start3A_511 = arith.constant 0 : i32
    %dma_start3A_512 = tpu.memref_slice %arg5[%add3A_510, %dma_start3A_511] : memref<50048x32xf32, #tpu.memory_space<vmem_shared>> -> memref<96x32xf32, #tpu.memory_space<vmem_shared>>
    %dma_start3A_513 = arith.constant 0 : i32
    %dma_start3A_514 = tpu.memref_slice %arg5[%add3A_510, %dma_start3A_513] : memref<50048x32xf32, #tpu.memory_space<vmem_shared>> -> memref<96x32xf32, #tpu.memory_space<vmem_shared>>
    tpu.enqueue_dma source(%arg8 : memref<96x32xf32, #tpu.memory_space<vmem>>) target(%dma_start3A_514 : memref<96x32xf32, #tpu.memory_space<vmem_shared>>) target_semaphore(%arg9 : memref<!tpu.dma_semaphore, #tpu.memory_space<semaphore_mem>>)
    %add3A_515 = arith.constant 1920 : i32
    %add3A_516 = arith.addi %mul3A_394, %add3A_515 : i32
    %dma_start3A_517 = arith.constant 0 : i32
    %dma_start3A_518 = tpu.memref_slice %arg5[%add3A_516, %dma_start3A_517] : memref<50048x32xf32, #tpu.memory_space<vmem_shared>> -> memref<96x32xf32, #tpu.memory_space<vmem_shared>>
    %dma_start3A_519 = arith.constant 0 : i32
    %dma_start3A_520 = tpu.memref_slice %arg5[%add3A_516, %dma_start3A_519] : memref<50048x32xf32, #tpu.memory_space<vmem_shared>> -> memref<96x32xf32, #tpu.memory_space<vmem_shared>>
    tpu.enqueue_dma source(%arg8 : memref<96x32xf32, #tpu.memory_space<vmem>>) target(%dma_start3A_520 : memref<96x32xf32, #tpu.memory_space<vmem_shared>>) target_semaphore(%arg9 : memref<!tpu.dma_semaphore, #tpu.memory_space<semaphore_mem>>)
    %add3A_521 = arith.constant 2016 : i32
    %add3A_522 = arith.addi %mul3A_394, %add3A_521 : i32
    %dma_start3A_523 = arith.constant 0 : i32
    %dma_start3A_524 = tpu.memref_slice %arg5[%add3A_522, %dma_start3A_523] : memref<50048x32xf32, #tpu.memory_space<vmem_shared>> -> memref<96x32xf32, #tpu.memory_space<vmem_shared>>
    %dma_start3A_525 = arith.constant 0 : i32
    %dma_start3A_526 = tpu.memref_slice %arg5[%add3A_522, %dma_start3A_525] : memref<50048x32xf32, #tpu.memory_space<vmem_shared>> -> memref<96x32xf32, #tpu.memory_space<vmem_shared>>
    tpu.enqueue_dma source(%arg8 : memref<96x32xf32, #tpu.memory_space<vmem>>) target(%dma_start3A_526 : memref<96x32xf32, #tpu.memory_space<vmem_shared>>) target_semaphore(%arg9 : memref<!tpu.dma_semaphore, #tpu.memory_space<semaphore_mem>>)
    %add3A_527 = arith.constant 2112 : i32
    %add3A_528 = arith.addi %mul3A_394, %add3A_527 : i32
    %dma_start3A_529 = arith.constant 0 : i32
    %dma_start3A_530 = tpu.memref_slice %arg5[%add3A_528, %dma_start3A_529] : memref<50048x32xf32, #tpu.memory_space<vmem_shared>> -> memref<96x32xf32, #tpu.memory_space<vmem_shared>>
    %dma_start3A_531 = arith.constant 0 : i32
    %dma_start3A_532 = tpu.memref_slice %arg5[%add3A_528, %dma_start3A_531] : memref<50048x32xf32, #tpu.memory_space<vmem_shared>> -> memref<96x32xf32, #tpu.memory_space<vmem_shared>>
    tpu.enqueue_dma source(%arg8 : memref<96x32xf32, #tpu.memory_space<vmem>>) target(%dma_start3A_532 : memref<96x32xf32, #tpu.memory_space<vmem_shared>>) target_semaphore(%arg9 : memref<!tpu.dma_semaphore, #tpu.memory_space<semaphore_mem>>)
    %add3A_533 = arith.constant 2208 : i32
    %add3A_534 = arith.addi %mul3A_394, %add3A_533 : i32
    %dma_start3A_535 = arith.constant 0 : i32
    %dma_start3A_536 = tpu.memref_slice %arg5[%add3A_534, %dma_start3A_535] : memref<50048x32xf32, #tpu.memory_space<vmem_shared>> -> memref<96x32xf32, #tpu.memory_space<vmem_shared>>
    %dma_start3A_537 = arith.constant 0 : i32
    %dma_start3A_538 = tpu.memref_slice %arg5[%add3A_534, %dma_start3A_537] : memref<50048x32xf32, #tpu.memory_space<vmem_shared>> -> memref<96x32xf32, #tpu.memory_space<vmem_shared>>
    tpu.enqueue_dma source(%arg8 : memref<96x32xf32, #tpu.memory_space<vmem>>) target(%dma_start3A_538 : memref<96x32xf32, #tpu.memory_space<vmem_shared>>) target_semaphore(%arg9 : memref<!tpu.dma_semaphore, #tpu.memory_space<semaphore_mem>>)
    %add3A_539 = arith.constant 2304 : i32
    %add3A_540 = arith.addi %mul3A_394, %add3A_539 : i32
    %dma_start3A_541 = arith.constant 0 : i32
    %dma_start3A_542 = tpu.memref_slice %arg5[%add3A_540, %dma_start3A_541] : memref<50048x32xf32, #tpu.memory_space<vmem_shared>> -> memref<96x32xf32, #tpu.memory_space<vmem_shared>>
    %dma_start3A_543 = arith.constant 0 : i32
    %dma_start3A_544 = tpu.memref_slice %arg5[%add3A_540, %dma_start3A_543] : memref<50048x32xf32, #tpu.memory_space<vmem_shared>> -> memref<96x32xf32, #tpu.memory_space<vmem_shared>>
    tpu.enqueue_dma source(%arg8 : memref<96x32xf32, #tpu.memory_space<vmem>>) target(%dma_start3A_544 : memref<96x32xf32, #tpu.memory_space<vmem_shared>>) target_semaphore(%arg9 : memref<!tpu.dma_semaphore, #tpu.memory_space<semaphore_mem>>)
    %add3A_545 = arith.constant 2400 : i32
    %add3A_546 = arith.addi %mul3A_394, %add3A_545 : i32
    %dma_start3A_547 = arith.constant 0 : i32
    %dma_start3A_548 = tpu.memref_slice %arg5[%add3A_546, %dma_start3A_547] : memref<50048x32xf32, #tpu.memory_space<vmem_shared>> -> memref<96x32xf32, #tpu.memory_space<vmem_shared>>
    %dma_start3A_549 = arith.constant 0 : i32
    %dma_start3A_550 = tpu.memref_slice %arg5[%add3A_546, %dma_start3A_549] : memref<50048x32xf32, #tpu.memory_space<vmem_shared>> -> memref<96x32xf32, #tpu.memory_space<vmem_shared>>
    tpu.enqueue_dma source(%arg8 : memref<96x32xf32, #tpu.memory_space<vmem>>) target(%dma_start3A_550 : memref<96x32xf32, #tpu.memory_space<vmem_shared>>) target_semaphore(%arg9 : memref<!tpu.dma_semaphore, #tpu.memory_space<semaphore_mem>>)
    %add3A_551 = arith.constant 2496 : i32
    %add3A_552 = arith.addi %mul3A_394, %add3A_551 : i32
    %dma_start3A_553 = arith.constant 0 : i32
    %dma_start3A_554 = tpu.memref_slice %arg5[%add3A_552, %dma_start3A_553] : memref<50048x32xf32, #tpu.memory_space<vmem_shared>> -> memref<96x32xf32, #tpu.memory_space<vmem_shared>>
    %dma_start3A_555 = arith.constant 0 : i32
    %dma_start3A_556 = tpu.memref_slice %arg5[%add3A_552, %dma_start3A_555] : memref<50048x32xf32, #tpu.memory_space<vmem_shared>> -> memref<96x32xf32, #tpu.memory_space<vmem_shared>>
    tpu.enqueue_dma source(%arg8 : memref<96x32xf32, #tpu.memory_space<vmem>>) target(%dma_start3A_556 : memref<96x32xf32, #tpu.memory_space<vmem_shared>>) target_semaphore(%arg9 : memref<!tpu.dma_semaphore, #tpu.memory_space<semaphore_mem>>)
    %add3A_557 = arith.constant 2592 : i32
    %add3A_558 = arith.addi %mul3A_394, %add3A_557 : i32
    %dma_start3A_559 = arith.constant 0 : i32
    %dma_start3A_560 = tpu.memref_slice %arg5[%add3A_558, %dma_start3A_559] : memref<50048x32xf32, #tpu.memory_space<vmem_shared>> -> memref<96x32xf32, #tpu.memory_space<vmem_shared>>
    %dma_start3A_561 = arith.constant 0 : i32
    %dma_start3A_562 = tpu.memref_slice %arg5[%add3A_558, %dma_start3A_561] : memref<50048x32xf32, #tpu.memory_space<vmem_shared>> -> memref<96x32xf32, #tpu.memory_space<vmem_shared>>
    tpu.enqueue_dma source(%arg8 : memref<96x32xf32, #tpu.memory_space<vmem>>) target(%dma_start3A_562 : memref<96x32xf32, #tpu.memory_space<vmem_shared>>) target_semaphore(%arg9 : memref<!tpu.dma_semaphore, #tpu.memory_space<semaphore_mem>>)
    %add3A_563 = arith.constant 2688 : i32
    %add3A_564 = arith.addi %mul3A_394, %add3A_563 : i32
    %dma_start3A_565 = arith.constant 0 : i32
    %dma_start3A_566 = tpu.memref_slice %arg5[%add3A_564, %dma_start3A_565] : memref<50048x32xf32, #tpu.memory_space<vmem_shared>> -> memref<96x32xf32, #tpu.memory_space<vmem_shared>>
    %dma_start3A_567 = arith.constant 0 : i32
    %dma_start3A_568 = tpu.memref_slice %arg5[%add3A_564, %dma_start3A_567] : memref<50048x32xf32, #tpu.memory_space<vmem_shared>> -> memref<96x32xf32, #tpu.memory_space<vmem_shared>>
    tpu.enqueue_dma source(%arg8 : memref<96x32xf32, #tpu.memory_space<vmem>>) target(%dma_start3A_568 : memref<96x32xf32, #tpu.memory_space<vmem_shared>>) target_semaphore(%arg9 : memref<!tpu.dma_semaphore, #tpu.memory_space<semaphore_mem>>)
    %add3A_569 = arith.constant 2784 : i32
    %add3A_570 = arith.addi %mul3A_394, %add3A_569 : i32
    %dma_start3A_571 = arith.constant 0 : i32
    %dma_start3A_572 = tpu.memref_slice %arg5[%add3A_570, %dma_start3A_571] : memref<50048x32xf32, #tpu.memory_space<vmem_shared>> -> memref<96x32xf32, #tpu.memory_space<vmem_shared>>
    %dma_start3A_573 = arith.constant 0 : i32
    %dma_start3A_574 = tpu.memref_slice %arg5[%add3A_570, %dma_start3A_573] : memref<50048x32xf32, #tpu.memory_space<vmem_shared>> -> memref<96x32xf32, #tpu.memory_space<vmem_shared>>
    tpu.enqueue_dma source(%arg8 : memref<96x32xf32, #tpu.memory_space<vmem>>) target(%dma_start3A_574 : memref<96x32xf32, #tpu.memory_space<vmem_shared>>) target_semaphore(%arg9 : memref<!tpu.dma_semaphore, #tpu.memory_space<semaphore_mem>>)
    %add3A_575 = arith.constant 2880 : i32
    %add3A_576 = arith.addi %mul3A_394, %add3A_575 : i32
    %dma_start3A_577 = arith.constant 0 : i32
    %dma_start3A_578 = tpu.memref_slice %arg5[%add3A_576, %dma_start3A_577] : memref<50048x32xf32, #tpu.memory_space<vmem_shared>> -> memref<96x32xf32, #tpu.memory_space<vmem_shared>>
    %dma_start3A_579 = arith.constant 0 : i32
    %dma_start3A_580 = tpu.memref_slice %arg5[%add3A_576, %dma_start3A_579] : memref<50048x32xf32, #tpu.memory_space<vmem_shared>> -> memref<96x32xf32, #tpu.memory_space<vmem_shared>>
    tpu.enqueue_dma source(%arg8 : memref<96x32xf32, #tpu.memory_space<vmem>>) target(%dma_start3A_580 : memref<96x32xf32, #tpu.memory_space<vmem_shared>>) target_semaphore(%arg9 : memref<!tpu.dma_semaphore, #tpu.memory_space<semaphore_mem>>)
    %add3A_581 = arith.constant 2976 : i32
    %add3A_582 = arith.addi %mul3A_394, %add3A_581 : i32
    %dma_start3A_583 = arith.constant 0 : i32
    %dma_start3A_584 = tpu.memref_slice %arg5[%add3A_582, %dma_start3A_583] : memref<50048x32xf32, #tpu.memory_space<vmem_shared>> -> memref<96x32xf32, #tpu.memory_space<vmem_shared>>
    %dma_start3A_585 = arith.constant 0 : i32
    %dma_start3A_586 = tpu.memref_slice %arg5[%add3A_582, %dma_start3A_585] : memref<50048x32xf32, #tpu.memory_space<vmem_shared>> -> memref<96x32xf32, #tpu.memory_space<vmem_shared>>
    tpu.enqueue_dma source(%arg8 : memref<96x32xf32, #tpu.memory_space<vmem>>) target(%dma_start3A_586 : memref<96x32xf32, #tpu.memory_space<vmem_shared>>) target_semaphore(%arg9 : memref<!tpu.dma_semaphore, #tpu.memory_space<semaphore_mem>>)
    %add3A_587 = arith.constant 3072 : i32
    %add3A_588 = arith.addi %mul3A_394, %add3A_587 : i32
    %dma_start3A_589 = arith.constant 0 : i32
    %dma_start3A_590 = arith.constant 0 : i32
    %dma_start3A_591 = tpu.memref_slice %arg8[%dma_start3A_589, %dma_start3A_590] : memref<96x32xf32, #tpu.memory_space<vmem>> -> memref<56x32xf32, #tpu.memory_space<vmem>>
    %dma_start3A_592 = arith.constant 0 : i32
    %dma_start3A_593 = tpu.memref_slice %arg5[%add3A_588, %dma_start3A_592] : memref<50048x32xf32, #tpu.memory_space<vmem_shared>> -> memref<56x32xf32, #tpu.memory_space<vmem_shared>>
    %dma_start3A_594 = arith.constant 0 : i32
    %dma_start3A_595 = tpu.memref_slice %arg5[%add3A_588, %dma_start3A_594] : memref<50048x32xf32, #tpu.memory_space<vmem_shared>> -> memref<56x32xf32, #tpu.memory_space<vmem_shared>>
    %dma_start3A_596 = arith.constant 0 : i32
    %dma_start3A_597 = arith.constant 0 : i32
    %dma_start3A_598 = tpu.memref_slice %arg8[%dma_start3A_596, %dma_start3A_597] : memref<96x32xf32, #tpu.memory_space<vmem>> -> memref<56x32xf32, #tpu.memory_space<vmem>>
    tpu.enqueue_dma source(%dma_start3A_598 : memref<56x32xf32, #tpu.memory_space<vmem>>) target(%dma_start3A_595 : memref<56x32xf32, #tpu.memory_space<vmem_shared>>) target_semaphore(%arg9 : memref<!tpu.dma_semaphore, #tpu.memory_space<semaphore_mem>>)
    %dma_wait3A_599 = arith.constant 0 : i32
    %dma_wait3A_600 = tpu.memref_slice %arg5[%add3A_396, %dma_wait3A_599] : memref<50048x32xf32, #tpu.memory_space<vmem_shared>> -> memref<96x32xf32, #tpu.memory_space<vmem_shared>>
    %dma_wait3A_601 = arith.constant 0 : i32
    %dma_wait3A_602 = tpu.memref_slice %arg5[%add3A_396, %dma_wait3A_601] : memref<50048x32xf32, #tpu.memory_space<vmem_shared>> -> memref<96x32xf32, #tpu.memory_space<vmem_shared>>
    tpu.wait_dma2 semaphore(%arg9 : memref<!tpu.dma_semaphore, #tpu.memory_space<semaphore_mem>>) src(%arg8 : memref<96x32xf32, #tpu.memory_space<vmem>>) dst(%dma_wait3A_602 : memref<96x32xf32, #tpu.memory_space<vmem_shared>>)
    %dma_wait3A_603 = arith.constant 0 : i32
    %dma_wait3A_604 = tpu.memref_slice %arg5[%add3A_402, %dma_wait3A_603] : memref<50048x32xf32, #tpu.memory_space<vmem_shared>> -> memref<96x32xf32, #tpu.memory_space<vmem_shared>>
    %dma_wait3A_605 = arith.constant 0 : i32
    %dma_wait3A_606 = tpu.memref_slice %arg5[%add3A_402, %dma_wait3A_605] : memref<50048x32xf32, #tpu.memory_space<vmem_shared>> -> memref<96x32xf32, #tpu.memory_space<vmem_shared>>
    tpu.wait_dma2 semaphore(%arg9 : memref<!tpu.dma_semaphore, #tpu.memory_space<semaphore_mem>>) src(%arg8 : memref<96x32xf32, #tpu.memory_space<vmem>>) dst(%dma_wait3A_606 : memref<96x32xf32, #tpu.memory_space<vmem_shared>>)
    %dma_wait3A_607 = arith.constant 0 : i32
    %dma_wait3A_608 = tpu.memref_slice %arg5[%add3A_408, %dma_wait3A_607] : memref<50048x32xf32, #tpu.memory_space<vmem_shared>> -> memref<96x32xf32, #tpu.memory_space<vmem_shared>>
    %dma_wait3A_609 = arith.constant 0 : i32
    %dma_wait3A_610 = tpu.memref_slice %arg5[%add3A_408, %dma_wait3A_609] : memref<50048x32xf32, #tpu.memory_space<vmem_shared>> -> memref<96x32xf32, #tpu.memory_space<vmem_shared>>
    tpu.wait_dma2 semaphore(%arg9 : memref<!tpu.dma_semaphore, #tpu.memory_space<semaphore_mem>>) src(%arg8 : memref<96x32xf32, #tpu.memory_space<vmem>>) dst(%dma_wait3A_610 : memref<96x32xf32, #tpu.memory_space<vmem_shared>>)
    %dma_wait3A_611 = arith.constant 0 : i32
    %dma_wait3A_612 = tpu.memref_slice %arg5[%add3A_414, %dma_wait3A_611] : memref<50048x32xf32, #tpu.memory_space<vmem_shared>> -> memref<96x32xf32, #tpu.memory_space<vmem_shared>>
    %dma_wait3A_613 = arith.constant 0 : i32
    %dma_wait3A_614 = tpu.memref_slice %arg5[%add3A_414, %dma_wait3A_613] : memref<50048x32xf32, #tpu.memory_space<vmem_shared>> -> memref<96x32xf32, #tpu.memory_space<vmem_shared>>
    tpu.wait_dma2 semaphore(%arg9 : memref<!tpu.dma_semaphore, #tpu.memory_space<semaphore_mem>>) src(%arg8 : memref<96x32xf32, #tpu.memory_space<vmem>>) dst(%dma_wait3A_614 : memref<96x32xf32, #tpu.memory_space<vmem_shared>>)
    %dma_wait3A_615 = arith.constant 0 : i32
    %dma_wait3A_616 = tpu.memref_slice %arg5[%add3A_420, %dma_wait3A_615] : memref<50048x32xf32, #tpu.memory_space<vmem_shared>> -> memref<96x32xf32, #tpu.memory_space<vmem_shared>>
    %dma_wait3A_617 = arith.constant 0 : i32
    %dma_wait3A_618 = tpu.memref_slice %arg5[%add3A_420, %dma_wait3A_617] : memref<50048x32xf32, #tpu.memory_space<vmem_shared>> -> memref<96x32xf32, #tpu.memory_space<vmem_shared>>
    tpu.wait_dma2 semaphore(%arg9 : memref<!tpu.dma_semaphore, #tpu.memory_space<semaphore_mem>>) src(%arg8 : memref<96x32xf32, #tpu.memory_space<vmem>>) dst(%dma_wait3A_618 : memref<96x32xf32, #tpu.memory_space<vmem_shared>>)
    %dma_wait3A_619 = arith.constant 0 : i32
    %dma_wait3A_620 = tpu.memref_slice %arg5[%add3A_426, %dma_wait3A_619] : memref<50048x32xf32, #tpu.memory_space<vmem_shared>> -> memref<96x32xf32, #tpu.memory_space<vmem_shared>>
    %dma_wait3A_621 = arith.constant 0 : i32
    %dma_wait3A_622 = tpu.memref_slice %arg5[%add3A_426, %dma_wait3A_621] : memref<50048x32xf32, #tpu.memory_space<vmem_shared>> -> memref<96x32xf32, #tpu.memory_space<vmem_shared>>
    tpu.wait_dma2 semaphore(%arg9 : memref<!tpu.dma_semaphore, #tpu.memory_space<semaphore_mem>>) src(%arg8 : memref<96x32xf32, #tpu.memory_space<vmem>>) dst(%dma_wait3A_622 : memref<96x32xf32, #tpu.memory_space<vmem_shared>>)
    %dma_wait3A_623 = arith.constant 0 : i32
    %dma_wait3A_624 = tpu.memref_slice %arg5[%add3A_432, %dma_wait3A_623] : memref<50048x32xf32, #tpu.memory_space<vmem_shared>> -> memref<96x32xf32, #tpu.memory_space<vmem_shared>>
    %dma_wait3A_625 = arith.constant 0 : i32
    %dma_wait3A_626 = tpu.memref_slice %arg5[%add3A_432, %dma_wait3A_625] : memref<50048x32xf32, #tpu.memory_space<vmem_shared>> -> memref<96x32xf32, #tpu.memory_space<vmem_shared>>
    tpu.wait_dma2 semaphore(%arg9 : memref<!tpu.dma_semaphore, #tpu.memory_space<semaphore_mem>>) src(%arg8 : memref<96x32xf32, #tpu.memory_space<vmem>>) dst(%dma_wait3A_626 : memref<96x32xf32, #tpu.memory_space<vmem_shared>>)
    %dma_wait3A_627 = arith.constant 0 : i32
    %dma_wait3A_628 = tpu.memref_slice %arg5[%add3A_438, %dma_wait3A_627] : memref<50048x32xf32, #tpu.memory_space<vmem_shared>> -> memref<96x32xf32, #tpu.memory_space<vmem_shared>>
    %dma_wait3A_629 = arith.constant 0 : i32
    %dma_wait3A_630 = tpu.memref_slice %arg5[%add3A_438, %dma_wait3A_629] : memref<50048x32xf32, #tpu.memory_space<vmem_shared>> -> memref<96x32xf32, #tpu.memory_space<vmem_shared>>
    tpu.wait_dma2 semaphore(%arg9 : memref<!tpu.dma_semaphore, #tpu.memory_space<semaphore_mem>>) src(%arg8 : memref<96x32xf32, #tpu.memory_space<vmem>>) dst(%dma_wait3A_630 : memref<96x32xf32, #tpu.memory_space<vmem_shared>>)
    %dma_wait3A_631 = arith.constant 0 : i32
    %dma_wait3A_632 = tpu.memref_slice %arg5[%add3A_444, %dma_wait3A_631] : memref<50048x32xf32, #tpu.memory_space<vmem_shared>> -> memref<96x32xf32, #tpu.memory_space<vmem_shared>>
    %dma_wait3A_633 = arith.constant 0 : i32
    %dma_wait3A_634 = tpu.memref_slice %arg5[%add3A_444, %dma_wait3A_633] : memref<50048x32xf32, #tpu.memory_space<vmem_shared>> -> memref<96x32xf32, #tpu.memory_space<vmem_shared>>
    tpu.wait_dma2 semaphore(%arg9 : memref<!tpu.dma_semaphore, #tpu.memory_space<semaphore_mem>>) src(%arg8 : memref<96x32xf32, #tpu.memory_space<vmem>>) dst(%dma_wait3A_634 : memref<96x32xf32, #tpu.memory_space<vmem_shared>>)
    %dma_wait3A_635 = arith.constant 0 : i32
    %dma_wait3A_636 = tpu.memref_slice %arg5[%add3A_450, %dma_wait3A_635] : memref<50048x32xf32, #tpu.memory_space<vmem_shared>> -> memref<96x32xf32, #tpu.memory_space<vmem_shared>>
    %dma_wait3A_637 = arith.constant 0 : i32
    %dma_wait3A_638 = tpu.memref_slice %arg5[%add3A_450, %dma_wait3A_637] : memref<50048x32xf32, #tpu.memory_space<vmem_shared>> -> memref<96x32xf32, #tpu.memory_space<vmem_shared>>
    tpu.wait_dma2 semaphore(%arg9 : memref<!tpu.dma_semaphore, #tpu.memory_space<semaphore_mem>>) src(%arg8 : memref<96x32xf32, #tpu.memory_space<vmem>>) dst(%dma_wait3A_638 : memref<96x32xf32, #tpu.memory_space<vmem_shared>>)
    %dma_wait3A_639 = arith.constant 0 : i32
    %dma_wait3A_640 = tpu.memref_slice %arg5[%add3A_456, %dma_wait3A_639] : memref<50048x32xf32, #tpu.memory_space<vmem_shared>> -> memref<96x32xf32, #tpu.memory_space<vmem_shared>>
    %dma_wait3A_641 = arith.constant 0 : i32
    %dma_wait3A_642 = tpu.memref_slice %arg5[%add3A_456, %dma_wait3A_641] : memref<50048x32xf32, #tpu.memory_space<vmem_shared>> -> memref<96x32xf32, #tpu.memory_space<vmem_shared>>
    tpu.wait_dma2 semaphore(%arg9 : memref<!tpu.dma_semaphore, #tpu.memory_space<semaphore_mem>>) src(%arg8 : memref<96x32xf32, #tpu.memory_space<vmem>>) dst(%dma_wait3A_642 : memref<96x32xf32, #tpu.memory_space<vmem_shared>>)
    %dma_wait3A_643 = arith.constant 0 : i32
    %dma_wait3A_644 = tpu.memref_slice %arg5[%add3A_462, %dma_wait3A_643] : memref<50048x32xf32, #tpu.memory_space<vmem_shared>> -> memref<96x32xf32, #tpu.memory_space<vmem_shared>>
    %dma_wait3A_645 = arith.constant 0 : i32
    %dma_wait3A_646 = tpu.memref_slice %arg5[%add3A_462, %dma_wait3A_645] : memref<50048x32xf32, #tpu.memory_space<vmem_shared>> -> memref<96x32xf32, #tpu.memory_space<vmem_shared>>
    tpu.wait_dma2 semaphore(%arg9 : memref<!tpu.dma_semaphore, #tpu.memory_space<semaphore_mem>>) src(%arg8 : memref<96x32xf32, #tpu.memory_space<vmem>>) dst(%dma_wait3A_646 : memref<96x32xf32, #tpu.memory_space<vmem_shared>>)
    %dma_wait3A_647 = arith.constant 0 : i32
    %dma_wait3A_648 = tpu.memref_slice %arg5[%add3A_468, %dma_wait3A_647] : memref<50048x32xf32, #tpu.memory_space<vmem_shared>> -> memref<96x32xf32, #tpu.memory_space<vmem_shared>>
    %dma_wait3A_649 = arith.constant 0 : i32
    %dma_wait3A_650 = tpu.memref_slice %arg5[%add3A_468, %dma_wait3A_649] : memref<50048x32xf32, #tpu.memory_space<vmem_shared>> -> memref<96x32xf32, #tpu.memory_space<vmem_shared>>
    tpu.wait_dma2 semaphore(%arg9 : memref<!tpu.dma_semaphore, #tpu.memory_space<semaphore_mem>>) src(%arg8 : memref<96x32xf32, #tpu.memory_space<vmem>>) dst(%dma_wait3A_650 : memref<96x32xf32, #tpu.memory_space<vmem_shared>>)
    %dma_wait3A_651 = arith.constant 0 : i32
    %dma_wait3A_652 = tpu.memref_slice %arg5[%add3A_474, %dma_wait3A_651] : memref<50048x32xf32, #tpu.memory_space<vmem_shared>> -> memref<96x32xf32, #tpu.memory_space<vmem_shared>>
    %dma_wait3A_653 = arith.constant 0 : i32
    %dma_wait3A_654 = tpu.memref_slice %arg5[%add3A_474, %dma_wait3A_653] : memref<50048x32xf32, #tpu.memory_space<vmem_shared>> -> memref<96x32xf32, #tpu.memory_space<vmem_shared>>
    tpu.wait_dma2 semaphore(%arg9 : memref<!tpu.dma_semaphore, #tpu.memory_space<semaphore_mem>>) src(%arg8 : memref<96x32xf32, #tpu.memory_space<vmem>>) dst(%dma_wait3A_654 : memref<96x32xf32, #tpu.memory_space<vmem_shared>>)
    %dma_wait3A_655 = arith.constant 0 : i32
    %dma_wait3A_656 = tpu.memref_slice %arg5[%add3A_480, %dma_wait3A_655] : memref<50048x32xf32, #tpu.memory_space<vmem_shared>> -> memref<96x32xf32, #tpu.memory_space<vmem_shared>>
    %dma_wait3A_657 = arith.constant 0 : i32
    %dma_wait3A_658 = tpu.memref_slice %arg5[%add3A_480, %dma_wait3A_657] : memref<50048x32xf32, #tpu.memory_space<vmem_shared>> -> memref<96x32xf32, #tpu.memory_space<vmem_shared>>
    tpu.wait_dma2 semaphore(%arg9 : memref<!tpu.dma_semaphore, #tpu.memory_space<semaphore_mem>>) src(%arg8 : memref<96x32xf32, #tpu.memory_space<vmem>>) dst(%dma_wait3A_658 : memref<96x32xf32, #tpu.memory_space<vmem_shared>>)
    %dma_wait3A_659 = arith.constant 0 : i32
    %dma_wait3A_660 = tpu.memref_slice %arg5[%add3A_486, %dma_wait3A_659] : memref<50048x32xf32, #tpu.memory_space<vmem_shared>> -> memref<96x32xf32, #tpu.memory_space<vmem_shared>>
    %dma_wait3A_661 = arith.constant 0 : i32
    %dma_wait3A_662 = tpu.memref_slice %arg5[%add3A_486, %dma_wait3A_661] : memref<50048x32xf32, #tpu.memory_space<vmem_shared>> -> memref<96x32xf32, #tpu.memory_space<vmem_shared>>
    tpu.wait_dma2 semaphore(%arg9 : memref<!tpu.dma_semaphore, #tpu.memory_space<semaphore_mem>>) src(%arg8 : memref<96x32xf32, #tpu.memory_space<vmem>>) dst(%dma_wait3A_662 : memref<96x32xf32, #tpu.memory_space<vmem_shared>>)
    %dma_wait3A_663 = arith.constant 0 : i32
    %dma_wait3A_664 = tpu.memref_slice %arg5[%add3A_492, %dma_wait3A_663] : memref<50048x32xf32, #tpu.memory_space<vmem_shared>> -> memref<96x32xf32, #tpu.memory_space<vmem_shared>>
    %dma_wait3A_665 = arith.constant 0 : i32
    %dma_wait3A_666 = tpu.memref_slice %arg5[%add3A_492, %dma_wait3A_665] : memref<50048x32xf32, #tpu.memory_space<vmem_shared>> -> memref<96x32xf32, #tpu.memory_space<vmem_shared>>
    tpu.wait_dma2 semaphore(%arg9 : memref<!tpu.dma_semaphore, #tpu.memory_space<semaphore_mem>>) src(%arg8 : memref<96x32xf32, #tpu.memory_space<vmem>>) dst(%dma_wait3A_666 : memref<96x32xf32, #tpu.memory_space<vmem_shared>>)
    %dma_wait3A_667 = arith.constant 0 : i32
    %dma_wait3A_668 = tpu.memref_slice %arg5[%add3A_498, %dma_wait3A_667] : memref<50048x32xf32, #tpu.memory_space<vmem_shared>> -> memref<96x32xf32, #tpu.memory_space<vmem_shared>>
    %dma_wait3A_669 = arith.constant 0 : i32
    %dma_wait3A_670 = tpu.memref_slice %arg5[%add3A_498, %dma_wait3A_669] : memref<50048x32xf32, #tpu.memory_space<vmem_shared>> -> memref<96x32xf32, #tpu.memory_space<vmem_shared>>
    tpu.wait_dma2 semaphore(%arg9 : memref<!tpu.dma_semaphore, #tpu.memory_space<semaphore_mem>>) src(%arg8 : memref<96x32xf32, #tpu.memory_space<vmem>>) dst(%dma_wait3A_670 : memref<96x32xf32, #tpu.memory_space<vmem_shared>>)
    %dma_wait3A_671 = arith.constant 0 : i32
    %dma_wait3A_672 = tpu.memref_slice %arg5[%add3A_504, %dma_wait3A_671] : memref<50048x32xf32, #tpu.memory_space<vmem_shared>> -> memref<96x32xf32, #tpu.memory_space<vmem_shared>>
    %dma_wait3A_673 = arith.constant 0 : i32
    %dma_wait3A_674 = tpu.memref_slice %arg5[%add3A_504, %dma_wait3A_673] : memref<50048x32xf32, #tpu.memory_space<vmem_shared>> -> memref<96x32xf32, #tpu.memory_space<vmem_shared>>
    tpu.wait_dma2 semaphore(%arg9 : memref<!tpu.dma_semaphore, #tpu.memory_space<semaphore_mem>>) src(%arg8 : memref<96x32xf32, #tpu.memory_space<vmem>>) dst(%dma_wait3A_674 : memref<96x32xf32, #tpu.memory_space<vmem_shared>>)
    %dma_wait3A_675 = arith.constant 0 : i32
    %dma_wait3A_676 = tpu.memref_slice %arg5[%add3A_510, %dma_wait3A_675] : memref<50048x32xf32, #tpu.memory_space<vmem_shared>> -> memref<96x32xf32, #tpu.memory_space<vmem_shared>>
    %dma_wait3A_677 = arith.constant 0 : i32
    %dma_wait3A_678 = tpu.memref_slice %arg5[%add3A_510, %dma_wait3A_677] : memref<50048x32xf32, #tpu.memory_space<vmem_shared>> -> memref<96x32xf32, #tpu.memory_space<vmem_shared>>
    tpu.wait_dma2 semaphore(%arg9 : memref<!tpu.dma_semaphore, #tpu.memory_space<semaphore_mem>>) src(%arg8 : memref<96x32xf32, #tpu.memory_space<vmem>>) dst(%dma_wait3A_678 : memref<96x32xf32, #tpu.memory_space<vmem_shared>>)
    %dma_wait3A_679 = arith.constant 0 : i32
    %dma_wait3A_680 = tpu.memref_slice %arg5[%add3A_516, %dma_wait3A_679] : memref<50048x32xf32, #tpu.memory_space<vmem_shared>> -> memref<96x32xf32, #tpu.memory_space<vmem_shared>>
    %dma_wait3A_681 = arith.constant 0 : i32
    %dma_wait3A_682 = tpu.memref_slice %arg5[%add3A_516, %dma_wait3A_681] : memref<50048x32xf32, #tpu.memory_space<vmem_shared>> -> memref<96x32xf32, #tpu.memory_space<vmem_shared>>
    tpu.wait_dma2 semaphore(%arg9 : memref<!tpu.dma_semaphore, #tpu.memory_space<semaphore_mem>>) src(%arg8 : memref<96x32xf32, #tpu.memory_space<vmem>>) dst(%dma_wait3A_682 : memref<96x32xf32, #tpu.memory_space<vmem_shared>>)
    %dma_wait3A_683 = arith.constant 0 : i32
    %dma_wait3A_684 = tpu.memref_slice %arg5[%add3A_522, %dma_wait3A_683] : memref<50048x32xf32, #tpu.memory_space<vmem_shared>> -> memref<96x32xf32, #tpu.memory_space<vmem_shared>>
    %dma_wait3A_685 = arith.constant 0 : i32
    %dma_wait3A_686 = tpu.memref_slice %arg5[%add3A_522, %dma_wait3A_685] : memref<50048x32xf32, #tpu.memory_space<vmem_shared>> -> memref<96x32xf32, #tpu.memory_space<vmem_shared>>
    tpu.wait_dma2 semaphore(%arg9 : memref<!tpu.dma_semaphore, #tpu.memory_space<semaphore_mem>>) src(%arg8 : memref<96x32xf32, #tpu.memory_space<vmem>>) dst(%dma_wait3A_686 : memref<96x32xf32, #tpu.memory_space<vmem_shared>>)
    %dma_wait3A_687 = arith.constant 0 : i32
    %dma_wait3A_688 = tpu.memref_slice %arg5[%add3A_528, %dma_wait3A_687] : memref<50048x32xf32, #tpu.memory_space<vmem_shared>> -> memref<96x32xf32, #tpu.memory_space<vmem_shared>>
    %dma_wait3A_689 = arith.constant 0 : i32
    %dma_wait3A_690 = tpu.memref_slice %arg5[%add3A_528, %dma_wait3A_689] : memref<50048x32xf32, #tpu.memory_space<vmem_shared>> -> memref<96x32xf32, #tpu.memory_space<vmem_shared>>
    tpu.wait_dma2 semaphore(%arg9 : memref<!tpu.dma_semaphore, #tpu.memory_space<semaphore_mem>>) src(%arg8 : memref<96x32xf32, #tpu.memory_space<vmem>>) dst(%dma_wait3A_690 : memref<96x32xf32, #tpu.memory_space<vmem_shared>>)
    %dma_wait3A_691 = arith.constant 0 : i32
    %dma_wait3A_692 = tpu.memref_slice %arg5[%add3A_534, %dma_wait3A_691] : memref<50048x32xf32, #tpu.memory_space<vmem_shared>> -> memref<96x32xf32, #tpu.memory_space<vmem_shared>>
    %dma_wait3A_693 = arith.constant 0 : i32
    %dma_wait3A_694 = tpu.memref_slice %arg5[%add3A_534, %dma_wait3A_693] : memref<50048x32xf32, #tpu.memory_space<vmem_shared>> -> memref<96x32xf32, #tpu.memory_space<vmem_shared>>
    tpu.wait_dma2 semaphore(%arg9 : memref<!tpu.dma_semaphore, #tpu.memory_space<semaphore_mem>>) src(%arg8 : memref<96x32xf32, #tpu.memory_space<vmem>>) dst(%dma_wait3A_694 : memref<96x32xf32, #tpu.memory_space<vmem_shared>>)
    %dma_wait3A_695 = arith.constant 0 : i32
    %dma_wait3A_696 = tpu.memref_slice %arg5[%add3A_540, %dma_wait3A_695] : memref<50048x32xf32, #tpu.memory_space<vmem_shared>> -> memref<96x32xf32, #tpu.memory_space<vmem_shared>>
    %dma_wait3A_697 = arith.constant 0 : i32
    %dma_wait3A_698 = tpu.memref_slice %arg5[%add3A_540, %dma_wait3A_697] : memref<50048x32xf32, #tpu.memory_space<vmem_shared>> -> memref<96x32xf32, #tpu.memory_space<vmem_shared>>
    tpu.wait_dma2 semaphore(%arg9 : memref<!tpu.dma_semaphore, #tpu.memory_space<semaphore_mem>>) src(%arg8 : memref<96x32xf32, #tpu.memory_space<vmem>>) dst(%dma_wait3A_698 : memref<96x32xf32, #tpu.memory_space<vmem_shared>>)
    %dma_wait3A_699 = arith.constant 0 : i32
    %dma_wait3A_700 = tpu.memref_slice %arg5[%add3A_546, %dma_wait3A_699] : memref<50048x32xf32, #tpu.memory_space<vmem_shared>> -> memref<96x32xf32, #tpu.memory_space<vmem_shared>>
    %dma_wait3A_701 = arith.constant 0 : i32
    %dma_wait3A_702 = tpu.memref_slice %arg5[%add3A_546, %dma_wait3A_701] : memref<50048x32xf32, #tpu.memory_space<vmem_shared>> -> memref<96x32xf32, #tpu.memory_space<vmem_shared>>
    tpu.wait_dma2 semaphore(%arg9 : memref<!tpu.dma_semaphore, #tpu.memory_space<semaphore_mem>>) src(%arg8 : memref<96x32xf32, #tpu.memory_space<vmem>>) dst(%dma_wait3A_702 : memref<96x32xf32, #tpu.memory_space<vmem_shared>>)
    %dma_wait3A_703 = arith.constant 0 : i32
    %dma_wait3A_704 = tpu.memref_slice %arg5[%add3A_552, %dma_wait3A_703] : memref<50048x32xf32, #tpu.memory_space<vmem_shared>> -> memref<96x32xf32, #tpu.memory_space<vmem_shared>>
    %dma_wait3A_705 = arith.constant 0 : i32
    %dma_wait3A_706 = tpu.memref_slice %arg5[%add3A_552, %dma_wait3A_705] : memref<50048x32xf32, #tpu.memory_space<vmem_shared>> -> memref<96x32xf32, #tpu.memory_space<vmem_shared>>
    tpu.wait_dma2 semaphore(%arg9 : memref<!tpu.dma_semaphore, #tpu.memory_space<semaphore_mem>>) src(%arg8 : memref<96x32xf32, #tpu.memory_space<vmem>>) dst(%dma_wait3A_706 : memref<96x32xf32, #tpu.memory_space<vmem_shared>>)
    %dma_wait3A_707 = arith.constant 0 : i32
    %dma_wait3A_708 = tpu.memref_slice %arg5[%add3A_558, %dma_wait3A_707] : memref<50048x32xf32, #tpu.memory_space<vmem_shared>> -> memref<96x32xf32, #tpu.memory_space<vmem_shared>>
    %dma_wait3A_709 = arith.constant 0 : i32
    %dma_wait3A_710 = tpu.memref_slice %arg5[%add3A_558, %dma_wait3A_709] : memref<50048x32xf32, #tpu.memory_space<vmem_shared>> -> memref<96x32xf32, #tpu.memory_space<vmem_shared>>
    tpu.wait_dma2 semaphore(%arg9 : memref<!tpu.dma_semaphore, #tpu.memory_space<semaphore_mem>>) src(%arg8 : memref<96x32xf32, #tpu.memory_space<vmem>>) dst(%dma_wait3A_710 : memref<96x32xf32, #tpu.memory_space<vmem_shared>>)
    %dma_wait3A_711 = arith.constant 0 : i32
    %dma_wait3A_712 = tpu.memref_slice %arg5[%add3A_564, %dma_wait3A_711] : memref<50048x32xf32, #tpu.memory_space<vmem_shared>> -> memref<96x32xf32, #tpu.memory_space<vmem_shared>>
    %dma_wait3A_713 = arith.constant 0 : i32
    %dma_wait3A_714 = tpu.memref_slice %arg5[%add3A_564, %dma_wait3A_713] : memref<50048x32xf32, #tpu.memory_space<vmem_shared>> -> memref<96x32xf32, #tpu.memory_space<vmem_shared>>
    tpu.wait_dma2 semaphore(%arg9 : memref<!tpu.dma_semaphore, #tpu.memory_space<semaphore_mem>>) src(%arg8 : memref<96x32xf32, #tpu.memory_space<vmem>>) dst(%dma_wait3A_714 : memref<96x32xf32, #tpu.memory_space<vmem_shared>>)
    %dma_wait3A_715 = arith.constant 0 : i32
    %dma_wait3A_716 = tpu.memref_slice %arg5[%add3A_570, %dma_wait3A_715] : memref<50048x32xf32, #tpu.memory_space<vmem_shared>> -> memref<96x32xf32, #tpu.memory_space<vmem_shared>>
    %dma_wait3A_717 = arith.constant 0 : i32
    %dma_wait3A_718 = tpu.memref_slice %arg5[%add3A_570, %dma_wait3A_717] : memref<50048x32xf32, #tpu.memory_space<vmem_shared>> -> memref<96x32xf32, #tpu.memory_space<vmem_shared>>
    tpu.wait_dma2 semaphore(%arg9 : memref<!tpu.dma_semaphore, #tpu.memory_space<semaphore_mem>>) src(%arg8 : memref<96x32xf32, #tpu.memory_space<vmem>>) dst(%dma_wait3A_718 : memref<96x32xf32, #tpu.memory_space<vmem_shared>>)
    %dma_wait3A_719 = arith.constant 0 : i32
    %dma_wait3A_720 = tpu.memref_slice %arg5[%add3A_576, %dma_wait3A_719] : memref<50048x32xf32, #tpu.memory_space<vmem_shared>> -> memref<96x32xf32, #tpu.memory_space<vmem_shared>>
    %dma_wait3A_721 = arith.constant 0 : i32
    %dma_wait3A_722 = tpu.memref_slice %arg5[%add3A_576, %dma_wait3A_721] : memref<50048x32xf32, #tpu.memory_space<vmem_shared>> -> memref<96x32xf32, #tpu.memory_space<vmem_shared>>
    tpu.wait_dma2 semaphore(%arg9 : memref<!tpu.dma_semaphore, #tpu.memory_space<semaphore_mem>>) src(%arg8 : memref<96x32xf32, #tpu.memory_space<vmem>>) dst(%dma_wait3A_722 : memref<96x32xf32, #tpu.memory_space<vmem_shared>>)
    %dma_wait3A_723 = arith.constant 0 : i32
    %dma_wait3A_724 = tpu.memref_slice %arg5[%add3A_582, %dma_wait3A_723] : memref<50048x32xf32, #tpu.memory_space<vmem_shared>> -> memref<96x32xf32, #tpu.memory_space<vmem_shared>>
    %dma_wait3A_725 = arith.constant 0 : i32
    %dma_wait3A_726 = tpu.memref_slice %arg5[%add3A_582, %dma_wait3A_725] : memref<50048x32xf32, #tpu.memory_space<vmem_shared>> -> memref<96x32xf32, #tpu.memory_space<vmem_shared>>
    tpu.wait_dma2 semaphore(%arg9 : memref<!tpu.dma_semaphore, #tpu.memory_space<semaphore_mem>>) src(%arg8 : memref<96x32xf32, #tpu.memory_space<vmem>>) dst(%dma_wait3A_726 : memref<96x32xf32, #tpu.memory_space<vmem_shared>>)
    %dma_wait3A_727 = arith.constant 0 : i32
    %dma_wait3A_728 = arith.constant 0 : i32
    %dma_wait3A_729 = tpu.memref_slice %arg8[%dma_wait3A_727, %dma_wait3A_728] : memref<96x32xf32, #tpu.memory_space<vmem>> -> memref<56x32xf32, #tpu.memory_space<vmem>>
    %dma_wait3A_730 = arith.constant 0 : i32
    %dma_wait3A_731 = tpu.memref_slice %arg5[%add3A_588, %dma_wait3A_730] : memref<50048x32xf32, #tpu.memory_space<vmem_shared>> -> memref<56x32xf32, #tpu.memory_space<vmem_shared>>
    %dma_wait3A_732 = arith.constant 0 : i32
    %dma_wait3A_733 = tpu.memref_slice %arg5[%add3A_588, %dma_wait3A_732] : memref<50048x32xf32, #tpu.memory_space<vmem_shared>> -> memref<56x32xf32, #tpu.memory_space<vmem_shared>>
    %dma_wait3A_734 = arith.constant 0 : i32
    %dma_wait3A_735 = arith.constant 0 : i32
    %dma_wait3A_736 = tpu.memref_slice %arg8[%dma_wait3A_734, %dma_wait3A_735] : memref<96x32xf32, #tpu.memory_space<vmem>> -> memref<56x32xf32, #tpu.memory_space<vmem>>
    tpu.wait_dma2 semaphore(%arg9 : memref<!tpu.dma_semaphore, #tpu.memory_space<semaphore_mem>>) src(%dma_wait3A_736 : memref<56x32xf32, #tpu.memory_space<vmem>>) dst(%dma_wait3A_733 : memref<56x32xf32, #tpu.memory_space<vmem_shared>>)
    %barrier3A_737 = arith.constant 0 : index
    tpu.barrier barrier_id(%barrier3A_737)
    %mul3A_738 = arith.constant 392 : i32
    %mul3A_739 = arith.muli %arg1, %mul3A_738 : i32
    %run_scoped3A_740 = arith.constant 1 : i32
    %run_scoped3A_741 = arith.constant 0 : i32
    "tpu.region"() ({
      %run_scoped3A_791 = tpu.sem_alloc : memref<!tpu.dma_semaphore, #tpu.memory_space<semaphore_mem>>
      %dma_start3A_792 = arith.constant 0 : i32
      %dma_start3A_793 = arith.constant 0 : i32
      %dma_start3A_794 = arith.constant 0 : i32
      %dma_start3A_795 = tpu.memref_slice %arg6[%run_scoped3A_741, %dma_start3A_792, %dma_start3A_793, %dma_start3A_794] : memref<2x14x3x128xi32, #tpu.memory_space<vmem>> -> memref<1x14x3x128xi32, #tpu.memory_space<vmem>>
      %dma_start3A_796 = tpu.memref_squeeze %dma_start3A_795 : memref<1x14x3x128xi32, #tpu.memory_space<vmem>> -> memref<14x3x128xi32, #tpu.memory_space<vmem>>
      %dma_start3A_797 = arith.constant 0 : i32
      %dma_start3A_798 = arith.constant 0 : i32
      %dma_start3A_799 = tpu.memref_slice %arg3[%run_scoped3A_740, %arg0, %mul3A_739, %dma_start3A_797, %dma_start3A_798] : memref<2x2x6272x3x128xi32, #tpu.memory_space<hbm>> -> memref<1x1x14x3x128xi32, #tpu.memory_space<hbm>>
      %dma_start3A_800 = tpu.memref_squeeze %dma_start3A_799 : memref<1x1x14x3x128xi32, #tpu.memory_space<hbm>> -> memref<14x3x128xi32, #tpu.memory_space<hbm>>
      %dma_start3A_801 = arith.constant 0 : i32
      %dma_start3A_802 = arith.constant 0 : i32
      %dma_start3A_803 = arith.constant 0 : i32
      %dma_start3A_804 = tpu.memref_slice %arg6[%run_scoped3A_741, %dma_start3A_801, %dma_start3A_802, %dma_start3A_803] : memref<2x14x3x128xi32, #tpu.memory_space<vmem>> -> memref<1x14x3x128xi32, #tpu.memory_space<vmem>>
      %dma_start3A_805 = tpu.memref_squeeze %dma_start3A_804 : memref<1x14x3x128xi32, #tpu.memory_space<vmem>> -> memref<14x3x128xi32, #tpu.memory_space<vmem>>
      %dma_start3A_806 = arith.constant 0 : i32
      %dma_start3A_807 = arith.constant 0 : i32
      %dma_start3A_808 = tpu.memref_slice %arg3[%run_scoped3A_740, %arg0, %mul3A_739, %dma_start3A_806, %dma_start3A_807] : memref<2x2x6272x3x128xi32, #tpu.memory_space<hbm>> -> memref<1x1x14x3x128xi32, #tpu.memory_space<hbm>>
      %dma_start3A_809 = tpu.memref_squeeze %dma_start3A_808 : memref<1x1x14x3x128xi32, #tpu.memory_space<hbm>> -> memref<14x3x128xi32, #tpu.memory_space<hbm>>
      tpu.enqueue_dma source(%dma_start3A_809 : memref<14x3x128xi32, #tpu.memory_space<hbm>>) target(%dma_start3A_805 : memref<14x3x128xi32, #tpu.memory_space<vmem>>) target_semaphore(%run_scoped3A_791 : memref<!tpu.dma_semaphore, #tpu.memory_space<semaphore_mem>>)
      %dma_wait3A_810 = arith.constant 0 : i32
      %dma_wait3A_811 = arith.constant 0 : i32
      %dma_wait3A_812 = arith.constant 0 : i32
      %dma_wait3A_813 = tpu.memref_slice %arg6[%run_scoped3A_741, %dma_wait3A_810, %dma_wait3A_811, %dma_wait3A_812] : memref<2x14x3x128xi32, #tpu.memory_space<vmem>> -> memref<1x14x3x128xi32, #tpu.memory_space<vmem>>
      %dma_wait3A_814 = tpu.memref_squeeze %dma_wait3A_813 : memref<1x14x3x128xi32, #tpu.memory_space<vmem>> -> memref<14x3x128xi32, #tpu.memory_space<vmem>>
      %dma_wait3A_815 = arith.constant 0 : i32
      %dma_wait3A_816 = arith.constant 0 : i32
      %dma_wait3A_817 = tpu.memref_slice %arg3[%run_scoped3A_740, %arg0, %mul3A_739, %dma_wait3A_815, %dma_wait3A_816] : memref<2x2x6272x3x128xi32, #tpu.memory_space<hbm>> -> memref<1x1x14x3x128xi32, #tpu.memory_space<hbm>>
      %dma_wait3A_818 = tpu.memref_squeeze %dma_wait3A_817 : memref<1x1x14x3x128xi32, #tpu.memory_space<hbm>> -> memref<14x3x128xi32, #tpu.memory_space<hbm>>
      %dma_wait3A_819 = arith.constant 0 : i32
      %dma_wait3A_820 = arith.constant 0 : i32
      %dma_wait3A_821 = arith.constant 0 : i32
      %dma_wait3A_822 = tpu.memref_slice %arg6[%run_scoped3A_741, %dma_wait3A_819, %dma_wait3A_820, %dma_wait3A_821] : memref<2x14x3x128xi32, #tpu.memory_space<vmem>> -> memref<1x14x3x128xi32, #tpu.memory_space<vmem>>
      %dma_wait3A_823 = tpu.memref_squeeze %dma_wait3A_822 : memref<1x14x3x128xi32, #tpu.memory_space<vmem>> -> memref<14x3x128xi32, #tpu.memory_space<vmem>>
      %dma_wait3A_824 = arith.constant 0 : i32
      %dma_wait3A_825 = arith.constant 0 : i32
      %dma_wait3A_826 = tpu.memref_slice %arg3[%run_scoped3A_740, %arg0, %mul3A_739, %dma_wait3A_824, %dma_wait3A_825] : memref<2x2x6272x3x128xi32, #tpu.memory_space<hbm>> -> memref<1x1x14x3x128xi32, #tpu.memory_space<hbm>>
      %dma_wait3A_827 = tpu.memref_squeeze %dma_wait3A_826 : memref<1x1x14x3x128xi32, #tpu.memory_space<hbm>> -> memref<14x3x128xi32, #tpu.memory_space<hbm>>
      tpu.wait_dma2 semaphore(%run_scoped3A_791 : memref<!tpu.dma_semaphore, #tpu.memory_space<semaphore_mem>>) src(%dma_wait3A_827 : memref<14x3x128xi32, #tpu.memory_space<hbm>>) dst(%dma_wait3A_823 : memref<14x3x128xi32, #tpu.memory_space<vmem>>)
      tpu.yield
    }) : () -> ()
    %scan3A_742 = arith.constant 0 : i32
    %scan3A_743 = arith.constant 28 : i32
    %scan3A_744 = arith.addi %scan3A_742, %scan3A_743 : i32
    %scan3A_745 = arith.constant 1 : i32
    scf.for %scan3A_791 = %scan3A_742 to %scan3A_744 step %scan3A_745  : i32 {
      %mul3A_792 = arith.constant 1 : i32
      %mul3A_793 = arith.muli %scan3A_791, %mul3A_792 : i32
      %add3A_794 = arith.constant 0 : i32
      %add3A_795 = arith.addi %add3A_794, %mul3A_793 : i32
      %and3A = arith.constant 1 : i32
      %and3A_796 = arith.andi %add3A_795, %and3A : i32
      %mul3A_797 = arith.constant 14 : i32
      %mul3A_798 = arith.muli %add3A_795, %mul3A_797 : i32
      %add3A_799 = arith.addi %mul3A_739, %mul3A_798 : i32
      %add3A_800 = arith.constant 1 : i32
      %add3A_801 = arith.addi %add3A_795, %add3A_800 : i32
      %min3A = arith.constant 27 : i32
      %min3A_802 = arith.minsi %add3A_801, %min3A : i32
      %mul3A_803 = arith.constant 14 : i32
      %mul3A_804 = arith.muli %min3A_802, %mul3A_803 : i32
      %add3A_805 = arith.addi %mul3A_739, %mul3A_804 : i32
      %sub3A = arith.constant 1 : i32
      %sub3A_806 = arith.subi %sub3A, %and3A_796 : i32
      %dma_start3A_807 = arith.constant 1 : i32
      %dma_start3A_808 = arith.constant 0 : i32
      %dma_start3A_809 = arith.constant 0 : i32
      %dma_start3A_810 = arith.constant 0 : i32
      %dma_start3A_811 = tpu.memref_slice %arg6[%sub3A_806, %dma_start3A_808, %dma_start3A_809, %dma_start3A_810] : memref<2x14x3x128xi32, #tpu.memory_space<vmem>> -> memref<1x14x3x128xi32, #tpu.memory_space<vmem>>
      %dma_start3A_812 = tpu.memref_squeeze %dma_start3A_811 : memref<1x14x3x128xi32, #tpu.memory_space<vmem>> -> memref<14x3x128xi32, #tpu.memory_space<vmem>>
      %dma_start3A_813 = arith.constant 0 : i32
      %dma_start3A_814 = arith.constant 0 : i32
      %dma_start3A_815 = tpu.memref_slice %arg3[%dma_start3A_807, %arg0, %add3A_805, %dma_start3A_813, %dma_start3A_814] : memref<2x2x6272x3x128xi32, #tpu.memory_space<hbm>> -> memref<1x1x14x3x128xi32, #tpu.memory_space<hbm>>
      %dma_start3A_816 = tpu.memref_squeeze %dma_start3A_815 : memref<1x1x14x3x128xi32, #tpu.memory_space<hbm>> -> memref<14x3x128xi32, #tpu.memory_space<hbm>>
      %dma_start3A_817 = arith.constant 0 : i32
      %dma_start3A_818 = arith.constant 0 : i32
      %dma_start3A_819 = arith.constant 0 : i32
      %dma_start3A_820 = tpu.memref_slice %arg6[%sub3A_806, %dma_start3A_817, %dma_start3A_818, %dma_start3A_819] : memref<2x14x3x128xi32, #tpu.memory_space<vmem>> -> memref<1x14x3x128xi32, #tpu.memory_space<vmem>>
      %dma_start3A_821 = tpu.memref_squeeze %dma_start3A_820 : memref<1x14x3x128xi32, #tpu.memory_space<vmem>> -> memref<14x3x128xi32, #tpu.memory_space<vmem>>
      %dma_start3A_822 = arith.constant 0 : i32
      %dma_start3A_823 = arith.constant 0 : i32
      %dma_start3A_824 = tpu.memref_slice %arg3[%dma_start3A_807, %arg0, %add3A_805, %dma_start3A_822, %dma_start3A_823] : memref<2x2x6272x3x128xi32, #tpu.memory_space<hbm>> -> memref<1x1x14x3x128xi32, #tpu.memory_space<hbm>>
      %dma_start3A_825 = tpu.memref_squeeze %dma_start3A_824 : memref<1x1x14x3x128xi32, #tpu.memory_space<hbm>> -> memref<14x3x128xi32, #tpu.memory_space<hbm>>
      tpu.enqueue_dma source(%dma_start3A_825 : memref<14x3x128xi32, #tpu.memory_space<hbm>>) target(%dma_start3A_821 : memref<14x3x128xi32, #tpu.memory_space<vmem>>) target_semaphore(%arg11 : memref<!tpu.dma_semaphore, #tpu.memory_space<semaphore_mem>>)
      %mul3A_826 = arith.constant 14 : i32
      %mul3A_827 = arith.muli %add3A_795, %mul3A_826 : i32
      %and3A_828 = arith.constant 3 : i32
      %and3A_829 = arith.andi %mul3A_827, %and3A_828 : i32
      %dma_start3A_830 = arith.constant 0 : i32
      %dma_start3A_831 = arith.constant 0 : i32
      %dma_start3A_832 = arith.constant 0 : i32
      %dma_start3A_833 = arith.constant 0 : i32
      %dma_start3A_834 = tpu.memref_slice %arg7[%and3A_829, %dma_start3A_832, %dma_start3A_833] : memref<4x128x32xf32, #tpu.memory_space<vmem>> -> memref<1x128x32xf32, #tpu.memory_space<vmem>>
      %dma_start3A_835 = tpu.memref_squeeze %dma_start3A_834 : memref<1x128x32xf32, #tpu.memory_space<vmem>> -> memref<128x32xf32, #tpu.memory_space<vmem>>
      %dma_start3A_836 = arith.constant 0 : i32
      %dma_start3A_837 = tpu.memref_slice %arg6[%and3A_796, %dma_start3A_830, %dma_start3A_831, %dma_start3A_836] : memref<2x14x3x128xi32, #tpu.memory_space<vmem>> -> memref<1x1x1x128xi32, #tpu.memory_space<vmem>>
      %dma_start3A_838 = tpu.memref_squeeze %dma_start3A_837 : memref<1x1x1x128xi32, #tpu.memory_space<vmem>> -> memref<128xi32, #tpu.memory_space<vmem>>
      %dma_start3A_839 = arith.constant 0 : i32
      %dma_start3A_840 = arith.constant 0 : i32
      %dma_start3A_841 = tpu.memref_slice %arg2[%dma_start3A_839, %dma_start3A_840] : memref<100000x32xf32, #tpu.memory_space<hbm>> -> memref<100000x32xf32, #tpu.memory_space<hbm>>
      tpu.enqueue_indirect_dma source(%dma_start3A_841 : memref<100000x32xf32, #tpu.memory_space<hbm>>) target(%dma_start3A_835 : memref<128x32xf32, #tpu.memory_space<vmem>>) offsets(%dma_start3A_838 : memref<128xi32, #tpu.memory_space<vmem>>) semaphore(%arg9 : memref<!tpu.dma_semaphore, #tpu.memory_space<semaphore_mem>>)
      %mul3A_842 = arith.constant 14 : i32
      %mul3A_843 = arith.muli %add3A_795, %mul3A_842 : i32
      %add3A_844 = arith.constant 1 : i32
      %add3A_845 = arith.addi %mul3A_843, %add3A_844 : i32
      %and3A_846 = arith.constant 3 : i32
      %and3A_847 = arith.andi %add3A_845, %and3A_846 : i32
      %dma_start3A_848 = arith.constant 1 : i32
      %dma_start3A_849 = arith.constant 0 : i32
      %dma_start3A_850 = arith.constant 0 : i32
      %dma_start3A_851 = arith.constant 0 : i32
      %dma_start3A_852 = tpu.memref_slice %arg7[%and3A_847, %dma_start3A_850, %dma_start3A_851] : memref<4x128x32xf32, #tpu.memory_space<vmem>> -> memref<1x128x32xf32, #tpu.memory_space<vmem>>
      %dma_start3A_853 = tpu.memref_squeeze %dma_start3A_852 : memref<1x128x32xf32, #tpu.memory_space<vmem>> -> memref<128x32xf32, #tpu.memory_space<vmem>>
      %dma_start3A_854 = arith.constant 0 : i32
      %dma_start3A_855 = tpu.memref_slice %arg6[%and3A_796, %dma_start3A_848, %dma_start3A_849, %dma_start3A_854] : memref<2x14x3x128xi32, #tpu.memory_space<vmem>> -> memref<1x1x1x128xi32, #tpu.memory_space<vmem>>
      %dma_start3A_856 = tpu.memref_squeeze %dma_start3A_855 : memref<1x1x1x128xi32, #tpu.memory_space<vmem>> -> memref<128xi32, #tpu.memory_space<vmem>>
      %dma_start3A_857 = arith.constant 0 : i32
      %dma_start3A_858 = arith.constant 0 : i32
      %dma_start3A_859 = tpu.memref_slice %arg2[%dma_start3A_857, %dma_start3A_858] : memref<100000x32xf32, #tpu.memory_space<hbm>> -> memref<100000x32xf32, #tpu.memory_space<hbm>>
      tpu.enqueue_indirect_dma source(%dma_start3A_859 : memref<100000x32xf32, #tpu.memory_space<hbm>>) target(%dma_start3A_853 : memref<128x32xf32, #tpu.memory_space<vmem>>) offsets(%dma_start3A_856 : memref<128xi32, #tpu.memory_space<vmem>>) semaphore(%arg9 : memref<!tpu.dma_semaphore, #tpu.memory_space<semaphore_mem>>)
      %scan3A_860 = arith.constant 0 : i32
      %scan3A_861 = arith.constant 14 : i32
      %scan3A_862 = arith.addi %scan3A_860, %scan3A_861 : i32
      %scan3A_863 = arith.constant 1 : i32
      scf.for %scan3A_884 = %scan3A_860 to %scan3A_862 step %scan3A_863  : i32 {
        %mul3A_885 = arith.constant 1 : i32
        %mul3A_886 = arith.muli %scan3A_884, %mul3A_885 : i32
        %add3A_887 = arith.constant 0 : i32
        %add3A_888 = arith.addi %add3A_887, %mul3A_886 : i32
        %mul3A_889 = arith.constant 14 : i32
        %mul3A_890 = arith.muli %add3A_795, %mul3A_889 : i32
        %add3A_891 = arith.addi %mul3A_890, %add3A_888 : i32
        %and3A_892 = arith.constant 3 : i32
        %and3A_893 = arith.andi %add3A_891, %and3A_892 : i32
        %ge3A = arith.constant 2 : i32
        %ge3A_894 = arith.cmpi sge, %add3A_891, %ge3A : i32
        %convert_element_type3A_895 = arith.extui %ge3A_894 : i1 to i32
        %cond3A_896 = arith.constant 0 : i32
        %cond3A_897 = arith.cmpi ne, %convert_element_type3A_895, %cond3A_896 : i32
        scf.if %cond3A_897 {
          %dma_wait3A_936 = arith.constant 0 : i32
          %dma_wait3A_937 = arith.constant 0 : i32
          %dma_wait3A_938 = arith.constant 0 : i32
          %dma_wait3A_939 = tpu.memref_slice %arg7[%dma_wait3A_936, %dma_wait3A_937, %dma_wait3A_938] : memref<4x128x32xf32, #tpu.memory_space<vmem>> -> memref<1x128x32xf32, #tpu.memory_space<vmem>>
          %dma_wait3A_940 = tpu.memref_squeeze %dma_wait3A_939 : memref<1x128x32xf32, #tpu.memory_space<vmem>> -> memref<128x32xf32, #tpu.memory_space<vmem>>
          %dma_wait3A_941 = arith.constant 0 : i32
          %dma_wait3A_942 = arith.constant 0 : i32
          %dma_wait3A_943 = tpu.memref_slice %arg2[%dma_wait3A_941, %dma_wait3A_942] : memref<100000x32xf32, #tpu.memory_space<hbm>> -> memref<128x32xf32, #tpu.memory_space<hbm>>
          %dma_wait3A_944 = arith.constant 0 : i32
          %dma_wait3A_945 = arith.constant 0 : i32
          %dma_wait3A_946 = tpu.memref_slice %arg7[%dma_wait3A_936, %dma_wait3A_944, %dma_wait3A_945] : memref<4x128x32xf32, #tpu.memory_space<vmem>> -> memref<1x128x32xf32, #tpu.memory_space<vmem>>
          %dma_wait3A_947 = tpu.memref_squeeze %dma_wait3A_946 : memref<1x128x32xf32, #tpu.memory_space<vmem>> -> memref<128x32xf32, #tpu.memory_space<vmem>>
          %dma_wait3A_948 = arith.constant 0 : i32
          %dma_wait3A_949 = arith.constant 0 : i32
          %dma_wait3A_950 = tpu.memref_slice %arg2[%dma_wait3A_948, %dma_wait3A_949] : memref<100000x32xf32, #tpu.memory_space<hbm>> -> memref<128x32xf32, #tpu.memory_space<hbm>>
          tpu.wait_dma2 semaphore(%arg10 : memref<!tpu.dma_semaphore, #tpu.memory_space<semaphore_mem>>) src(%dma_wait3A_950 : memref<128x32xf32, #tpu.memory_space<hbm>>) dst(%dma_wait3A_947 : memref<128x32xf32, #tpu.memory_space<vmem>>)
        } else {
        }
        %add3A_898 = arith.constant 2 : i32
        %add3A_899 = arith.addi %add3A_888, %add3A_898 : i32
        %lt3A_900 = arith.constant 14 : i32
        %lt3A_901 = arith.cmpi slt, %add3A_899, %lt3A_900 : i32
        %convert_element_type3A_902 = arith.extui %lt3A_901 : i1 to i32
        %cond3A_903 = arith.constant 0 : i32
        %cond3A_904 = arith.cmpi ne, %convert_element_type3A_902, %cond3A_903 : i32
        scf.if %cond3A_904 {
          %add3A_936 = arith.constant 2 : i32
          %add3A_937 = arith.addi %add3A_888, %add3A_936 : i32
          %add3A_938 = arith.constant 2 : i32
          %add3A_939 = arith.addi %add3A_891, %add3A_938 : i32
          %and3A_940 = arith.constant 3 : i32
          %and3A_941 = arith.andi %add3A_939, %and3A_940 : i32
          %dma_start3A_942 = arith.constant 0 : i32
          %dma_start3A_943 = arith.constant 0 : i32
          %dma_start3A_944 = arith.constant 0 : i32
          %dma_start3A_945 = tpu.memref_slice %arg7[%and3A_941, %dma_start3A_943, %dma_start3A_944] : memref<4x128x32xf32, #tpu.memory_space<vmem>> -> memref<1x128x32xf32, #tpu.memory_space<vmem>>
          %dma_start3A_946 = tpu.memref_squeeze %dma_start3A_945 : memref<1x128x32xf32, #tpu.memory_space<vmem>> -> memref<128x32xf32, #tpu.memory_space<vmem>>
          %dma_start3A_947 = arith.constant 0 : i32
          %dma_start3A_948 = tpu.memref_slice %arg6[%and3A_796, %add3A_937, %dma_start3A_942, %dma_start3A_947] : memref<2x14x3x128xi32, #tpu.memory_space<vmem>> -> memref<1x1x1x128xi32, #tpu.memory_space<vmem>>
          %dma_start3A_949 = tpu.memref_squeeze %dma_start3A_948 : memref<1x1x1x128xi32, #tpu.memory_space<vmem>> -> memref<128xi32, #tpu.memory_space<vmem>>
          %dma_start3A_950 = arith.constant 0 : i32
          %dma_start3A_951 = arith.constant 0 : i32
          %dma_start3A_952 = tpu.memref_slice %arg2[%dma_start3A_950, %dma_start3A_951] : memref<100000x32xf32, #tpu.memory_space<hbm>> -> memref<100000x32xf32, #tpu.memory_space<hbm>>
          tpu.enqueue_indirect_dma source(%dma_start3A_952 : memref<100000x32xf32, #tpu.memory_space<hbm>>) target(%dma_start3A_946 : memref<128x32xf32, #tpu.memory_space<vmem>>) offsets(%dma_start3A_949 : memref<128xi32, #tpu.memory_space<vmem>>) semaphore(%arg9 : memref<!tpu.dma_semaphore, #tpu.memory_space<semaphore_mem>>)
        } else {
        }
        %dma_wait3A_905 = arith.constant 0 : i32
        %dma_wait3A_906 = arith.constant 0 : i32
        %dma_wait3A_907 = arith.constant 0 : i32
        %dma_wait3A_908 = tpu.memref_slice %arg7[%dma_wait3A_905, %dma_wait3A_906, %dma_wait3A_907] : memref<4x128x32xf32, #tpu.memory_space<vmem>> -> memref<1x128x32xf32, #tpu.memory_space<vmem>>
        %dma_wait3A_909 = tpu.memref_squeeze %dma_wait3A_908 : memref<1x128x32xf32, #tpu.memory_space<vmem>> -> memref<128x32xf32, #tpu.memory_space<vmem>>
        %dma_wait3A_910 = arith.constant 0 : i32
        %dma_wait3A_911 = arith.constant 0 : i32
        %dma_wait3A_912 = tpu.memref_slice %arg2[%dma_wait3A_910, %dma_wait3A_911] : memref<100000x32xf32, #tpu.memory_space<hbm>> -> memref<128x32xf32, #tpu.memory_space<hbm>>
        %dma_wait3A_913 = arith.constant 0 : i32
        %dma_wait3A_914 = arith.constant 0 : i32
        %dma_wait3A_915 = tpu.memref_slice %arg7[%dma_wait3A_905, %dma_wait3A_913, %dma_wait3A_914] : memref<4x128x32xf32, #tpu.memory_space<vmem>> -> memref<1x128x32xf32, #tpu.memory_space<vmem>>
        %dma_wait3A_916 = tpu.memref_squeeze %dma_wait3A_915 : memref<1x128x32xf32, #tpu.memory_space<vmem>> -> memref<128x32xf32, #tpu.memory_space<vmem>>
        %dma_wait3A_917 = arith.constant 0 : i32
        %dma_wait3A_918 = arith.constant 0 : i32
        %dma_wait3A_919 = tpu.memref_slice %arg2[%dma_wait3A_917, %dma_wait3A_918] : memref<100000x32xf32, #tpu.memory_space<hbm>> -> memref<128x32xf32, #tpu.memory_space<hbm>>
        tpu.wait_dma2 semaphore(%arg9 : memref<!tpu.dma_semaphore, #tpu.memory_space<semaphore_mem>>) src(%dma_wait3A_919 : memref<128x32xf32, #tpu.memory_space<hbm>>) dst(%dma_wait3A_916 : memref<128x32xf32, #tpu.memory_space<vmem>>)
        %scan3A_920 = arith.constant 0 : i32
        %scan3A_921 = arith.constant 8 : i32
        %scan3A_922 = arith.addi %scan3A_920, %scan3A_921 : i32
        %scan3A_923 = arith.constant 1 : i32
        scf.for %scan3A_936 = %scan3A_920 to %scan3A_922 step %scan3A_923  : i32 {
          %mul3A_937 = arith.constant 1 : i32
          %mul3A_938 = arith.muli %scan3A_936, %mul3A_937 : i32
          %add3A_939 = arith.constant 0 : i32
          %add3A_940 = arith.addi %add3A_939, %mul3A_938 : i32
          %mul3A_941 = arith.constant 16 : i32
          %mul3A_942 = arith.muli %add3A_940, %mul3A_941 : i32
          %get3A = arith.constant 2 : i32
          %get3A_943 = arith.index_cast %and3A_796 : i32 to index
          %get3A_944 = arith.index_cast %add3A_888 : i32 to index
          %get3A_945 = arith.index_cast %get3A : i32 to index
          %get3A_946 = arith.index_cast %mul3A_942 : i32 to index
          %get3A_947 = tpu.vector_load %arg6[%get3A_943, %get3A_944, %get3A_945, %get3A_946] {strides = array<i32>} : memref<2x14x3x128xi32, #tpu.memory_space<vmem>>, vector<1x1x1x16xi32>,
          %get3A_948 = vector.shape_cast %get3A_947 : vector<1x1x1x16xi32> to vector<16xi32>
          %bitcast_convert_type3A = tpu.bitcast %get3A_948 : vector<16xi32> -> vector<16xf32>
          %mul3A_949 = arith.constant 16 : i32
          %mul3A_950 = arith.muli %add3A_940, %mul3A_949 : i32
          %add3A_951 = arith.constant 0 : i32
          %add3A_952 = arith.addi %mul3A_950, %add3A_951 : i32
          %slice3A = vector.extract_strided_slice %bitcast_convert_type3A {offsets = [0], sizes = [1], strides = [1]} : vector<16xf32> to vector<1xf32>
          %squeeze3A = vector.extract %slice3A[0] : f32 from vector<1xf32>
          %broadcast_in_dim3A_953 = vector.broadcast %squeeze3A : f32 to vector<16xf32>
          %get3A_954 = arith.index_cast %and3A_893 : i32 to index
          %get3A_955 = arith.index_cast %add3A_952 : i32 to index
          %get3A_956 = arith.constant 0 : index
          %get3A_957 = tpu.vector_load %arg7[%get3A_954, %get3A_955, %get3A_956] {strides = array<i32>} : memref<4x128x32xf32, #tpu.memory_space<vmem>>, vector<1x1x16xf32>,
          %get3A_958 = vector.shape_cast %get3A_957 : vector<1x1x16xf32> to vector<16xf32>
          %mul3A_959 = arith.mulf %get3A_958, %broadcast_in_dim3A_953 : vector<16xf32>
          %swap3A = arith.index_cast %and3A_893 : i32 to index
          %swap3A_960 = arith.index_cast %add3A_952 : i32 to index
          %swap3A_961 = arith.constant 0 : index
          %swap3A_962 = tpu.vector_load %arg7[%swap3A, %swap3A_960, %swap3A_961] {strides = array<i32>} : memref<4x128x32xf32, #tpu.memory_space<vmem>>, vector<1x1x16xf32>,
          %swap3A_963 = vector.shape_cast %swap3A_962 : vector<1x1x16xf32> to vector<16xf32>
          %swap3A_964 = vector.shape_cast %mul3A_959 : vector<16xf32> to vector<1x1x16xf32>
          tpu.vector_store %arg7[%swap3A, %swap3A_960, %swap3A_961], %swap3A_964 {strides = array<i32>} : memref<4x128x32xf32, #tpu.memory_space<vmem>>, vector<1x1x16xf32>,
          %get3A_965 = arith.index_cast %and3A_893 : i32 to index
          %get3A_966 = arith.index_cast %add3A_952 : i32 to index
          %get3A_967 = arith.constant 16 : index
          %get3A_968 = tpu.vector_load %arg7[%get3A_965, %get3A_966, %get3A_967] {strides = array<i32>} : memref<4x128x32xf32, #tpu.memory_space<vmem>>, vector<1x1x16xf32>,
          %get3A_969 = vector.shape_cast %get3A_968 : vector<1x1x16xf32> to vector<16xf32>
          %mul3A_970 = arith.mulf %get3A_969, %broadcast_in_dim3A_953 : vector<16xf32>
          %swap3A_971 = arith.index_cast %and3A_893 : i32 to index
          %swap3A_972 = arith.index_cast %add3A_952 : i32 to index
          %swap3A_973 = arith.constant 16 : index
          %swap3A_974 = tpu.vector_load %arg7[%swap3A_971, %swap3A_972, %swap3A_973] {strides = array<i32>} : memref<4x128x32xf32, #tpu.memory_space<vmem>>, vector<1x1x16xf32>,
          %swap3A_975 = vector.shape_cast %swap3A_974 : vector<1x1x16xf32> to vector<16xf32>
          %swap3A_976 = vector.shape_cast %mul3A_970 : vector<16xf32> to vector<1x1x16xf32>
          tpu.vector_store %arg7[%swap3A_971, %swap3A_972, %swap3A_973], %swap3A_976 {strides = array<i32>} : memref<4x128x32xf32, #tpu.memory_space<vmem>>, vector<1x1x16xf32>,
          %mul3A_977 = arith.constant 16 : i32
          %mul3A_978 = arith.muli %add3A_940, %mul3A_977 : i32
          %add3A_979 = arith.constant 1 : i32
          %add3A_980 = arith.addi %mul3A_978, %add3A_979 : i32
          %slice3A_981 = vector.extract_strided_slice %bitcast_convert_type3A {offsets = [1], sizes = [1], strides = [1]} : vector<16xf32> to vector<1xf32>
          %squeeze3A_982 = vector.extract %slice3A_981[0] : f32 from vector<1xf32>
          %broadcast_in_dim3A_983 = vector.broadcast %squeeze3A_982 : f32 to vector<16xf32>
          %get3A_984 = arith.index_cast %and3A_893 : i32 to index
          %get3A_985 = arith.index_cast %add3A_980 : i32 to index
          %get3A_986 = arith.constant 0 : index
          %get3A_987 = tpu.vector_load %arg7[%get3A_984, %get3A_985, %get3A_986] {strides = array<i32>} : memref<4x128x32xf32, #tpu.memory_space<vmem>>, vector<1x1x16xf32>,
          %get3A_988 = vector.shape_cast %get3A_987 : vector<1x1x16xf32> to vector<16xf32>
          %mul3A_989 = arith.mulf %get3A_988, %broadcast_in_dim3A_983 : vector<16xf32>
          %swap3A_990 = arith.index_cast %and3A_893 : i32 to index
          %swap3A_991 = arith.index_cast %add3A_980 : i32 to index
          %swap3A_992 = arith.constant 0 : index
          %swap3A_993 = tpu.vector_load %arg7[%swap3A_990, %swap3A_991, %swap3A_992] {strides = array<i32>} : memref<4x128x32xf32, #tpu.memory_space<vmem>>, vector<1x1x16xf32>,
          %swap3A_994 = vector.shape_cast %swap3A_993 : vector<1x1x16xf32> to vector<16xf32>
          %swap3A_995 = vector.shape_cast %mul3A_989 : vector<16xf32> to vector<1x1x16xf32>
          tpu.vector_store %arg7[%swap3A_990, %swap3A_991, %swap3A_992], %swap3A_995 {strides = array<i32>} : memref<4x128x32xf32, #tpu.memory_space<vmem>>, vector<1x1x16xf32>,
          %get3A_996 = arith.index_cast %and3A_893 : i32 to index
          %get3A_997 = arith.index_cast %add3A_980 : i32 to index
          %get3A_998 = arith.constant 16 : index
          %get3A_999 = tpu.vector_load %arg7[%get3A_996, %get3A_997, %get3A_998] {strides = array<i32>} : memref<4x128x32xf32, #tpu.memory_space<vmem>>, vector<1x1x16xf32>,
          %get3A_1000 = vector.shape_cast %get3A_999 : vector<1x1x16xf32> to vector<16xf32>
          %mul3A_1001 = arith.mulf %get3A_1000, %broadcast_in_dim3A_983 : vector<16xf32>
          %swap3A_1002 = arith.index_cast %and3A_893 : i32 to index
          %swap3A_1003 = arith.index_cast %add3A_980 : i32 to index
          %swap3A_1004 = arith.constant 16 : index
          %swap3A_1005 = tpu.vector_load %arg7[%swap3A_1002, %swap3A_1003, %swap3A_1004] {strides = array<i32>} : memref<4x128x32xf32, #tpu.memory_space<vmem>>, vector<1x1x16xf32>,
          %swap3A_1006 = vector.shape_cast %swap3A_1005 : vector<1x1x16xf32> to vector<16xf32>
          %swap3A_1007 = vector.shape_cast %mul3A_1001 : vector<16xf32> to vector<1x1x16xf32>
          tpu.vector_store %arg7[%swap3A_1002, %swap3A_1003, %swap3A_1004], %swap3A_1007 {strides = array<i32>} : memref<4x128x32xf32, #tpu.memory_space<vmem>>, vector<1x1x16xf32>,
          %mul3A_1008 = arith.constant 16 : i32
          %mul3A_1009 = arith.muli %add3A_940, %mul3A_1008 : i32
          %add3A_1010 = arith.constant 2 : i32
          %add3A_1011 = arith.addi %mul3A_1009, %add3A_1010 : i32
          %slice3A_1012 = vector.extract_strided_slice %bitcast_convert_type3A {offsets = [2], sizes = [1], strides = [1]} : vector<16xf32> to vector<1xf32>
          %squeeze3A_1013 = vector.extract %slice3A_1012[0] : f32 from vector<1xf32>
          %broadcast_in_dim3A_1014 = vector.broadcast %squeeze3A_1013 : f32 to vector<16xf32>
          %get3A_1015 = arith.index_cast %and3A_893 : i32 to index
          %get3A_1016 = arith.index_cast %add3A_1011 : i32 to index
          %get3A_1017 = arith.constant 0 : index
          %get3A_1018 = tpu.vector_load %arg7[%get3A_1015, %get3A_1016, %get3A_1017] {strides = array<i32>} : memref<4x128x32xf32, #tpu.memory_space<vmem>>, vector<1x1x16xf32>,
          %get3A_1019 = vector.shape_cast %get3A_1018 : vector<1x1x16xf32> to vector<16xf32>
          %mul3A_1020 = arith.mulf %get3A_1019, %broadcast_in_dim3A_1014 : vector<16xf32>
          %swap3A_1021 = arith.index_cast %and3A_893 : i32 to index
          %swap3A_1022 = arith.index_cast %add3A_1011 : i32 to index
          %swap3A_1023 = arith.constant 0 : index
          %swap3A_1024 = tpu.vector_load %arg7[%swap3A_1021, %swap3A_1022, %swap3A_1023] {strides = array<i32>} : memref<4x128x32xf32, #tpu.memory_space<vmem>>, vector<1x1x16xf32>,
          %swap3A_1025 = vector.shape_cast %swap3A_1024 : vector<1x1x16xf32> to vector<16xf32>
          %swap3A_1026 = vector.shape_cast %mul3A_1020 : vector<16xf32> to vector<1x1x16xf32>
          tpu.vector_store %arg7[%swap3A_1021, %swap3A_1022, %swap3A_1023], %swap3A_1026 {strides = array<i32>} : memref<4x128x32xf32, #tpu.memory_space<vmem>>, vector<1x1x16xf32>,
          %get3A_1027 = arith.index_cast %and3A_893 : i32 to index
          %get3A_1028 = arith.index_cast %add3A_1011 : i32 to index
          %get3A_1029 = arith.constant 16 : index
          %get3A_1030 = tpu.vector_load %arg7[%get3A_1027, %get3A_1028, %get3A_1029] {strides = array<i32>} : memref<4x128x32xf32, #tpu.memory_space<vmem>>, vector<1x1x16xf32>,
          %get3A_1031 = vector.shape_cast %get3A_1030 : vector<1x1x16xf32> to vector<16xf32>
          %mul3A_1032 = arith.mulf %get3A_1031, %broadcast_in_dim3A_1014 : vector<16xf32>
          %swap3A_1033 = arith.index_cast %and3A_893 : i32 to index
          %swap3A_1034 = arith.index_cast %add3A_1011 : i32 to index
          %swap3A_1035 = arith.constant 16 : index
          %swap3A_1036 = tpu.vector_load %arg7[%swap3A_1033, %swap3A_1034, %swap3A_1035] {strides = array<i32>} : memref<4x128x32xf32, #tpu.memory_space<vmem>>, vector<1x1x16xf32>,
          %swap3A_1037 = vector.shape_cast %swap3A_1036 : vector<1x1x16xf32> to vector<16xf32>
          %swap3A_1038 = vector.shape_cast %mul3A_1032 : vector<16xf32> to vector<1x1x16xf32>
          tpu.vector_store %arg7[%swap3A_1033, %swap3A_1034, %swap3A_1035], %swap3A_1038 {strides = array<i32>} : memref<4x128x32xf32, #tpu.memory_space<vmem>>, vector<1x1x16xf32>,
          %mul3A_1039 = arith.constant 16 : i32
          %mul3A_1040 = arith.muli %add3A_940, %mul3A_1039 : i32
          %add3A_1041 = arith.constant 3 : i32
          %add3A_1042 = arith.addi %mul3A_1040, %add3A_1041 : i32
          %slice3A_1043 = vector.extract_strided_slice %bitcast_convert_type3A {offsets = [3], sizes = [1], strides = [1]} : vector<16xf32> to vector<1xf32>
          %squeeze3A_1044 = vector.extract %slice3A_1043[0] : f32 from vector<1xf32>
          %broadcast_in_dim3A_1045 = vector.broadcast %squeeze3A_1044 : f32 to vector<16xf32>
          %get3A_1046 = arith.index_cast %and3A_893 : i32 to index
          %get3A_1047 = arith.index_cast %add3A_1042 : i32 to index
          %get3A_1048 = arith.constant 0 : index
          %get3A_1049 = tpu.vector_load %arg7[%get3A_1046, %get3A_1047, %get3A_1048] {strides = array<i32>} : memref<4x128x32xf32, #tpu.memory_space<vmem>>, vector<1x1x16xf32>,
          %get3A_1050 = vector.shape_cast %get3A_1049 : vector<1x1x16xf32> to vector<16xf32>
          %mul3A_1051 = arith.mulf %get3A_1050, %broadcast_in_dim3A_1045 : vector<16xf32>
          %swap3A_1052 = arith.index_cast %and3A_893 : i32 to index
          %swap3A_1053 = arith.index_cast %add3A_1042 : i32 to index
          %swap3A_1054 = arith.constant 0 : index
          %swap3A_1055 = tpu.vector_load %arg7[%swap3A_1052, %swap3A_1053, %swap3A_1054] {strides = array<i32>} : memref<4x128x32xf32, #tpu.memory_space<vmem>>, vector<1x1x16xf32>,
          %swap3A_1056 = vector.shape_cast %swap3A_1055 : vector<1x1x16xf32> to vector<16xf32>
          %swap3A_1057 = vector.shape_cast %mul3A_1051 : vector<16xf32> to vector<1x1x16xf32>
          tpu.vector_store %arg7[%swap3A_1052, %swap3A_1053, %swap3A_1054], %swap3A_1057 {strides = array<i32>} : memref<4x128x32xf32, #tpu.memory_space<vmem>>, vector<1x1x16xf32>,
          %get3A_1058 = arith.index_cast %and3A_893 : i32 to index
          %get3A_1059 = arith.index_cast %add3A_1042 : i32 to index
          %get3A_1060 = arith.constant 16 : index
          %get3A_1061 = tpu.vector_load %arg7[%get3A_1058, %get3A_1059, %get3A_1060] {strides = array<i32>} : memref<4x128x32xf32, #tpu.memory_space<vmem>>, vector<1x1x16xf32>,
          %get3A_1062 = vector.shape_cast %get3A_1061 : vector<1x1x16xf32> to vector<16xf32>
          %mul3A_1063 = arith.mulf %get3A_1062, %broadcast_in_dim3A_1045 : vector<16xf32>
          %swap3A_1064 = arith.index_cast %and3A_893 : i32 to index
          %swap3A_1065 = arith.index_cast %add3A_1042 : i32 to index
          %swap3A_1066 = arith.constant 16 : index
          %swap3A_1067 = tpu.vector_load %arg7[%swap3A_1064, %swap3A_1065, %swap3A_1066] {strides = array<i32>} : memref<4x128x32xf32, #tpu.memory_space<vmem>>, vector<1x1x16xf32>,
          %swap3A_1068 = vector.shape_cast %swap3A_1067 : vector<1x1x16xf32> to vector<16xf32>
          %swap3A_1069 = vector.shape_cast %mul3A_1063 : vector<16xf32> to vector<1x1x16xf32>
          tpu.vector_store %arg7[%swap3A_1064, %swap3A_1065, %swap3A_1066], %swap3A_1069 {strides = array<i32>} : memref<4x128x32xf32, #tpu.memory_space<vmem>>, vector<1x1x16xf32>,
          %mul3A_1070 = arith.constant 16 : i32
          %mul3A_1071 = arith.muli %add3A_940, %mul3A_1070 : i32
          %add3A_1072 = arith.constant 4 : i32
          %add3A_1073 = arith.addi %mul3A_1071, %add3A_1072 : i32
          %slice3A_1074 = vector.extract_strided_slice %bitcast_convert_type3A {offsets = [4], sizes = [1], strides = [1]} : vector<16xf32> to vector<1xf32>
          %squeeze3A_1075 = vector.extract %slice3A_1074[0] : f32 from vector<1xf32>
          %broadcast_in_dim3A_1076 = vector.broadcast %squeeze3A_1075 : f32 to vector<16xf32>
          %get3A_1077 = arith.index_cast %and3A_893 : i32 to index
          %get3A_1078 = arith.index_cast %add3A_1073 : i32 to index
          %get3A_1079 = arith.constant 0 : index
          %get3A_1080 = tpu.vector_load %arg7[%get3A_1077, %get3A_1078, %get3A_1079] {strides = array<i32>} : memref<4x128x32xf32, #tpu.memory_space<vmem>>, vector<1x1x16xf32>,
          %get3A_1081 = vector.shape_cast %get3A_1080 : vector<1x1x16xf32> to vector<16xf32>
          %mul3A_1082 = arith.mulf %get3A_1081, %broadcast_in_dim3A_1076 : vector<16xf32>
          %swap3A_1083 = arith.index_cast %and3A_893 : i32 to index
          %swap3A_1084 = arith.index_cast %add3A_1073 : i32 to index
          %swap3A_1085 = arith.constant 0 : index
          %swap3A_1086 = tpu.vector_load %arg7[%swap3A_1083, %swap3A_1084, %swap3A_1085] {strides = array<i32>} : memref<4x128x32xf32, #tpu.memory_space<vmem>>, vector<1x1x16xf32>,
          %swap3A_1087 = vector.shape_cast %swap3A_1086 : vector<1x1x16xf32> to vector<16xf32>
          %swap3A_1088 = vector.shape_cast %mul3A_1082 : vector<16xf32> to vector<1x1x16xf32>
          tpu.vector_store %arg7[%swap3A_1083, %swap3A_1084, %swap3A_1085], %swap3A_1088 {strides = array<i32>} : memref<4x128x32xf32, #tpu.memory_space<vmem>>, vector<1x1x16xf32>,
          %get3A_1089 = arith.index_cast %and3A_893 : i32 to index
          %get3A_1090 = arith.index_cast %add3A_1073 : i32 to index
          %get3A_1091 = arith.constant 16 : index
          %get3A_1092 = tpu.vector_load %arg7[%get3A_1089, %get3A_1090, %get3A_1091] {strides = array<i32>} : memref<4x128x32xf32, #tpu.memory_space<vmem>>, vector<1x1x16xf32>,
          %get3A_1093 = vector.shape_cast %get3A_1092 : vector<1x1x16xf32> to vector<16xf32>
          %mul3A_1094 = arith.mulf %get3A_1093, %broadcast_in_dim3A_1076 : vector<16xf32>
          %swap3A_1095 = arith.index_cast %and3A_893 : i32 to index
          %swap3A_1096 = arith.index_cast %add3A_1073 : i32 to index
          %swap3A_1097 = arith.constant 16 : index
          %swap3A_1098 = tpu.vector_load %arg7[%swap3A_1095, %swap3A_1096, %swap3A_1097] {strides = array<i32>} : memref<4x128x32xf32, #tpu.memory_space<vmem>>, vector<1x1x16xf32>,
          %swap3A_1099 = vector.shape_cast %swap3A_1098 : vector<1x1x16xf32> to vector<16xf32>
          %swap3A_1100 = vector.shape_cast %mul3A_1094 : vector<16xf32> to vector<1x1x16xf32>
          tpu.vector_store %arg7[%swap3A_1095, %swap3A_1096, %swap3A_1097], %swap3A_1100 {strides = array<i32>} : memref<4x128x32xf32, #tpu.memory_space<vmem>>, vector<1x1x16xf32>,
          %mul3A_1101 = arith.constant 16 : i32
          %mul3A_1102 = arith.muli %add3A_940, %mul3A_1101 : i32
          %add3A_1103 = arith.constant 5 : i32
          %add3A_1104 = arith.addi %mul3A_1102, %add3A_1103 : i32
          %slice3A_1105 = vector.extract_strided_slice %bitcast_convert_type3A {offsets = [5], sizes = [1], strides = [1]} : vector<16xf32> to vector<1xf32>
          %squeeze3A_1106 = vector.extract %slice3A_1105[0] : f32 from vector<1xf32>
          %broadcast_in_dim3A_1107 = vector.broadcast %squeeze3A_1106 : f32 to vector<16xf32>
          %get3A_1108 = arith.index_cast %and3A_893 : i32 to index
          %get3A_1109 = arith.index_cast %add3A_1104 : i32 to index
          %get3A_1110 = arith.constant 0 : index
          %get3A_1111 = tpu.vector_load %arg7[%get3A_1108, %get3A_1109, %get3A_1110] {strides = array<i32>} : memref<4x128x32xf32, #tpu.memory_space<vmem>>, vector<1x1x16xf32>,
          %get3A_1112 = vector.shape_cast %get3A_1111 : vector<1x1x16xf32> to vector<16xf32>
          %mul3A_1113 = arith.mulf %get3A_1112, %broadcast_in_dim3A_1107 : vector<16xf32>
          %swap3A_1114 = arith.index_cast %and3A_893 : i32 to index
          %swap3A_1115 = arith.index_cast %add3A_1104 : i32 to index
          %swap3A_1116 = arith.constant 0 : index
          %swap3A_1117 = tpu.vector_load %arg7[%swap3A_1114, %swap3A_1115, %swap3A_1116] {strides = array<i32>} : memref<4x128x32xf32, #tpu.memory_space<vmem>>, vector<1x1x16xf32>,
          %swap3A_1118 = vector.shape_cast %swap3A_1117 : vector<1x1x16xf32> to vector<16xf32>
          %swap3A_1119 = vector.shape_cast %mul3A_1113 : vector<16xf32> to vector<1x1x16xf32>
          tpu.vector_store %arg7[%swap3A_1114, %swap3A_1115, %swap3A_1116], %swap3A_1119 {strides = array<i32>} : memref<4x128x32xf32, #tpu.memory_space<vmem>>, vector<1x1x16xf32>,
          %get3A_1120 = arith.index_cast %and3A_893 : i32 to index
          %get3A_1121 = arith.index_cast %add3A_1104 : i32 to index
          %get3A_1122 = arith.constant 16 : index
          %get3A_1123 = tpu.vector_load %arg7[%get3A_1120, %get3A_1121, %get3A_1122] {strides = array<i32>} : memref<4x128x32xf32, #tpu.memory_space<vmem>>, vector<1x1x16xf32>,
          %get3A_1124 = vector.shape_cast %get3A_1123 : vector<1x1x16xf32> to vector<16xf32>
          %mul3A_1125 = arith.mulf %get3A_1124, %broadcast_in_dim3A_1107 : vector<16xf32>
          %swap3A_1126 = arith.index_cast %and3A_893 : i32 to index
          %swap3A_1127 = arith.index_cast %add3A_1104 : i32 to index
          %swap3A_1128 = arith.constant 16 : index
          %swap3A_1129 = tpu.vector_load %arg7[%swap3A_1126, %swap3A_1127, %swap3A_1128] {strides = array<i32>} : memref<4x128x32xf32, #tpu.memory_space<vmem>>, vector<1x1x16xf32>,
          %swap3A_1130 = vector.shape_cast %swap3A_1129 : vector<1x1x16xf32> to vector<16xf32>
          %swap3A_1131 = vector.shape_cast %mul3A_1125 : vector<16xf32> to vector<1x1x16xf32>
          tpu.vector_store %arg7[%swap3A_1126, %swap3A_1127, %swap3A_1128], %swap3A_1131 {strides = array<i32>} : memref<4x128x32xf32, #tpu.memory_space<vmem>>, vector<1x1x16xf32>,
          %mul3A_1132 = arith.constant 16 : i32
          %mul3A_1133 = arith.muli %add3A_940, %mul3A_1132 : i32
          %add3A_1134 = arith.constant 6 : i32
          %add3A_1135 = arith.addi %mul3A_1133, %add3A_1134 : i32
          %slice3A_1136 = vector.extract_strided_slice %bitcast_convert_type3A {offsets = [6], sizes = [1], strides = [1]} : vector<16xf32> to vector<1xf32>
          %squeeze3A_1137 = vector.extract %slice3A_1136[0] : f32 from vector<1xf32>
          %broadcast_in_dim3A_1138 = vector.broadcast %squeeze3A_1137 : f32 to vector<16xf32>
          %get3A_1139 = arith.index_cast %and3A_893 : i32 to index
          %get3A_1140 = arith.index_cast %add3A_1135 : i32 to index
          %get3A_1141 = arith.constant 0 : index
          %get3A_1142 = tpu.vector_load %arg7[%get3A_1139, %get3A_1140, %get3A_1141] {strides = array<i32>} : memref<4x128x32xf32, #tpu.memory_space<vmem>>, vector<1x1x16xf32>,
          %get3A_1143 = vector.shape_cast %get3A_1142 : vector<1x1x16xf32> to vector<16xf32>
          %mul3A_1144 = arith.mulf %get3A_1143, %broadcast_in_dim3A_1138 : vector<16xf32>
          %swap3A_1145 = arith.index_cast %and3A_893 : i32 to index
          %swap3A_1146 = arith.index_cast %add3A_1135 : i32 to index
          %swap3A_1147 = arith.constant 0 : index
          %swap3A_1148 = tpu.vector_load %arg7[%swap3A_1145, %swap3A_1146, %swap3A_1147] {strides = array<i32>} : memref<4x128x32xf32, #tpu.memory_space<vmem>>, vector<1x1x16xf32>,
          %swap3A_1149 = vector.shape_cast %swap3A_1148 : vector<1x1x16xf32> to vector<16xf32>
          %swap3A_1150 = vector.shape_cast %mul3A_1144 : vector<16xf32> to vector<1x1x16xf32>
          tpu.vector_store %arg7[%swap3A_1145, %swap3A_1146, %swap3A_1147], %swap3A_1150 {strides = array<i32>} : memref<4x128x32xf32, #tpu.memory_space<vmem>>, vector<1x1x16xf32>,
          %get3A_1151 = arith.index_cast %and3A_893 : i32 to index
          %get3A_1152 = arith.index_cast %add3A_1135 : i32 to index
          %get3A_1153 = arith.constant 16 : index
          %get3A_1154 = tpu.vector_load %arg7[%get3A_1151, %get3A_1152, %get3A_1153] {strides = array<i32>} : memref<4x128x32xf32, #tpu.memory_space<vmem>>, vector<1x1x16xf32>,
          %get3A_1155 = vector.shape_cast %get3A_1154 : vector<1x1x16xf32> to vector<16xf32>
          %mul3A_1156 = arith.mulf %get3A_1155, %broadcast_in_dim3A_1138 : vector<16xf32>
          %swap3A_1157 = arith.index_cast %and3A_893 : i32 to index
          %swap3A_1158 = arith.index_cast %add3A_1135 : i32 to index
          %swap3A_1159 = arith.constant 16 : index
          %swap3A_1160 = tpu.vector_load %arg7[%swap3A_1157, %swap3A_1158, %swap3A_1159] {strides = array<i32>} : memref<4x128x32xf32, #tpu.memory_space<vmem>>, vector<1x1x16xf32>,
          %swap3A_1161 = vector.shape_cast %swap3A_1160 : vector<1x1x16xf32> to vector<16xf32>
          %swap3A_1162 = vector.shape_cast %mul3A_1156 : vector<16xf32> to vector<1x1x16xf32>
          tpu.vector_store %arg7[%swap3A_1157, %swap3A_1158, %swap3A_1159], %swap3A_1162 {strides = array<i32>} : memref<4x128x32xf32, #tpu.memory_space<vmem>>, vector<1x1x16xf32>,
          %mul3A_1163 = arith.constant 16 : i32
          %mul3A_1164 = arith.muli %add3A_940, %mul3A_1163 : i32
          %add3A_1165 = arith.constant 7 : i32
          %add3A_1166 = arith.addi %mul3A_1164, %add3A_1165 : i32
          %slice3A_1167 = vector.extract_strided_slice %bitcast_convert_type3A {offsets = [7], sizes = [1], strides = [1]} : vector<16xf32> to vector<1xf32>
          %squeeze3A_1168 = vector.extract %slice3A_1167[0] : f32 from vector<1xf32>
          %broadcast_in_dim3A_1169 = vector.broadcast %squeeze3A_1168 : f32 to vector<16xf32>
          %get3A_1170 = arith.index_cast %and3A_893 : i32 to index
          %get3A_1171 = arith.index_cast %add3A_1166 : i32 to index
          %get3A_1172 = arith.constant 0 : index
          %get3A_1173 = tpu.vector_load %arg7[%get3A_1170, %get3A_1171, %get3A_1172] {strides = array<i32>} : memref<4x128x32xf32, #tpu.memory_space<vmem>>, vector<1x1x16xf32>,
          %get3A_1174 = vector.shape_cast %get3A_1173 : vector<1x1x16xf32> to vector<16xf32>
          %mul3A_1175 = arith.mulf %get3A_1174, %broadcast_in_dim3A_1169 : vector<16xf32>
          %swap3A_1176 = arith.index_cast %and3A_893 : i32 to index
          %swap3A_1177 = arith.index_cast %add3A_1166 : i32 to index
          %swap3A_1178 = arith.constant 0 : index
          %swap3A_1179 = tpu.vector_load %arg7[%swap3A_1176, %swap3A_1177, %swap3A_1178] {strides = array<i32>} : memref<4x128x32xf32, #tpu.memory_space<vmem>>, vector<1x1x16xf32>,
          %swap3A_1180 = vector.shape_cast %swap3A_1179 : vector<1x1x16xf32> to vector<16xf32>
          %swap3A_1181 = vector.shape_cast %mul3A_1175 : vector<16xf32> to vector<1x1x16xf32>
          tpu.vector_store %arg7[%swap3A_1176, %swap3A_1177, %swap3A_1178], %swap3A_1181 {strides = array<i32>} : memref<4x128x32xf32, #tpu.memory_space<vmem>>, vector<1x1x16xf32>,
          %get3A_1182 = arith.index_cast %and3A_893 : i32 to index
          %get3A_1183 = arith.index_cast %add3A_1166 : i32 to index
          %get3A_1184 = arith.constant 16 : index
          %get3A_1185 = tpu.vector_load %arg7[%get3A_1182, %get3A_1183, %get3A_1184] {strides = array<i32>} : memref<4x128x32xf32, #tpu.memory_space<vmem>>, vector<1x1x16xf32>,
          %get3A_1186 = vector.shape_cast %get3A_1185 : vector<1x1x16xf32> to vector<16xf32>
          %mul3A_1187 = arith.mulf %get3A_1186, %broadcast_in_dim3A_1169 : vector<16xf32>
          %swap3A_1188 = arith.index_cast %and3A_893 : i32 to index
          %swap3A_1189 = arith.index_cast %add3A_1166 : i32 to index
          %swap3A_1190 = arith.constant 16 : index
          %swap3A_1191 = tpu.vector_load %arg7[%swap3A_1188, %swap3A_1189, %swap3A_1190] {strides = array<i32>} : memref<4x128x32xf32, #tpu.memory_space<vmem>>, vector<1x1x16xf32>,
          %swap3A_1192 = vector.shape_cast %swap3A_1191 : vector<1x1x16xf32> to vector<16xf32>
          %swap3A_1193 = vector.shape_cast %mul3A_1187 : vector<16xf32> to vector<1x1x16xf32>
          tpu.vector_store %arg7[%swap3A_1188, %swap3A_1189, %swap3A_1190], %swap3A_1193 {strides = array<i32>} : memref<4x128x32xf32, #tpu.memory_space<vmem>>, vector<1x1x16xf32>,
          %mul3A_1194 = arith.constant 16 : i32
          %mul3A_1195 = arith.muli %add3A_940, %mul3A_1194 : i32
          %add3A_1196 = arith.constant 8 : i32
          %add3A_1197 = arith.addi %mul3A_1195, %add3A_1196 : i32
          %slice3A_1198 = vector.extract_strided_slice %bitcast_convert_type3A {offsets = [8], sizes = [1], strides = [1]} : vector<16xf32> to vector<1xf32>
          %squeeze3A_1199 = vector.extract %slice3A_1198[0] : f32 from vector<1xf32>
          %broadcast_in_dim3A_1200 = vector.broadcast %squeeze3A_1199 : f32 to vector<16xf32>
          %get3A_1201 = arith.index_cast %and3A_893 : i32 to index
          %get3A_1202 = arith.index_cast %add3A_1197 : i32 to index
          %get3A_1203 = arith.constant 0 : index
          %get3A_1204 = tpu.vector_load %arg7[%get3A_1201, %get3A_1202, %get3A_1203] {strides = array<i32>} : memref<4x128x32xf32, #tpu.memory_space<vmem>>, vector<1x1x16xf32>,
          %get3A_1205 = vector.shape_cast %get3A_1204 : vector<1x1x16xf32> to vector<16xf32>
          %mul3A_1206 = arith.mulf %get3A_1205, %broadcast_in_dim3A_1200 : vector<16xf32>
          %swap3A_1207 = arith.index_cast %and3A_893 : i32 to index
          %swap3A_1208 = arith.index_cast %add3A_1197 : i32 to index
          %swap3A_1209 = arith.constant 0 : index
          %swap3A_1210 = tpu.vector_load %arg7[%swap3A_1207, %swap3A_1208, %swap3A_1209] {strides = array<i32>} : memref<4x128x32xf32, #tpu.memory_space<vmem>>, vector<1x1x16xf32>,
          %swap3A_1211 = vector.shape_cast %swap3A_1210 : vector<1x1x16xf32> to vector<16xf32>
          %swap3A_1212 = vector.shape_cast %mul3A_1206 : vector<16xf32> to vector<1x1x16xf32>
          tpu.vector_store %arg7[%swap3A_1207, %swap3A_1208, %swap3A_1209], %swap3A_1212 {strides = array<i32>} : memref<4x128x32xf32, #tpu.memory_space<vmem>>, vector<1x1x16xf32>,
          %get3A_1213 = arith.index_cast %and3A_893 : i32 to index
          %get3A_1214 = arith.index_cast %add3A_1197 : i32 to index
          %get3A_1215 = arith.constant 16 : index
          %get3A_1216 = tpu.vector_load %arg7[%get3A_1213, %get3A_1214, %get3A_1215] {strides = array<i32>} : memref<4x128x32xf32, #tpu.memory_space<vmem>>, vector<1x1x16xf32>,
          %get3A_1217 = vector.shape_cast %get3A_1216 : vector<1x1x16xf32> to vector<16xf32>
          %mul3A_1218 = arith.mulf %get3A_1217, %broadcast_in_dim3A_1200 : vector<16xf32>
          %swap3A_1219 = arith.index_cast %and3A_893 : i32 to index
          %swap3A_1220 = arith.index_cast %add3A_1197 : i32 to index
          %swap3A_1221 = arith.constant 16 : index
          %swap3A_1222 = tpu.vector_load %arg7[%swap3A_1219, %swap3A_1220, %swap3A_1221] {strides = array<i32>} : memref<4x128x32xf32, #tpu.memory_space<vmem>>, vector<1x1x16xf32>,
          %swap3A_1223 = vector.shape_cast %swap3A_1222 : vector<1x1x16xf32> to vector<16xf32>
          %swap3A_1224 = vector.shape_cast %mul3A_1218 : vector<16xf32> to vector<1x1x16xf32>
          tpu.vector_store %arg7[%swap3A_1219, %swap3A_1220, %swap3A_1221], %swap3A_1224 {strides = array<i32>} : memref<4x128x32xf32, #tpu.memory_space<vmem>>, vector<1x1x16xf32>,
          %mul3A_1225 = arith.constant 16 : i32
          %mul3A_1226 = arith.muli %add3A_940, %mul3A_1225 : i32
          %add3A_1227 = arith.constant 9 : i32
          %add3A_1228 = arith.addi %mul3A_1226, %add3A_1227 : i32
          %slice3A_1229 = vector.extract_strided_slice %bitcast_convert_type3A {offsets = [9], sizes = [1], strides = [1]} : vector<16xf32> to vector<1xf32>
          %squeeze3A_1230 = vector.extract %slice3A_1229[0] : f32 from vector<1xf32>
          %broadcast_in_dim3A_1231 = vector.broadcast %squeeze3A_1230 : f32 to vector<16xf32>
          %get3A_1232 = arith.index_cast %and3A_893 : i32 to index
          %get3A_1233 = arith.index_cast %add3A_1228 : i32 to index
          %get3A_1234 = arith.constant 0 : index
          %get3A_1235 = tpu.vector_load %arg7[%get3A_1232, %get3A_1233, %get3A_1234] {strides = array<i32>} : memref<4x128x32xf32, #tpu.memory_space<vmem>>, vector<1x1x16xf32>,
          %get3A_1236 = vector.shape_cast %get3A_1235 : vector<1x1x16xf32> to vector<16xf32>
          %mul3A_1237 = arith.mulf %get3A_1236, %broadcast_in_dim3A_1231 : vector<16xf32>
          %swap3A_1238 = arith.index_cast %and3A_893 : i32 to index
          %swap3A_1239 = arith.index_cast %add3A_1228 : i32 to index
          %swap3A_1240 = arith.constant 0 : index
          %swap3A_1241 = tpu.vector_load %arg7[%swap3A_1238, %swap3A_1239, %swap3A_1240] {strides = array<i32>} : memref<4x128x32xf32, #tpu.memory_space<vmem>>, vector<1x1x16xf32>,
          %swap3A_1242 = vector.shape_cast %swap3A_1241 : vector<1x1x16xf32> to vector<16xf32>
          %swap3A_1243 = vector.shape_cast %mul3A_1237 : vector<16xf32> to vector<1x1x16xf32>
          tpu.vector_store %arg7[%swap3A_1238, %swap3A_1239, %swap3A_1240], %swap3A_1243 {strides = array<i32>} : memref<4x128x32xf32, #tpu.memory_space<vmem>>, vector<1x1x16xf32>,
          %get3A_1244 = arith.index_cast %and3A_893 : i32 to index
          %get3A_1245 = arith.index_cast %add3A_1228 : i32 to index
          %get3A_1246 = arith.constant 16 : index
          %get3A_1247 = tpu.vector_load %arg7[%get3A_1244, %get3A_1245, %get3A_1246] {strides = array<i32>} : memref<4x128x32xf32, #tpu.memory_space<vmem>>, vector<1x1x16xf32>,
          %get3A_1248 = vector.shape_cast %get3A_1247 : vector<1x1x16xf32> to vector<16xf32>
          %mul3A_1249 = arith.mulf %get3A_1248, %broadcast_in_dim3A_1231 : vector<16xf32>
          %swap3A_1250 = arith.index_cast %and3A_893 : i32 to index
          %swap3A_1251 = arith.index_cast %add3A_1228 : i32 to index
          %swap3A_1252 = arith.constant 16 : index
          %swap3A_1253 = tpu.vector_load %arg7[%swap3A_1250, %swap3A_1251, %swap3A_1252] {strides = array<i32>} : memref<4x128x32xf32, #tpu.memory_space<vmem>>, vector<1x1x16xf32>,
          %swap3A_1254 = vector.shape_cast %swap3A_1253 : vector<1x1x16xf32> to vector<16xf32>
          %swap3A_1255 = vector.shape_cast %mul3A_1249 : vector<16xf32> to vector<1x1x16xf32>
          tpu.vector_store %arg7[%swap3A_1250, %swap3A_1251, %swap3A_1252], %swap3A_1255 {strides = array<i32>} : memref<4x128x32xf32, #tpu.memory_space<vmem>>, vector<1x1x16xf32>,
          %mul3A_1256 = arith.constant 16 : i32
          %mul3A_1257 = arith.muli %add3A_940, %mul3A_1256 : i32
          %add3A_1258 = arith.constant 10 : i32
          %add3A_1259 = arith.addi %mul3A_1257, %add3A_1258 : i32
          %slice3A_1260 = vector.extract_strided_slice %bitcast_convert_type3A {offsets = [10], sizes = [1], strides = [1]} : vector<16xf32> to vector<1xf32>
          %squeeze3A_1261 = vector.extract %slice3A_1260[0] : f32 from vector<1xf32>
          %broadcast_in_dim3A_1262 = vector.broadcast %squeeze3A_1261 : f32 to vector<16xf32>
          %get3A_1263 = arith.index_cast %and3A_893 : i32 to index
          %get3A_1264 = arith.index_cast %add3A_1259 : i32 to index
          %get3A_1265 = arith.constant 0 : index
          %get3A_1266 = tpu.vector_load %arg7[%get3A_1263, %get3A_1264, %get3A_1265] {strides = array<i32>} : memref<4x128x32xf32, #tpu.memory_space<vmem>>, vector<1x1x16xf32>,
          %get3A_1267 = vector.shape_cast %get3A_1266 : vector<1x1x16xf32> to vector<16xf32>
          %mul3A_1268 = arith.mulf %get3A_1267, %broadcast_in_dim3A_1262 : vector<16xf32>
          %swap3A_1269 = arith.index_cast %and3A_893 : i32 to index
          %swap3A_1270 = arith.index_cast %add3A_1259 : i32 to index
          %swap3A_1271 = arith.constant 0 : index
          %swap3A_1272 = tpu.vector_load %arg7[%swap3A_1269, %swap3A_1270, %swap3A_1271] {strides = array<i32>} : memref<4x128x32xf32, #tpu.memory_space<vmem>>, vector<1x1x16xf32>,
          %swap3A_1273 = vector.shape_cast %swap3A_1272 : vector<1x1x16xf32> to vector<16xf32>
          %swap3A_1274 = vector.shape_cast %mul3A_1268 : vector<16xf32> to vector<1x1x16xf32>
          tpu.vector_store %arg7[%swap3A_1269, %swap3A_1270, %swap3A_1271], %swap3A_1274 {strides = array<i32>} : memref<4x128x32xf32, #tpu.memory_space<vmem>>, vector<1x1x16xf32>,
          %get3A_1275 = arith.index_cast %and3A_893 : i32 to index
          %get3A_1276 = arith.index_cast %add3A_1259 : i32 to index
          %get3A_1277 = arith.constant 16 : index
          %get3A_1278 = tpu.vector_load %arg7[%get3A_1275, %get3A_1276, %get3A_1277] {strides = array<i32>} : memref<4x128x32xf32, #tpu.memory_space<vmem>>, vector<1x1x16xf32>,
          %get3A_1279 = vector.shape_cast %get3A_1278 : vector<1x1x16xf32> to vector<16xf32>
          %mul3A_1280 = arith.mulf %get3A_1279, %broadcast_in_dim3A_1262 : vector<16xf32>
          %swap3A_1281 = arith.index_cast %and3A_893 : i32 to index
          %swap3A_1282 = arith.index_cast %add3A_1259 : i32 to index
          %swap3A_1283 = arith.constant 16 : index
          %swap3A_1284 = tpu.vector_load %arg7[%swap3A_1281, %swap3A_1282, %swap3A_1283] {strides = array<i32>} : memref<4x128x32xf32, #tpu.memory_space<vmem>>, vector<1x1x16xf32>,
          %swap3A_1285 = vector.shape_cast %swap3A_1284 : vector<1x1x16xf32> to vector<16xf32>
          %swap3A_1286 = vector.shape_cast %mul3A_1280 : vector<16xf32> to vector<1x1x16xf32>
          tpu.vector_store %arg7[%swap3A_1281, %swap3A_1282, %swap3A_1283], %swap3A_1286 {strides = array<i32>} : memref<4x128x32xf32, #tpu.memory_space<vmem>>, vector<1x1x16xf32>,
          %mul3A_1287 = arith.constant 16 : i32
          %mul3A_1288 = arith.muli %add3A_940, %mul3A_1287 : i32
          %add3A_1289 = arith.constant 11 : i32
          %add3A_1290 = arith.addi %mul3A_1288, %add3A_1289 : i32
          %slice3A_1291 = vector.extract_strided_slice %bitcast_convert_type3A {offsets = [11], sizes = [1], strides = [1]} : vector<16xf32> to vector<1xf32>
          %squeeze3A_1292 = vector.extract %slice3A_1291[0] : f32 from vector<1xf32>
          %broadcast_in_dim3A_1293 = vector.broadcast %squeeze3A_1292 : f32 to vector<16xf32>
          %get3A_1294 = arith.index_cast %and3A_893 : i32 to index
          %get3A_1295 = arith.index_cast %add3A_1290 : i32 to index
          %get3A_1296 = arith.constant 0 : index
          %get3A_1297 = tpu.vector_load %arg7[%get3A_1294, %get3A_1295, %get3A_1296] {strides = array<i32>} : memref<4x128x32xf32, #tpu.memory_space<vmem>>, vector<1x1x16xf32>,
          %get3A_1298 = vector.shape_cast %get3A_1297 : vector<1x1x16xf32> to vector<16xf32>
          %mul3A_1299 = arith.mulf %get3A_1298, %broadcast_in_dim3A_1293 : vector<16xf32>
          %swap3A_1300 = arith.index_cast %and3A_893 : i32 to index
          %swap3A_1301 = arith.index_cast %add3A_1290 : i32 to index
          %swap3A_1302 = arith.constant 0 : index
          %swap3A_1303 = tpu.vector_load %arg7[%swap3A_1300, %swap3A_1301, %swap3A_1302] {strides = array<i32>} : memref<4x128x32xf32, #tpu.memory_space<vmem>>, vector<1x1x16xf32>,
          %swap3A_1304 = vector.shape_cast %swap3A_1303 : vector<1x1x16xf32> to vector<16xf32>
          %swap3A_1305 = vector.shape_cast %mul3A_1299 : vector<16xf32> to vector<1x1x16xf32>
          tpu.vector_store %arg7[%swap3A_1300, %swap3A_1301, %swap3A_1302], %swap3A_1305 {strides = array<i32>} : memref<4x128x32xf32, #tpu.memory_space<vmem>>, vector<1x1x16xf32>,
          %get3A_1306 = arith.index_cast %and3A_893 : i32 to index
          %get3A_1307 = arith.index_cast %add3A_1290 : i32 to index
          %get3A_1308 = arith.constant 16 : index
          %get3A_1309 = tpu.vector_load %arg7[%get3A_1306, %get3A_1307, %get3A_1308] {strides = array<i32>} : memref<4x128x32xf32, #tpu.memory_space<vmem>>, vector<1x1x16xf32>,
          %get3A_1310 = vector.shape_cast %get3A_1309 : vector<1x1x16xf32> to vector<16xf32>
          %mul3A_1311 = arith.mulf %get3A_1310, %broadcast_in_dim3A_1293 : vector<16xf32>
          %swap3A_1312 = arith.index_cast %and3A_893 : i32 to index
          %swap3A_1313 = arith.index_cast %add3A_1290 : i32 to index
          %swap3A_1314 = arith.constant 16 : index
          %swap3A_1315 = tpu.vector_load %arg7[%swap3A_1312, %swap3A_1313, %swap3A_1314] {strides = array<i32>} : memref<4x128x32xf32, #tpu.memory_space<vmem>>, vector<1x1x16xf32>,
          %swap3A_1316 = vector.shape_cast %swap3A_1315 : vector<1x1x16xf32> to vector<16xf32>
          %swap3A_1317 = vector.shape_cast %mul3A_1311 : vector<16xf32> to vector<1x1x16xf32>
          tpu.vector_store %arg7[%swap3A_1312, %swap3A_1313, %swap3A_1314], %swap3A_1317 {strides = array<i32>} : memref<4x128x32xf32, #tpu.memory_space<vmem>>, vector<1x1x16xf32>,
          %mul3A_1318 = arith.constant 16 : i32
          %mul3A_1319 = arith.muli %add3A_940, %mul3A_1318 : i32
          %add3A_1320 = arith.constant 12 : i32
          %add3A_1321 = arith.addi %mul3A_1319, %add3A_1320 : i32
          %slice3A_1322 = vector.extract_strided_slice %bitcast_convert_type3A {offsets = [12], sizes = [1], strides = [1]} : vector<16xf32> to vector<1xf32>
          %squeeze3A_1323 = vector.extract %slice3A_1322[0] : f32 from vector<1xf32>
          %broadcast_in_dim3A_1324 = vector.broadcast %squeeze3A_1323 : f32 to vector<16xf32>
          %get3A_1325 = arith.index_cast %and3A_893 : i32 to index
          %get3A_1326 = arith.index_cast %add3A_1321 : i32 to index
          %get3A_1327 = arith.constant 0 : index
          %get3A_1328 = tpu.vector_load %arg7[%get3A_1325, %get3A_1326, %get3A_1327] {strides = array<i32>} : memref<4x128x32xf32, #tpu.memory_space<vmem>>, vector<1x1x16xf32>,
          %get3A_1329 = vector.shape_cast %get3A_1328 : vector<1x1x16xf32> to vector<16xf32>
          %mul3A_1330 = arith.mulf %get3A_1329, %broadcast_in_dim3A_1324 : vector<16xf32>
          %swap3A_1331 = arith.index_cast %and3A_893 : i32 to index
          %swap3A_1332 = arith.index_cast %add3A_1321 : i32 to index
          %swap3A_1333 = arith.constant 0 : index
          %swap3A_1334 = tpu.vector_load %arg7[%swap3A_1331, %swap3A_1332, %swap3A_1333] {strides = array<i32>} : memref<4x128x32xf32, #tpu.memory_space<vmem>>, vector<1x1x16xf32>,
          %swap3A_1335 = vector.shape_cast %swap3A_1334 : vector<1x1x16xf32> to vector<16xf32>
          %swap3A_1336 = vector.shape_cast %mul3A_1330 : vector<16xf32> to vector<1x1x16xf32>
          tpu.vector_store %arg7[%swap3A_1331, %swap3A_1332, %swap3A_1333], %swap3A_1336 {strides = array<i32>} : memref<4x128x32xf32, #tpu.memory_space<vmem>>, vector<1x1x16xf32>,
          %get3A_1337 = arith.index_cast %and3A_893 : i32 to index
          %get3A_1338 = arith.index_cast %add3A_1321 : i32 to index
          %get3A_1339 = arith.constant 16 : index
          %get3A_1340 = tpu.vector_load %arg7[%get3A_1337, %get3A_1338, %get3A_1339] {strides = array<i32>} : memref<4x128x32xf32, #tpu.memory_space<vmem>>, vector<1x1x16xf32>,
          %get3A_1341 = vector.shape_cast %get3A_1340 : vector<1x1x16xf32> to vector<16xf32>
          %mul3A_1342 = arith.mulf %get3A_1341, %broadcast_in_dim3A_1324 : vector<16xf32>
          %swap3A_1343 = arith.index_cast %and3A_893 : i32 to index
          %swap3A_1344 = arith.index_cast %add3A_1321 : i32 to index
          %swap3A_1345 = arith.constant 16 : index
          %swap3A_1346 = tpu.vector_load %arg7[%swap3A_1343, %swap3A_1344, %swap3A_1345] {strides = array<i32>} : memref<4x128x32xf32, #tpu.memory_space<vmem>>, vector<1x1x16xf32>,
          %swap3A_1347 = vector.shape_cast %swap3A_1346 : vector<1x1x16xf32> to vector<16xf32>
          %swap3A_1348 = vector.shape_cast %mul3A_1342 : vector<16xf32> to vector<1x1x16xf32>
          tpu.vector_store %arg7[%swap3A_1343, %swap3A_1344, %swap3A_1345], %swap3A_1348 {strides = array<i32>} : memref<4x128x32xf32, #tpu.memory_space<vmem>>, vector<1x1x16xf32>,
          %mul3A_1349 = arith.constant 16 : i32
          %mul3A_1350 = arith.muli %add3A_940, %mul3A_1349 : i32
          %add3A_1351 = arith.constant 13 : i32
          %add3A_1352 = arith.addi %mul3A_1350, %add3A_1351 : i32
          %slice3A_1353 = vector.extract_strided_slice %bitcast_convert_type3A {offsets = [13], sizes = [1], strides = [1]} : vector<16xf32> to vector<1xf32>
          %squeeze3A_1354 = vector.extract %slice3A_1353[0] : f32 from vector<1xf32>
          %broadcast_in_dim3A_1355 = vector.broadcast %squeeze3A_1354 : f32 to vector<16xf32>
          %get3A_1356 = arith.index_cast %and3A_893 : i32 to index
          %get3A_1357 = arith.index_cast %add3A_1352 : i32 to index
          %get3A_1358 = arith.constant 0 : index
          %get3A_1359 = tpu.vector_load %arg7[%get3A_1356, %get3A_1357, %get3A_1358] {strides = array<i32>} : memref<4x128x32xf32, #tpu.memory_space<vmem>>, vector<1x1x16xf32>,
          %get3A_1360 = vector.shape_cast %get3A_1359 : vector<1x1x16xf32> to vector<16xf32>
          %mul3A_1361 = arith.mulf %get3A_1360, %broadcast_in_dim3A_1355 : vector<16xf32>
          %swap3A_1362 = arith.index_cast %and3A_893 : i32 to index
          %swap3A_1363 = arith.index_cast %add3A_1352 : i32 to index
          %swap3A_1364 = arith.constant 0 : index
          %swap3A_1365 = tpu.vector_load %arg7[%swap3A_1362, %swap3A_1363, %swap3A_1364] {strides = array<i32>} : memref<4x128x32xf32, #tpu.memory_space<vmem>>, vector<1x1x16xf32>,
          %swap3A_1366 = vector.shape_cast %swap3A_1365 : vector<1x1x16xf32> to vector<16xf32>
          %swap3A_1367 = vector.shape_cast %mul3A_1361 : vector<16xf32> to vector<1x1x16xf32>
          tpu.vector_store %arg7[%swap3A_1362, %swap3A_1363, %swap3A_1364], %swap3A_1367 {strides = array<i32>} : memref<4x128x32xf32, #tpu.memory_space<vmem>>, vector<1x1x16xf32>,
          %get3A_1368 = arith.index_cast %and3A_893 : i32 to index
          %get3A_1369 = arith.index_cast %add3A_1352 : i32 to index
          %get3A_1370 = arith.constant 16 : index
          %get3A_1371 = tpu.vector_load %arg7[%get3A_1368, %get3A_1369, %get3A_1370] {strides = array<i32>} : memref<4x128x32xf32, #tpu.memory_space<vmem>>, vector<1x1x16xf32>,
          %get3A_1372 = vector.shape_cast %get3A_1371 : vector<1x1x16xf32> to vector<16xf32>
          %mul3A_1373 = arith.mulf %get3A_1372, %broadcast_in_dim3A_1355 : vector<16xf32>
          %swap3A_1374 = arith.index_cast %and3A_893 : i32 to index
          %swap3A_1375 = arith.index_cast %add3A_1352 : i32 to index
          %swap3A_1376 = arith.constant 16 : index
          %swap3A_1377 = tpu.vector_load %arg7[%swap3A_1374, %swap3A_1375, %swap3A_1376] {strides = array<i32>} : memref<4x128x32xf32, #tpu.memory_space<vmem>>, vector<1x1x16xf32>,
          %swap3A_1378 = vector.shape_cast %swap3A_1377 : vector<1x1x16xf32> to vector<16xf32>
          %swap3A_1379 = vector.shape_cast %mul3A_1373 : vector<16xf32> to vector<1x1x16xf32>
          tpu.vector_store %arg7[%swap3A_1374, %swap3A_1375, %swap3A_1376], %swap3A_1379 {strides = array<i32>} : memref<4x128x32xf32, #tpu.memory_space<vmem>>, vector<1x1x16xf32>,
          %mul3A_1380 = arith.constant 16 : i32
          %mul3A_1381 = arith.muli %add3A_940, %mul3A_1380 : i32
          %add3A_1382 = arith.constant 14 : i32
          %add3A_1383 = arith.addi %mul3A_1381, %add3A_1382 : i32
          %slice3A_1384 = vector.extract_strided_slice %bitcast_convert_type3A {offsets = [14], sizes = [1], strides = [1]} : vector<16xf32> to vector<1xf32>
          %squeeze3A_1385 = vector.extract %slice3A_1384[0] : f32 from vector<1xf32>
          %broadcast_in_dim3A_1386 = vector.broadcast %squeeze3A_1385 : f32 to vector<16xf32>
          %get3A_1387 = arith.index_cast %and3A_893 : i32 to index
          %get3A_1388 = arith.index_cast %add3A_1383 : i32 to index
          %get3A_1389 = arith.constant 0 : index
          %get3A_1390 = tpu.vector_load %arg7[%get3A_1387, %get3A_1388, %get3A_1389] {strides = array<i32>} : memref<4x128x32xf32, #tpu.memory_space<vmem>>, vector<1x1x16xf32>,
          %get3A_1391 = vector.shape_cast %get3A_1390 : vector<1x1x16xf32> to vector<16xf32>
          %mul3A_1392 = arith.mulf %get3A_1391, %broadcast_in_dim3A_1386 : vector<16xf32>
          %swap3A_1393 = arith.index_cast %and3A_893 : i32 to index
          %swap3A_1394 = arith.index_cast %add3A_1383 : i32 to index
          %swap3A_1395 = arith.constant 0 : index
          %swap3A_1396 = tpu.vector_load %arg7[%swap3A_1393, %swap3A_1394, %swap3A_1395] {strides = array<i32>} : memref<4x128x32xf32, #tpu.memory_space<vmem>>, vector<1x1x16xf32>,
          %swap3A_1397 = vector.shape_cast %swap3A_1396 : vector<1x1x16xf32> to vector<16xf32>
          %swap3A_1398 = vector.shape_cast %mul3A_1392 : vector<16xf32> to vector<1x1x16xf32>
          tpu.vector_store %arg7[%swap3A_1393, %swap3A_1394, %swap3A_1395], %swap3A_1398 {strides = array<i32>} : memref<4x128x32xf32, #tpu.memory_space<vmem>>, vector<1x1x16xf32>,
          %get3A_1399 = arith.index_cast %and3A_893 : i32 to index
          %get3A_1400 = arith.index_cast %add3A_1383 : i32 to index
          %get3A_1401 = arith.constant 16 : index
          %get3A_1402 = tpu.vector_load %arg7[%get3A_1399, %get3A_1400, %get3A_1401] {strides = array<i32>} : memref<4x128x32xf32, #tpu.memory_space<vmem>>, vector<1x1x16xf32>,
          %get3A_1403 = vector.shape_cast %get3A_1402 : vector<1x1x16xf32> to vector<16xf32>
          %mul3A_1404 = arith.mulf %get3A_1403, %broadcast_in_dim3A_1386 : vector<16xf32>
          %swap3A_1405 = arith.index_cast %and3A_893 : i32 to index
          %swap3A_1406 = arith.index_cast %add3A_1383 : i32 to index
          %swap3A_1407 = arith.constant 16 : index
          %swap3A_1408 = tpu.vector_load %arg7[%swap3A_1405, %swap3A_1406, %swap3A_1407] {strides = array<i32>} : memref<4x128x32xf32, #tpu.memory_space<vmem>>, vector<1x1x16xf32>,
          %swap3A_1409 = vector.shape_cast %swap3A_1408 : vector<1x1x16xf32> to vector<16xf32>
          %swap3A_1410 = vector.shape_cast %mul3A_1404 : vector<16xf32> to vector<1x1x16xf32>
          tpu.vector_store %arg7[%swap3A_1405, %swap3A_1406, %swap3A_1407], %swap3A_1410 {strides = array<i32>} : memref<4x128x32xf32, #tpu.memory_space<vmem>>, vector<1x1x16xf32>,
          %mul3A_1411 = arith.constant 16 : i32
          %mul3A_1412 = arith.muli %add3A_940, %mul3A_1411 : i32
          %add3A_1413 = arith.constant 15 : i32
          %add3A_1414 = arith.addi %mul3A_1412, %add3A_1413 : i32
          %slice3A_1415 = vector.extract_strided_slice %bitcast_convert_type3A {offsets = [15], sizes = [1], strides = [1]} : vector<16xf32> to vector<1xf32>
          %squeeze3A_1416 = vector.extract %slice3A_1415[0] : f32 from vector<1xf32>
          %broadcast_in_dim3A_1417 = vector.broadcast %squeeze3A_1416 : f32 to vector<16xf32>
          %get3A_1418 = arith.index_cast %and3A_893 : i32 to index
          %get3A_1419 = arith.index_cast %add3A_1414 : i32 to index
          %get3A_1420 = arith.constant 0 : index
          %get3A_1421 = tpu.vector_load %arg7[%get3A_1418, %get3A_1419, %get3A_1420] {strides = array<i32>} : memref<4x128x32xf32, #tpu.memory_space<vmem>>, vector<1x1x16xf32>,
          %get3A_1422 = vector.shape_cast %get3A_1421 : vector<1x1x16xf32> to vector<16xf32>
          %mul3A_1423 = arith.mulf %get3A_1422, %broadcast_in_dim3A_1417 : vector<16xf32>
          %swap3A_1424 = arith.index_cast %and3A_893 : i32 to index
          %swap3A_1425 = arith.index_cast %add3A_1414 : i32 to index
          %swap3A_1426 = arith.constant 0 : index
          %swap3A_1427 = tpu.vector_load %arg7[%swap3A_1424, %swap3A_1425, %swap3A_1426] {strides = array<i32>} : memref<4x128x32xf32, #tpu.memory_space<vmem>>, vector<1x1x16xf32>,
          %swap3A_1428 = vector.shape_cast %swap3A_1427 : vector<1x1x16xf32> to vector<16xf32>
          %swap3A_1429 = vector.shape_cast %mul3A_1423 : vector<16xf32> to vector<1x1x16xf32>
          tpu.vector_store %arg7[%swap3A_1424, %swap3A_1425, %swap3A_1426], %swap3A_1429 {strides = array<i32>} : memref<4x128x32xf32, #tpu.memory_space<vmem>>, vector<1x1x16xf32>,
          %get3A_1430 = arith.index_cast %and3A_893 : i32 to index
          %get3A_1431 = arith.index_cast %add3A_1414 : i32 to index
          %get3A_1432 = arith.constant 16 : index
          %get3A_1433 = tpu.vector_load %arg7[%get3A_1430, %get3A_1431, %get3A_1432] {strides = array<i32>} : memref<4x128x32xf32, #tpu.memory_space<vmem>>, vector<1x1x16xf32>,
          %get3A_1434 = vector.shape_cast %get3A_1433 : vector<1x1x16xf32> to vector<16xf32>
          %mul3A_1435 = arith.mulf %get3A_1434, %broadcast_in_dim3A_1417 : vector<16xf32>
          %swap3A_1436 = arith.index_cast %and3A_893 : i32 to index
          %swap3A_1437 = arith.index_cast %add3A_1414 : i32 to index
          %swap3A_1438 = arith.constant 16 : index
          %swap3A_1439 = tpu.vector_load %arg7[%swap3A_1436, %swap3A_1437, %swap3A_1438] {strides = array<i32>} : memref<4x128x32xf32, #tpu.memory_space<vmem>>, vector<1x1x16xf32>,
          %swap3A_1440 = vector.shape_cast %swap3A_1439 : vector<1x1x16xf32> to vector<16xf32>
          %swap3A_1441 = vector.shape_cast %mul3A_1435 : vector<16xf32> to vector<1x1x16xf32>
          tpu.vector_store %arg7[%swap3A_1436, %swap3A_1437, %swap3A_1438], %swap3A_1441 {strides = array<i32>} : memref<4x128x32xf32, #tpu.memory_space<vmem>>, vector<1x1x16xf32>,
        }
        %scan3A_924 = arith.constant 8 : i32
        %dma_start3A_925 = arith.constant 1 : i32
        %dma_start3A_926 = arith.constant 0 : i32
        %dma_start3A_927 = arith.constant 0 : i32
        %dma_start3A_928 = tpu.memref_slice %arg7[%and3A_893, %dma_start3A_926, %dma_start3A_927] : memref<4x128x32xf32, #tpu.memory_space<vmem>> -> memref<1x128x32xf32, #tpu.memory_space<vmem>>
        %dma_start3A_929 = tpu.memref_squeeze %dma_start3A_928 : memref<1x128x32xf32, #tpu.memory_space<vmem>> -> memref<128x32xf32, #tpu.memory_space<vmem>>
        %dma_start3A_930 = arith.constant 0 : i32
        %dma_start3A_931 = tpu.memref_slice %arg6[%and3A_796, %add3A_888, %dma_start3A_925, %dma_start3A_930] : memref<2x14x3x128xi32, #tpu.memory_space<vmem>> -> memref<1x1x1x128xi32, #tpu.memory_space<vmem>>
        %dma_start3A_932 = tpu.memref_squeeze %dma_start3A_931 : memref<1x1x1x128xi32, #tpu.memory_space<vmem>> -> memref<128xi32, #tpu.memory_space<vmem>>
        %dma_start3A_933 = arith.constant 0 : i32
        %dma_start3A_934 = arith.constant 0 : i32
        %dma_start3A_935 = tpu.memref_slice %arg5[%dma_start3A_933, %dma_start3A_934] : memref<50048x32xf32, #tpu.memory_space<vmem_shared>> -> memref<50048x32xf32, #tpu.memory_space<vmem_shared>>
        tpu.enqueue_indirect_dma source(%dma_start3A_929 : memref<128x32xf32, #tpu.memory_space<vmem>>) target(%dma_start3A_935 : memref<50048x32xf32, #tpu.memory_space<vmem_shared>>) offsets(%dma_start3A_932 : memref<128xi32, #tpu.memory_space<vmem>>) semaphore(%arg10 : memref<!tpu.dma_semaphore, #tpu.memory_space<semaphore_mem>>) {add = true}
      }
      %scan3A_864 = arith.constant 14 : i32
      %dma_wait3A_865 = arith.constant 1 : i32
      %dma_wait3A_866 = arith.constant 0 : i32
      %dma_wait3A_867 = arith.constant 0 : i32
      %dma_wait3A_868 = arith.constant 0 : i32
      %dma_wait3A_869 = tpu.memref_slice %arg6[%sub3A_806, %dma_wait3A_866, %dma_wait3A_867, %dma_wait3A_868] : memref<2x14x3x128xi32, #tpu.memory_space<vmem>> -> memref<1x14x3x128xi32, #tpu.memory_space<vmem>>
      %dma_wait3A_870 = tpu.memref_squeeze %dma_wait3A_869 : memref<1x14x3x128xi32, #tpu.memory_space<vmem>> -> memref<14x3x128xi32, #tpu.memory_space<vmem>>
      %dma_wait3A_871 = arith.constant 0 : i32
      %dma_wait3A_872 = arith.constant 0 : i32
      %dma_wait3A_873 = tpu.memref_slice %arg3[%dma_wait3A_865, %arg0, %add3A_805, %dma_wait3A_871, %dma_wait3A_872] : memref<2x2x6272x3x128xi32, #tpu.memory_space<hbm>> -> memref<1x1x14x3x128xi32, #tpu.memory_space<hbm>>
      %dma_wait3A_874 = tpu.memref_squeeze %dma_wait3A_873 : memref<1x1x14x3x128xi32, #tpu.memory_space<hbm>> -> memref<14x3x128xi32, #tpu.memory_space<hbm>>
      %dma_wait3A_875 = arith.constant 0 : i32
      %dma_wait3A_876 = arith.constant 0 : i32
      %dma_wait3A_877 = arith.constant 0 : i32
      %dma_wait3A_878 = tpu.memref_slice %arg6[%sub3A_806, %dma_wait3A_875, %dma_wait3A_876, %dma_wait3A_877] : memref<2x14x3x128xi32, #tpu.memory_space<vmem>> -> memref<1x14x3x128xi32, #tpu.memory_space<vmem>>
      %dma_wait3A_879 = tpu.memref_squeeze %dma_wait3A_878 : memref<1x14x3x128xi32, #tpu.memory_space<vmem>> -> memref<14x3x128xi32, #tpu.memory_space<vmem>>
      %dma_wait3A_880 = arith.constant 0 : i32
      %dma_wait3A_881 = arith.constant 0 : i32
      %dma_wait3A_882 = tpu.memref_slice %arg3[%dma_wait3A_865, %arg0, %add3A_805, %dma_wait3A_880, %dma_wait3A_881] : memref<2x2x6272x3x128xi32, #tpu.memory_space<hbm>> -> memref<1x1x14x3x128xi32, #tpu.memory_space<hbm>>
      %dma_wait3A_883 = tpu.memref_squeeze %dma_wait3A_882 : memref<1x1x14x3x128xi32, #tpu.memory_space<hbm>> -> memref<14x3x128xi32, #tpu.memory_space<hbm>>
      tpu.wait_dma2 semaphore(%arg11 : memref<!tpu.dma_semaphore, #tpu.memory_space<semaphore_mem>>) src(%dma_wait3A_883 : memref<14x3x128xi32, #tpu.memory_space<hbm>>) dst(%dma_wait3A_879 : memref<14x3x128xi32, #tpu.memory_space<vmem>>)
    }
    %scan3A_746 = arith.constant 28 : i32
    %dma_wait3A_747 = arith.constant 0 : i32
    %dma_wait3A_748 = arith.constant 0 : i32
    %dma_wait3A_749 = arith.constant 0 : i32
    %dma_wait3A_750 = tpu.memref_slice %arg7[%dma_wait3A_747, %dma_wait3A_748, %dma_wait3A_749] : memref<4x128x32xf32, #tpu.memory_space<vmem>> -> memref<1x128x32xf32, #tpu.memory_space<vmem>>
    %dma_wait3A_751 = tpu.memref_squeeze %dma_wait3A_750 : memref<1x128x32xf32, #tpu.memory_space<vmem>> -> memref<128x32xf32, #tpu.memory_space<vmem>>
    %dma_wait3A_752 = arith.constant 0 : i32
    %dma_wait3A_753 = arith.constant 0 : i32
    %dma_wait3A_754 = tpu.memref_slice %arg2[%dma_wait3A_752, %dma_wait3A_753] : memref<100000x32xf32, #tpu.memory_space<hbm>> -> memref<128x32xf32, #tpu.memory_space<hbm>>
    %dma_wait3A_755 = arith.constant 0 : i32
    %dma_wait3A_756 = arith.constant 0 : i32
    %dma_wait3A_757 = tpu.memref_slice %arg7[%dma_wait3A_747, %dma_wait3A_755, %dma_wait3A_756] : memref<4x128x32xf32, #tpu.memory_space<vmem>> -> memref<1x128x32xf32, #tpu.memory_space<vmem>>
    %dma_wait3A_758 = tpu.memref_squeeze %dma_wait3A_757 : memref<1x128x32xf32, #tpu.memory_space<vmem>> -> memref<128x32xf32, #tpu.memory_space<vmem>>
    %dma_wait3A_759 = arith.constant 0 : i32
    %dma_wait3A_760 = arith.constant 0 : i32
    %dma_wait3A_761 = tpu.memref_slice %arg2[%dma_wait3A_759, %dma_wait3A_760] : memref<100000x32xf32, #tpu.memory_space<hbm>> -> memref<128x32xf32, #tpu.memory_space<hbm>>
    tpu.wait_dma2 semaphore(%arg10 : memref<!tpu.dma_semaphore, #tpu.memory_space<semaphore_mem>>) src(%dma_wait3A_761 : memref<128x32xf32, #tpu.memory_space<hbm>>) dst(%dma_wait3A_758 : memref<128x32xf32, #tpu.memory_space<vmem>>)
    %dma_wait3A_762 = arith.constant 0 : i32
    %dma_wait3A_763 = arith.constant 0 : i32
    %dma_wait3A_764 = arith.constant 0 : i32
    %dma_wait3A_765 = tpu.memref_slice %arg7[%dma_wait3A_762, %dma_wait3A_763, %dma_wait3A_764] : memref<4x128x32xf32, #tpu.memory_space<vmem>> -> memref<1x128x32xf32, #tpu.memory_space<vmem>>
    %dma_wait3A_766 = tpu.memref_squeeze %dma_wait3A_765 : memref<1x128x32xf32, #tpu.memory_space<vmem>> -> memref<128x32xf32, #tpu.memory_space<vmem>>
    %dma_wait3A_767 = arith.constant 0 : i32
    %dma_wait3A_768 = arith.constant 0 : i32
    %dma_wait3A_769 = tpu.memref_slice %arg2[%dma_wait3A_767, %dma_wait3A_768] : memref<100000x32xf32, #tpu.memory_space<hbm>> -> memref<128x32xf32, #tpu.memory_space<hbm>>
    %dma_wait3A_770 = arith.constant 0 : i32
    %dma_wait3A_771 = arith.constant 0 : i32
    %dma_wait3A_772 = tpu.memref_slice %arg7[%dma_wait3A_762, %dma_wait3A_770, %dma_wait3A_771] : memref<4x128x32xf32, #tpu.memory_space<vmem>> -> memref<1x128x32xf32, #tpu.memory_space<vmem>>
    %dma_wait3A_773 = tpu.memref_squeeze %dma_wait3A_772 : memref<1x128x32xf32, #tpu.memory_space<vmem>> -> memref<128x32xf32, #tpu.memory_space<vmem>>
    %dma_wait3A_774 = arith.constant 0 : i32
    %dma_wait3A_775 = arith.constant 0 : i32
    %dma_wait3A_776 = tpu.memref_slice %arg2[%dma_wait3A_774, %dma_wait3A_775] : memref<100000x32xf32, #tpu.memory_space<hbm>> -> memref<128x32xf32, #tpu.memory_space<hbm>>
    tpu.wait_dma2 semaphore(%arg10 : memref<!tpu.dma_semaphore, #tpu.memory_space<semaphore_mem>>) src(%dma_wait3A_776 : memref<128x32xf32, #tpu.memory_space<hbm>>) dst(%dma_wait3A_773 : memref<128x32xf32, #tpu.memory_space<vmem>>)
    %barrier3A_777 = arith.constant 0 : index
    tpu.barrier barrier_id(%barrier3A_777)
    %mul3A_778 = arith.constant 3128 : i32
    %mul3A_779 = arith.muli %arg1, %mul3A_778 : i32
    %lt3A_780 = arith.constant 15 : i32
    %lt3A_781 = arith.cmpi slt, %arg1, %lt3A_780 : i32
    %convert_element_type3A_782 = arith.extui %lt3A_781 : i1 to i32
    %cond3A_783 = arith.constant 0 : i32
    %cond3A_784 = arith.cmpi ne, %convert_element_type3A_782, %cond3A_783 : i32
    scf.if %cond3A_784 {
      %run_scoped3A_791 = arith.constant 1 : i32
      "tpu.region"() ({
        %run_scoped3A_792 = tpu.sem_alloc : memref<!tpu.dma_semaphore, #tpu.memory_space<semaphore_mem>>
        %dma_start3A_793 = arith.constant 0 : i32
        %dma_start3A_794 = tpu.memref_slice %arg4[%arg0, %run_scoped3A_791, %mul3A_779, %dma_start3A_793] : memref<2x2x50000x32xf32, #tpu.memory_space<hbm>> -> memref<1x1x3128x32xf32, #tpu.memory_space<hbm>>
        %dma_start3A_795 = tpu.memref_squeeze %dma_start3A_794 : memref<1x1x3128x32xf32, #tpu.memory_space<hbm>> -> memref<3128x32xf32, #tpu.memory_space<hbm>>
        %dma_start3A_796 = arith.constant 0 : i32
        %dma_start3A_797 = tpu.memref_slice %arg5[%mul3A_779, %dma_start3A_796] : memref<50048x32xf32, #tpu.memory_space<vmem_shared>> -> memref<3128x32xf32, #tpu.memory_space<vmem_shared>>
        tpu.enqueue_dma source(%dma_start3A_797 : memref<3128x32xf32, #tpu.memory_space<vmem_shared>>) target(%dma_start3A_795 : memref<3128x32xf32, #tpu.memory_space<hbm>>) target_semaphore(%run_scoped3A_792 : memref<!tpu.dma_semaphore, #tpu.memory_space<semaphore_mem>>)
        %dma_wait3A_798 = arith.constant 0 : i32
        %dma_wait3A_799 = tpu.memref_slice %arg4[%arg0, %run_scoped3A_791, %mul3A_779, %dma_wait3A_798] : memref<2x2x50000x32xf32, #tpu.memory_space<hbm>> -> memref<1x1x3128x32xf32, #tpu.memory_space<hbm>>
        %dma_wait3A_800 = tpu.memref_squeeze %dma_wait3A_799 : memref<1x1x3128x32xf32, #tpu.memory_space<hbm>> -> memref<3128x32xf32, #tpu.memory_space<hbm>>
        %dma_wait3A_801 = arith.constant 0 : i32
        %dma_wait3A_802 = tpu.memref_slice %arg5[%mul3A_779, %dma_wait3A_801] : memref<50048x32xf32, #tpu.memory_space<vmem_shared>> -> memref<3128x32xf32, #tpu.memory_space<vmem_shared>>
        tpu.wait_dma2 semaphore(%run_scoped3A_792 : memref<!tpu.dma_semaphore, #tpu.memory_space<semaphore_mem>>) src(%dma_wait3A_802 : memref<3128x32xf32, #tpu.memory_space<vmem_shared>>) dst(%dma_wait3A_800 : memref<3128x32xf32, #tpu.memory_space<hbm>>)
        tpu.yield
      }) : () -> ()
    } else {
    }
    %eq3A_785 = arith.constant 15 : i32
    %eq3A_786 = arith.cmpi eq, %arg1, %eq3A_785 : i32
    %convert_element_type3A_787 = arith.extui %eq3A_786 : i1 to i32
    %cond3A_788 = arith.constant 0 : i32
    %cond3A_789 = arith.cmpi ne, %convert_element_type3A_787, %cond3A_788 : i32
    scf.if %cond3A_789 {
      %run_scoped3A_791 = arith.constant 1 : i32
      "tpu.region"() ({
        %run_scoped3A_792 = tpu.sem_alloc : memref<!tpu.dma_semaphore, #tpu.memory_space<semaphore_mem>>
        %dma_start3A_793 = arith.constant 0 : i32
        %dma_start3A_794 = tpu.memref_slice %arg4[%arg0, %run_scoped3A_791, %mul3A_779, %dma_start3A_793] : memref<2x2x50000x32xf32, #tpu.memory_space<hbm>> -> memref<1x1x3080x32xf32, #tpu.memory_space<hbm>>
        %dma_start3A_795 = tpu.memref_squeeze %dma_start3A_794 : memref<1x1x3080x32xf32, #tpu.memory_space<hbm>> -> memref<3080x32xf32, #tpu.memory_space<hbm>>
        %dma_start3A_796 = arith.constant 0 : i32
        %dma_start3A_797 = tpu.memref_slice %arg5[%mul3A_779, %dma_start3A_796] : memref<50048x32xf32, #tpu.memory_space<vmem_shared>> -> memref<3080x32xf32, #tpu.memory_space<vmem_shared>>
        tpu.enqueue_dma source(%dma_start3A_797 : memref<3080x32xf32, #tpu.memory_space<vmem_shared>>) target(%dma_start3A_795 : memref<3080x32xf32, #tpu.memory_space<hbm>>) target_semaphore(%run_scoped3A_792 : memref<!tpu.dma_semaphore, #tpu.memory_space<semaphore_mem>>)
        %dma_wait3A_798 = arith.constant 0 : i32
        %dma_wait3A_799 = tpu.memref_slice %arg4[%arg0, %run_scoped3A_791, %mul3A_779, %dma_wait3A_798] : memref<2x2x50000x32xf32, #tpu.memory_space<hbm>> -> memref<1x1x3080x32xf32, #tpu.memory_space<hbm>>
        %dma_wait3A_800 = tpu.memref_squeeze %dma_wait3A_799 : memref<1x1x3080x32xf32, #tpu.memory_space<hbm>> -> memref<3080x32xf32, #tpu.memory_space<hbm>>
        %dma_wait3A_801 = arith.constant 0 : i32
        %dma_wait3A_802 = tpu.memref_slice %arg5[%mul3A_779, %dma_wait3A_801] : memref<50048x32xf32, #tpu.memory_space<vmem_shared>> -> memref<3080x32xf32, #tpu.memory_space<vmem_shared>>
        tpu.wait_dma2 semaphore(%run_scoped3A_792 : memref<!tpu.dma_semaphore, #tpu.memory_space<semaphore_mem>>) src(%dma_wait3A_802 : memref<3080x32xf32, #tpu.memory_space<vmem_shared>>) dst(%dma_wait3A_800 : memref<3080x32xf32, #tpu.memory_space<hbm>>)
        tpu.yield
      }) : () -> ()
    } else {
    }
    %barrier3A_790 = arith.constant 0 : index
    tpu.barrier barrier_id(%barrier3A_790)
    return
  }
}

</mosaic_0001>

<sc_bundles>
// kernel: _spmm.3.cloned.1.call-start
scs
__scs_entry_jumppad:
0x0: {  	(pc) =	sbr.rel $0x88, $3  }
0x1: {  	(tag) =	ssettag $0x0;
	lr =	simm.s32 $0x1  }
0x2: {  	[smem:$0x3F9F] =	sst lr;
	_ =	strace $0xD0000000  }
0x3: {  	_ = 	snop  }
0x4: {  	_ = 	snop  }
0x5: {  	_ = 	snop  }
0x6: {  	_ = 	snop  }
0x7: {  	_ = 	snop  }
__scs_overlays_trampoline_lowered:
0x8: {  	[smem:$0x3FAE] =	sst s0  }
0x9: {  	[smem:$0x3FAF] =	sst s1  }
0xa: {  	[smem:$0x3FB0] =	sst s2  }
0xb: {  	[smem:$0x3FB1] =	sst s3  }
0xc: {  	[smem:$0x3FB2] =	sst s4  }
0xd: {  	[smem:$0x3FB3] =	sst s5  }
0xe: {  	[smem:$0x3FB4] =	sst s6  }
0xf: {  	[smem:$0x3FB5] =	sst s7  }
0x10: {  	[smem:$0x3FB6] =	sst s8  }
0x11: {  	[smem:$0x3FB7] =	sst s9;
	s0 =	simm.s32 @!p0 $0x0  }
0x12: {  	s1 =	sld [smem:$0x3F9D];
	s0 =	simm.s32 @p0 $0x1  }
0x13: {  	[smem:$0x3FB8] =	sst s0;
	s0 =	simm.s32 @!p1 $0x0  }
0x14: {  	s2 =	sld [smem:$0x3F9C];
	s0 =	simm.s32 @p1 $0x1  }
0x15: {  	[smem:$0x3FB9] =	sst s0;
	s0 =	simm.s32 @!p2 $0x0  }
0x16: {  	s3 =	sld [smem:$0x3FDB];
	s0 =	simm.s32 @p2 $0x1  }
0x17: {  	s4 =	simm.s32 $0x1BF5;
	[smem:$0x3FBB] =	sst s0  }
0x18: {  	s0 =	sld [smem:$0x3F9E];
	_ =	swait.ge [sflag:s4], $0x0  }
0x19: {  	s7 =	sld [smem:$0x3F9F]  }
0x1a: {  	s8 =	sadd.s32 $0xFFFFE003, lr  }
0x1b: {  	s9 =	sadd.s32 $0xFFFFFEF7, lr;
	s5 =	simm.s32 $0xFFFFFFFF;
	p2 =	slt.u32 s8, $0xFFFFF086  }
0x1c: {  	p1 =	slt.u32 s9, $0xF7A;
	s5 =	simm.s32 @!p2 $0x0  }
0x1d: {  	s5 =	simm.s32 @p1 $0x1;
	p0 =	seq.s32 s7, s2  }
0x1e: {  	s7 =	smul.u32 @!p0 $0xF7A, s2;
	p2 =	seq.s32 @!p0 s5, $0x0  }
0x1f: {  	s9 =	smul.u32 $0xF7A, s1;
	s8 =	simm.s32 @!p0 $0x1BF5;
	p2 =	por !p2, p0  }
0x20: {  	[sflag:s8] =	ssyncset.s32 @!p0 $0xFFFFF086;
	s6 =	sadd.s32 @!p0 s3, s7;
	s7 =	simm.s32 @!p0 $0x108  }
0x21: {  	s3 =	sadd.s32 s3, s9;
	s6 =	sadd.s32 @!p0 $0x88, s6;
	s7 =	simm.s32 @p2 $0x1082  }
0x22: {  	[simem:s7], [sflag:s8] =	dma.local @!p0 [hbm:s6], $0xF7A  }
0x23: {  	s9 =	sor.u32 $0xD0000000, s2;
	s6 =	simm.s32 $0x108;
	_ =	swait.ge @!p0 [sflag:s8], $0x0  }
0x24: {  	s3 =	sadd.s32 $0x88, s3;
	s6 =	simm.s32 @!p1 $0x1082;
	[sflag:s4] =	ssyncset.s32 $0xFFFFF086  }
0x25: {  	[simem:s6], [sflag:s4] =	dma.local [hbm:s3], $0xF7A  }
0x26: {  	[smem:$0x3F9F] =	sst s1;
	(tag) =	ssettag s2;
	_ =	strace s9  }
0x27: {  	s1 =	sld [smem:$0x3FAF]  }
0x28: {  	s2 =	sld [smem:$0x3FB0]  }
0x29: {  	s4 =	sld [smem:$0x3FB2]  }
0x2a: {  	p0 =	seq.s32 s5, $0x0;
	s5 =	sld [smem:$0x3FB3]  }
0x2b: {  	s6 =	sld [smem:$0x3FB4]  }
0x2c: {  	s7 =	sld [smem:$0x3FB5]  }
0x2d: {  	s3 =	simm.s32 $0x108;
	s8 =	sld [smem:$0x3FB6]  }
0x2e: {  	s3 =	simm.s32 @!p0 $0x1082;
	s9 =	sld [smem:$0x3FB7]  }
0x2f: {  	lr =	sadd.s32 s0, s3;
	s0 =	sld [smem:$0x3FAE]  }
0x30: {  	s3 =	sld [smem:$0x3FB1]  }
0x31: {  	[smem:$0x3FBA] =	sst s10  }
0x32: {  	s10 =	sld [smem:$0x3FB8];
	_ =	sdelay $0x3  }
0x33: {  	p0 =	seq.s32 s10, $0x1;
	s10 =	sld [smem:$0x3FBA];
	_ =	sdelay $0x3  }
0x34: {  	[smem:$0x3FBA] =	sst s10  }
0x35: {  	s10 =	sld [smem:$0x3FB9];
	_ =	sdelay $0x3  }
0x36: {  	p1 =	seq.s32 s10, $0x1;
	s10 =	sld [smem:$0x3FBA];
	_ =	sdelay $0x3  }
0x37: {  	[smem:$0x3FBA] =	sst s10  }
0x38: {  	s10 =	sld [smem:$0x3FBB]  }
0x39: {  	_ = 	snop;
	(pc) =	sbr.ind lr, $3  }
0x3a: {  	_ = 	snop  }
0x3b: {  	_ = 	snop  }
0x3c: {  	p2 =	seq.s32 s10, $0x1;
	s10 =	sld [smem:$0x3FBA]  }
0x3d: {  	_ =	shalt  }
0x3e: {  	_ =	shalt  }
0x3f: {  	_ =	shalt  }
0x40: {  	_ =	shalt  }
0x41: {  	_ =	shalt  }
0x42: {  	_ =	shalt  }
0x43: {  	_ =	shalt  }
0x44: {  	_ =	shalt  }
0x45: {  	_ =	shalt  }
0x46: {  	_ =	shalt  }
0x47: {  	_ =	shalt  }
0x48: {  	_ =	shalt  }
0x49: {  	_ =	shalt  }
0x4a: {  	_ =	shalt  }
0x4b: {  	_ =	shalt  }
0x4c: {  	_ =	shalt  }
0x4d: {  	_ =	shalt  }
0x4e: {  	_ =	shalt  }
0x4f: {  	_ =	shalt  }
0x50: {  	_ =	shalt  }
0x51: {  	_ =	shalt  }
0x52: {  	_ =	shalt  }
0x53: {  	_ =	shalt  }
0x54: {  	_ =	shalt  }
0x55: {  	_ =	shalt  }
0x56: {  	_ =	shalt  }
0x57: {  	_ =	shalt  }
0x58: {  	_ =	shalt  }
0x59: {  	_ =	shalt  }
0x5a: {  	_ =	shalt  }
0x5b: {  	_ =	shalt  }
0x5c: {  	_ =	shalt  }
0x5d: {  	_ =	shalt  }
0x5e: {  	_ =	shalt  }
0x5f: {  	_ =	shalt  }
0x60: {  	_ =	shalt  }
0x61: {  	_ =	shalt  }
0x62: {  	_ =	shalt  }
0x63: {  	_ =	shalt  }
0x64: {  	_ =	shalt  }
0x65: {  	_ =	shalt  }
0x66: {  	_ =	shalt  }
0x67: {  	_ =	shalt  }
0x68: {  	_ =	shalt  }
0x69: {  	_ =	shalt  }
0x6a: {  	_ =	shalt  }
0x6b: {  	_ =	shalt  }
0x6c: {  	_ =	shalt  }
0x6d: {  	_ =	shalt  }
0x6e: {  	_ =	shalt  }
0x6f: {  	_ =	shalt  }
0x70: {  	_ =	shalt  }
0x71: {  	_ =	shalt  }
0x72: {  	_ =	shalt  }
0x73: {  	_ =	shalt  }
0x74: {  	_ =	shalt  }
0x75: {  	_ =	shalt  }
0x76: {  	_ =	shalt  }
0x77: {  	_ =	shalt  }
0x78: {  	_ =	shalt  }
0x79: {  	_ =	shalt  }
0x7a: {  	_ =	shalt  }
0x7b: {  	_ =	shalt  }
0x7c: {  	_ =	shalt  }
0x7d: {  	_ =	shalt  }
0x7e: {  	_ =	shalt  }
0x7f: {  	_ =	shalt  }
0x80: {  	_ =	shalt  }
0x81: {  	_ =	shalt  }
0x82: {  	_ =	shalt  }
0x83: {  	_ =	shalt  }
0x84: {  	_ =	shalt  }
0x85: {  	_ =	shalt  }
0x86: {  	_ =	shalt  }
0x87: {  	_ =	shalt  }
.Lfunc_end0:
.L_simem_size_0:
called_computation_lowered:
.L_overlay_start_0:
0x88: {  	s2 =	sld [smem:$0x3FD9]  }
0x89: {  	s3 =	sld [smem:$0x3FFE];
	_ =	sdelay $0x1  }
0x8a: {  	s1 =	srdreg.scid  }
0x8b: {  	s0 =	sand.u32 $0x1, s1  }
0x8c: {  	s17 =	sshll.u32 s0, $0xA;
	s2 =	sadd.s32 s3, s2  }
0x8d: {  	s2 =	sadd.s32 s2, s17  }
0x8e: {  	[smem:$0x3FC6] =	sst s2  }
0x8f: {  	_ = 	snop  }
0x90: {  	s2 =	sld [smem:$0x3FD0];
	(tm) =	ssettm $0x1  }
0x91: {  	s18 =	sld [smem:$0x3FFB];
	_ =	sdelay $0x3  }
0x92: {  	_ =	strace s18  }
0x93: {  	s3 =	sld [smem:$0x3FFC];
	_ =	sdelay $0x3  }
0x94: {  	_ =	strace s3  }
0x95: {  	s3 =	sld [smem:$0x3FFD];
	_ =	sdelay $0x3  }
0x96: {  	_ =	strace s3  }
0x97: {  	_ =	strace $0x8FFFFFFF  }
0x98: {  	s19 =	sld [smem:$0x3FDB];
	_ =	sdelay $0x1  }
0x99: {  	s4 =	simm.s32 $_scs_section_size  }
0x9a: {  	s5 =	simm.s32 $_size__tile_overlayer_lowered;
	s6 =	simm.s32 $_tile_overlayer_lowered  }
0x9b: {  	s22 =	simm.s32 $0x1BFF;
	s21 =	sshll.u32 s6, $0x1;
	s3 =	sadd.s32 s4, s19  }
0x9c: {  	s7 =	simm.s32 $0x0;
	s20 =	sshll.u32 s5, $0x1;
	s5 =	sadd.s32 s21, s3  }
0x9d: {  	[timem:s7], [sflag:s22] =	dma.local [hbm:s5], s20  }
0x9e: {  	_ =	swait.ge [sflag:s22], s20  }
0x9f: {  	s4 =	ssub.s32 $0x0, s20;
	[sflag:s22] =	ssyncset.done $0x0  }
0xa0: {  	[sflag:s22] =	ssyncadd.s32 s4;
	_ =	sdelay $0x1  }
0xa1: {  	s23 =	simm.s32 $0x1B8B  }
0xa2: {  	_ =	swait.ge [sflag:s23], $0x1  }
0xa3: {  	[sflag:s23] =	ssyncset.done $0x0  }
0xa4: {  	s25 =	simm.s32 $0x1B8E;
	s24 =	sld [smem:$0x3FFE];
	[sflag:s23] =	ssyncadd.s32 $0xFFFFFFFF  }
0xa5: {  	s26 =	simm.s32 $execute0_lowered;
	[smem:$0x3FD2] =	sst s25  }
0xa6: {  	s5 =	sshll.u32 s26, $0x1;
	_ =	strace $0x80000046;
	[dreg:$0x1] =	wrdreg $0xFFFFFFFF  }
0xa7: {  	s28 =	simm.s32 $_size_execute0_lowered;
	s3 =	sadd.s32 s3, s5;
	[dreg:$0x0] =	wrdreg $0x0  }
0xa8: {  	s5 =	sshll.u32 s28, $0x1;
	[dreg:$0x2] =	wrdreg s3  }
0xa9: {  	[dreg:$0x3] =	wrdreg s5  }
0xaa: {  	[dreg:$0x4] =	wrdreg $0xC0  }
0xab: {  	_ =	task [dreg:s7], $0x5FFFF  }
0xac: {  	[dreg:$0x1] =	wrdreg $0xFFFFFFFF  }
0xad: {  	[dreg:$0x0] =	wrdreg $0x60  }
0xae: {  	[dreg:$0x2] =	wrdreg s24  }
0xaf: {  	[dreg:$0x3] =	wrdreg s2  }
0xb0: {  	[dreg:$0x4] =	wrdreg $0x0  }
0xb1: {  	[dreg:$0x5] =	wrdreg $0x9  }
0xb2: {  	_ =	task.clear_ibuf [dreg:s7], $0x6FFFF;
	_ =	strace $0x90000046  }
0xb3: {  	s29 =	simm.s32 $0x9;
	_ =	strace $0x80000048  }
0xb4: {  	_ =	swait.ge [sflag:s29], $0x1  }
0xb5: {  	[sflag:s29] =	ssyncadd.s32 $0xFFFFFFFF  }
0xb6: {  	_ =	strace $0x90000048  }
0xb7: {  	_ =	sfence  }
0xb8: {  	s30 =	sld [smem:$0x0];
	_ =	sdelay $0x2  }
0xb9: {  	s31 =	sshll.u32 s1, $0xD;
	s1 =	sshrl.u32 s1, $0x2  }
0xba: {  	s3 =	sand.u32 $0x4000, s31;
	s1 =	sadd.s32 s1, s30  }
0xbb: {  	s0 =	sor.u32 s3, s0;
	s1 =	sshll.u32 s1, $0x11  }
0xbc: {  	s0 =	sor.u32 s1, s0  }
0xbd: {  	s0 =	sadd.s32 $0x8F2B, s0  }
0xbe: {  	[sflag:s0] =	ssyncadd.remote.s32 $0x1  }
0xbf: {  	_ =	sfence.sel $0xFFFF  }
0xc0: {  	[dreg:$0x0] =	wrdreg $0xFFFFFFFF;
	(pc) =	sbr.abs _section_cstart, $3  }
0xc1: {  	[dreg:$0x1] =	wrdreg $0xFFFFFFFF  }
0xc2: {  	_ =	task.clear_ibuf [dreg:s7], $0x2FFFF;
	_ =	strace $0x9FFFFFFF  }
0xc3: {  	(tm) =	ssettm $0x7FFFFFFF  }
tec
execute0_lowered:
.L_overlay_start_1:
0x0: {  	(tag) =	ssettag $0x1  }
0x1: {  	s0 =	rddreg [dreg:$0x0];
	s11 =	stileid.u32  }
0x2: {  	s1 =	rddreg [dreg:$0x1];
	s6 =	smul.u32 $0x61C00, s11  }
0x3: {  	s2 =	rddreg [dreg:$0x2];
	s9 =	smul.u32 $0x18700, s11  }
0x4: {  	s3 =	simm.s32 $0x0;
	s5 =	srdreg.scid;
	s6 =	sshrl.u32 s6, $0x2  }
0x5: {  	[smem:$0x7FF] =	sst s3;
	s10 =	sadd.s32 s6, s2;
	s6 =	sadd.s32 s9, s2  }
0x6: {  	_ =	strace $0x80000047;
	s23 =	sadd.s32 $0x3000, s10;
	[dreg:$0x4] =	wrdreg s6  }
0x7: {  	s4 =	sadd.s32 $0x186E00, s0;
	s24 =	sadd.s32 $0x3C00, s10;
	[dreg:$0x6] =	wrdreg s23  }
0x8: {  	s7 =	sand.u32 $0x1, s5;
	s25 =	sadd.s32 $0x4800, s10;
	[dreg:$0x7] =	wrdreg s24  }
0x9: {  	s5 =	sadd.s32 $0x400, s0;
	s14 =	sadd.s32 $0x5400, s10;
	[dreg:$0x8] =	wrdreg s25  }
0xa: {  	s18 =	smul.u32 $0x24C00, s11;
	s28 =	sadd.s32 $0x6000, s10;
	[dreg:$0x9] =	wrdreg s14  }
0xb: {  	s8 =	ssub.s32 $0x2, s7;
	s29 =	sadd.s32 $0x6C00, s10;
	[dreg:$0xa] =	wrdreg s28  }
0xc: {  	s26 =	smul.u32 $0x30D400, s7;
	s30 =	sadd.s32 $0x7800, s10;
	[dreg:$0xb] =	wrdreg s29  }
0xd: {  	s17 =	smul.u32 $0x24C000, s7;
	s16 =	sadd.s32 $0x8400, s10;
	[dreg:$0xc] =	wrdreg s30  }
0xe: {  	s22 =	sshrl.u32 s8, $0x1;
	s19 =	sadd.s32 $0x9000, s10;
	[dreg:$0xd] =	wrdreg s16  }
0xf: {  	s15 =	sadd.s32 s9, s26;
	s21 =	sadd.s32 $0x9C00, s10;
	[dreg:$0xe] =	wrdreg s19  }
0x10: {  	s20 =	sshrl.u32 s26, $0x3;
	s26 =	sadd.s32 $0xCC00, s10;
	[dreg:$0x10] =	wrdreg s21  }
0x11: {  	s0 =	ssub.s32 s8, s22;
	s9 =	sadd.s32 $0xFC00, s10;
	[dreg:$0x14] =	wrdreg s26  }
0x12: {  	s7 =	sshrl.u32 s15, $0x3;
	s15 =	sadd.s32 $0x11400, s10;
	[dreg:$0x18] =	wrdreg s9  }
0x13: {  	s22 =	sadd.s32 s18, s17;
	s18 =	sadd.s32 $0x12000, s10;
	[dreg:$0x1a] =	wrdreg s15  }
0x14: {  	s0 =	smax.u32 s0, $0x1;
	[dreg:$0x1b] =	wrdreg s18  }
0x15: {  	s12 =	sadd.s32 $0xC00, s10;
	[smem:$0x7FA] =	sst s0  }
0x16: {  	s23 =	sadd.s32 $0xA800, s10;
	[dreg:$0x5] =	wrdreg s12  }
0x17: {  	s24 =	sadd.s32 $0xB400, s10;
	[dreg:$0x11] =	wrdreg s23  }
0x18: {  	s25 =	sadd.s32 $0xC000, s10;
	[dreg:$0x12] =	wrdreg s24  }
0x19: {  	s28 =	sadd.s32 $0xD800, s10;
	[dreg:$0x13] =	wrdreg s25  }
0x1a: {  	s29 =	sadd.s32 $0xE400, s10;
	[dreg:$0x15] =	wrdreg s28  }
0x1b: {  	s30 =	sadd.s32 $0xF000, s10;
	[dreg:$0x16] =	wrdreg s29  }
0x1c: {  	s14 =	sadd.s32 $0x10800, s10;
	[dreg:$0x17] =	wrdreg s30  }
0x1d: {  	s16 =	sadd.s32 s1, s7;
	s19 =	sadd.s32 $0x12C00, s10;
	[dreg:$0x19] =	wrdreg s14  }
0x1e: {  	s1 =	sadd.s32 s1, s20;
	s20 =	sadd.s32 $0x13800, s10;
	[dreg:$0x1c] =	wrdreg s19  }
0x1f: {  	s21 =	sadd.s32 $0x14400, s10;
	[dreg:$0x1d] =	wrdreg s20  }
0x20: {  	s7 =	sshrl.u32 s22, $0x3;
	s22 =	sadd.s32 $0x15000, s10;
	[dreg:$0x1e] =	wrdreg s21  }
0x21: {  	s26 =	sadd.s32 $0x18000, s10;
	[dreg:$0x1f] =	wrdreg s22  }
0x22: {  	[smem:$0x7F7] =	sst s26  }
0x23: {  	p0 =	seq.s32 s11, $0xF;
	s23 =	sadd.s32 $0x15C00, s10;
	[dreg:$0xf] =	wrdreg s16  }
0x24: {  	s13 =	sadd.s32 $0x1800, s10;
	s24 =	sadd.s32 $0x16800, s10;
	[smem:$0x7F4] =	sst s23  }
0x25: {  	s31 =	sadd.s32 $0x2400, s10;
	s25 =	sadd.s32 $0x17400, s10;
	[smem:$0x7F5] =	sst s24  }
0x26: {  	s15 =	sadd.s32 $0x498000, s17;
	s28 =	sadd.s32 $0x2DD20, s1;
	[smem:$0x7F6] =	sst s25  }
0x27: {  	s18 =	simm.s32 $0x1;
	s1 =	sadd.s32 $0x5EA60, s1;
	[smem:$0x7F8] =	sst s28  }
0x28: {  	s7 =	sadd.s32 s5, s7;
	s14 =	smul.u32 $0x188, s11;
	[smem:$0x7F9] =	sst s1  }
0x29: {  	s30 =	sadd.s32 $0x30D40, s16;
	s16 =	simm.s32 $0x1F100;
	[smem:$0x7FB] =	sst s7  }
0x2a: {  	s21 =	simm.s32 $0x80;
	s29 =	sadd.s32 $0x93000, s7;
	[smem:$0x7FD] =	sst s30  }
0x2b: {  	v0 =	vimm.f32 $0.0e+00;
	s22 =	simm.s32 $0x3;
	s23 =	simm.s32 $0x2;
	[smem:$0x7FC] =	sst s29  }
.LBB2_1:
0x2c: {  	s0 =	simm.s32 $0x80;
	s1 =	simm.s32 $0x0  }
.LBB2_2:
0x2d: {  	p1 =	sne.s32 s0, $0x2F80;
	[tilespmem:s1+$0x1F100] =	vst v0;
	s7 =	smov.u32 s0;
	s0 =	sadd.s32 $0x80, s0  }
.Ltmp0:
0x2e: {  	[tilespmem:s1+$0x1F110] =	vst v0;
	(pc) =	sbr.rel @p1 .LBB2_2-.Ltmp0, $2  }
0x2f: {  	_ =	sdelay $0x2  }
0x30: {  	s1 =	sshra.s32 s7, $0x2  }
0x31: {  	[tilespmem:s1+$0x1F100] =	vst v0  }
0x32: {  	[tilespmem:s1+$0x1F110] =	vst v0  }
0x33: {  	[spmem:s6] =	stream.linear.scatter [tilespmem:s16], [sflag:$0x1], $0xC00, $0x38;
	[tilespmem:$0x1FD00] =	vst v63  }
0x34: {  	_ = 	snop  }
0x35: {  	[spmem:s12] =	stream.linear.scatter [tilespmem:s16], [sflag:$0x1], $0xC00, $0x38;
	[tilespmem:$0x1FD00] =	vst v63  }
0x36: {  	_ = 	snop  }
0x37: {  	[spmem:s13] =	stream.linear.scatter [tilespmem:s16], [sflag:$0x1], $0xC00, $0x38;
	[tilespmem:$0x1FD00] =	vst v63  }
0x38: {  	s0 =	rddreg [dreg:$0x6]  }
0x39: {  	[spmem:s31] =	stream.linear.scatter [tilespmem:s16], [sflag:$0x1], $0xC00, $0x38;
	[tilespmem:$0x1FD00] =	vst v63  }
0x3a: {  	s28 =	rddreg [dreg:$0x7]  }
0x3b: {  	[spmem:s0] =	stream.linear.scatter [tilespmem:s16], [sflag:$0x1], $0xC00, $0x38;
	[tilespmem:$0x1FD00] =	vst v63  }
0x3c: {  	s29 =	rddreg [dreg:$0x8]  }
0x3d: {  	[spmem:s28] =	stream.linear.scatter [tilespmem:s16], [sflag:$0x1], $0xC00, $0x38;
	[tilespmem:$0x1FD00] =	vst v63  }
0x3e: {  	s30 =	rddreg [dreg:$0x9]  }
0x3f: {  	[spmem:s29] =	stream.linear.scatter [tilespmem:s16], [sflag:$0x1], $0xC00, $0x38;
	[tilespmem:$0x1FD00] =	vst v63  }
0x40: {  	s1 =	rddreg [dreg:$0xa]  }
0x41: {  	[spmem:s30] =	stream.linear.scatter [tilespmem:s16], [sflag:$0x1], $0xC00, $0x38;
	[tilespmem:$0x1FD00] =	vst v63  }
0x42: {  	s7 =	rddreg [dreg:$0xb]  }
0x43: {  	[spmem:s1] =	stream.linear.scatter [tilespmem:s16], [sflag:$0x1], $0xC00, $0x38;
	[tilespmem:$0x1FD00] =	vst v63  }
0x44: {  	s8 =	rddreg [dreg:$0xc]  }
0x45: {  	[spmem:s7] =	stream.linear.scatter [tilespmem:s16], [sflag:$0x1], $0xC00, $0x38;
	[tilespmem:$0x1FD00] =	vst v63  }
0x46: {  	s9 =	rddreg [dreg:$0xd]  }
0x47: {  	[spmem:s8] =	stream.linear.scatter [tilespmem:s16], [sflag:$0x1], $0xC00, $0x38;
	[tilespmem:$0x1FD00] =	vst v63  }
0x48: {  	s10 =	rddreg [dreg:$0xe]  }
0x49: {  	[spmem:s9] =	stream.linear.scatter [tilespmem:s16], [sflag:$0x1], $0xC00, $0x38;
	[tilespmem:$0x1FD00] =	vst v63  }
0x4a: {  	s11 =	rddreg [dreg:$0x10]  }
0x4b: {  	[spmem:s10] =	stream.linear.scatter [tilespmem:s16], [sflag:$0x1], $0xC00, $0x38;
	[tilespmem:$0x1FD00] =	vst v63  }
0x4c: {  	s19 =	rddreg [dreg:$0x11]  }
0x4d: {  	[spmem:s11] =	stream.linear.scatter [tilespmem:s16], [sflag:$0x1], $0xC00, $0x38;
	[tilespmem:$0x1FD00] =	vst v63  }
0x4e: {  	s20 =	rddreg [dreg:$0x12]  }
0x4f: {  	[spmem:s19] =	stream.linear.scatter [tilespmem:s16], [sflag:$0x1], $0xC00, $0x38;
	[tilespmem:$0x1FD00] =	vst v63  }
0x50: {  	s24 =	rddreg [dreg:$0x13]  }
0x51: {  	[spmem:s20] =	stream.linear.scatter [tilespmem:s16], [sflag:$0x1], $0xC00, $0x38;
	[tilespmem:$0x1FD00] =	vst v63  }
0x52: {  	s25 =	rddreg [dreg:$0x14]  }
0x53: {  	[spmem:s24] =	stream.linear.scatter [tilespmem:s16], [sflag:$0x1], $0xC00, $0x38;
	[tilespmem:$0x1FD00] =	vst v63  }
0x54: {  	s26 =	rddreg [dreg:$0x15]  }
0x55: {  	[spmem:s25] =	stream.linear.scatter [tilespmem:s16], [sflag:$0x1], $0xC00, $0x38;
	[tilespmem:$0x1FD00] =	vst v63  }
0x56: {  	s28 =	rddreg [dreg:$0x16]  }
0x57: {  	[spmem:s26] =	stream.linear.scatter [tilespmem:s16], [sflag:$0x1], $0xC00, $0x38;
	[tilespmem:$0x1FD00] =	vst v63  }
0x58: {  	s29 =	rddreg [dreg:$0x17]  }
0x59: {  	[spmem:s28] =	stream.linear.scatter [tilespmem:s16], [sflag:$0x1], $0xC00, $0x38;
	[tilespmem:$0x1FD00] =	vst v63  }
0x5a: {  	s30 =	rddreg [dreg:$0x18]  }
0x5b: {  	[spmem:s29] =	stream.linear.scatter [tilespmem:s16], [sflag:$0x1], $0xC00, $0x38;
	[tilespmem:$0x1FD00] =	vst v63  }
0x5c: {  	s1 =	rddreg [dreg:$0x19]  }
0x5d: {  	[spmem:s30] =	stream.linear.scatter [tilespmem:s16], [sflag:$0x1], $0xC00, $0x38;
	[tilespmem:$0x1FD00] =	vst v63  }
0x5e: {  	s7 =	rddreg [dreg:$0x1a]  }
0x5f: {  	[spmem:s1] =	stream.linear.scatter [tilespmem:s16], [sflag:$0x1], $0xC00, $0x38;
	[tilespmem:$0x1FD00] =	vst v63  }
0x60: {  	s8 =	rddreg [dreg:$0x1b]  }
0x61: {  	[spmem:s7] =	stream.linear.scatter [tilespmem:s16], [sflag:$0x1], $0xC00, $0x38;
	[tilespmem:$0x1FD00] =	vst v63  }
0x62: {  	s9 =	rddreg [dreg:$0x1c]  }
0x63: {  	[spmem:s8] =	stream.linear.scatter [tilespmem:s16], [sflag:$0x1], $0xC00, $0x38;
	[tilespmem:$0x1FD00] =	vst v63  }
0x64: {  	s10 =	rddreg [dreg:$0x1d]  }
0x65: {  	[spmem:s9] =	stream.linear.scatter [tilespmem:s16], [sflag:$0x1], $0xC00, $0x38;
	[tilespmem:$0x1FD00] =	vst v63  }
0x66: {  	s11 =	rddreg [dreg:$0x1e]  }
0x67: {  	[spmem:s10] =	stream.linear.scatter [tilespmem:s16], [sflag:$0x1], $0xC00, $0x38;
	[tilespmem:$0x1FD00] =	vst v63  }
0x68: {  	s19 =	rddreg [dreg:$0x1f]  }
0x69: {  	[spmem:s11] =	stream.linear.scatter [tilespmem:s16], [sflag:$0x1], $0xC00, $0x38;
	[tilespmem:$0x1FD00] =	vst v63  }
0x6a: {  	s20 =	sld [smem:$0x7F4]  }
0x6b: {  	[spmem:s19] =	stream.linear.scatter [tilespmem:s16], [sflag:$0x1], $0xC00, $0x38;
	[tilespmem:$0x1FD00] =	vst v63  }
0x6c: {  	s24 =	sld [smem:$0x7F5]  }
0x6d: {  	[spmem:s20] =	stream.linear.scatter [tilespmem:s16], [sflag:$0x1], $0xC00, $0x38;
	[tilespmem:$0x1FD00] =	vst v63  }
0x6e: {  	s25 =	sld [smem:$0x7F6]  }
0x6f: {  	[spmem:s24] =	stream.linear.scatter [tilespmem:s16], [sflag:$0x1], $0xC00, $0x38;
	[tilespmem:$0x1FD00] =	vst v63  }
0x70: {  	s26 =	sld [smem:$0x7F7]  }
0x71: {  	[spmem:s25] =	stream.linear.scatter [tilespmem:s16], [sflag:$0x1], $0xC00, $0x38;
	[tilespmem:$0x1FD00] =	vst v63  }
0x72: {  	_ = 	snop  }
0x73: {  	[spmem:s26] =	stream.linear.scatter [tilespmem:s16], [sflag:$0x1], $0x700, $0x38;
	[tilespmem:$0x1FD00] =	vst v63  }
0x74: {  	_ =	swait.ge [sflag:s18], $0xC00  }
0x75: {  	[sflag:s18] =	ssyncset.done $0x0  }
0x76: {  	[sflag:s18] =	ssyncadd.s32 $0xFFFFF400  }
0x77: {  	_ =	swait.ge [sflag:s18], $0xC00  }
0x78: {  	[sflag:s18] =	ssyncset.done $0x0  }
0x79: {  	[sflag:s18] =	ssyncadd.s32 $0xFFFFF400  }
0x7a: {  	_ =	swait.ge [sflag:s18], $0xC00  }
0x7b: {  	[sflag:s18] =	ssyncset.done $0x0  }
0x7c: {  	[sflag:s18] =	ssyncadd.s32 $0xFFFFF400  }
0x7d: {  	_ =	swait.ge [sflag:s18], $0xC00  }
0x7e: {  	[sflag:s18] =	ssyncset.done $0x0  }
0x7f: {  	[sflag:s18] =	ssyncadd.s32 $0xFFFFF400  }
0x80: {  	_ =	swait.ge [sflag:s18], $0xC00  }
0x81: {  	[sflag:s18] =	ssyncset.done $0x0  }
0x82: {  	[sflag:s18] =	ssyncadd.s32 $0xFFFFF400  }
0x83: {  	_ =	swait.ge [sflag:s18], $0xC00  }
0x84: {  	[sflag:s18] =	ssyncset.done $0x0  }
0x85: {  	[sflag:s18] =	ssyncadd.s32 $0xFFFFF400  }
0x86: {  	_ =	swait.ge [sflag:s18], $0xC00  }
0x87: {  	[sflag:s18] =	ssyncset.done $0x0  }
0x88: {  	[sflag:s18] =	ssyncadd.s32 $0xFFFFF400  }
0x89: {  	_ =	swait.ge [sflag:s18], $0xC00  }
0x8a: {  	[sflag:s18] =	ssyncset.done $0x0  }
0x8b: {  	[sflag:s18] =	ssyncadd.s32 $0xFFFFF400  }
0x8c: {  	_ =	swait.ge [sflag:s18], $0xC00  }
0x8d: {  	[sflag:s18] =	ssyncset.done $0x0  }
0x8e: {  	[sflag:s18] =	ssyncadd.s32 $0xFFFFF400  }
0x8f: {  	_ =	swait.ge [sflag:s18], $0xC00  }
0x90: {  	[sflag:s18] =	ssyncset.done $0x0  }
0x91: {  	[sflag:s18] =	ssyncadd.s32 $0xFFFFF400  }
0x92: {  	_ =	swait.ge [sflag:s18], $0xC00  }
0x93: {  	[sflag:s18] =	ssyncset.done $0x0  }
0x94: {  	[sflag:s18] =	ssyncadd.s32 $0xFFFFF400  }
0x95: {  	_ =	swait.ge [sflag:s18], $0xC00  }
0x96: {  	[sflag:s18] =	ssyncset.done $0x0  }
0x97: {  	[sflag:s18] =	ssyncadd.s32 $0xFFFFF400  }
0x98: {  	_ =	swait.ge [sflag:s18], $0xC00  }
0x99: {  	[sflag:s18] =	ssyncset.done $0x0  }
0x9a: {  	[sflag:s18] =	ssyncadd.s32 $0xFFFFF400  }
0x9b: {  	_ =	swait.ge [sflag:s18], $0xC00  }
0x9c: {  	[sflag:s18] =	ssyncset.done $0x0  }
0x9d: {  	[sflag:s18] =	ssyncadd.s32 $0xFFFFF400  }
0x9e: {  	_ =	swait.ge [sflag:s18], $0xC00  }
0x9f: {  	[sflag:s18] =	ssyncset.done $0x0  }
0xa0: {  	[sflag:s18] =	ssyncadd.s32 $0xFFFFF400  }
0xa1: {  	_ =	swait.ge [sflag:s18], $0xC00  }
0xa2: {  	[sflag:s18] =	ssyncset.done $0x0  }
0xa3: {  	[sflag:s18] =	ssyncadd.s32 $0xFFFFF400  }
0xa4: {  	_ =	swait.ge [sflag:s18], $0xC00  }
0xa5: {  	[sflag:s18] =	ssyncset.done $0x0  }
0xa6: {  	[sflag:s18] =	ssyncadd.s32 $0xFFFFF400  }
0xa7: {  	_ =	swait.ge [sflag:s18], $0xC00  }
0xa8: {  	[sflag:s18] =	ssyncset.done $0x0  }
0xa9: {  	[sflag:s18] =	ssyncadd.s32 $0xFFFFF400  }
0xaa: {  	_ =	swait.ge [sflag:s18], $0xC00  }
0xab: {  	[sflag:s18] =	ssyncset.done $0x0  }
0xac: {  	[sflag:s18] =	ssyncadd.s32 $0xFFFFF400  }
0xad: {  	_ =	swait.ge [sflag:s18], $0xC00  }
0xae: {  	[sflag:s18] =	ssyncset.done $0x0  }
0xaf: {  	[sflag:s18] =	ssyncadd.s32 $0xFFFFF400  }
0xb0: {  	_ =	swait.ge [sflag:s18], $0xC00  }
0xb1: {  	[sflag:s18] =	ssyncset.done $0x0  }
0xb2: {  	[sflag:s18] =	ssyncadd.s32 $0xFFFFF400  }
0xb3: {  	_ =	swait.ge [sflag:s18], $0xC00  }
0xb4: {  	[sflag:s18] =	ssyncset.done $0x0  }
0xb5: {  	[sflag:s18] =	ssyncadd.s32 $0xFFFFF400  }
0xb6: {  	_ =	swait.ge [sflag:s18], $0xC00  }
0xb7: {  	[sflag:s18] =	ssyncset.done $0x0  }
0xb8: {  	[sflag:s18] =	ssyncadd.s32 $0xFFFFF400  }
0xb9: {  	_ =	swait.ge [sflag:s18], $0xC00  }
0xba: {  	[sflag:s18] =	ssyncset.done $0x0  }
0xbb: {  	[sflag:s18] =	ssyncadd.s32 $0xFFFFF400  }
0xbc: {  	_ =	swait.ge [sflag:s18], $0xC00  }
0xbd: {  	[sflag:s18] =	ssyncset.done $0x0  }
0xbe: {  	[sflag:s18] =	ssyncadd.s32 $0xFFFFF400  }
0xbf: {  	_ =	swait.ge [sflag:s18], $0xC00  }
0xc0: {  	[sflag:s18] =	ssyncset.done $0x0  }
0xc1: {  	[sflag:s18] =	ssyncadd.s32 $0xFFFFF400  }
0xc2: {  	_ =	swait.ge [sflag:s18], $0xC00  }
0xc3: {  	[sflag:s18] =	ssyncset.done $0x0  }
0xc4: {  	[sflag:s18] =	ssyncadd.s32 $0xFFFFF400  }
0xc5: {  	_ =	swait.ge [sflag:s18], $0xC00  }
0xc6: {  	[sflag:s18] =	ssyncset.done $0x0  }
0xc7: {  	[sflag:s18] =	ssyncadd.s32 $0xFFFFF400  }
0xc8: {  	_ =	swait.ge [sflag:s18], $0xC00  }
0xc9: {  	[sflag:s18] =	ssyncset.done $0x0  }
0xca: {  	[sflag:s18] =	ssyncadd.s32 $0xFFFFF400  }
0xcb: {  	_ =	swait.ge [sflag:s18], $0xC00  }
0xcc: {  	[sflag:s18] =	ssyncset.done $0x0  }
0xcd: {  	[sflag:s18] =	ssyncadd.s32 $0xFFFFF400  }
0xce: {  	_ =	swait.ge [sflag:s18], $0xC00  }
0xcf: {  	[sflag:s18] =	ssyncset.done $0x0  }
0xd0: {  	[sflag:s18] =	ssyncadd.s32 $0xFFFFF400  }
0xd1: {  	_ =	swait.ge [sflag:s18], $0xC00  }
0xd2: {  	[sflag:s18] =	ssyncset.done $0x0  }
0xd3: {  	[sflag:s18] =	ssyncadd.s32 $0xFFFFF400  }
0xd4: {  	_ =	swait.ge [sflag:s18], $0x700  }
0xd5: {  	[sflag:s18] =	ssyncset.done $0x0  }
0xd6: {  	[sflag:s18] =	ssyncadd.s32 $0xFFFFF900  }
0xd7: {  	[bflag:$0x0] =	sbarrier.arrive $0xFFFF  }
0xd8: {  	s28 =	sld [smem:$0x7FB];
	_ =	sdelay $0x1  }
0xd9: {  	s29 =	simm.s32 $0x18700;
	s30 =	simm.s32 $0x4;
	s24 =	simm.s32 $0x0  }
0xda: {  	[tilespmem:s29], [sflag:$0x4] =	stream.linear.gather [hbm4b:s28+s24], $0x1500, $0x38;
	[tilespmem:$0x1FD00] =	vst v63  }
0xdb: {  	_ =	swait.ge [sflag:s30], $0x1500  }
0xdc: {  	p1 =	por $0x0, $0x0;
	[sflag:s30] =	ssyncset.done $0x0  }
0xdd: {  	s25 =	simm.s32 $0x0;
	s26 =	simm.s32 $0x0;
	[sflag:s30] =	ssyncadd.s32 $0xFFFFEB00  }
.LBB2_4:
0xde: {  	s0 =	smov.u32 s26;
	s26 =	sadd.s32 $0x1, s26  }
0xdf: {  	s1 =	smin.u32 s26, $0x1B  }
0xe0: {  	s1 =	smul.u32 $0xE, s1;
	_ =	sdelay $0x1  }
0xe1: {  	s7 =	sand.u32 $0x1, s0;
	s1 =	sadd.s32 s14, s1  }
0xe2: {  	s8 =	sxor.u32 $0x1, s7;
	s1 =	smul.u32 $0x180, s1  }
0xe3: {  	s8 =	smul.u32 $0x5400, s8  }
0xe4: {  	s1 =	sadd.s32 s17, s1  }
0xe5: {  	s20 =	sshll.u32 s0, $0xD;
	s8 =	sshrl.u32 s8, $0x2;
	s1 =	sshrl.u32 s1, $0x3  }
0xe6: {  	s19 =	smul.u32 $0x5400, s7;
	s8 =	sadd.s32 $0x18700, s8;
	s1 =	sadd.s32 s5, s1  }
0xe7: {  	[tilespmem:s8], [sflag:$0x3] =	stream.linear.gather [hbm4b:s1+s24], $0x1500, $0x38;
	[tilespmem:$0x1FD00] =	vst v63  }
0xe8: {  	s7 =	sand.u32 $0x2000, s20;
	s8 =	simm.s32 $0x1;
	s1 =	sshrl.u32 s19, $0x2  }
0xe9: {  	s9 =	sadd.s32 $0x1B100, s7;
	s8 =	simm.s32 @!p1 $0x0;
	s28 =	sadd.s32 $0x18700, s1  }
0xea: {  	[tilespmem:s9], [sflag:$0x1] =	stream.indirect.gather [hbm4b:s4+s21], $0x20, s28, s21, $0xb8;
	[tilespmem:$0x1FD00] =	vst v63  }
0xeb: {  	s7 =	sor.u32 $0x1C100, s7;
	s1 =	sadd.s32 $0x18880, s1;
	s8 =	smul.u32 $0x5400, s8  }
0xec: {  	[tilespmem:s7], [sflag:$0x1] =	stream.indirect.gather [hbm4b:s4+s21], $0x20, s1, s21, $0xb8;
	[tilespmem:$0x1FD00] =	vst v63  }
0xed: {  	s0 =	smul.u32 $0xE, s0;
	s30 =	sshrl.u32 s8, $0x2  }
0xee: {  	s20 =	simm.s32 $0x0;
	s1 =	smov.u32 s25;
	s29 =	sadd.s32 $0x18800, s30  }
.LBB2_5:
0xef: {  	s8 =	sadd.s32 s0, s20  }
0xf0: {  	p2 =	slt.u32 s20, $0xC;
	p3 =	slt.u32 s8, $0x2  }
0xf1: {  	s9 =	smul.u32 @p2 $0x600, s20;
	s7 =	simm.s32 @!p3 $0x2  }
0xf2: {  	s10 =	sshll.u32 @p2 s8, $0xC;
	_ =	swait.ge @!p3 [sflag:s7], $0x1000  }
0xf3: {  	s10 =	sand.u32 @p2 $0x3000, s10;
	s11 =	sshra.s32 @p2 s9, $0x2;
	[sflag:s7] =	ssyncset.done @!p3 $0x0  }
0xf4: {  	[sflag:s7] =	ssyncadd.s32 @!p3 $0xFFFFF000;
	s7 =	sxor.u32 @p2 $0x2000, s10;
	s10 =	sadd.s32 @p2 s11, s28  }
0xf5: {  	s11 =	simm.s32 @p2 $0x80;
	s7 =	sadd.s32 @p2 $0x1B100, s7;
	s10 =	sadd.s32 @p2 $0x300, s10  }
0xf6: {  	[tilespmem:s7], [sflag:$0x1] =	stream.indirect.gather @p2 [hbm4b:s4+s11], $0x20, s10, s11, $0xb8;
	[tilespmem:$0x1FD00] =	vst v63  }
0xf7: {  	s10 =	sand.u32 $0x3, s1;
	_ =	swait.ge [sflag:s18], $0x1000  }
0xf8: {  	s7 =	sshll.u32 s10, $0xC;
	[sflag:s18] =	ssyncset.done $0x0  }
0xf9: {  	s7 =	sadd.s32 $0x1B200, s7;
	[sflag:s18] =	ssyncadd.s32 $0xFFFFF000  }
0xfa: {  	v7 =	vld [tilespmem:s7+$0xFFFFFFA0]  }
0xfb: {  	v4 =	vld [tilespmem:s7+$0xFFFFFFF0]  }
0xfc: {  	v1 =	vld [tilespmem:s7+$0xFFFFFF60]  }
0xfd: {  	v5 =	vmov s29;
	v8 =	vld [tilespmem:s7+$0xFFFFFFD0]  }
0xfe: {  	v9 =	vld [tilespmem:s7+$0x80]  }
0xff: {  	v12 =	vld [tilespmem:s7+$0xFFFFFF10]  }
0x100: {  	v16 =	vld [tilespmem:s7+$0xE0]  }
0x101: {  	s11 =	simm.s32 $0x0;
	v11 =	vld [tilespmem:s7+$0xFFFFFF40]  }
0x102: {  	v2 =	vld.idx.msk [tilespmem:v5+s11+$0x0 ss:$0x1], $0xffff  }
0x103: {  	v3 =	vld [tilespmem:s7+$0xFFFFFF90]  }
0x104: {  	v10 =	vld [tilespmem:s7+$0xFFFFFFC0]  }
0x105: {  	v14 =	vld [tilespmem:s7+$0xFFFFFF00]  }
0x106: {  	v13 =	vld [tilespmem:s7+$0xD0]  }
0x107: {  	s10 =	smul.u32 @!p2 $0x600, s20;
	v23 =	vld [tilespmem:s7+$0xC0]  }
0x108: {  	s8 =	sshll.u32 s8, $0xC;
	v20 =	vld [tilespmem:s7+$0x90];
	v19 =	vbroadcast v2, $0x0;
	v6 =	vbroadcast v2, $0xF  }
0x109: {  	s19 =	sand.u32 $0x3000, s8;
	s10 =	smov.u32 @p2 s9;
	v22 =	vld [tilespmem:s7+$0xFFFFFF50];
	v21 =	vbroadcast v2, $0x2;
	v17 =	vbroadcast v2, $0xE  }
0x10a: {  	s30 =	sadd.s32 $0x1B100, s19;
	s9 =	sshra.s32 s10, $0x2;
	v18 =	vld [tilespmem:s7+$0xB0];
	v15 =	vbroadcast v2, $0xC;
	v25 =	vmul.f32 v19, v14  }
0x10b: {  	s10 =	smov.u32 s7;
	s8 =	sadd.s32 s9, s28;
	s9 =	simm.s32 $0x40;
	v14 =	vbroadcast v2, $0xD;
	v24 =	vmul.f32 v11, v21;
	v11 =	vld [tilespmem:s7+$0x60]  }
.LBB2_6:
0x10c: {  	p2 =	sne.s32 s9, $0x1C0  }
0x10d: {  	[tilespmem:s7+$0xFFFFFF00] =	vst v25;
	v25 =	vld [tilespmem:s7+$0xFFFFFFB0];
	v23 =	vmul.f32 v23, v17;
	v16 =	vmul.f32 v16, v6;
	s10 =	sadd.s32 $0x200, s10;
	s11 =	smov.u32 s9;
	s9 =	sadd.s32 $0x40, s9  }
0x10e: {  	[tilespmem:s7+$0xFFFFFF40] =	vst v24;
	v24 =	vbroadcast v2, $0xA;
	v20 =	vmul.f32 v20, v15;
	v26 =	vld [tilespmem:s7+$0xA0]  }
0x10f: {  	v12 =	vmul.f32 v12, v19;
	v19 =	vmul.f32 v22, v21;
	v21 =	vld [tilespmem:s7+$0x70];
	[tilespmem:s7+$0xE0] =	vst v16  }
0x110: {  	v16 =	vbroadcast v2, $0x5;
	v22 =	vld [tilespmem:s7+$0xFFFFFFE0];
	v18 =	vmul.f32 v18, v14;
	[tilespmem:s7+$0xC0] =	vst v23  }
0x111: {  	v13 =	vmul.f32 v13, v17;
	[tilespmem:s7+$0xFFFFFF10] =	vst v12;
	v12 =	vbroadcast v2, $0x6;
	v23 =	vld [tilespmem:s7+$0x40]  }
0x112: {  	v27 =	vbroadcast v2, $0xB;
	v7 =	vmul.f32 v7, v16;
	v17 =	vld [tilespmem:s7+$0xFFFFFF20];
	[tilespmem:s7+$0x90] =	vst v20  }
0x113: {  	[tilespmem:s7+$0xFFFFFF50] =	vst v19;
	v19 =	vbroadcast v2, $0x9;
	v20 =	vld [tilespmem:s7+$0x20];
	v14 =	vmul.f32 v26, v14  }
0x114: {  	v16 =	vmul.f32 v25, v16;
	v25 =	vld [tilespmem:s7+$0x50];
	v21 =	vmul.f32 v21, v27;
	[tilespmem:s7+$0xD0] =	vst v13  }
0x115: {  	v9 =	vmul.f32 v9, v15;
	v13 =	vbroadcast v2, $0x7;
	v26 =	vld [tilespmem:s7+$0x30];
	[tilespmem:s7+$0xA0] =	vst v14  }
0x116: {  	v10 =	vmul.f32 v10, v12;
	v14 =	vbroadcast v2, $0x3;
	v15 =	vld [tilespmem:s7+$0x0];
	[tilespmem:s7+$0x70] =	vst v21  }
0x117: {  	v11 =	vmul.f32 v11, v27;
	v8 =	vmul.f32 v8, v12;
	v12 =	vld [tilespmem:s7+$0x10];
	[tilespmem:s7+$0x80] =	vst v9  }
0x118: {  	v21 =	vbroadcast v2, $0x8;
	v23 =	vmul.f32 v23, v24;
	v9 =	vld [tilespmem:s7+$0xFFFFFF30];
	[tilespmem:s7+$0xB0] =	vst v18  }
0x119: {  	v18 =	vbroadcast v2, $0x1;
	v27 =	vld [tilespmem:s7+$0xFFFFFF70];
	[tilespmem:s7+$0xFFFFFFD0] =	vst v8;
	v24 =	vmul.f32 v25, v24  }
0x11a: {  	v4 =	vmul.f32 v4, v13;
	v8 =	vmul.f32 v22, v13;
	[tilespmem:s7+$0xFFFFFFC0] =	vst v10;
	v10 =	vld [tilespmem:s7+$0xF0]  }
0x11b: {  	v22 =	vmul.f32 v26, v19;
	v13 =	vld [tilespmem:s7+$0xFFFFFF80];
	[tilespmem:s7+$0xFFFFFFA0] =	vst v7;
	v15 =	vmul.f32 v15, v21  }
0x11c: {  	v7 =	vld [tilespmem:s10+$0xFFFFFFA0];
	[tilespmem:s7+$0xFFFFFFF0] =	vst v4;
	v21 =	vmul.f32 v12, v21;
	v12 =	vmul.f32 v20, v19  }
0x11d: {  	v4 =	vmul.f32 v17, v18;
	v17 =	vmul.f32 v9, v18;
	[tilespmem:s7+$0x60] =	vst v11  }
0x11e: {  	v1 =	vmul.f32 v1, v14;
	v9 =	vmul.f32 v27, v14;
	[tilespmem:s7+$0xFFFFFFB0] =	vst v16  }
0x11f: {  	v2 =	vbroadcast v2, $0x4;
	[tilespmem:s7+$0xFFFFFF20] =	vst v4;
	v4 =	vmul.f32 v10, v6  }
0x120: {  	[tilespmem:s7+$0xFFFFFF60] =	vst v1  }
0x121: {  	v6 =	vmul.f32 v13, v2;
	v1 =	vmul.f32 v3, v2;
	[tilespmem:s7+$0x40] =	vst v23  }
0x122: {  	[tilespmem:s7+$0xFFFFFFE0] =	vst v8  }
0x123: {  	[tilespmem:s7+$0xF0] =	vst v4  }
0x124: {  	[tilespmem:s7+$0xFFFFFF90] =	vst v1  }
0x125: {  	[tilespmem:s7+$0xFFFFFF70] =	vst v9  }
0x126: {  	v4 =	vld [tilespmem:s10+$0xFFFFFFF0];
	[tilespmem:s7+$0x20] =	vst v12  }
0x127: {  	v1 =	vld [tilespmem:s10+$0xFFFFFF60];
	[tilespmem:s7+$0x30] =	vst v22  }
0x128: {  	v8 =	vld [tilespmem:s10+$0xFFFFFFD0];
	[tilespmem:s7+$0xFFFFFF80] =	vst v6  }
0x129: {  	v9 =	vld [tilespmem:s10+$0x80];
	[tilespmem:s7+$0x50] =	vst v24  }
0x12a: {  	v12 =	vld [tilespmem:s10+$0xFFFFFF10];
	[tilespmem:s7+$0x0] =	vst v15  }
0x12b: {  	v16 =	vld [tilespmem:s10+$0xE0];
	[tilespmem:s7+$0xFFFFFF30] =	vst v17  }
0x12c: {  	s11 =	sshra.s32 s11, $0x2;
	v11 =	vld [tilespmem:s10+$0xFFFFFF40];
	[tilespmem:s7+$0x10] =	vst v21;
	s7 =	smov.u32 s10  }
0x12d: {  	v2 =	vld.idx.msk [tilespmem:v5+s11+$0x0 ss:$0x1], $0xffff  }
0x12e: {  	v3 =	vld [tilespmem:s10+$0xFFFFFF90]  }
0x12f: {  	v10 =	vld [tilespmem:s10+$0xFFFFFFC0]  }
0x130: {  	v14 =	vld [tilespmem:s10+$0xFFFFFF00]  }
0x131: {  	v13 =	vld [tilespmem:s10+$0xD0]  }
.Ltmp1:
0x132: {  	v23 =	vld [tilespmem:s10+$0xC0];
	(pc) =	sbr.rel @p2 .LBB2_6-.Ltmp1, $4  }
0x133: {  	v19 =	vbroadcast v2, $0x0;
	v6 =	vbroadcast v2, $0xF;
	v20 =	vld [tilespmem:s10+$0x90]  }
0x134: {  	v21 =	vbroadcast v2, $0x2;
	v17 =	vbroadcast v2, $0xE;
	v22 =	vld [tilespmem:s10+$0xFFFFFF50]  }
0x135: {  	v25 =	vmul.f32 v19, v14;
	v14 =	vbroadcast v2, $0xD;
	v18 =	vld [tilespmem:s10+$0xB0]  }
0x136: {  	v15 =	vbroadcast v2, $0xC;
	v24 =	vmul.f32 v11, v21;
	v11 =	vld [tilespmem:s10+$0x60]  }
0x137: {  	[tilespmem:s7+$0xFFFFFF00] =	vst v25;
	v5 =	vmul.f32 v16, v6  }
0x138: {  	v29 =	vmul.f32 v23, v17;
	[tilespmem:s7+$0xFFFFFF40] =	vst v24  }
0x139: {  	v12 =	vmul.f32 v12, v19;
	[tilespmem:s7+$0xE0] =	vst v5  }
0x13a: {  	v35 =	vmul.f32 v13, v17;
	[tilespmem:s7+$0xC0] =	vst v29  }
0x13b: {  	v32 =	vmul.f32 v20, v15;
	[tilespmem:s7+$0xFFFFFF10] =	vst v12  }
0x13c: {  	v41 =	vbroadcast v2, $0x6;
	v9 =	vmul.f32 v9, v15;
	[tilespmem:s7+$0xD0] =	vst v35  }
0x13d: {  	v34 =	vmul.f32 v22, v21;
	[tilespmem:s7+$0x90] =	vst v32  }
0x13e: {  	v45 =	vbroadcast v2, $0x5;
	v8 =	vmul.f32 v8, v41;
	[tilespmem:s7+$0x80] =	vst v9  }
0x13f: {  	v47 =	vbroadcast v2, $0x7;
	v10 =	vmul.f32 v10, v41;
	[tilespmem:s7+$0xFFFFFF50] =	vst v34  }
0x140: {  	v54 =	vbroadcast v2, $0x3;
	v7 =	vmul.f32 v7, v45;
	[tilespmem:s7+$0xFFFFFFD0] =	vst v8  }
0x141: {  	v30 =	vld [tilespmem:s7+$0xA0];
	v59 =	vbroadcast v2, $0x4;
	v4 =	vmul.f32 v4, v47;
	[tilespmem:s7+$0xFFFFFFC0] =	vst v10  }
0x142: {  	v31 =	vld [tilespmem:s7+$0x70];
	v1 =	vmul.f32 v1, v54;
	[tilespmem:s7+$0xFFFFFFA0] =	vst v7  }
0x143: {  	v33 =	vld [tilespmem:s7+$0xFFFFFFB0];
	v37 =	vbroadcast v2, $0xB;
	v3 =	vmul.f32 v3, v59;
	[tilespmem:s7+$0xFFFFFFF0] =	vst v4  }
0x144: {  	v36 =	vld [tilespmem:s7+$0xFFFFFF20];
	v43 =	vmul.f32 v18, v14;
	[tilespmem:s7+$0xFFFFFF60] =	vst v1  }
0x145: {  	v40 =	vld [tilespmem:s7+$0x40];
	v11 =	vmul.f32 v11, v37;
	[tilespmem:s7+$0xFFFFFF90] =	vst v3  }
0x146: {  	v38 =	vld [tilespmem:s7+$0xFFFFFFE0];
	v39 =	vmul.f32 v30, v14;
	[tilespmem:s7+$0xB0] =	vst v43  }
0x147: {  	v52 =	vbroadcast v2, $0x1;
	v55 =	vld [tilespmem:s7+$0xF0];
	v19 =	vmul.f32 v31, v37;
	[tilespmem:s7+$0x60] =	vst v11  }
0x148: {  	v49 =	vld [tilespmem:s7+$0xFFFFFF70];
	v56 =	vbroadcast v2, $0xA;
	v53 =	vmul.f32 v33, v45;
	[tilespmem:s7+$0xA0] =	vst v39  }
0x149: {  	v46 =	vld [tilespmem:s7+$0x30];
	v13 =	vmul.f32 v36, v52;
	[tilespmem:s7+$0x70] =	vst v19  }
0x14a: {  	v50 =	vld [tilespmem:s7+$0xFFFFFF80];
	v58 =	vmul.f32 v40, v56;
	[tilespmem:s7+$0xFFFFFFB0] =	vst v53  }
0x14b: {  	v44 =	vld [tilespmem:s7+$0x20];
	v5 =	vmul.f32 v38, v47;
	[tilespmem:s7+$0xFFFFFF20] =	vst v13  }
0x14c: {  	v57 =	vld [tilespmem:s7+$0xFFFFFF30];
	v60 =	vbroadcast v2, $0x9;
	v1 =	vmul.f32 v55, v6;
	[tilespmem:s7+$0x40] =	vst v58  }
0x14d: {  	v42 =	vld [tilespmem:s7+$0x50];
	v61 =	vmul.f32 v49, v54;
	[tilespmem:s7+$0xFFFFFFE0] =	vst v5  }
0x14e: {  	v48 =	vld [tilespmem:s7+$0x0];
	v3 =	vmul.f32 v46, v60;
	[tilespmem:s7+$0xF0] =	vst v1  }
0x14f: {  	v51 =	vld [tilespmem:s7+$0x10];
	v62 =	vmul.f32 v50, v59;
	[tilespmem:s7+$0xFFFFFF70] =	vst v61  }
0x150: {  	v1 =	vmul.f32 v44, v60;
	[tilespmem:s7+$0x30] =	vst v3  }
0x151: {  	v2 =	vbroadcast v2, $0x8;
	s20 =	sadd.s32 $0x1, s20;
	v63 =	vmul.f32 v57, v52;
	[tilespmem:s7+$0xFFFFFF80] =	vst v62  }
0x152: {  	p2 =	sne.s32 s20, $0xE;
	[tilespmem:s7+$0x20] =	vst v1;
	v1 =	vmul.f32 v42, v56  }
.Ltmp2:
0x153: {  	v3 =	vmul.f32 v48, v2;
	[tilespmem:s7+$0xFFFFFF30] =	vst v63;
	(pc) =	sbr.rel @p2 .LBB2_5-.Ltmp2, $4  }
0x154: {  	[tilespmem:s7+$0x50] =	vst v1;
	v1 =	vmul.f32 v51, v2  }
0x155: {  	[tilespmem:s7+$0x0] =	vst v3  }
0x156: {  	s19 =	sadd.s32 $0x80, s8;
	s29 =	sadd.s32 $0x180, s29;
	s1 =	sadd.s32 $0x1, s1;
	[tilespmem:s7+$0x10] =	vst v1  }
0x157: {  	[spmem:s2] =	stream.indirect.scatter.add.f32 [tilespmem:s30], [sflag:$0x2], $0x20, s19, s21, $0xb8;
	[tilespmem:$0x1FD00] =	vst v63  }
0x158: {  	p2 =	sne.s32 s26, $0x1C  }
.Ltmp3:
0x159: {  	_ = 	snop;
	(pc) =	sbr.rel @p2 .LBB2_4-.Ltmp3, $4  }
0x15a: {  	_ = 	snop  }
0x15b: {  	_ =	swait.ge [sflag:s22], $0x1500  }
0x15c: {  	[sflag:s22] =	ssyncset.done $0x0  }
0x15d: {  	p1 =	por !p1, !p1;
	s25 =	sadd.s32 $0x2, s25;
	[sflag:s22] =	ssyncadd.s32 $0xFFFFEB00  }
0x15e: {  	_ =	swait.ge [sflag:s23], $0x1000  }
0x15f: {  	[sflag:s23] =	ssyncset.done $0x0  }
0x160: {  	[sflag:s23] =	ssyncadd.s32 $0xFFFFF000  }
0x161: {  	_ =	swait.ge [sflag:s23], $0x1000  }
0x162: {  	[sflag:s23] =	ssyncset.done $0x0  }
0x163: {  	[sflag:s23] =	ssyncadd.s32 $0xFFFFF000  }
0x164: {  	[bflag:$0x0] =	sbarrier.arrive $0xFFFF  }
0x165: {  	s1 =	sld [smem:$0x7F8];
	_ =	sdelay $0x1  }
0x166: {  	s24 =	sshrl.u32 @p0 s6, $0x3;
	s0 =	simm.s32 @p0 $0x1FC4  }
0x167: {  	[hbm:s1], [sflag:s0] =	dma.local @p0 [spmem:s24], $0x3020  }
0x168: {  	s0 =	simm.s32 @p0 $0x4  }
0x169: {  	s1 =	stileid.u32;
	_ =	swait.ge @p0 [sflag:s0], $0x3020  }
0x16a: {  	s26 =	sshrl.u32 @!p0 s6, $0x3;
	s1 =	sshll.u32 @!p0 s1, $0x6;
	[sflag:s0] =	ssyncset.done @p0 $0x0  }
0x16b: {  	s25 =	sor.u32 @!p0 $0x1C04, s1;
	[sflag:s0] =	ssyncadd.s32 @p0 $0xFFFFCFE0;
	s0 =	rddreg [dreg:$0xf]  }
0x16c: {  	[hbm:s0], [sflag:s25] =	dma.local @!p0 [spmem:s26], $0x30E0  }
0x16d: {  	s0 =	simm.s32 @!p0 $0x4  }
0x16e: {  	_ =	swait.ge @!p0 [sflag:s0], $0x30E0  }
0x16f: {  	[sflag:s0] =	ssyncset.done @!p0 $0x0  }
0x170: {  	[sflag:s0] =	ssyncadd.s32 @!p0 $0xFFFFCF20  }
0x171: {  	[bflag:$0x0] =	sbarrier.arrive $0xFFFF  }
0x172: {  	[spmem:s6] =	stream.linear.scatter [tilespmem:s16], [sflag:$0x1], $0xC00, $0x38;
	[tilespmem:$0x1FD00] =	vst v63  }
0x173: {  	_ = 	snop  }
0x174: {  	[spmem:s12] =	stream.linear.scatter [tilespmem:s16], [sflag:$0x1], $0xC00, $0x38;
	[tilespmem:$0x1FD00] =	vst v63  }
0x175: {  	_ = 	snop  }
0x176: {  	[spmem:s13] =	stream.linear.scatter [tilespmem:s16], [sflag:$0x1], $0xC00, $0x38;
	[tilespmem:$0x1FD00] =	vst v63  }
0x177: {  	s7 =	rddreg [dreg:$0x6]  }
0x178: {  	[spmem:s31] =	stream.linear.scatter [tilespmem:s16], [sflag:$0x1], $0xC00, $0x38;
	[tilespmem:$0x1FD00] =	vst v63  }
0x179: {  	s8 =	rddreg [dreg:$0x7]  }
0x17a: {  	[spmem:s7] =	stream.linear.scatter [tilespmem:s16], [sflag:$0x1], $0xC00, $0x38;
	[tilespmem:$0x1FD00] =	vst v63  }
0x17b: {  	s9 =	rddreg [dreg:$0x8]  }
0x17c: {  	[spmem:s8] =	stream.linear.scatter [tilespmem:s16], [sflag:$0x1], $0xC00, $0x38;
	[tilespmem:$0x1FD00] =	vst v63  }
0x17d: {  	s10 =	rddreg [dreg:$0x9]  }
0x17e: {  	[spmem:s9] =	stream.linear.scatter [tilespmem:s16], [sflag:$0x1], $0xC00, $0x38;
	[tilespmem:$0x1FD00] =	vst v63  }
0x17f: {  	s11 =	rddreg [dreg:$0xa]  }
0x180: {  	[spmem:s10] =	stream.linear.scatter [tilespmem:s16], [sflag:$0x1], $0xC00, $0x38;
	[tilespmem:$0x1FD00] =	vst v63  }
0x181: {  	s20 =	rddreg [dreg:$0xd]  }
0x182: {  	[spmem:s11] =	stream.linear.scatter [tilespmem:s16], [sflag:$0x1], $0xC00, $0x38;
	[tilespmem:$0x1FD00] =	vst v63  }
0x183: {  	s12 =	rddreg [dreg:$0xb]  }
0x184: {  	[spmem:s12] =	stream.linear.scatter [tilespmem:s16], [sflag:$0x1], $0xC00, $0x38;
	[tilespmem:$0x1FD00] =	vst v63  }
0x185: {  	s6 =	smov.u32 s13;
	s13 =	rddreg [dreg:$0xc]  }
0x186: {  	[spmem:s13] =	stream.linear.scatter [tilespmem:s16], [sflag:$0x1], $0xC00, $0x38;
	[tilespmem:$0x1FD00] =	vst v63  }
0x187: {  	s29 =	rddreg [dreg:$0xe]  }
0x188: {  	[spmem:s20] =	stream.linear.scatter [tilespmem:s16], [sflag:$0x1], $0xC00, $0x38;
	[tilespmem:$0x1FD00] =	vst v63  }
0x189: {  	s1 =	rddreg [dreg:$0x11]  }
0x18a: {  	[spmem:s29] =	stream.linear.scatter [tilespmem:s16], [sflag:$0x1], $0xC00, $0x38;
	[tilespmem:$0x1FD00] =	vst v63  }
0x18b: {  	s19 =	smov.u32 s31;
	s31 =	rddreg [dreg:$0x10]  }
0x18c: {  	[spmem:s31] =	stream.linear.scatter [tilespmem:s16], [sflag:$0x1], $0xC00, $0x38;
	[tilespmem:$0x1FD00] =	vst v63  }
0x18d: {  	s7 =	rddreg [dreg:$0x12]  }
0x18e: {  	[spmem:s1] =	stream.linear.scatter [tilespmem:s16], [sflag:$0x1], $0xC00, $0x38;
	[tilespmem:$0x1FD00] =	vst v63  }
0x18f: {  	s8 =	rddreg [dreg:$0x13]  }
0x190: {  	[spmem:s7] =	stream.linear.scatter [tilespmem:s16], [sflag:$0x1], $0xC00, $0x38;
	[tilespmem:$0x1FD00] =	vst v63  }
0x191: {  	s9 =	rddreg [dreg:$0x14]  }
0x192: {  	[spmem:s8] =	stream.linear.scatter [tilespmem:s16], [sflag:$0x1], $0xC00, $0x38;
	[tilespmem:$0x1FD00] =	vst v63  }
0x193: {  	s10 =	rddreg [dreg:$0x15]  }
0x194: {  	[spmem:s9] =	stream.linear.scatter [tilespmem:s16], [sflag:$0x1], $0xC00, $0x38;
	[tilespmem:$0x1FD00] =	vst v63  }
0x195: {  	s11 =	rddreg [dreg:$0x16]  }
0x196: {  	[spmem:s10] =	stream.linear.scatter [tilespmem:s16], [sflag:$0x1], $0xC00, $0x38;
	[tilespmem:$0x1FD00] =	vst v63  }
0x197: {  	s12 =	rddreg [dreg:$0x17]  }
0x198: {  	[spmem:s11] =	stream.linear.scatter [tilespmem:s16], [sflag:$0x1], $0xC00, $0x38;
	[tilespmem:$0x1FD00] =	vst v63  }
0x199: {  	s13 =	rddreg [dreg:$0x18]  }
0x19a: {  	[spmem:s12] =	stream.linear.scatter [tilespmem:s16], [sflag:$0x1], $0xC00, $0x38;
	[tilespmem:$0x1FD00] =	vst v63  }
0x19b: {  	s20 =	rddreg [dreg:$0x19]  }
0x19c: {  	[spmem:s13] =	stream.linear.scatter [tilespmem:s16], [sflag:$0x1], $0xC00, $0x38;
	[tilespmem:$0x1FD00] =	vst v63  }
0x19d: {  	s29 =	rddreg [dreg:$0x1a]  }
0x19e: {  	[spmem:s20] =	stream.linear.scatter [tilespmem:s16], [sflag:$0x1], $0xC00, $0x38;
	[tilespmem:$0x1FD00] =	vst v63  }
0x19f: {  	s31 =	rddreg [dreg:$0x1b]  }
0x1a0: {  	[spmem:s29] =	stream.linear.scatter [tilespmem:s16], [sflag:$0x1], $0xC00, $0x38;
	[tilespmem:$0x1FD00] =	vst v63  }
0x1a1: {  	s1 =	rddreg [dreg:$0x1c]  }
0x1a2: {  	[spmem:s31] =	stream.linear.scatter [tilespmem:s16], [sflag:$0x1], $0xC00, $0x38;
	[tilespmem:$0x1FD00] =	vst v63  }
0x1a3: {  	s7 =	rddreg [dreg:$0x1d]  }
0x1a4: {  	[spmem:s1] =	stream.linear.scatter [tilespmem:s16], [sflag:$0x1], $0xC00, $0x38;
	[tilespmem:$0x1FD00] =	vst v63  }
0x1a5: {  	s8 =	rddreg [dreg:$0x1e]  }
0x1a6: {  	[spmem:s7] =	stream.linear.scatter [tilespmem:s16], [sflag:$0x1], $0xC00, $0x38;
	[tilespmem:$0x1FD00] =	vst v63  }
0x1a7: {  	s9 =	rddreg [dreg:$0x1f]  }
0x1a8: {  	[spmem:s8] =	stream.linear.scatter [tilespmem:s16], [sflag:$0x1], $0xC00, $0x38;
	[tilespmem:$0x1FD00] =	vst v63  }
0x1a9: {  	s10 =	sld [smem:$0x7F4]  }
0x1aa: {  	[spmem:s9] =	stream.linear.scatter [tilespmem:s16], [sflag:$0x1], $0xC00, $0x38;
	[tilespmem:$0x1FD00] =	vst v63  }
0x1ab: {  	s11 =	sld [smem:$0x7F5]  }
0x1ac: {  	[spmem:s10] =	stream.linear.scatter [tilespmem:s16], [sflag:$0x1], $0xC00, $0x38;
	[tilespmem:$0x1FD00] =	vst v63  }
0x1ad: {  	s12 =	sld [smem:$0x7F6]  }
0x1ae: {  	[spmem:s11] =	stream.linear.scatter [tilespmem:s16], [sflag:$0x1], $0xC00, $0x38;
	[tilespmem:$0x1FD00] =	vst v63  }
0x1af: {  	s13 =	sld [smem:$0x7F7]  }
0x1b0: {  	[spmem:s12] =	stream.linear.scatter [tilespmem:s16], [sflag:$0x1], $0xC00, $0x38;
	[tilespmem:$0x1FD00] =	vst v63  }
0x1b1: {  	_ = 	snop  }
0x1b2: {  	[spmem:s13] =	stream.linear.scatter [tilespmem:s16], [sflag:$0x1], $0x700, $0x38;
	[tilespmem:$0x1FD00] =	vst v63  }
0x1b3: {  	_ =	swait.ge [sflag:s18], $0xC00  }
0x1b4: {  	[sflag:s18] =	ssyncset.done $0x0  }
0x1b5: {  	[sflag:s18] =	ssyncadd.s32 $0xFFFFF400  }
0x1b6: {  	_ =	swait.ge [sflag:s18], $0xC00  }
0x1b7: {  	[sflag:s18] =	ssyncset.done $0x0  }
0x1b8: {  	[sflag:s18] =	ssyncadd.s32 $0xFFFFF400  }
0x1b9: {  	_ =	swait.ge [sflag:s18], $0xC00  }
0x1ba: {  	[sflag:s18] =	ssyncset.done $0x0  }
0x1bb: {  	[sflag:s18] =	ssyncadd.s32 $0xFFFFF400  }
0x1bc: {  	_ =	swait.ge [sflag:s18], $0xC00  }
0x1bd: {  	[sflag:s18] =	ssyncset.done $0x0  }
0x1be: {  	[sflag:s18] =	ssyncadd.s32 $0xFFFFF400  }
0x1bf: {  	_ =	swait.ge [sflag:s18], $0xC00  }
0x1c0: {  	[sflag:s18] =	ssyncset.done $0x0  }
0x1c1: {  	[sflag:s18] =	ssyncadd.s32 $0xFFFFF400  }
0x1c2: {  	_ =	swait.ge [sflag:s18], $0xC00  }
0x1c3: {  	[sflag:s18] =	ssyncset.done $0x0  }
0x1c4: {  	[sflag:s18] =	ssyncadd.s32 $0xFFFFF400  }
0x1c5: {  	_ =	swait.ge [sflag:s18], $0xC00  }
0x1c6: {  	[sflag:s18] =	ssyncset.done $0x0  }
0x1c7: {  	[sflag:s18] =	ssyncadd.s32 $0xFFFFF400  }
0x1c8: {  	_ =	swait.ge [sflag:s18], $0xC00  }
0x1c9: {  	[sflag:s18] =	ssyncset.done $0x0  }
0x1ca: {  	[sflag:s18] =	ssyncadd.s32 $0xFFFFF400  }
0x1cb: {  	_ =	swait.ge [sflag:s18], $0xC00  }
0x1cc: {  	[sflag:s18] =	ssyncset.done $0x0  }
0x1cd: {  	[sflag:s18] =	ssyncadd.s32 $0xFFFFF400  }
0x1ce: {  	_ =	swait.ge [sflag:s18], $0xC00  }
0x1cf: {  	[sflag:s18] =	ssyncset.done $0x0  }
0x1d0: {  	[sflag:s18] =	ssyncadd.s32 $0xFFFFF400  }
0x1d1: {  	_ =	swait.ge [sflag:s18], $0xC00  }
0x1d2: {  	[sflag:s18] =	ssyncset.done $0x0  }
0x1d3: {  	[sflag:s18] =	ssyncadd.s32 $0xFFFFF400  }
0x1d4: {  	_ =	swait.ge [sflag:s18], $0xC00  }
0x1d5: {  	[sflag:s18] =	ssyncset.done $0x0  }
0x1d6: {  	[sflag:s18] =	ssyncadd.s32 $0xFFFFF400  }
0x1d7: {  	_ =	swait.ge [sflag:s18], $0xC00  }
0x1d8: {  	[sflag:s18] =	ssyncset.done $0x0  }
0x1d9: {  	[sflag:s18] =	ssyncadd.s32 $0xFFFFF400  }
0x1da: {  	_ =	swait.ge [sflag:s18], $0xC00  }
0x1db: {  	[sflag:s18] =	ssyncset.done $0x0  }
0x1dc: {  	[sflag:s18] =	ssyncadd.s32 $0xFFFFF400  }
0x1dd: {  	_ =	swait.ge [sflag:s18], $0xC00  }
0x1de: {  	[sflag:s18] =	ssyncset.done $0x0  }
0x1df: {  	[sflag:s18] =	ssyncadd.s32 $0xFFFFF400  }
0x1e0: {  	_ =	swait.ge [sflag:s18], $0xC00  }
0x1e1: {  	[sflag:s18] =	ssyncset.done $0x0  }
0x1e2: {  	[sflag:s18] =	ssyncadd.s32 $0xFFFFF400  }
0x1e3: {  	_ =	swait.ge [sflag:s18], $0xC00  }
0x1e4: {  	[sflag:s18] =	ssyncset.done $0x0  }
0x1e5: {  	[sflag:s18] =	ssyncadd.s32 $0xFFFFF400  }
0x1e6: {  	_ =	swait.ge [sflag:s18], $0xC00  }
0x1e7: {  	[sflag:s18] =	ssyncset.done $0x0  }
0x1e8: {  	[sflag:s18] =	ssyncadd.s32 $0xFFFFF400  }
0x1e9: {  	_ =	swait.ge [sflag:s18], $0xC00  }
0x1ea: {  	[sflag:s18] =	ssyncset.done $0x0  }
0x1eb: {  	[sflag:s18] =	ssyncadd.s32 $0xFFFFF400  }
0x1ec: {  	_ =	swait.ge [sflag:s18], $0xC00  }
0x1ed: {  	[sflag:s18] =	ssyncset.done $0x0  }
0x1ee: {  	[sflag:s18] =	ssyncadd.s32 $0xFFFFF400  }
0x1ef: {  	_ =	swait.ge [sflag:s18], $0xC00  }
0x1f0: {  	[sflag:s18] =	ssyncset.done $0x0  }
0x1f1: {  	[sflag:s18] =	ssyncadd.s32 $0xFFFFF400  }
0x1f2: {  	_ =	swait.ge [sflag:s18], $0xC00  }
0x1f3: {  	[sflag:s18] =	ssyncset.done $0x0  }
0x1f4: {  	[sflag:s18] =	ssyncadd.s32 $0xFFFFF400  }
0x1f5: {  	_ =	swait.ge [sflag:s18], $0xC00  }
0x1f6: {  	[sflag:s18] =	ssyncset.done $0x0  }
0x1f7: {  	[sflag:s18] =	ssyncadd.s32 $0xFFFFF400  }
0x1f8: {  	_ =	swait.ge [sflag:s18], $0xC00  }
0x1f9: {  	[sflag:s18] =	ssyncset.done $0x0  }
0x1fa: {  	[sflag:s18] =	ssyncadd.s32 $0xFFFFF400  }
0x1fb: {  	_ =	swait.ge [sflag:s18], $0xC00  }
0x1fc: {  	[sflag:s18] =	ssyncset.done $0x0  }
0x1fd: {  	[sflag:s18] =	ssyncadd.s32 $0xFFFFF400  }
0x1fe: {  	_ =	swait.ge [sflag:s18], $0xC00  }
0x1ff: {  	[sflag:s18] =	ssyncset.done $0x0  }
0x200: {  	[sflag:s18] =	ssyncadd.s32 $0xFFFFF400  }
0x201: {  	_ =	swait.ge [sflag:s18], $0xC00  }
0x202: {  	[sflag:s18] =	ssyncset.done $0x0  }
0x203: {  	[sflag:s18] =	ssyncadd.s32 $0xFFFFF400  }
0x204: {  	_ =	swait.ge [sflag:s18], $0xC00  }
0x205: {  	[sflag:s18] =	ssyncset.done $0x0  }
0x206: {  	[sflag:s18] =	ssyncadd.s32 $0xFFFFF400  }
0x207: {  	_ =	swait.ge [sflag:s18], $0xC00  }
0x208: {  	[sflag:s18] =	ssyncset.done $0x0  }
0x209: {  	[sflag:s18] =	ssyncadd.s32 $0xFFFFF400  }
0x20a: {  	_ =	swait.ge [sflag:s18], $0xC00  }
0x20b: {  	[sflag:s18] =	ssyncset.done $0x0  }
0x20c: {  	[sflag:s18] =	ssyncadd.s32 $0xFFFFF400  }
0x20d: {  	_ =	swait.ge [sflag:s18], $0xC00  }
0x20e: {  	[sflag:s18] =	ssyncset.done $0x0  }
0x20f: {  	[sflag:s18] =	ssyncadd.s32 $0xFFFFF400  }
0x210: {  	_ =	swait.ge [sflag:s18], $0xC00  }
0x211: {  	[sflag:s18] =	ssyncset.done $0x0  }
0x212: {  	[sflag:s18] =	ssyncadd.s32 $0xFFFFF400  }
0x213: {  	_ =	swait.ge [sflag:s18], $0x700  }
0x214: {  	[sflag:s18] =	ssyncset.done $0x0  }
0x215: {  	[sflag:s18] =	ssyncadd.s32 $0xFFFFF900  }
0x216: {  	[bflag:$0x0] =	sbarrier.arrive $0xFFFF  }
0x217: {  	s20 =	sld [smem:$0x7FC];
	_ =	sdelay $0x1  }
0x218: {  	s28 =	simm.s32 $0x0;
	s29 =	simm.s32 $0x18700;
	s31 =	simm.s32 $0x4  }
0x219: {  	[tilespmem:s29], [sflag:$0x4] =	stream.linear.gather [hbm4b:s20+s28], $0x1500, $0x38;
	[tilespmem:$0x1FD00] =	vst v63  }
0x21a: {  	_ =	swait.ge [sflag:s31], $0x1500  }
0x21b: {  	p1 =	por $0x0, $0x0;
	[sflag:s31] =	ssyncset.done $0x0  }
0x21c: {  	s30 =	simm.s32 $0x0;
	s20 =	simm.s32 $0x0;
	[sflag:s31] =	ssyncadd.s32 $0xFFFFEB00  }
.LBB2_10:
0x21d: {  	s1 =	smov.u32 s30;
	s30 =	sadd.s32 $0x1, s30  }
0x21e: {  	s0 =	smin.u32 s30, $0x1B  }
0x21f: {  	s0 =	smul.u32 $0xE, s0;
	_ =	sdelay $0x1  }
0x220: {  	s7 =	sand.u32 $0x1, s1;
	s0 =	sadd.s32 s14, s0  }
0x221: {  	s8 =	sxor.u32 $0x1, s7;
	s0 =	smul.u32 $0x180, s0  }
0x222: {  	s8 =	smul.u32 $0x5400, s8  }
0x223: {  	s0 =	sadd.s32 s0, s15  }
0x224: {  	s12 =	sshll.u32 s1, $0xD;
	s8 =	sshrl.u32 s8, $0x2;
	s0 =	sshrl.u32 s0, $0x3  }
0x225: {  	s11 =	smul.u32 $0x5400, s7;
	s8 =	sadd.s32 $0x18700, s8;
	s0 =	sadd.s32 s5, s0  }
0x226: {  	[tilespmem:s8], [sflag:$0x3] =	stream.linear.gather [hbm4b:s0+s28], $0x1500, $0x38;
	[tilespmem:$0x1FD00] =	vst v63  }
0x227: {  	s7 =	sand.u32 $0x2000, s12;
	s8 =	simm.s32 $0x1;
	s0 =	sshrl.u32 s11, $0x2  }
0x228: {  	s9 =	sadd.s32 $0x1B100, s7;
	s8 =	simm.s32 @!p1 $0x0;
	s31 =	sadd.s32 $0x18700, s0  }
0x229: {  	[tilespmem:s9], [sflag:$0x1] =	stream.indirect.gather [hbm4b:s4+s21], $0x20, s31, s21, $0xb8;
	[tilespmem:$0x1FD00] =	vst v63  }
0x22a: {  	s7 =	sor.u32 $0x1C100, s7;
	s0 =	sadd.s32 $0x18880, s0;
	s8 =	smul.u32 $0x5400, s8  }
0x22b: {  	[tilespmem:s7], [sflag:$0x1] =	stream.indirect.gather [hbm4b:s4+s21], $0x20, s0, s21, $0xb8;
	[tilespmem:$0x1FD00] =	vst v63  }
0x22c: {  	s29 =	smov.u32 s20;
	s13 =	sshrl.u32 s8, $0x2  }
0x22d: {  	s1 =	smul.u32 $0xE, s1;
	s7 =	simm.s32 $0x0;
	s0 =	sadd.s32 $0x18800, s13  }
.LBB2_11:
0x22e: {  	_ = 	snop  }
0x22f: {  	s9 =	sadd.s32 s1, s7  }
0x230: {  	p2 =	slt.u32 s7, $0xC;
	p3 =	slt.u32 s9, $0x2  }
0x231: {  	s10 =	smul.u32 @p2 $0x600, s7;
	s8 =	simm.s32 @!p3 $0x2  }
0x232: {  	s11 =	sshll.u32 @p2 s9, $0xC;
	_ =	swait.ge @!p3 [sflag:s8], $0x1000  }
0x233: {  	s11 =	sand.u32 @p2 $0x3000, s11;
	s12 =	sshra.s32 @p2 s10, $0x2;
	[sflag:s8] =	ssyncset.done @!p3 $0x0  }
0x234: {  	[sflag:s8] =	ssyncadd.s32 @!p3 $0xFFFFF000;
	s8 =	sxor.u32 @p2 $0x2000, s11;
	s11 =	sadd.s32 @p2 s12, s31  }
0x235: {  	s12 =	simm.s32 @p2 $0x80;
	s8 =	sadd.s32 @p2 $0x1B100, s8;
	s11 =	sadd.s32 @p2 $0x300, s11  }
0x236: {  	[tilespmem:s8], [sflag:$0x1] =	stream.indirect.gather @p2 [hbm4b:s4+s12], $0x20, s11, s12, $0xb8;
	[tilespmem:$0x1FD00] =	vst v63  }
0x237: {  	s11 =	sand.u32 $0x3, s29;
	_ =	swait.ge [sflag:s18], $0x1000  }
0x238: {  	s8 =	sshll.u32 s11, $0xC;
	[sflag:s18] =	ssyncset.done $0x0  }
0x239: {  	s8 =	sadd.s32 $0x1B200, s8;
	[sflag:s18] =	ssyncadd.s32 $0xFFFFF000  }
0x23a: {  	v7 =	vld [tilespmem:s8+$0xFFFFFFA0]  }
0x23b: {  	v4 =	vld [tilespmem:s8+$0xFFFFFFF0]  }
0x23c: {  	v1 =	vld [tilespmem:s8+$0xFFFFFF60]  }
0x23d: {  	v5 =	vmov s0;
	v8 =	vld [tilespmem:s8+$0xFFFFFFD0]  }
0x23e: {  	v9 =	vld [tilespmem:s8+$0x80]  }
0x23f: {  	v12 =	vld [tilespmem:s8+$0xFFFFFF10]  }
0x240: {  	v16 =	vld [tilespmem:s8+$0xE0]  }
0x241: {  	s12 =	simm.s32 $0x0;
	v11 =	vld [tilespmem:s8+$0xFFFFFF40]  }
0x242: {  	v2 =	vld.idx.msk [tilespmem:v5+s12+$0x0 ss:$0x1], $0xffff  }
0x243: {  	v3 =	vld [tilespmem:s8+$0xFFFFFF90]  }
0x244: {  	v10 =	vld [tilespmem:s8+$0xFFFFFFC0]  }
0x245: {  	v14 =	vld [tilespmem:s8+$0xFFFFFF00]  }
0x246: {  	v13 =	vld [tilespmem:s8+$0xD0]  }
0x247: {  	s11 =	smul.u32 @!p2 $0x600, s7;
	v23 =	vld [tilespmem:s8+$0xC0]  }
0x248: {  	v20 =	vld [tilespmem:s8+$0x90];
	v19 =	vbroadcast v2, $0x0;
	v6 =	vbroadcast v2, $0xF  }
0x249: {  	s9 =	sshll.u32 s9, $0xC;
	s11 =	smov.u32 @p2 s10;
	v22 =	vld [tilespmem:s8+$0xFFFFFF50];
	v21 =	vbroadcast v2, $0x2;
	v17 =	vbroadcast v2, $0xE  }
0x24a: {  	s13 =	sand.u32 $0x3000, s9;
	s10 =	sshra.s32 s11, $0x2;
	v18 =	vld [tilespmem:s8+$0xB0];
	s11 =	simm.s32 $0x40;
	v15 =	vbroadcast v2, $0xC;
	v25 =	vmul.f32 v19, v14  }
0x24b: {  	s12 =	smov.u32 s8;
	s9 =	sadd.s32 s10, s31;
	s10 =	sadd.s32 $0x1B100, s13;
	v14 =	vbroadcast v2, $0xD;
	v24 =	vmul.f32 v11, v21;
	v11 =	vld [tilespmem:s8+$0x60]  }
.LBB2_12:
0x24c: {  	p2 =	sne.s32 s11, $0x1C0  }
0x24d: {  	[tilespmem:s8+$0xFFFFFF00] =	vst v25;
	v25 =	vld [tilespmem:s8+$0xFFFFFFB0];
	v23 =	vmul.f32 v23, v17;
	v16 =	vmul.f32 v16, v6;
	s12 =	sadd.s32 $0x200, s12;
	s13 =	smov.u32 s11;
	s11 =	sadd.s32 $0x40, s11  }
0x24e: {  	[tilespmem:s8+$0xFFFFFF40] =	vst v24;
	v24 =	vbroadcast v2, $0xA;
	v20 =	vmul.f32 v20, v15;
	v26 =	vld [tilespmem:s8+$0xA0]  }
0x24f: {  	v12 =	vmul.f32 v12, v19;
	v19 =	vmul.f32 v22, v21;
	v21 =	vld [tilespmem:s8+$0x70];
	[tilespmem:s8+$0xE0] =	vst v16  }
0x250: {  	v16 =	vbroadcast v2, $0x5;
	v22 =	vld [tilespmem:s8+$0xFFFFFFE0];
	v18 =	vmul.f32 v18, v14;
	[tilespmem:s8+$0xC0] =	vst v23  }
0x251: {  	v13 =	vmul.f32 v13, v17;
	[tilespmem:s8+$0xFFFFFF10] =	vst v12;
	v12 =	vbroadcast v2, $0x6;
	v23 =	vld [tilespmem:s8+$0x40]  }
0x252: {  	v27 =	vbroadcast v2, $0xB;
	v7 =	vmul.f32 v7, v16;
	v17 =	vld [tilespmem:s8+$0xFFFFFF20];
	[tilespmem:s8+$0x90] =	vst v20  }
0x253: {  	[tilespmem:s8+$0xFFFFFF50] =	vst v19;
	v19 =	vbroadcast v2, $0x9;
	v20 =	vld [tilespmem:s8+$0x20];
	v14 =	vmul.f32 v26, v14  }
0x254: {  	v16 =	vmul.f32 v25, v16;
	v25 =	vld [tilespmem:s8+$0x50];
	v21 =	vmul.f32 v21, v27;
	[tilespmem:s8+$0xD0] =	vst v13  }
0x255: {  	v9 =	vmul.f32 v9, v15;
	v13 =	vbroadcast v2, $0x7;
	v26 =	vld [tilespmem:s8+$0x30];
	[tilespmem:s8+$0xA0] =	vst v14  }
0x256: {  	v10 =	vmul.f32 v10, v12;
	v14 =	vbroadcast v2, $0x3;
	v15 =	vld [tilespmem:s8+$0x0];
	[tilespmem:s8+$0x70] =	vst v21  }
0x257: {  	v11 =	vmul.f32 v11, v27;
	v8 =	vmul.f32 v8, v12;
	v12 =	vld [tilespmem:s8+$0x10];
	[tilespmem:s8+$0x80] =	vst v9  }
0x258: {  	v21 =	vbroadcast v2, $0x8;
	v23 =	vmul.f32 v23, v24;
	v9 =	vld [tilespmem:s8+$0xFFFFFF30];
	[tilespmem:s8+$0xB0] =	vst v18  }
0x259: {  	v18 =	vbroadcast v2, $0x1;
	v27 =	vld [tilespmem:s8+$0xFFFFFF70];
	[tilespmem:s8+$0xFFFFFFD0] =	vst v8;
	v24 =	vmul.f32 v25, v24  }
0x25a: {  	v4 =	vmul.f32 v4, v13;
	v8 =	vmul.f32 v22, v13;
	[tilespmem:s8+$0xFFFFFFC0] =	vst v10;
	v10 =	vld [tilespmem:s8+$0xF0]  }
0x25b: {  	v22 =	vmul.f32 v26, v19;
	v13 =	vld [tilespmem:s8+$0xFFFFFF80];
	[tilespmem:s8+$0xFFFFFFA0] =	vst v7;
	v15 =	vmul.f32 v15, v21  }
0x25c: {  	v7 =	vld [tilespmem:s12+$0xFFFFFFA0];
	[tilespmem:s8+$0xFFFFFFF0] =	vst v4;
	v21 =	vmul.f32 v12, v21;
	v12 =	vmul.f32 v20, v19  }
0x25d: {  	v4 =	vmul.f32 v17, v18;
	v17 =	vmul.f32 v9, v18;
	[tilespmem:s8+$0x60] =	vst v11  }
0x25e: {  	v1 =	vmul.f32 v1, v14;
	v9 =	vmul.f32 v27, v14;
	[tilespmem:s8+$0xFFFFFFB0] =	vst v16  }
0x25f: {  	v2 =	vbroadcast v2, $0x4;
	[tilespmem:s8+$0xFFFFFF20] =	vst v4;
	v4 =	vmul.f32 v10, v6  }
0x260: {  	[tilespmem:s8+$0xFFFFFF60] =	vst v1  }
0x261: {  	v6 =	vmul.f32 v13, v2;
	v1 =	vmul.f32 v3, v2;
	[tilespmem:s8+$0x40] =	vst v23  }
0x262: {  	[tilespmem:s8+$0xFFFFFFE0] =	vst v8  }
0x263: {  	[tilespmem:s8+$0xF0] =	vst v4  }
0x264: {  	[tilespmem:s8+$0xFFFFFF90] =	vst v1  }
0x265: {  	[tilespmem:s8+$0xFFFFFF70] =	vst v9  }
0x266: {  	v4 =	vld [tilespmem:s12+$0xFFFFFFF0];
	[tilespmem:s8+$0x20] =	vst v12  }
0x267: {  	v1 =	vld [tilespmem:s12+$0xFFFFFF60];
	[tilespmem:s8+$0x30] =	vst v22  }
0x268: {  	v8 =	vld [tilespmem:s12+$0xFFFFFFD0];
	[tilespmem:s8+$0xFFFFFF80] =	vst v6  }
0x269: {  	v9 =	vld [tilespmem:s12+$0x80];
	[tilespmem:s8+$0x50] =	vst v24  }
0x26a: {  	v12 =	vld [tilespmem:s12+$0xFFFFFF10];
	[tilespmem:s8+$0x0] =	vst v15  }
0x26b: {  	v16 =	vld [tilespmem:s12+$0xE0];
	[tilespmem:s8+$0xFFFFFF30] =	vst v17  }
0x26c: {  	s13 =	sshra.s32 s13, $0x2;
	v11 =	vld [tilespmem:s12+$0xFFFFFF40];
	[tilespmem:s8+$0x10] =	vst v21;
	s8 =	smov.u32 s12  }
0x26d: {  	v2 =	vld.idx.msk [tilespmem:v5+s13+$0x0 ss:$0x1], $0xffff  }
0x26e: {  	v3 =	vld [tilespmem:s12+$0xFFFFFF90]  }
0x26f: {  	v10 =	vld [tilespmem:s12+$0xFFFFFFC0]  }
0x270: {  	v14 =	vld [tilespmem:s12+$0xFFFFFF00]  }
0x271: {  	v13 =	vld [tilespmem:s12+$0xD0]  }
.Ltmp4:
0x272: {  	v23 =	vld [tilespmem:s12+$0xC0];
	(pc) =	sbr.rel @p2 .LBB2_12-.Ltmp4, $4  }
0x273: {  	v19 =	vbroadcast v2, $0x0;
	v6 =	vbroadcast v2, $0xF;
	v20 =	vld [tilespmem:s12+$0x90]  }
0x274: {  	v21 =	vbroadcast v2, $0x2;
	v17 =	vbroadcast v2, $0xE;
	v22 =	vld [tilespmem:s12+$0xFFFFFF50]  }
0x275: {  	v25 =	vmul.f32 v19, v14;
	v14 =	vbroadcast v2, $0xD;
	v18 =	vld [tilespmem:s12+$0xB0]  }
0x276: {  	v15 =	vbroadcast v2, $0xC;
	v24 =	vmul.f32 v11, v21;
	v11 =	vld [tilespmem:s12+$0x60]  }
0x277: {  	[tilespmem:s8+$0xFFFFFF00] =	vst v25;
	v5 =	vmul.f32 v16, v6  }
0x278: {  	v29 =	vmul.f32 v23, v17;
	[tilespmem:s8+$0xFFFFFF40] =	vst v24  }
0x279: {  	v12 =	vmul.f32 v12, v19;
	[tilespmem:s8+$0xE0] =	vst v5  }
0x27a: {  	v35 =	vmul.f32 v13, v17;
	[tilespmem:s8+$0xC0] =	vst v29  }
0x27b: {  	v32 =	vmul.f32 v20, v15;
	[tilespmem:s8+$0xFFFFFF10] =	vst v12  }
0x27c: {  	v41 =	vbroadcast v2, $0x6;
	v9 =	vmul.f32 v9, v15;
	[tilespmem:s8+$0xD0] =	vst v35  }
0x27d: {  	v34 =	vmul.f32 v22, v21;
	[tilespmem:s8+$0x90] =	vst v32  }
0x27e: {  	v45 =	vbroadcast v2, $0x5;
	v8 =	vmul.f32 v8, v41;
	[tilespmem:s8+$0x80] =	vst v9  }
0x27f: {  	v47 =	vbroadcast v2, $0x7;
	v10 =	vmul.f32 v10, v41;
	[tilespmem:s8+$0xFFFFFF50] =	vst v34  }
0x280: {  	v54 =	vbroadcast v2, $0x3;
	v7 =	vmul.f32 v7, v45;
	[tilespmem:s8+$0xFFFFFFD0] =	vst v8  }
0x281: {  	v30 =	vld [tilespmem:s8+$0xA0];
	v59 =	vbroadcast v2, $0x4;
	v4 =	vmul.f32 v4, v47;
	[tilespmem:s8+$0xFFFFFFC0] =	vst v10  }
0x282: {  	v31 =	vld [tilespmem:s8+$0x70];
	v1 =	vmul.f32 v1, v54;
	[tilespmem:s8+$0xFFFFFFA0] =	vst v7  }
0x283: {  	v33 =	vld [tilespmem:s8+$0xFFFFFFB0];
	v37 =	vbroadcast v2, $0xB;
	v3 =	vmul.f32 v3, v59;
	[tilespmem:s8+$0xFFFFFFF0] =	vst v4  }
0x284: {  	v36 =	vld [tilespmem:s8+$0xFFFFFF20];
	v43 =	vmul.f32 v18, v14;
	[tilespmem:s8+$0xFFFFFF60] =	vst v1  }
0x285: {  	v40 =	vld [tilespmem:s8+$0x40];
	v11 =	vmul.f32 v11, v37;
	[tilespmem:s8+$0xFFFFFF90] =	vst v3  }
0x286: {  	v38 =	vld [tilespmem:s8+$0xFFFFFFE0];
	v39 =	vmul.f32 v30, v14;
	[tilespmem:s8+$0xB0] =	vst v43  }
0x287: {  	v52 =	vbroadcast v2, $0x1;
	v55 =	vld [tilespmem:s8+$0xF0];
	v19 =	vmul.f32 v31, v37;
	[tilespmem:s8+$0x60] =	vst v11  }
0x288: {  	v49 =	vld [tilespmem:s8+$0xFFFFFF70];
	v56 =	vbroadcast v2, $0xA;
	v53 =	vmul.f32 v33, v45;
	[tilespmem:s8+$0xA0] =	vst v39  }
0x289: {  	v46 =	vld [tilespmem:s8+$0x30];
	v13 =	vmul.f32 v36, v52;
	[tilespmem:s8+$0x70] =	vst v19  }
0x28a: {  	v50 =	vld [tilespmem:s8+$0xFFFFFF80];
	v58 =	vmul.f32 v40, v56;
	[tilespmem:s8+$0xFFFFFFB0] =	vst v53  }
0x28b: {  	v44 =	vld [tilespmem:s8+$0x20];
	v5 =	vmul.f32 v38, v47;
	[tilespmem:s8+$0xFFFFFF20] =	vst v13  }
0x28c: {  	v57 =	vld [tilespmem:s8+$0xFFFFFF30];
	v60 =	vbroadcast v2, $0x9;
	v1 =	vmul.f32 v55, v6;
	[tilespmem:s8+$0x40] =	vst v58  }
0x28d: {  	v42 =	vld [tilespmem:s8+$0x50];
	v61 =	vmul.f32 v49, v54;
	[tilespmem:s8+$0xFFFFFFE0] =	vst v5  }
0x28e: {  	v48 =	vld [tilespmem:s8+$0x0];
	v3 =	vmul.f32 v46, v60;
	[tilespmem:s8+$0xF0] =	vst v1  }
0x28f: {  	v51 =	vld [tilespmem:s8+$0x10];
	v62 =	vmul.f32 v50, v59;
	[tilespmem:s8+$0xFFFFFF70] =	vst v61  }
0x290: {  	v1 =	vmul.f32 v44, v60;
	[tilespmem:s8+$0x30] =	vst v3  }
0x291: {  	v2 =	vbroadcast v2, $0x8;
	s7 =	sadd.s32 $0x1, s7;
	v63 =	vmul.f32 v57, v52;
	[tilespmem:s8+$0xFFFFFF80] =	vst v62  }
0x292: {  	p2 =	sne.s32 s7, $0xE;
	[tilespmem:s8+$0x20] =	vst v1;
	v1 =	vmul.f32 v42, v56  }
.Ltmp5:
0x293: {  	v3 =	vmul.f32 v48, v2;
	[tilespmem:s8+$0xFFFFFF30] =	vst v63;
	(pc) =	sbr.rel @p2 .LBB2_11-.Ltmp5, $4  }
0x294: {  	[tilespmem:s8+$0x50] =	vst v1;
	v1 =	vmul.f32 v51, v2  }
0x295: {  	[tilespmem:s8+$0x0] =	vst v3  }
0x296: {  	s13 =	sadd.s32 $0x80, s9;
	s0 =	sadd.s32 $0x180, s0;
	s29 =	sadd.s32 $0x1, s29;
	[tilespmem:s8+$0x10] =	vst v1  }
0x297: {  	[spmem:s2] =	stream.indirect.scatter.add.f32 [tilespmem:s10], [sflag:$0x2], $0x20, s13, s21, $0xb8;
	[tilespmem:$0x1FD00] =	vst v63  }
0x298: {  	p2 =	sne.s32 s30, $0x1C  }
.Ltmp6:
0x299: {  	_ = 	snop;
	(pc) =	sbr.rel @p2 .LBB2_10-.Ltmp6, $4  }
0x29a: {  	_ = 	snop  }
0x29b: {  	_ =	swait.ge [sflag:s22], $0x1500  }
0x29c: {  	[sflag:s22] =	ssyncset.done $0x0  }
0x29d: {  	p1 =	por !p1, !p1;
	s20 =	sadd.s32 $0x2, s20;
	[sflag:s22] =	ssyncadd.s32 $0xFFFFEB00  }
0x29e: {  	_ =	swait.ge [sflag:s23], $0x1000  }
0x29f: {  	[sflag:s23] =	ssyncset.done $0x0  }
0x2a0: {  	[sflag:s23] =	ssyncadd.s32 $0xFFFFF000  }
0x2a1: {  	_ =	swait.ge [sflag:s23], $0x1000  }
0x2a2: {  	[sflag:s23] =	ssyncset.done $0x0  }
0x2a3: {  	[sflag:s23] =	ssyncadd.s32 $0xFFFFF000  }
0x2a4: {  	[bflag:$0x0] =	sbarrier.arrive $0xFFFF  }
0x2a5: {  	s1 =	sld [smem:$0x7F9];
	_ =	sdelay $0x1  }
0x2a6: {  	s0 =	simm.s32 @p0 $0x1FC4  }
0x2a7: {  	[hbm:s1], [sflag:s0] =	dma.local @p0 [spmem:s24], $0x3020  }
0x2a8: {  	s0 =	simm.s32 @p0 $0x4  }
0x2a9: {  	_ =	swait.ge @p0 [sflag:s0], $0x3020  }
0x2aa: {  	[sflag:s0] =	ssyncset.done @p0 $0x0  }
0x2ab: {  	[sflag:s0] =	ssyncadd.s32 @p0 $0xFFFFCFE0;
	s0 =	sld [smem:$0x7FD];
	_ =	sdelay $0x2  }
0x2ac: {  	[hbm:s0], [sflag:s25] =	dma.local @!p0 [spmem:s26], $0x30E0  }
0x2ad: {  	s0 =	simm.s32 @!p0 $0x4  }
0x2ae: {  	_ =	swait.ge @!p0 [sflag:s0], $0x30E0  }
0x2af: {  	s30 =	sld [smem:$0x7FA];
	_ =	sdelay $0x1  }
0x2b0: {  	s3 =	sadd.s32 $0x1, s3  }
0x2b1: {  	p1 =	sne.s32 s3, s30  }
.Ltmp7:
0x2b2: {  	[sflag:s0] =	ssyncset.done @!p0 $0x0;
	(pc) =	sbr.rel @p1 .LBB2_1-.Ltmp7, $4  }
0x2b3: {  	[sflag:s0] =	ssyncadd.s32 @!p0 $0xFFFFCF20  }
0x2b4: {  	[bflag:$0x0] =	sbarrier.arrive $0xFFFF  }
0x2b5: {  	s12 =	rddreg [dreg:$0x5]  }
0x2b6: {  	s13 =	smov.u32 s6;
	s31 =	smov.u32 s19;
	s6 =	rddreg [dreg:$0x4]  }
0x2b7: {  	_ =	sfence.sel $0x180000  }
0x2b8: {  	[bflag:$0x0] =	sbarrier.arrive $0xFFFF  }
0x2b9: {  	_ =	strace $0x90000047  }
0x2ba: {  	s0 =	stileid.u32;
	[bflag:$0x2] =	sbarrier.arrive $0xFFFF  }
0x2bb: {  	p0 =	sne.s32 s0, $0x0;
	s0 =	rddreg [dreg:$0x3]  }
0x2bc: {  	s0 =	sadd.s32 @!p0 $0x100000, s0  }
0x2bd: {  	[sflag:s0] =	ssyncadd.tile.s32 @!p0 $0x1;
	_ =	shalt  }
.Lfunc_end2:
_tile_overlayer_lowered:
.L_overlay_start_2:
0x2be: {  	(tag) =	ssettag $0x2  }
0x2bf: {  	s0 =	rddreg [dreg:$0x0];
	s2 =	stileid.u32  }
0x2c0: {  	s1 =	rddreg [dreg:$0x1];
	p0 =	sne.s32 s2, $0x0  }
0x2c1: {  	s3 =	rddreg [dreg:$0x2];
	[bflag:$0x3] =	sbarrier.arrive $0xFFFF;
	s2 =	simm.s32 @!p0 $0x1C04  }
0x2c2: {  	[timem:s3], [sflag:s2] =	dma.local @!p0 [hbm:s0], s1  }
0x2c3: {  	s0 =	simm.s32 @!p0 $0x4  }
0x2c4: {  	_ =	swait.ge @!p0 [sflag:s0], s1  }
0x2c5: {  	s1 =	ssub.s32 @!p0 $0x0, s1;
	[sflag:s0] =	ssyncset.done @!p0 $0x0  }
0x2c6: {  	[sflag:s0] =	ssyncadd.s32 @!p0 s1  }
0x2c7: {  	[bflag:$0x3] =	sbarrier.arrive $0xFFFF  }
0x2c8: {  	_ =	shalt  }

</sc_bundles>
